<compile_context>
chip_gen: v7x
topology: tpu7x:2x2x1
jax: 0.10.2.dev20260603
libtpu: 0.0.44.dev20260713+nightly
codegen_flags: <defaults>
</compile_context>

<pallas_src>
import functools

import jax
import jax.numpy as jnp
from jax import lax
from jax.experimental import pallas as pl
from jax.experimental.pallas import tpu as pltpu
from jax.experimental.pallas import tpu_sc as plsc

N = 10000
F_IN = 128
HEADS = 8
HID = 16
D = 128
OUT = 128

NC, NS, LANES = 2, 16, 16
NW = NC * NS
NACC = 10016
CHUNK = 48
EDGES = 320000 + N
EPT = 10368
NCHUNKS = EPT // CHUNK
EPAD = EPT * NW
ROWS_PT = NACC // NS
MW = 144

_BN_ROWS = 1000
_NEG = -1e30


def _rsqrt(a):
    r = lax.rsqrt(a)
    r = r * (1.5 - 0.5 * a * r * r)
    r = r * (1.5 - 0.5 * a * r * r)
    return r



def _k1_body(x_ref, w1_ref, asrc_ref, adst_ref, hs_ref, ad_ref, gmax_ref, acc_ref):
    i = pl.program_id(0)
    h = jnp.dot(x_ref[...], w1_ref[...], preferred_element_type=jnp.float32)
    a_s = jnp.dot(h, asrc_ref[...], preferred_element_type=jnp.float32,
                 precision=lax.Precision.HIGHEST)
    a_d = jnp.dot(h, adst_ref[...], preferred_element_type=jnp.float32,
                 precision=lax.Precision.HIGHEST)
    hs_ref[...] = jnp.concatenate(
        [h, a_s, jnp.zeros((h.shape[0], 8), jnp.float32)], axis=1)
    ad_ref[...] = a_d

    @pl.when(i == 0)
    def _():
        acc_ref[...] = jnp.full((1, 8), _NEG, jnp.float32)

    acc_ref[...] = jnp.maximum(acc_ref[...], jnp.max(a_s, axis=0, keepdims=True))

    @pl.when(i == pl.num_programs(0) - 1)
    def _():
        gmax_ref[...] = acc_ref[...]


def _k1(x, w1, asrc_mat, adst_mat):
    nb = N // _BN_ROWS
    return pl.pallas_call(
        _k1_body,
        grid=(nb,),
        in_specs=[
            pl.BlockSpec((_BN_ROWS, F_IN), lambda i: (i, 0)),
            pl.BlockSpec((F_IN, D), lambda i: (0, 0)),
            pl.BlockSpec((D, 8), lambda i: (0, 0)),
            pl.BlockSpec((D, 8), lambda i: (0, 0)),
        ],
        out_specs=[
            pl.BlockSpec((_BN_ROWS, MW), lambda i: (i, 0)),
            pl.BlockSpec((_BN_ROWS, 8), lambda i: (i, 0)),
            pl.BlockSpec((1, 8), lambda i: (0, 0)),
        ],
        out_shape=[
            jax.ShapeDtypeStruct((N, MW), jnp.float32),
            jax.ShapeDtypeStruct((N, 8), jnp.float32),
            jax.ShapeDtypeStruct((1, 8), jnp.float32),
        ],
        scratch_shapes=[pltpu.VMEM((1, 8), jnp.float32)],
    )(x, w1, asrc_mat, adst_mat)


def _mlp_bn_stats_body(a_ref, b_ref, bias_ref, fcw_ref, fcb_ref, rexp_ref,
                       r_ref, sums_ref, s_ref):
    i = pl.program_id(0)
    g = a_ref[...] + b_ref[...]
    msg = g[:, :D]
    den = g[:, D:D + 8]
    rec = 1.0 / (den + 1e-16)
    recx = jnp.dot(rec, rexp_ref[...], preferred_element_type=jnp.float32,
                 precision=lax.Precision.HIGHEST)
    out = msg * recx + bias_ref[...]
    r = jnp.maximum(
        jnp.dot(out, fcw_ref[...], preferred_element_type=jnp.float32)
        + fcb_ref[...], 0.0)
    r_ref[...] = r

    @pl.when(i == 0)
    def _():
        s_ref[...] = jnp.zeros((2, D), jnp.float32)

    s_ref[0:1, :] += jnp.sum(r, axis=0, keepdims=True)
    s_ref[1:2, :] += jnp.sum(r * r, axis=0, keepdims=True)

    @pl.when(i == pl.num_programs(0) - 1)
    def _():
        sums_ref[...] = s_ref[...]


def _mlp_bn_stats(acc_a, acc_b, bias, fcw, fcb, rexp):
    nb = N // _BN_ROWS
    return pl.pallas_call(
        _mlp_bn_stats_body,
        grid=(nb,),
        in_specs=[
            pl.BlockSpec((_BN_ROWS, MW), lambda i: (i, 0)),
            pl.BlockSpec((_BN_ROWS, MW), lambda i: (i, 0)),
            pl.BlockSpec((1, D), lambda i: (0, 0)),
            pl.BlockSpec((D, D), lambda i: (0, 0)),
            pl.BlockSpec((1, D), lambda i: (0, 0)),
            pl.BlockSpec((8, D), lambda i: (0, 0)),
        ],
        out_specs=[
            pl.BlockSpec((_BN_ROWS, D), lambda i: (i, 0)),
            pl.BlockSpec((2, D), lambda i: (0, 0)),
        ],
        out_shape=[
            jax.ShapeDtypeStruct((N, D), jnp.float32),
            jax.ShapeDtypeStruct((2, D), jnp.float32),
        ],
        scratch_shapes=[pltpu.VMEM((2, D), jnp.float32)],
    )(acc_a, acc_b, bias, fcw, fcb, rexp)


def _bn_proj_body(r_ref, sums_ref, g_ref, be_ref, w2_ref, att_ref,
                  h2_ref, a2_ref, gmax_ref, acc_ref):
    i = pl.program_id(0)
    mean = sums_ref[0:1, :] / N
    var = sums_ref[1:2, :] / N - mean * mean
    y = (r_ref[...] - mean) * _rsqrt(var + 1e-5) * g_ref[...] + be_ref[...]
    h2 = jnp.dot(y, w2_ref[...], preferred_element_type=jnp.float32)
    a2 = jnp.dot(h2, att_ref[...], preferred_element_type=jnp.float32,
                 precision=lax.Precision.HIGHEST)
    h2_ref[...] = jnp.concatenate(
        [h2, a2[:, 0:1], jnp.zeros((h2.shape[0], 15), jnp.float32)], axis=1)
    a2_ref[...] = a2

    @pl.when(i == 0)
    def _():
        acc_ref[...] = jnp.full((1, 8), _NEG, jnp.float32)

    acc_ref[...] = jnp.maximum(
        acc_ref[...], jnp.max(a2[:, 0:8], axis=0, keepdims=True))

    @pl.when(i == pl.num_programs(0) - 1)
    def _():
        gmax_ref[...] = acc_ref[...]


def _bn_proj(r, sums, g1, be1, w2, att2):
    nb = N // _BN_ROWS
    return pl.pallas_call(
        _bn_proj_body,
        grid=(nb,),
        in_specs=[
            pl.BlockSpec((_BN_ROWS, D), lambda i: (i, 0)),
            pl.BlockSpec((2, D), lambda i: (0, 0)),
            pl.BlockSpec((1, D), lambda i: (0, 0)),
            pl.BlockSpec((1, D), lambda i: (0, 0)),
            pl.BlockSpec((D, D), lambda i: (0, 0)),
            pl.BlockSpec((D, 8), lambda i: (0, 0)),
        ],
        out_specs=[
            pl.BlockSpec((_BN_ROWS, MW), lambda i: (i, 0)),
            pl.BlockSpec((_BN_ROWS, 8), lambda i: (i, 0)),
            pl.BlockSpec((1, 8), lambda i: (0, 0)),
        ],
        out_shape=[
            jax.ShapeDtypeStruct((N, MW), jnp.float32),
            jax.ShapeDtypeStruct((N, 8), jnp.float32),
            jax.ShapeDtypeStruct((1, 8), jnp.float32),
        ],
        scratch_shapes=[pltpu.VMEM((1, 8), jnp.float32)],
    )(r, sums, g1, be1, w2, att2)


def _mlp2_bn_stats_body(a_ref, b_ref, bias_ref, fcw_ref, fcb_ref,
                        r_ref, sums_ref, s_ref):
    i = pl.program_id(0)
    g = a_ref[...] + b_ref[...]
    msg = g[:, :D]
    den = g[:, D:D + 1]
    out = msg * (1.0 / (den + 1e-16)) + bias_ref[...]
    r = jnp.maximum(
        jnp.dot(out, fcw_ref[...], preferred_element_type=jnp.float32)
        + fcb_ref[...], 0.0)
    r_ref[...] = r

    @pl.when(i == 0)
    def _():
        s_ref[...] = jnp.zeros((2, D), jnp.float32)

    s_ref[0:1, :] += jnp.sum(r, axis=0, keepdims=True)
    s_ref[1:2, :] += jnp.sum(r * r, axis=0, keepdims=True)

    @pl.when(i == pl.num_programs(0) - 1)
    def _():
        sums_ref[...] = s_ref[...]


def _mlp2_bn_stats(acc_a, acc_b, bias, fcw, fcb):
    nb = N // _BN_ROWS
    return pl.pallas_call(
        _mlp2_bn_stats_body,
        grid=(nb,),
        in_specs=[
            pl.BlockSpec((_BN_ROWS, MW), lambda i: (i, 0)),
            pl.BlockSpec((_BN_ROWS, MW), lambda i: (i, 0)),
            pl.BlockSpec((1, D), lambda i: (0, 0)),
            pl.BlockSpec((D, D), lambda i: (0, 0)),
            pl.BlockSpec((1, D), lambda i: (0, 0)),
        ],
        out_specs=[
            pl.BlockSpec((_BN_ROWS, D), lambda i: (i, 0)),
            pl.BlockSpec((2, D), lambda i: (0, 0)),
        ],
        out_shape=[
            jax.ShapeDtypeStruct((N, D), jnp.float32),
            jax.ShapeDtypeStruct((2, D), jnp.float32),
        ],
        scratch_shapes=[pltpu.VMEM((2, D), jnp.float32)],
    )(acc_a, acc_b, bias, fcw, fcb)


def _bn_final_body(r_ref, sums_ref, g_ref, be_ref, lw_ref, lb_ref, out_ref):
    mean = sums_ref[0:1, :] / N
    var = sums_ref[1:2, :] / N - mean * mean
    y = (r_ref[...] - mean) * _rsqrt(var + 1e-5) * g_ref[...] + be_ref[...]
    o = jnp.dot(y, lw_ref[...], preferred_element_type=jnp.float32) + lb_ref[...]
    out_ref[...] = jnp.maximum(o, 0.0)


def _bn_final(r, sums, g2, be2, lw, lb):
    nb = N // _BN_ROWS
    return pl.pallas_call(
        _bn_final_body,
        grid=(nb,),
        in_specs=[
            pl.BlockSpec((_BN_ROWS, D), lambda i: (i, 0)),
            pl.BlockSpec((2, D), lambda i: (0, 0)),
            pl.BlockSpec((1, D), lambda i: (0, 0)),
            pl.BlockSpec((1, D), lambda i: (0, 0)),
            pl.BlockSpec((D, OUT), lambda i: (0, 0)),
            pl.BlockSpec((1, OUT), lambda i: (0, 0)),
        ],
        out_specs=pl.BlockSpec((_BN_ROWS, OUT), lambda i: (i, 0)),
        out_shape=jax.ShapeDtypeStruct((N, OUT), jnp.float32),
    )(r, sums, g2, be2, lw, lb)



_ROW_BLKS = [CHUNK] * (ROWS_PT // CHUNK) + (
    [ROWS_PT % CHUNK] if ROWS_PT % CHUNK else [])


def _sc_zero_and_barrier(zb_ref, accs_ref, sid):
    zvec = jnp.zeros((LANES,), jnp.float32)

    @pl.loop(0, CHUNK)
    def _(r):
        for k in range(MW // LANES):
            zb_ref[r, pl.ds(k * LANES, LANES)] = zvec

    row0 = sid * ROWS_PT
    off = 0
    for blk in _ROW_BLKS:
        pltpu.sync_copy(zb_ref.at[pl.ds(0, blk)],
                        accs_ref.at[pl.ds(row0 + off, blk)])
        off += blk
    plsc.subcore_barrier()


def _sc_copy_out(accs_ref, out_ref, cid, sid):
    plsc.subcore_barrier()
    row0 = sid * ROWS_PT
    off = 0
    for blk in _ROW_BLKS:
        pltpu.sync_copy(accs_ref.at[pl.ds(row0 + off, blk)],
                        out_ref.at[cid, pl.ds(row0 + off, blk)])
        off += blk


def _edge_body(headed, hs_hbm, adm_hbm, gm_hbm, src_hbm, dst_hbm, out_hbm,
               srcv, dstv, dsc, hsv, admv, gv, msgv, zb, accs, gsem, ssem):
    cid = lax.axis_index("c")
    sid = lax.axis_index("s")
    wid = sid * NC + cid
    _sc_zero_and_barrier(zb, accs, sid)
    pltpu.sync_copy(gm_hbm, gv)
    g16 = gv[0, pl.ds(0, LANES)]

    def load_idx(b, ch):
        base = wid * EPT + ch * CHUNK
        pltpu.sync_copy(src_hbm.at[pl.ds(base, CHUNK)], srcv[b])
        pltpu.sync_copy(dst_hbm.at[pl.ds(base, CHUNK)], dstv[b])

    def start_gathers(b):
        pltpu.async_copy(hs_hbm.at[srcv[b]], hsv[b], gsem[b])
        pltpu.async_copy(adm_hbm.at[dstv[b]], admv[b], gsem[b])

    def wait_gathers(b):
        pltpu.make_async_copy(hs_hbm.at[srcv[b]], hsv[b], gsem[b]).wait()
        pltpu.make_async_copy(adm_hbm.at[dstv[b]], admv[b], gsem[b]).wait()

    def wait_scatter(b):
        pltpu.make_async_copy(msgv[b], accs.at[dsc[b]], ssem[b]).wait()

    def compute(b):
        @pl.loop(0, CHUNK)
        def _(e):
            s16 = hsv[b][e, pl.ds(D, LANES)]
            d16 = admv[b][e, pl.ds(0, LANES)]
            u = g16 + d16
            m16 = jnp.maximum(u, u * 0.2)
            t = s16 + d16
            t = jnp.maximum(t, t * 0.2)
            w = jnp.exp(t - m16)
            msgv[b][e, pl.ds(D, LANES)] = w
            wv0 = lax.broadcast(w[0], (LANES,))
            for j in range(HEADS):
                wv = lax.broadcast(w[j], (LANES,)) if headed else wv0
                msgv[b][e, pl.ds(j * LANES, LANES)] = (
                    hsv[b][e, pl.ds(j * LANES, LANES)] * wv)

        @pl.loop(0, CHUNK // LANES)
        def _(g):
            dsc[b][pl.ds(g * LANES, LANES)] = dstv[b][pl.ds(g * LANES, LANES)]

    load_idx(0, 0)
    start_gathers(0)

    @pl.loop(0, NCHUNKS // 2)
    def _(p):
        for half in range(2):
            cur, nxt = half, 1 - half
            c = 2 * p + half
            wait_gathers(cur)

            @pl.when(c + 1 < NCHUNKS)
            def _():
                load_idx(nxt, c + 1)
                start_gathers(nxt)

            if half == 0:
                @pl.when(c >= 1)
                def _():
                    wait_scatter(nxt)
            else:
                wait_scatter(nxt)

            compute(cur)
            pltpu.async_copy(msgv[cur], accs.at[dsc[cur]], ssem[cur],
                             add=True)

    wait_scatter((NCHUNKS - 1) % 2)
    _sc_copy_out(accs, out_hbm, cid, sid)


def _edge(hs, adm, gm, src, dst, headed):
    mesh = plsc.VectorSubcoreMesh(core_axis_name="c", subcore_axis_name="s")
    f = pl.kernel(
        functools.partial(_edge_body, headed),
        out_type=jax.ShapeDtypeStruct((NC, NACC, MW), jnp.float32),
        mesh=mesh,
        compiler_params=pltpu.CompilerParams(use_tc_tiling_on_sc=False),
        scratch_types=[
            [pltpu.VMEM((CHUNK,), jnp.int32) for _ in range(2)],
            [pltpu.VMEM((CHUNK,), jnp.int32) for _ in range(2)],
            [pltpu.VMEM((CHUNK,), jnp.int32) for _ in range(2)],
            [pltpu.VMEM((CHUNK, MW), jnp.float32) for _ in range(2)],
            [pltpu.VMEM((CHUNK, LANES), jnp.float32) for _ in range(2)],
            pltpu.VMEM((1, LANES), jnp.float32),
            [pltpu.VMEM((CHUNK, MW), jnp.float32) for _ in range(2)],
            pltpu.VMEM((CHUNK, MW), jnp.float32),
            pltpu.VMEM_SHARED((NACC, MW), jnp.float32),
            [pltpu.SemaphoreType.DMA for _ in range(2)],
            [pltpu.SemaphoreType.DMA for _ in range(2)],
        ],
    )
    return f(hs, adm, gm, src, dst)



def kernel(x, edge_index, W1, att_src1, att_dst1, b1, fcW1, fcb1, g1, be1,
           W2, att_src2, att_dst2, b2, fcW2, fcb2, g2, be2, linW, linb):
    f32 = jnp.float32
    lane = jnp.arange(D)

    loop_idx = jnp.arange(N, dtype=jnp.int32)
    src = jnp.concatenate([edge_index[0], loop_idx])
    dst = jnp.concatenate([edge_index[1], loop_idx])
    src = jnp.concatenate([src, jnp.zeros((EPAD - EDGES,), jnp.int32)])
    dst = jnp.concatenate([dst, jnp.full((EPAD - EDGES,), N, jnp.int32)])

    asrc_mat = jnp.zeros((D, HEADS), f32).at[lane, lane // HID].set(
        att_src1.reshape(-1))
    adst_mat = jnp.zeros((D, HEADS), f32).at[lane, lane // HID].set(
        att_dst1.reshape(-1))
    rexp = (lane // HID == jnp.arange(HEADS)[:, None]).astype(f32)

    hs, adst, gmax1 = _k1(x, W1, asrc_mat, adst_mat)

    admn = jnp.concatenate([adst, jnp.full((N, 8), _NEG, f32)], axis=1)
    adm = jnp.zeros((NACC, LANES), f32).at[:N].set(admn)
    gm1 = jnp.concatenate([gmax1, jnp.zeros((1, 8), f32)], axis=1)

    acc1 = _edge(hs, adm, gm1, src, dst, headed=True)

    r1, sums1 = _mlp_bn_stats(acc1[0, :N], acc1[1, :N], b1.reshape(1, D),
                              fcW1, fcb1.reshape(1, D), rexp)

    att2 = jnp.zeros((D, 8), f32)
    att2 = att2.at[:, 0].set(att_src2[0]).at[:, 1].set(att_dst2[0])
    hs2, a2, gmax2 = _bn_proj(r1, sums1, g1.reshape(1, D), be1.reshape(1, D),
                              W2, att2)

    adst2 = a2[:, 1:2]
    adm2n = jnp.concatenate([adst2, jnp.full((N, 15), _NEG, f32)], axis=1)
    adm2 = jnp.zeros((NACC, LANES), f32).at[:N].set(adm2n)
    gm2 = jnp.concatenate(
        [gmax2[:, 0:1], jnp.zeros((1, 15), f32)], axis=1)

    acc2 = _edge(hs2, adm2, gm2, src, dst, headed=False)

    r2, sums2 = _mlp2_bn_stats(acc2[0, :N], acc2[1, :N], b2.reshape(1, D),
                               fcW2, fcb2.reshape(1, D))
    out = _bn_final(r2, sums2, g2.reshape(1, D), be2.reshape(1, D),
                    linW, linb.reshape(1, OUT))
    return out

# --- scband reference (transcript-rebuilt; emitter-appended) ---
"""Pipeline reference for scband-gatnet-17102559772862 (READ-ONLY COPY).

The authoritative reference and input builder live on the scoring server;
editing this copy changes nothing except your own understanding.
"""

import jax, jax.numpy as jnp
import numpy as np

N = 10000
E = 320000
F_IN = 128
HID = 16
HEADS = 8
D = HEADS * HID  # 128
OUT = 128


def _gat_conv(x, edge_index, W, att_src, att_dst, bias, heads, out_ch, num_nodes):
    # PyG GATConv (add_self_loops=True, negative_slope=0.2, concat=True)
    src = edge_index[0]
    dst = edge_index[1]
    loop = jnp.arange(num_nodes, dtype=edge_index.dtype)
    src = jnp.concatenate([src, loop])
    dst = jnp.concatenate([dst, loop])
    h = (x @ W).reshape(num_nodes, heads, out_ch)          # [N,H,C]
    a_src = (h * att_src).sum(-1)                          # [N,H]
    a_dst = (h * att_dst).sum(-1)                          # [N,H]
    alpha = a_src[src] + a_dst[dst]                        # [E',H]
    alpha = jax.nn.leaky_relu(alpha, 0.2)
    amax = jax.ops.segment_max(alpha, dst, num_segments=num_nodes)
    alpha = jnp.exp(alpha - amax[dst])
    denom = jax.ops.segment_sum(alpha, dst, num_segments=num_nodes)
    alpha = alpha / (denom[dst] + 1e-16)
    msg = h[src] * alpha[:, :, None]                       # [E',H,C]
    out = jax.ops.segment_sum(msg, dst, num_segments=num_nodes)
    out = out.reshape(num_nodes, heads * out_ch)
    return out + bias


def _bn(x, gamma, beta, eps=1e-5):
    m = x.mean(axis=0)
    v = ((x - m) ** 2).mean(axis=0)
    return (x - m) / jnp.sqrt(v + eps) * gamma + beta


def setup_inputs(seed: int = 0):
    key = jax.random.key(seed)
    ks = jax.random.split(key, 16)
    s_in = 1.0 / np.sqrt(F_IN)
    s_d = 1.0 / np.sqrt(D)
    inp = {}
    inp["x"] = jax.random.normal(ks[0], (N, F_IN), dtype=jnp.float32)
    inp["edge_index"] = jax.random.randint(ks[1], (2, E), 0, N, dtype=jnp.int32)
    inp["W1"] = jax.random.normal(ks[2], (F_IN, HEADS * HID), dtype=jnp.float32) * s_in
    inp["att_src1"] = jax.random.normal(ks[3], (HEADS, HID), dtype=jnp.float32) * 0.1
    inp["att_dst1"] = jax.random.normal(ks[4], (HEADS, HID), dtype=jnp.float32) * 0.1
    inp["b1"] = jnp.zeros((D,), dtype=jnp.float32)
    inp["fcW1"] = jax.random.normal(ks[5], (D, D), dtype=jnp.float32) * s_d
    inp["fcb1"] = jnp.zeros((D,), dtype=jnp.float32)
    inp["g1"] = jnp.ones((D,), dtype=jnp.float32)
    inp["be1"] = jnp.zeros((D,), dtype=jnp.float32)
    inp["W2"] = jax.random.normal(ks[6], (D, D), dtype=jnp.float32) * s_d
    inp["att_src2"] = jax.random.normal(ks[7], (1, D), dtype=jnp.float32) * 0.1
    inp["att_dst2"] = jax.random.normal(ks[8], (1, D), dtype=jnp.float32) * 0.1
    inp["b2"] = jnp.zeros((D,), dtype=jnp.float32)
    inp["fcW2"] = jax.random.normal(ks[9], (D, D), dtype=jnp.float32) * s_d
    inp["fcb2"] = jnp.zeros((D,), dtype=jnp.float32)
    inp["g2"] = jnp.ones((D,), dtype=jnp.float32)
    inp["be2"] = jnp.zeros((D,), dtype=jnp.float32)
    inp["linW"] = jax.random.normal(ks[10], (D, OUT), dtype=jnp.float32) * s_d
    inp["linb"] = jnp.zeros((OUT,), dtype=jnp.float32)
    return inp


def reference(x, edge_index, W1, att_src1, att_dst1, b1, fcW1, fcb1, g1, be1,
              W2, att_src2, att_dst2, b2, fcW2, fcb2, g2, be2, linW, linb):
    h = _gat_conv(x, edge_index, W1, att_src1, att_dst1, b1, HEADS, HID, N)
    h = _bn(jax.nn.relu(h @ fcW1 + fcb1), g1, be1)
    h = _gat_conv(h, edge_index, W2, att_src2, att_dst2, b2, 1, D, N)
    h = _bn(jax.nn.relu(h @ fcW2 + fcb2), g2, be2)
    h = h @ linW + linb
    h = jax.nn.relu(h)  # dropout p=0 is identity
    return h

if __name__ == "__main__":
    import jax
    _d = setup_inputs()
    print(jax.jit(kernel)(*tuple(_d.values())))

</pallas_src>

<mosaic_0001>
#map = affine_map<(d0, d1) -> (0, 0)>
#map1 = affine_map<(d0, d1) -> (0)>
#map2 = affine_map<(d0, d1) -> (0, 0, 0)>
module attributes {stable_mosaic.version = 14 : i64} {
  func.func @_edge_body(%arg0: i32, %arg1: i32, %arg2: memref<10000x144xf32, #tpu.memory_space<hbm>>, %arg3: memref<10016x16xf32, #tpu.memory_space<hbm>>, %arg4: memref<1x16xf32, #tpu.memory_space<hbm>>, %arg5: memref<331776xi32, #tpu.memory_space<hbm>>, %arg6: memref<331776xi32, #tpu.memory_space<hbm>>, %arg7: memref<2x10016x144xf32, #tpu.memory_space<hbm>>, %arg8: memref<48xi32, #tpu.memory_space<vmem>>, %arg9: memref<48xi32, #tpu.memory_space<vmem>>, %arg10: memref<48xi32, #tpu.memory_space<vmem>>, %arg11: memref<48xi32, #tpu.memory_space<vmem>>, %arg12: memref<48xi32, #tpu.memory_space<vmem>>, %arg13: memref<48xi32, #tpu.memory_space<vmem>>, %arg14: memref<48x144xf32, #tpu.memory_space<vmem>>, %arg15: memref<48x144xf32, #tpu.memory_space<vmem>>, %arg16: memref<48x16xf32, #tpu.memory_space<vmem>>, %arg17: memref<48x16xf32, #tpu.memory_space<vmem>>, %arg18: memref<1x16xf32, #tpu.memory_space<vmem>>, %arg19: memref<48x144xf32, #tpu.memory_space<vmem>>, %arg20: memref<48x144xf32, #tpu.memory_space<vmem>>, %arg21: memref<48x144xf32, #tpu.memory_space<vmem>>, %arg22: memref<10016x144xf32, #tpu.memory_space<vmem_shared>>, %arg23: memref<!tpu.dma_semaphore, #tpu.memory_space<semaphore_mem>>, %arg24: memref<!tpu.dma_semaphore, #tpu.memory_space<semaphore_mem>>, %arg25: memref<!tpu.dma_semaphore, #tpu.memory_space<semaphore_mem>>, %arg26: memref<!tpu.dma_semaphore, #tpu.memory_space<semaphore_mem>>) attributes {dimension_semantics = [#tpu.dimension_semantics<core_parallel>, #tpu.dimension_semantics<subcore_parallel>], iteration_bounds = array<i64: 2, 16>, scalar_prefetch = 0 : i64, scratch_operands = 19 : i64, tpu.core_type = #tpu.core_type<sc_vector_subcore>, window_params = [{transform_indices = #map}, {transform_indices = #map}, {transform_indices = #map}, {transform_indices = #map1}, {transform_indices = #map1}, {transform_indices = #map2}]} {
    %mul3A = arith.constant 2 : i32
    %mul3A_0 = arith.muli %arg1, %mul3A : i32
    %add3A = arith.addi %mul3A_0, %arg0 : i32
    %broadcast_in_dim3A = arith.constant 0.000000e+00 : f32
    %broadcast_in_dim3A_1 = vector.broadcast %broadcast_in_dim3A : f32 to vector<16xf32>
    %scan3A = arith.constant 0 : i32
    %scan3A_2 = arith.constant 48 : i32
    %scan3A_3 = arith.addi %scan3A, %scan3A_2 : i32
    %scan3A_4 = arith.constant 1 : i32
    scf.for %scan3A_115 = %scan3A to %scan3A_3 step %scan3A_4  : i32 {
      %mul3A_116 = arith.constant 1 : i32
      %mul3A_117 = arith.muli %scan3A_115, %mul3A_116 : i32
      %add3A_118 = arith.constant 0 : i32
      %add3A_119 = arith.addi %add3A_118, %mul3A_117 : i32
      %swap3A = arith.index_cast %add3A_119 : i32 to index
      %swap3A_120 = arith.constant 0 : index
      %swap3A_121 = tpu.vector_load %arg21[%swap3A, %swap3A_120] {strides = array<i32>} : memref<48x144xf32, #tpu.memory_space<vmem>>, vector<1x16xf32>,
      %swap3A_122 = vector.shape_cast %swap3A_121 : vector<1x16xf32> to vector<16xf32>
      %swap3A_123 = vector.shape_cast %broadcast_in_dim3A_1 : vector<16xf32> to vector<1x16xf32>
      tpu.vector_store %arg21[%swap3A, %swap3A_120], %swap3A_123 {strides = array<i32>} : memref<48x144xf32, #tpu.memory_space<vmem>>, vector<1x16xf32>,
      %swap3A_124 = arith.index_cast %add3A_119 : i32 to index
      %swap3A_125 = arith.constant 16 : index
      %swap3A_126 = tpu.vector_load %arg21[%swap3A_124, %swap3A_125] {strides = array<i32>} : memref<48x144xf32, #tpu.memory_space<vmem>>, vector<1x16xf32>,
      %swap3A_127 = vector.shape_cast %swap3A_126 : vector<1x16xf32> to vector<16xf32>
      %swap3A_128 = vector.shape_cast %broadcast_in_dim3A_1 : vector<16xf32> to vector<1x16xf32>
      tpu.vector_store %arg21[%swap3A_124, %swap3A_125], %swap3A_128 {strides = array<i32>} : memref<48x144xf32, #tpu.memory_space<vmem>>, vector<1x16xf32>,
      %swap3A_129 = arith.index_cast %add3A_119 : i32 to index
      %swap3A_130 = arith.constant 32 : index
      %swap3A_131 = tpu.vector_load %arg21[%swap3A_129, %swap3A_130] {strides = array<i32>} : memref<48x144xf32, #tpu.memory_space<vmem>>, vector<1x16xf32>,
      %swap3A_132 = vector.shape_cast %swap3A_131 : vector<1x16xf32> to vector<16xf32>
      %swap3A_133 = vector.shape_cast %broadcast_in_dim3A_1 : vector<16xf32> to vector<1x16xf32>
      tpu.vector_store %arg21[%swap3A_129, %swap3A_130], %swap3A_133 {strides = array<i32>} : memref<48x144xf32, #tpu.memory_space<vmem>>, vector<1x16xf32>,
      %swap3A_134 = arith.index_cast %add3A_119 : i32 to index
      %swap3A_135 = arith.constant 48 : index
      %swap3A_136 = tpu.vector_load %arg21[%swap3A_134, %swap3A_135] {strides = array<i32>} : memref<48x144xf32, #tpu.memory_space<vmem>>, vector<1x16xf32>,
      %swap3A_137 = vector.shape_cast %swap3A_136 : vector<1x16xf32> to vector<16xf32>
      %swap3A_138 = vector.shape_cast %broadcast_in_dim3A_1 : vector<16xf32> to vector<1x16xf32>
      tpu.vector_store %arg21[%swap3A_134, %swap3A_135], %swap3A_138 {strides = array<i32>} : memref<48x144xf32, #tpu.memory_space<vmem>>, vector<1x16xf32>,
      %swap3A_139 = arith.index_cast %add3A_119 : i32 to index
      %swap3A_140 = arith.constant 64 : index
      %swap3A_141 = tpu.vector_load %arg21[%swap3A_139, %swap3A_140] {strides = array<i32>} : memref<48x144xf32, #tpu.memory_space<vmem>>, vector<1x16xf32>,
      %swap3A_142 = vector.shape_cast %swap3A_141 : vector<1x16xf32> to vector<16xf32>
      %swap3A_143 = vector.shape_cast %broadcast_in_dim3A_1 : vector<16xf32> to vector<1x16xf32>
      tpu.vector_store %arg21[%swap3A_139, %swap3A_140], %swap3A_143 {strides = array<i32>} : memref<48x144xf32, #tpu.memory_space<vmem>>, vector<1x16xf32>,
      %swap3A_144 = arith.index_cast %add3A_119 : i32 to index
      %swap3A_145 = arith.constant 80 : index
      %swap3A_146 = tpu.vector_load %arg21[%swap3A_144, %swap3A_145] {strides = array<i32>} : memref<48x144xf32, #tpu.memory_space<vmem>>, vector<1x16xf32>,
      %swap3A_147 = vector.shape_cast %swap3A_146 : vector<1x16xf32> to vector<16xf32>
      %swap3A_148 = vector.shape_cast %broadcast_in_dim3A_1 : vector<16xf32> to vector<1x16xf32>
      tpu.vector_store %arg21[%swap3A_144, %swap3A_145], %swap3A_148 {strides = array<i32>} : memref<48x144xf32, #tpu.memory_space<vmem>>, vector<1x16xf32>,
      %swap3A_149 = arith.index_cast %add3A_119 : i32 to index
      %swap3A_150 = arith.constant 96 : index
      %swap3A_151 = tpu.vector_load %arg21[%swap3A_149, %swap3A_150] {strides = array<i32>} : memref<48x144xf32, #tpu.memory_space<vmem>>, vector<1x16xf32>,
      %swap3A_152 = vector.shape_cast %swap3A_151 : vector<1x16xf32> to vector<16xf32>
      %swap3A_153 = vector.shape_cast %broadcast_in_dim3A_1 : vector<16xf32> to vector<1x16xf32>
      tpu.vector_store %arg21[%swap3A_149, %swap3A_150], %swap3A_153 {strides = array<i32>} : memref<48x144xf32, #tpu.memory_space<vmem>>, vector<1x16xf32>,
      %swap3A_154 = arith.index_cast %add3A_119 : i32 to index
      %swap3A_155 = arith.constant 112 : index
      %swap3A_156 = tpu.vector_load %arg21[%swap3A_154, %swap3A_155] {strides = array<i32>} : memref<48x144xf32, #tpu.memory_space<vmem>>, vector<1x16xf32>,
      %swap3A_157 = vector.shape_cast %swap3A_156 : vector<1x16xf32> to vector<16xf32>
      %swap3A_158 = vector.shape_cast %broadcast_in_dim3A_1 : vector<16xf32> to vector<1x16xf32>
      tpu.vector_store %arg21[%swap3A_154, %swap3A_155], %swap3A_158 {strides = array<i32>} : memref<48x144xf32, #tpu.memory_space<vmem>>, vector<1x16xf32>,
      %swap3A_159 = arith.index_cast %add3A_119 : i32 to index
      %swap3A_160 = arith.constant 128 : index
      %swap3A_161 = tpu.vector_load %arg21[%swap3A_159, %swap3A_160] {strides = array<i32>} : memref<48x144xf32, #tpu.memory_space<vmem>>, vector<1x16xf32>,
      %swap3A_162 = vector.shape_cast %swap3A_161 : vector<1x16xf32> to vector<16xf32>
      %swap3A_163 = vector.shape_cast %broadcast_in_dim3A_1 : vector<16xf32> to vector<1x16xf32>
      tpu.vector_store %arg21[%swap3A_159, %swap3A_160], %swap3A_163 {strides = array<i32>} : memref<48x144xf32, #tpu.memory_space<vmem>>, vector<1x16xf32>,
    }
    %scan3A_5 = arith.constant 48 : i32
    %mul3A_6 = arith.constant 626 : i32
    %mul3A_7 = arith.muli %arg1, %mul3A_6 : i32
    %add3A_8 = arith.constant 0 : i32
    %add3A_9 = arith.addi %mul3A_7, %add3A_8 : i32
    "tpu.region"() ({
      %run_scoped3A = tpu.sem_alloc : memref<!tpu.dma_semaphore, #tpu.memory_space<semaphore_mem>>
      %dma_start3A_115 = arith.constant 0 : i32
      %dma_start3A_116 = arith.constant 0 : i32
      %dma_start3A_117 = tpu.memref_slice %arg21[%dma_start3A_115, %dma_start3A_116] : memref<48x144xf32, #tpu.memory_space<vmem>> -> memref<48x144xf32, #tpu.memory_space<vmem>>
      %dma_start3A_118 = arith.constant 0 : i32
      %dma_start3A_119 = tpu.memref_slice %arg22[%add3A_9, %dma_start3A_118] : memref<10016x144xf32, #tpu.memory_space<vmem_shared>> -> memref<48x144xf32, #tpu.memory_space<vmem_shared>>
      %dma_start3A_120 = arith.constant 0 : i32
      %dma_start3A_121 = tpu.memref_slice %arg22[%add3A_9, %dma_start3A_120] : memref<10016x144xf32, #tpu.memory_space<vmem_shared>> -> memref<48x144xf32, #tpu.memory_space<vmem_shared>>
      %dma_start3A_122 = arith.constant 0 : i32
      %dma_start3A_123 = arith.constant 0 : i32
      %dma_start3A_124 = tpu.memref_slice %arg21[%dma_start3A_122, %dma_start3A_123] : memref<48x144xf32, #tpu.memory_space<vmem>> -> memref<48x144xf32, #tpu.memory_space<vmem>>
      tpu.enqueue_dma source(%dma_start3A_124 : memref<48x144xf32, #tpu.memory_space<vmem>>) target(%dma_start3A_121 : memref<48x144xf32, #tpu.memory_space<vmem_shared>>) target_semaphore(%run_scoped3A : memref<!tpu.dma_semaphore, #tpu.memory_space<semaphore_mem>>)
      %dma_wait3A_125 = arith.constant 0 : i32
      %dma_wait3A_126 = arith.constant 0 : i32
      %dma_wait3A_127 = tpu.memref_slice %arg21[%dma_wait3A_125, %dma_wait3A_126] : memref<48x144xf32, #tpu.memory_space<vmem>> -> memref<48x144xf32, #tpu.memory_space<vmem>>
      %dma_wait3A_128 = arith.constant 0 : i32
      %dma_wait3A_129 = tpu.memref_slice %arg22[%add3A_9, %dma_wait3A_128] : memref<10016x144xf32, #tpu.memory_space<vmem_shared>> -> memref<48x144xf32, #tpu.memory_space<vmem_shared>>
      %dma_wait3A_130 = arith.constant 0 : i32
      %dma_wait3A_131 = tpu.memref_slice %arg22[%add3A_9, %dma_wait3A_130] : memref<10016x144xf32, #tpu.memory_space<vmem_shared>> -> memref<48x144xf32, #tpu.memory_space<vmem_shared>>
      %dma_wait3A_132 = arith.constant 0 : i32
      %dma_wait3A_133 = arith.constant 0 : i32
      %dma_wait3A_134 = tpu.memref_slice %arg21[%dma_wait3A_132, %dma_wait3A_133] : memref<48x144xf32, #tpu.memory_space<vmem>> -> memref<48x144xf32, #tpu.memory_space<vmem>>
      tpu.wait_dma2 semaphore(%run_scoped3A : memref<!tpu.dma_semaphore, #tpu.memory_space<semaphore_mem>>) src(%dma_wait3A_134 : memref<48x144xf32, #tpu.memory_space<vmem>>) dst(%dma_wait3A_131 : memref<48x144xf32, #tpu.memory_space<vmem_shared>>)
      tpu.yield
    }) : () -> ()
    %add3A_10 = arith.constant 48 : i32
    %add3A_11 = arith.addi %mul3A_7, %add3A_10 : i32
    "tpu.region"() ({
      %run_scoped3A = tpu.sem_alloc : memref<!tpu.dma_semaphore, #tpu.memory_space<semaphore_mem>>
      %dma_start3A_115 = arith.constant 0 : i32
      %dma_start3A_116 = arith.constant 0 : i32
      %dma_start3A_117 = tpu.memref_slice %arg21[%dma_start3A_115, %dma_start3A_116] : memref<48x144xf32, #tpu.memory_space<vmem>> -> memref<48x144xf32, #tpu.memory_space<vmem>>
      %dma_start3A_118 = arith.constant 0 : i32
      %dma_start3A_119 = tpu.memref_slice %arg22[%add3A_11, %dma_start3A_118] : memref<10016x144xf32, #tpu.memory_space<vmem_shared>> -> memref<48x144xf32, #tpu.memory_space<vmem_shared>>
      %dma_start3A_120 = arith.constant 0 : i32
      %dma_start3A_121 = tpu.memref_slice %arg22[%add3A_11, %dma_start3A_120] : memref<10016x144xf32, #tpu.memory_space<vmem_shared>> -> memref<48x144xf32, #tpu.memory_space<vmem_shared>>
      %dma_start3A_122 = arith.constant 0 : i32
      %dma_start3A_123 = arith.constant 0 : i32
      %dma_start3A_124 = tpu.memref_slice %arg21[%dma_start3A_122, %dma_start3A_123] : memref<48x144xf32, #tpu.memory_space<vmem>> -> memref<48x144xf32, #tpu.memory_space<vmem>>
      tpu.enqueue_dma source(%dma_start3A_124 : memref<48x144xf32, #tpu.memory_space<vmem>>) target(%dma_start3A_121 : memref<48x144xf32, #tpu.memory_space<vmem_shared>>) target_semaphore(%run_scoped3A : memref<!tpu.dma_semaphore, #tpu.memory_space<semaphore_mem>>)
      %dma_wait3A_125 = arith.constant 0 : i32
      %dma_wait3A_126 = arith.constant 0 : i32
      %dma_wait3A_127 = tpu.memref_slice %arg21[%dma_wait3A_125, %dma_wait3A_126] : memref<48x144xf32, #tpu.memory_space<vmem>> -> memref<48x144xf32, #tpu.memory_space<vmem>>
      %dma_wait3A_128 = arith.constant 0 : i32
      %dma_wait3A_129 = tpu.memref_slice %arg22[%add3A_11, %dma_wait3A_128] : memref<10016x144xf32, #tpu.memory_space<vmem_shared>> -> memref<48x144xf32, #tpu.memory_space<vmem_shared>>
      %dma_wait3A_130 = arith.constant 0 : i32
      %dma_wait3A_131 = tpu.memref_slice %arg22[%add3A_11, %dma_wait3A_130] : memref<10016x144xf32, #tpu.memory_space<vmem_shared>> -> memref<48x144xf32, #tpu.memory_space<vmem_shared>>
      %dma_wait3A_132 = arith.constant 0 : i32
      %dma_wait3A_133 = arith.constant 0 : i32
      %dma_wait3A_134 = tpu.memref_slice %arg21[%dma_wait3A_132, %dma_wait3A_133] : memref<48x144xf32, #tpu.memory_space<vmem>> -> memref<48x144xf32, #tpu.memory_space<vmem>>
      tpu.wait_dma2 semaphore(%run_scoped3A : memref<!tpu.dma_semaphore, #tpu.memory_space<semaphore_mem>>) src(%dma_wait3A_134 : memref<48x144xf32, #tpu.memory_space<vmem>>) dst(%dma_wait3A_131 : memref<48x144xf32, #tpu.memory_space<vmem_shared>>)
      tpu.yield
    }) : () -> ()
    %add3A_12 = arith.constant 96 : i32
    %add3A_13 = arith.addi %mul3A_7, %add3A_12 : i32
    "tpu.region"() ({
      %run_scoped3A = tpu.sem_alloc : memref<!tpu.dma_semaphore, #tpu.memory_space<semaphore_mem>>
      %dma_start3A_115 = arith.constant 0 : i32
      %dma_start3A_116 = arith.constant 0 : i32
      %dma_start3A_117 = tpu.memref_slice %arg21[%dma_start3A_115, %dma_start3A_116] : memref<48x144xf32, #tpu.memory_space<vmem>> -> memref<48x144xf32, #tpu.memory_space<vmem>>
      %dma_start3A_118 = arith.constant 0 : i32
      %dma_start3A_119 = tpu.memref_slice %arg22[%add3A_13, %dma_start3A_118] : memref<10016x144xf32, #tpu.memory_space<vmem_shared>> -> memref<48x144xf32, #tpu.memory_space<vmem_shared>>
      %dma_start3A_120 = arith.constant 0 : i32
      %dma_start3A_121 = tpu.memref_slice %arg22[%add3A_13, %dma_start3A_120] : memref<10016x144xf32, #tpu.memory_space<vmem_shared>> -> memref<48x144xf32, #tpu.memory_space<vmem_shared>>
      %dma_start3A_122 = arith.constant 0 : i32
      %dma_start3A_123 = arith.constant 0 : i32
      %dma_start3A_124 = tpu.memref_slice %arg21[%dma_start3A_122, %dma_start3A_123] : memref<48x144xf32, #tpu.memory_space<vmem>> -> memref<48x144xf32, #tpu.memory_space<vmem>>
      tpu.enqueue_dma source(%dma_start3A_124 : memref<48x144xf32, #tpu.memory_space<vmem>>) target(%dma_start3A_121 : memref<48x144xf32, #tpu.memory_space<vmem_shared>>) target_semaphore(%run_scoped3A : memref<!tpu.dma_semaphore, #tpu.memory_space<semaphore_mem>>)
      %dma_wait3A_125 = arith.constant 0 : i32
      %dma_wait3A_126 = arith.constant 0 : i32
      %dma_wait3A_127 = tpu.memref_slice %arg21[%dma_wait3A_125, %dma_wait3A_126] : memref<48x144xf32, #tpu.memory_space<vmem>> -> memref<48x144xf32, #tpu.memory_space<vmem>>
      %dma_wait3A_128 = arith.constant 0 : i32
      %dma_wait3A_129 = tpu.memref_slice %arg22[%add3A_13, %dma_wait3A_128] : memref<10016x144xf32, #tpu.memory_space<vmem_shared>> -> memref<48x144xf32, #tpu.memory_space<vmem_shared>>
      %dma_wait3A_130 = arith.constant 0 : i32
      %dma_wait3A_131 = tpu.memref_slice %arg22[%add3A_13, %dma_wait3A_130] : memref<10016x144xf32, #tpu.memory_space<vmem_shared>> -> memref<48x144xf32, #tpu.memory_space<vmem_shared>>
      %dma_wait3A_132 = arith.constant 0 : i32
      %dma_wait3A_133 = arith.constant 0 : i32
      %dma_wait3A_134 = tpu.memref_slice %arg21[%dma_wait3A_132, %dma_wait3A_133] : memref<48x144xf32, #tpu.memory_space<vmem>> -> memref<48x144xf32, #tpu.memory_space<vmem>>
      tpu.wait_dma2 semaphore(%run_scoped3A : memref<!tpu.dma_semaphore, #tpu.memory_space<semaphore_mem>>) src(%dma_wait3A_134 : memref<48x144xf32, #tpu.memory_space<vmem>>) dst(%dma_wait3A_131 : memref<48x144xf32, #tpu.memory_space<vmem_shared>>)
      tpu.yield
    }) : () -> ()
    %add3A_14 = arith.constant 144 : i32
    %add3A_15 = arith.addi %mul3A_7, %add3A_14 : i32
    "tpu.region"() ({
      %run_scoped3A = tpu.sem_alloc : memref<!tpu.dma_semaphore, #tpu.memory_space<semaphore_mem>>
      %dma_start3A_115 = arith.constant 0 : i32
      %dma_start3A_116 = arith.constant 0 : i32
      %dma_start3A_117 = tpu.memref_slice %arg21[%dma_start3A_115, %dma_start3A_116] : memref<48x144xf32, #tpu.memory_space<vmem>> -> memref<48x144xf32, #tpu.memory_space<vmem>>
      %dma_start3A_118 = arith.constant 0 : i32
      %dma_start3A_119 = tpu.memref_slice %arg22[%add3A_15, %dma_start3A_118] : memref<10016x144xf32, #tpu.memory_space<vmem_shared>> -> memref<48x144xf32, #tpu.memory_space<vmem_shared>>
      %dma_start3A_120 = arith.constant 0 : i32
      %dma_start3A_121 = tpu.memref_slice %arg22[%add3A_15, %dma_start3A_120] : memref<10016x144xf32, #tpu.memory_space<vmem_shared>> -> memref<48x144xf32, #tpu.memory_space<vmem_shared>>
      %dma_start3A_122 = arith.constant 0 : i32
      %dma_start3A_123 = arith.constant 0 : i32
      %dma_start3A_124 = tpu.memref_slice %arg21[%dma_start3A_122, %dma_start3A_123] : memref<48x144xf32, #tpu.memory_space<vmem>> -> memref<48x144xf32, #tpu.memory_space<vmem>>
      tpu.enqueue_dma source(%dma_start3A_124 : memref<48x144xf32, #tpu.memory_space<vmem>>) target(%dma_start3A_121 : memref<48x144xf32, #tpu.memory_space<vmem_shared>>) target_semaphore(%run_scoped3A : memref<!tpu.dma_semaphore, #tpu.memory_space<semaphore_mem>>)
      %dma_wait3A_125 = arith.constant 0 : i32
      %dma_wait3A_126 = arith.constant 0 : i32
      %dma_wait3A_127 = tpu.memref_slice %arg21[%dma_wait3A_125, %dma_wait3A_126] : memref<48x144xf32, #tpu.memory_space<vmem>> -> memref<48x144xf32, #tpu.memory_space<vmem>>
      %dma_wait3A_128 = arith.constant 0 : i32
      %dma_wait3A_129 = tpu.memref_slice %arg22[%add3A_15, %dma_wait3A_128] : memref<10016x144xf32, #tpu.memory_space<vmem_shared>> -> memref<48x144xf32, #tpu.memory_space<vmem_shared>>
      %dma_wait3A_130 = arith.constant 0 : i32
      %dma_wait3A_131 = tpu.memref_slice %arg22[%add3A_15, %dma_wait3A_130] : memref<10016x144xf32, #tpu.memory_space<vmem_shared>> -> memref<48x144xf32, #tpu.memory_space<vmem_shared>>
      %dma_wait3A_132 = arith.constant 0 : i32
      %dma_wait3A_133 = arith.constant 0 : i32
      %dma_wait3A_134 = tpu.memref_slice %arg21[%dma_wait3A_132, %dma_wait3A_133] : memref<48x144xf32, #tpu.memory_space<vmem>> -> memref<48x144xf32, #tpu.memory_space<vmem>>
      tpu.wait_dma2 semaphore(%run_scoped3A : memref<!tpu.dma_semaphore, #tpu.memory_space<semaphore_mem>>) src(%dma_wait3A_134 : memref<48x144xf32, #tpu.memory_space<vmem>>) dst(%dma_wait3A_131 : memref<48x144xf32, #tpu.memory_space<vmem_shared>>)
      tpu.yield
    }) : () -> ()
    %add3A_16 = arith.constant 192 : i32
    %add3A_17 = arith.addi %mul3A_7, %add3A_16 : i32
    "tpu.region"() ({
      %run_scoped3A = tpu.sem_alloc : memref<!tpu.dma_semaphore, #tpu.memory_space<semaphore_mem>>
      %dma_start3A_115 = arith.constant 0 : i32
      %dma_start3A_116 = arith.constant 0 : i32
      %dma_start3A_117 = tpu.memref_slice %arg21[%dma_start3A_115, %dma_start3A_116] : memref<48x144xf32, #tpu.memory_space<vmem>> -> memref<48x144xf32, #tpu.memory_space<vmem>>
      %dma_start3A_118 = arith.constant 0 : i32
      %dma_start3A_119 = tpu.memref_slice %arg22[%add3A_17, %dma_start3A_118] : memref<10016x144xf32, #tpu.memory_space<vmem_shared>> -> memref<48x144xf32, #tpu.memory_space<vmem_shared>>
      %dma_start3A_120 = arith.constant 0 : i32
      %dma_start3A_121 = tpu.memref_slice %arg22[%add3A_17, %dma_start3A_120] : memref<10016x144xf32, #tpu.memory_space<vmem_shared>> -> memref<48x144xf32, #tpu.memory_space<vmem_shared>>
      %dma_start3A_122 = arith.constant 0 : i32
      %dma_start3A_123 = arith.constant 0 : i32
      %dma_start3A_124 = tpu.memref_slice %arg21[%dma_start3A_122, %dma_start3A_123] : memref<48x144xf32, #tpu.memory_space<vmem>> -> memref<48x144xf32, #tpu.memory_space<vmem>>
      tpu.enqueue_dma source(%dma_start3A_124 : memref<48x144xf32, #tpu.memory_space<vmem>>) target(%dma_start3A_121 : memref<48x144xf32, #tpu.memory_space<vmem_shared>>) target_semaphore(%run_scoped3A : memref<!tpu.dma_semaphore, #tpu.memory_space<semaphore_mem>>)
      %dma_wait3A_125 = arith.constant 0 : i32
      %dma_wait3A_126 = arith.constant 0 : i32
      %dma_wait3A_127 = tpu.memref_slice %arg21[%dma_wait3A_125, %dma_wait3A_126] : memref<48x144xf32, #tpu.memory_space<vmem>> -> memref<48x144xf32, #tpu.memory_space<vmem>>
      %dma_wait3A_128 = arith.constant 0 : i32
      %dma_wait3A_129 = tpu.memref_slice %arg22[%add3A_17, %dma_wait3A_128] : memref<10016x144xf32, #tpu.memory_space<vmem_shared>> -> memref<48x144xf32, #tpu.memory_space<vmem_shared>>
      %dma_wait3A_130 = arith.constant 0 : i32
      %dma_wait3A_131 = tpu.memref_slice %arg22[%add3A_17, %dma_wait3A_130] : memref<10016x144xf32, #tpu.memory_space<vmem_shared>> -> memref<48x144xf32, #tpu.memory_space<vmem_shared>>
      %dma_wait3A_132 = arith.constant 0 : i32
      %dma_wait3A_133 = arith.constant 0 : i32
      %dma_wait3A_134 = tpu.memref_slice %arg21[%dma_wait3A_132, %dma_wait3A_133] : memref<48x144xf32, #tpu.memory_space<vmem>> -> memref<48x144xf32, #tpu.memory_space<vmem>>
      tpu.wait_dma2 semaphore(%run_scoped3A : memref<!tpu.dma_semaphore, #tpu.memory_space<semaphore_mem>>) src(%dma_wait3A_134 : memref<48x144xf32, #tpu.memory_space<vmem>>) dst(%dma_wait3A_131 : memref<48x144xf32, #tpu.memory_space<vmem_shared>>)
      tpu.yield
    }) : () -> ()
    %add3A_18 = arith.constant 240 : i32
    %add3A_19 = arith.addi %mul3A_7, %add3A_18 : i32
    "tpu.region"() ({
      %run_scoped3A = tpu.sem_alloc : memref<!tpu.dma_semaphore, #tpu.memory_space<semaphore_mem>>
      %dma_start3A_115 = arith.constant 0 : i32
      %dma_start3A_116 = arith.constant 0 : i32
      %dma_start3A_117 = tpu.memref_slice %arg21[%dma_start3A_115, %dma_start3A_116] : memref<48x144xf32, #tpu.memory_space<vmem>> -> memref<48x144xf32, #tpu.memory_space<vmem>>
      %dma_start3A_118 = arith.constant 0 : i32
      %dma_start3A_119 = tpu.memref_slice %arg22[%add3A_19, %dma_start3A_118] : memref<10016x144xf32, #tpu.memory_space<vmem_shared>> -> memref<48x144xf32, #tpu.memory_space<vmem_shared>>
      %dma_start3A_120 = arith.constant 0 : i32
      %dma_start3A_121 = tpu.memref_slice %arg22[%add3A_19, %dma_start3A_120] : memref<10016x144xf32, #tpu.memory_space<vmem_shared>> -> memref<48x144xf32, #tpu.memory_space<vmem_shared>>
      %dma_start3A_122 = arith.constant 0 : i32
      %dma_start3A_123 = arith.constant 0 : i32
      %dma_start3A_124 = tpu.memref_slice %arg21[%dma_start3A_122, %dma_start3A_123] : memref<48x144xf32, #tpu.memory_space<vmem>> -> memref<48x144xf32, #tpu.memory_space<vmem>>
      tpu.enqueue_dma source(%dma_start3A_124 : memref<48x144xf32, #tpu.memory_space<vmem>>) target(%dma_start3A_121 : memref<48x144xf32, #tpu.memory_space<vmem_shared>>) target_semaphore(%run_scoped3A : memref<!tpu.dma_semaphore, #tpu.memory_space<semaphore_mem>>)
      %dma_wait3A_125 = arith.constant 0 : i32
      %dma_wait3A_126 = arith.constant 0 : i32
      %dma_wait3A_127 = tpu.memref_slice %arg21[%dma_wait3A_125, %dma_wait3A_126] : memref<48x144xf32, #tpu.memory_space<vmem>> -> memref<48x144xf32, #tpu.memory_space<vmem>>
      %dma_wait3A_128 = arith.constant 0 : i32
      %dma_wait3A_129 = tpu.memref_slice %arg22[%add3A_19, %dma_wait3A_128] : memref<10016x144xf32, #tpu.memory_space<vmem_shared>> -> memref<48x144xf32, #tpu.memory_space<vmem_shared>>
      %dma_wait3A_130 = arith.constant 0 : i32
      %dma_wait3A_131 = tpu.memref_slice %arg22[%add3A_19, %dma_wait3A_130] : memref<10016x144xf32, #tpu.memory_space<vmem_shared>> -> memref<48x144xf32, #tpu.memory_space<vmem_shared>>
      %dma_wait3A_132 = arith.constant 0 : i32
      %dma_wait3A_133 = arith.constant 0 : i32
      %dma_wait3A_134 = tpu.memref_slice %arg21[%dma_wait3A_132, %dma_wait3A_133] : memref<48x144xf32, #tpu.memory_space<vmem>> -> memref<48x144xf32, #tpu.memory_space<vmem>>
      tpu.wait_dma2 semaphore(%run_scoped3A : memref<!tpu.dma_semaphore, #tpu.memory_space<semaphore_mem>>) src(%dma_wait3A_134 : memref<48x144xf32, #tpu.memory_space<vmem>>) dst(%dma_wait3A_131 : memref<48x144xf32, #tpu.memory_space<vmem_shared>>)
      tpu.yield
    }) : () -> ()
    %add3A_20 = arith.constant 288 : i32
    %add3A_21 = arith.addi %mul3A_7, %add3A_20 : i32
    "tpu.region"() ({
      %run_scoped3A = tpu.sem_alloc : memref<!tpu.dma_semaphore, #tpu.memory_space<semaphore_mem>>
      %dma_start3A_115 = arith.constant 0 : i32
      %dma_start3A_116 = arith.constant 0 : i32
      %dma_start3A_117 = tpu.memref_slice %arg21[%dma_start3A_115, %dma_start3A_116] : memref<48x144xf32, #tpu.memory_space<vmem>> -> memref<48x144xf32, #tpu.memory_space<vmem>>
      %dma_start3A_118 = arith.constant 0 : i32
      %dma_start3A_119 = tpu.memref_slice %arg22[%add3A_21, %dma_start3A_118] : memref<10016x144xf32, #tpu.memory_space<vmem_shared>> -> memref<48x144xf32, #tpu.memory_space<vmem_shared>>
      %dma_start3A_120 = arith.constant 0 : i32
      %dma_start3A_121 = tpu.memref_slice %arg22[%add3A_21, %dma_start3A_120] : memref<10016x144xf32, #tpu.memory_space<vmem_shared>> -> memref<48x144xf32, #tpu.memory_space<vmem_shared>>
      %dma_start3A_122 = arith.constant 0 : i32
      %dma_start3A_123 = arith.constant 0 : i32
      %dma_start3A_124 = tpu.memref_slice %arg21[%dma_start3A_122, %dma_start3A_123] : memref<48x144xf32, #tpu.memory_space<vmem>> -> memref<48x144xf32, #tpu.memory_space<vmem>>
      tpu.enqueue_dma source(%dma_start3A_124 : memref<48x144xf32, #tpu.memory_space<vmem>>) target(%dma_start3A_121 : memref<48x144xf32, #tpu.memory_space<vmem_shared>>) target_semaphore(%run_scoped3A : memref<!tpu.dma_semaphore, #tpu.memory_space<semaphore_mem>>)
      %dma_wait3A_125 = arith.constant 0 : i32
      %dma_wait3A_126 = arith.constant 0 : i32
      %dma_wait3A_127 = tpu.memref_slice %arg21[%dma_wait3A_125, %dma_wait3A_126] : memref<48x144xf32, #tpu.memory_space<vmem>> -> memref<48x144xf32, #tpu.memory_space<vmem>>
      %dma_wait3A_128 = arith.constant 0 : i32
      %dma_wait3A_129 = tpu.memref_slice %arg22[%add3A_21, %dma_wait3A_128] : memref<10016x144xf32, #tpu.memory_space<vmem_shared>> -> memref<48x144xf32, #tpu.memory_space<vmem_shared>>
      %dma_wait3A_130 = arith.constant 0 : i32
      %dma_wait3A_131 = tpu.memref_slice %arg22[%add3A_21, %dma_wait3A_130] : memref<10016x144xf32, #tpu.memory_space<vmem_shared>> -> memref<48x144xf32, #tpu.memory_space<vmem_shared>>
      %dma_wait3A_132 = arith.constant 0 : i32
      %dma_wait3A_133 = arith.constant 0 : i32
      %dma_wait3A_134 = tpu.memref_slice %arg21[%dma_wait3A_132, %dma_wait3A_133] : memref<48x144xf32, #tpu.memory_space<vmem>> -> memref<48x144xf32, #tpu.memory_space<vmem>>
      tpu.wait_dma2 semaphore(%run_scoped3A : memref<!tpu.dma_semaphore, #tpu.memory_space<semaphore_mem>>) src(%dma_wait3A_134 : memref<48x144xf32, #tpu.memory_space<vmem>>) dst(%dma_wait3A_131 : memref<48x144xf32, #tpu.memory_space<vmem_shared>>)
      tpu.yield
    }) : () -> ()
    %add3A_22 = arith.constant 336 : i32
    %add3A_23 = arith.addi %mul3A_7, %add3A_22 : i32
    "tpu.region"() ({
      %run_scoped3A = tpu.sem_alloc : memref<!tpu.dma_semaphore, #tpu.memory_space<semaphore_mem>>
      %dma_start3A_115 = arith.constant 0 : i32
      %dma_start3A_116 = arith.constant 0 : i32
      %dma_start3A_117 = tpu.memref_slice %arg21[%dma_start3A_115, %dma_start3A_116] : memref<48x144xf32, #tpu.memory_space<vmem>> -> memref<48x144xf32, #tpu.memory_space<vmem>>
      %dma_start3A_118 = arith.constant 0 : i32
      %dma_start3A_119 = tpu.memref_slice %arg22[%add3A_23, %dma_start3A_118] : memref<10016x144xf32, #tpu.memory_space<vmem_shared>> -> memref<48x144xf32, #tpu.memory_space<vmem_shared>>
      %dma_start3A_120 = arith.constant 0 : i32
      %dma_start3A_121 = tpu.memref_slice %arg22[%add3A_23, %dma_start3A_120] : memref<10016x144xf32, #tpu.memory_space<vmem_shared>> -> memref<48x144xf32, #tpu.memory_space<vmem_shared>>
      %dma_start3A_122 = arith.constant 0 : i32
      %dma_start3A_123 = arith.constant 0 : i32
      %dma_start3A_124 = tpu.memref_slice %arg21[%dma_start3A_122, %dma_start3A_123] : memref<48x144xf32, #tpu.memory_space<vmem>> -> memref<48x144xf32, #tpu.memory_space<vmem>>
      tpu.enqueue_dma source(%dma_start3A_124 : memref<48x144xf32, #tpu.memory_space<vmem>>) target(%dma_start3A_121 : memref<48x144xf32, #tpu.memory_space<vmem_shared>>) target_semaphore(%run_scoped3A : memref<!tpu.dma_semaphore, #tpu.memory_space<semaphore_mem>>)
      %dma_wait3A_125 = arith.constant 0 : i32
      %dma_wait3A_126 = arith.constant 0 : i32
      %dma_wait3A_127 = tpu.memref_slice %arg21[%dma_wait3A_125, %dma_wait3A_126] : memref<48x144xf32, #tpu.memory_space<vmem>> -> memref<48x144xf32, #tpu.memory_space<vmem>>
      %dma_wait3A_128 = arith.constant 0 : i32
      %dma_wait3A_129 = tpu.memref_slice %arg22[%add3A_23, %dma_wait3A_128] : memref<10016x144xf32, #tpu.memory_space<vmem_shared>> -> memref<48x144xf32, #tpu.memory_space<vmem_shared>>
      %dma_wait3A_130 = arith.constant 0 : i32
      %dma_wait3A_131 = tpu.memref_slice %arg22[%add3A_23, %dma_wait3A_130] : memref<10016x144xf32, #tpu.memory_space<vmem_shared>> -> memref<48x144xf32, #tpu.memory_space<vmem_shared>>
      %dma_wait3A_132 = arith.constant 0 : i32
      %dma_wait3A_133 = arith.constant 0 : i32
      %dma_wait3A_134 = tpu.memref_slice %arg21[%dma_wait3A_132, %dma_wait3A_133] : memref<48x144xf32, #tpu.memory_space<vmem>> -> memref<48x144xf32, #tpu.memory_space<vmem>>
      tpu.wait_dma2 semaphore(%run_scoped3A : memref<!tpu.dma_semaphore, #tpu.memory_space<semaphore_mem>>) src(%dma_wait3A_134 : memref<48x144xf32, #tpu.memory_space<vmem>>) dst(%dma_wait3A_131 : memref<48x144xf32, #tpu.memory_space<vmem_shared>>)
      tpu.yield
    }) : () -> ()
    %add3A_24 = arith.constant 384 : i32
    %add3A_25 = arith.addi %mul3A_7, %add3A_24 : i32
    "tpu.region"() ({
      %run_scoped3A = tpu.sem_alloc : memref<!tpu.dma_semaphore, #tpu.memory_space<semaphore_mem>>
      %dma_start3A_115 = arith.constant 0 : i32
      %dma_start3A_116 = arith.constant 0 : i32
      %dma_start3A_117 = tpu.memref_slice %arg21[%dma_start3A_115, %dma_start3A_116] : memref<48x144xf32, #tpu.memory_space<vmem>> -> memref<48x144xf32, #tpu.memory_space<vmem>>
      %dma_start3A_118 = arith.constant 0 : i32
      %dma_start3A_119 = tpu.memref_slice %arg22[%add3A_25, %dma_start3A_118] : memref<10016x144xf32, #tpu.memory_space<vmem_shared>> -> memref<48x144xf32, #tpu.memory_space<vmem_shared>>
      %dma_start3A_120 = arith.constant 0 : i32
      %dma_start3A_121 = tpu.memref_slice %arg22[%add3A_25, %dma_start3A_120] : memref<10016x144xf32, #tpu.memory_space<vmem_shared>> -> memref<48x144xf32, #tpu.memory_space<vmem_shared>>
      %dma_start3A_122 = arith.constant 0 : i32
      %dma_start3A_123 = arith.constant 0 : i32
      %dma_start3A_124 = tpu.memref_slice %arg21[%dma_start3A_122, %dma_start3A_123] : memref<48x144xf32, #tpu.memory_space<vmem>> -> memref<48x144xf32, #tpu.memory_space<vmem>>
      tpu.enqueue_dma source(%dma_start3A_124 : memref<48x144xf32, #tpu.memory_space<vmem>>) target(%dma_start3A_121 : memref<48x144xf32, #tpu.memory_space<vmem_shared>>) target_semaphore(%run_scoped3A : memref<!tpu.dma_semaphore, #tpu.memory_space<semaphore_mem>>)
      %dma_wait3A_125 = arith.constant 0 : i32
      %dma_wait3A_126 = arith.constant 0 : i32
      %dma_wait3A_127 = tpu.memref_slice %arg21[%dma_wait3A_125, %dma_wait3A_126] : memref<48x144xf32, #tpu.memory_space<vmem>> -> memref<48x144xf32, #tpu.memory_space<vmem>>
      %dma_wait3A_128 = arith.constant 0 : i32
      %dma_wait3A_129 = tpu.memref_slice %arg22[%add3A_25, %dma_wait3A_128] : memref<10016x144xf32, #tpu.memory_space<vmem_shared>> -> memref<48x144xf32, #tpu.memory_space<vmem_shared>>
      %dma_wait3A_130 = arith.constant 0 : i32
      %dma_wait3A_131 = tpu.memref_slice %arg22[%add3A_25, %dma_wait3A_130] : memref<10016x144xf32, #tpu.memory_space<vmem_shared>> -> memref<48x144xf32, #tpu.memory_space<vmem_shared>>
      %dma_wait3A_132 = arith.constant 0 : i32
      %dma_wait3A_133 = arith.constant 0 : i32
      %dma_wait3A_134 = tpu.memref_slice %arg21[%dma_wait3A_132, %dma_wait3A_133] : memref<48x144xf32, #tpu.memory_space<vmem>> -> memref<48x144xf32, #tpu.memory_space<vmem>>
      tpu.wait_dma2 semaphore(%run_scoped3A : memref<!tpu.dma_semaphore, #tpu.memory_space<semaphore_mem>>) src(%dma_wait3A_134 : memref<48x144xf32, #tpu.memory_space<vmem>>) dst(%dma_wait3A_131 : memref<48x144xf32, #tpu.memory_space<vmem_shared>>)
      tpu.yield
    }) : () -> ()
    %add3A_26 = arith.constant 432 : i32
    %add3A_27 = arith.addi %mul3A_7, %add3A_26 : i32
    "tpu.region"() ({
      %run_scoped3A = tpu.sem_alloc : memref<!tpu.dma_semaphore, #tpu.memory_space<semaphore_mem>>
      %dma_start3A_115 = arith.constant 0 : i32
      %dma_start3A_116 = arith.constant 0 : i32
      %dma_start3A_117 = tpu.memref_slice %arg21[%dma_start3A_115, %dma_start3A_116] : memref<48x144xf32, #tpu.memory_space<vmem>> -> memref<48x144xf32, #tpu.memory_space<vmem>>
      %dma_start3A_118 = arith.constant 0 : i32
      %dma_start3A_119 = tpu.memref_slice %arg22[%add3A_27, %dma_start3A_118] : memref<10016x144xf32, #tpu.memory_space<vmem_shared>> -> memref<48x144xf32, #tpu.memory_space<vmem_shared>>
      %dma_start3A_120 = arith.constant 0 : i32
      %dma_start3A_121 = tpu.memref_slice %arg22[%add3A_27, %dma_start3A_120] : memref<10016x144xf32, #tpu.memory_space<vmem_shared>> -> memref<48x144xf32, #tpu.memory_space<vmem_shared>>
      %dma_start3A_122 = arith.constant 0 : i32
      %dma_start3A_123 = arith.constant 0 : i32
      %dma_start3A_124 = tpu.memref_slice %arg21[%dma_start3A_122, %dma_start3A_123] : memref<48x144xf32, #tpu.memory_space<vmem>> -> memref<48x144xf32, #tpu.memory_space<vmem>>
      tpu.enqueue_dma source(%dma_start3A_124 : memref<48x144xf32, #tpu.memory_space<vmem>>) target(%dma_start3A_121 : memref<48x144xf32, #tpu.memory_space<vmem_shared>>) target_semaphore(%run_scoped3A : memref<!tpu.dma_semaphore, #tpu.memory_space<semaphore_mem>>)
      %dma_wait3A_125 = arith.constant 0 : i32
      %dma_wait3A_126 = arith.constant 0 : i32
      %dma_wait3A_127 = tpu.memref_slice %arg21[%dma_wait3A_125, %dma_wait3A_126] : memref<48x144xf32, #tpu.memory_space<vmem>> -> memref<48x144xf32, #tpu.memory_space<vmem>>
      %dma_wait3A_128 = arith.constant 0 : i32
      %dma_wait3A_129 = tpu.memref_slice %arg22[%add3A_27, %dma_wait3A_128] : memref<10016x144xf32, #tpu.memory_space<vmem_shared>> -> memref<48x144xf32, #tpu.memory_space<vmem_shared>>
      %dma_wait3A_130 = arith.constant 0 : i32
      %dma_wait3A_131 = tpu.memref_slice %arg22[%add3A_27, %dma_wait3A_130] : memref<10016x144xf32, #tpu.memory_space<vmem_shared>> -> memref<48x144xf32, #tpu.memory_space<vmem_shared>>
      %dma_wait3A_132 = arith.constant 0 : i32
      %dma_wait3A_133 = arith.constant 0 : i32
      %dma_wait3A_134 = tpu.memref_slice %arg21[%dma_wait3A_132, %dma_wait3A_133] : memref<48x144xf32, #tpu.memory_space<vmem>> -> memref<48x144xf32, #tpu.memory_space<vmem>>
      tpu.wait_dma2 semaphore(%run_scoped3A : memref<!tpu.dma_semaphore, #tpu.memory_space<semaphore_mem>>) src(%dma_wait3A_134 : memref<48x144xf32, #tpu.memory_space<vmem>>) dst(%dma_wait3A_131 : memref<48x144xf32, #tpu.memory_space<vmem_shared>>)
      tpu.yield
    }) : () -> ()
    %add3A_28 = arith.constant 480 : i32
    %add3A_29 = arith.addi %mul3A_7, %add3A_28 : i32
    "tpu.region"() ({
      %run_scoped3A = tpu.sem_alloc : memref<!tpu.dma_semaphore, #tpu.memory_space<semaphore_mem>>
      %dma_start3A_115 = arith.constant 0 : i32
      %dma_start3A_116 = arith.constant 0 : i32
      %dma_start3A_117 = tpu.memref_slice %arg21[%dma_start3A_115, %dma_start3A_116] : memref<48x144xf32, #tpu.memory_space<vmem>> -> memref<48x144xf32, #tpu.memory_space<vmem>>
      %dma_start3A_118 = arith.constant 0 : i32
      %dma_start3A_119 = tpu.memref_slice %arg22[%add3A_29, %dma_start3A_118] : memref<10016x144xf32, #tpu.memory_space<vmem_shared>> -> memref<48x144xf32, #tpu.memory_space<vmem_shared>>
      %dma_start3A_120 = arith.constant 0 : i32
      %dma_start3A_121 = tpu.memref_slice %arg22[%add3A_29, %dma_start3A_120] : memref<10016x144xf32, #tpu.memory_space<vmem_shared>> -> memref<48x144xf32, #tpu.memory_space<vmem_shared>>
      %dma_start3A_122 = arith.constant 0 : i32
      %dma_start3A_123 = arith.constant 0 : i32
      %dma_start3A_124 = tpu.memref_slice %arg21[%dma_start3A_122, %dma_start3A_123] : memref<48x144xf32, #tpu.memory_space<vmem>> -> memref<48x144xf32, #tpu.memory_space<vmem>>
      tpu.enqueue_dma source(%dma_start3A_124 : memref<48x144xf32, #tpu.memory_space<vmem>>) target(%dma_start3A_121 : memref<48x144xf32, #tpu.memory_space<vmem_shared>>) target_semaphore(%run_scoped3A : memref<!tpu.dma_semaphore, #tpu.memory_space<semaphore_mem>>)
      %dma_wait3A_125 = arith.constant 0 : i32
      %dma_wait3A_126 = arith.constant 0 : i32
      %dma_wait3A_127 = tpu.memref_slice %arg21[%dma_wait3A_125, %dma_wait3A_126] : memref<48x144xf32, #tpu.memory_space<vmem>> -> memref<48x144xf32, #tpu.memory_space<vmem>>
      %dma_wait3A_128 = arith.constant 0 : i32
      %dma_wait3A_129 = tpu.memref_slice %arg22[%add3A_29, %dma_wait3A_128] : memref<10016x144xf32, #tpu.memory_space<vmem_shared>> -> memref<48x144xf32, #tpu.memory_space<vmem_shared>>
      %dma_wait3A_130 = arith.constant 0 : i32
      %dma_wait3A_131 = tpu.memref_slice %arg22[%add3A_29, %dma_wait3A_130] : memref<10016x144xf32, #tpu.memory_space<vmem_shared>> -> memref<48x144xf32, #tpu.memory_space<vmem_shared>>
      %dma_wait3A_132 = arith.constant 0 : i32
      %dma_wait3A_133 = arith.constant 0 : i32
      %dma_wait3A_134 = tpu.memref_slice %arg21[%dma_wait3A_132, %dma_wait3A_133] : memref<48x144xf32, #tpu.memory_space<vmem>> -> memref<48x144xf32, #tpu.memory_space<vmem>>
      tpu.wait_dma2 semaphore(%run_scoped3A : memref<!tpu.dma_semaphore, #tpu.memory_space<semaphore_mem>>) src(%dma_wait3A_134 : memref<48x144xf32, #tpu.memory_space<vmem>>) dst(%dma_wait3A_131 : memref<48x144xf32, #tpu.memory_space<vmem_shared>>)
      tpu.yield
    }) : () -> ()
    %add3A_30 = arith.constant 528 : i32
    %add3A_31 = arith.addi %mul3A_7, %add3A_30 : i32
    "tpu.region"() ({
      %run_scoped3A = tpu.sem_alloc : memref<!tpu.dma_semaphore, #tpu.memory_space<semaphore_mem>>
      %dma_start3A_115 = arith.constant 0 : i32
      %dma_start3A_116 = arith.constant 0 : i32
      %dma_start3A_117 = tpu.memref_slice %arg21[%dma_start3A_115, %dma_start3A_116] : memref<48x144xf32, #tpu.memory_space<vmem>> -> memref<48x144xf32, #tpu.memory_space<vmem>>
      %dma_start3A_118 = arith.constant 0 : i32
      %dma_start3A_119 = tpu.memref_slice %arg22[%add3A_31, %dma_start3A_118] : memref<10016x144xf32, #tpu.memory_space<vmem_shared>> -> memref<48x144xf32, #tpu.memory_space<vmem_shared>>
      %dma_start3A_120 = arith.constant 0 : i32
      %dma_start3A_121 = tpu.memref_slice %arg22[%add3A_31, %dma_start3A_120] : memref<10016x144xf32, #tpu.memory_space<vmem_shared>> -> memref<48x144xf32, #tpu.memory_space<vmem_shared>>
      %dma_start3A_122 = arith.constant 0 : i32
      %dma_start3A_123 = arith.constant 0 : i32
      %dma_start3A_124 = tpu.memref_slice %arg21[%dma_start3A_122, %dma_start3A_123] : memref<48x144xf32, #tpu.memory_space<vmem>> -> memref<48x144xf32, #tpu.memory_space<vmem>>
      tpu.enqueue_dma source(%dma_start3A_124 : memref<48x144xf32, #tpu.memory_space<vmem>>) target(%dma_start3A_121 : memref<48x144xf32, #tpu.memory_space<vmem_shared>>) target_semaphore(%run_scoped3A : memref<!tpu.dma_semaphore, #tpu.memory_space<semaphore_mem>>)
      %dma_wait3A_125 = arith.constant 0 : i32
      %dma_wait3A_126 = arith.constant 0 : i32
      %dma_wait3A_127 = tpu.memref_slice %arg21[%dma_wait3A_125, %dma_wait3A_126] : memref<48x144xf32, #tpu.memory_space<vmem>> -> memref<48x144xf32, #tpu.memory_space<vmem>>
      %dma_wait3A_128 = arith.constant 0 : i32
      %dma_wait3A_129 = tpu.memref_slice %arg22[%add3A_31, %dma_wait3A_128] : memref<10016x144xf32, #tpu.memory_space<vmem_shared>> -> memref<48x144xf32, #tpu.memory_space<vmem_shared>>
      %dma_wait3A_130 = arith.constant 0 : i32
      %dma_wait3A_131 = tpu.memref_slice %arg22[%add3A_31, %dma_wait3A_130] : memref<10016x144xf32, #tpu.memory_space<vmem_shared>> -> memref<48x144xf32, #tpu.memory_space<vmem_shared>>
      %dma_wait3A_132 = arith.constant 0 : i32
      %dma_wait3A_133 = arith.constant 0 : i32
      %dma_wait3A_134 = tpu.memref_slice %arg21[%dma_wait3A_132, %dma_wait3A_133] : memref<48x144xf32, #tpu.memory_space<vmem>> -> memref<48x144xf32, #tpu.memory_space<vmem>>
      tpu.wait_dma2 semaphore(%run_scoped3A : memref<!tpu.dma_semaphore, #tpu.memory_space<semaphore_mem>>) src(%dma_wait3A_134 : memref<48x144xf32, #tpu.memory_space<vmem>>) dst(%dma_wait3A_131 : memref<48x144xf32, #tpu.memory_space<vmem_shared>>)
      tpu.yield
    }) : () -> ()
    %add3A_32 = arith.constant 576 : i32
    %add3A_33 = arith.addi %mul3A_7, %add3A_32 : i32
    "tpu.region"() ({
      %run_scoped3A = tpu.sem_alloc : memref<!tpu.dma_semaphore, #tpu.memory_space<semaphore_mem>>
      %dma_start3A_115 = arith.constant 0 : i32
      %dma_start3A_116 = arith.constant 0 : i32
      %dma_start3A_117 = tpu.memref_slice %arg21[%dma_start3A_115, %dma_start3A_116] : memref<48x144xf32, #tpu.memory_space<vmem>> -> memref<48x144xf32, #tpu.memory_space<vmem>>
      %dma_start3A_118 = arith.constant 0 : i32
      %dma_start3A_119 = tpu.memref_slice %arg22[%add3A_33, %dma_start3A_118] : memref<10016x144xf32, #tpu.memory_space<vmem_shared>> -> memref<48x144xf32, #tpu.memory_space<vmem_shared>>
      %dma_start3A_120 = arith.constant 0 : i32
      %dma_start3A_121 = tpu.memref_slice %arg22[%add3A_33, %dma_start3A_120] : memref<10016x144xf32, #tpu.memory_space<vmem_shared>> -> memref<48x144xf32, #tpu.memory_space<vmem_shared>>
      %dma_start3A_122 = arith.constant 0 : i32
      %dma_start3A_123 = arith.constant 0 : i32
      %dma_start3A_124 = tpu.memref_slice %arg21[%dma_start3A_122, %dma_start3A_123] : memref<48x144xf32, #tpu.memory_space<vmem>> -> memref<48x144xf32, #tpu.memory_space<vmem>>
      tpu.enqueue_dma source(%dma_start3A_124 : memref<48x144xf32, #tpu.memory_space<vmem>>) target(%dma_start3A_121 : memref<48x144xf32, #tpu.memory_space<vmem_shared>>) target_semaphore(%run_scoped3A : memref<!tpu.dma_semaphore, #tpu.memory_space<semaphore_mem>>)
      %dma_wait3A_125 = arith.constant 0 : i32
      %dma_wait3A_126 = arith.constant 0 : i32
      %dma_wait3A_127 = tpu.memref_slice %arg21[%dma_wait3A_125, %dma_wait3A_126] : memref<48x144xf32, #tpu.memory_space<vmem>> -> memref<48x144xf32, #tpu.memory_space<vmem>>
      %dma_wait3A_128 = arith.constant 0 : i32
      %dma_wait3A_129 = tpu.memref_slice %arg22[%add3A_33, %dma_wait3A_128] : memref<10016x144xf32, #tpu.memory_space<vmem_shared>> -> memref<48x144xf32, #tpu.memory_space<vmem_shared>>
      %dma_wait3A_130 = arith.constant 0 : i32
      %dma_wait3A_131 = tpu.memref_slice %arg22[%add3A_33, %dma_wait3A_130] : memref<10016x144xf32, #tpu.memory_space<vmem_shared>> -> memref<48x144xf32, #tpu.memory_space<vmem_shared>>
      %dma_wait3A_132 = arith.constant 0 : i32
      %dma_wait3A_133 = arith.constant 0 : i32
      %dma_wait3A_134 = tpu.memref_slice %arg21[%dma_wait3A_132, %dma_wait3A_133] : memref<48x144xf32, #tpu.memory_space<vmem>> -> memref<48x144xf32, #tpu.memory_space<vmem>>
      tpu.wait_dma2 semaphore(%run_scoped3A : memref<!tpu.dma_semaphore, #tpu.memory_space<semaphore_mem>>) src(%dma_wait3A_134 : memref<48x144xf32, #tpu.memory_space<vmem>>) dst(%dma_wait3A_131 : memref<48x144xf32, #tpu.memory_space<vmem_shared>>)
      tpu.yield
    }) : () -> ()
    %add3A_34 = arith.constant 624 : i32
    %add3A_35 = arith.addi %mul3A_7, %add3A_34 : i32
    "tpu.region"() ({
      %run_scoped3A = tpu.sem_alloc : memref<!tpu.dma_semaphore, #tpu.memory_space<semaphore_mem>>
      %dma_start3A_115 = arith.constant 0 : i32
      %dma_start3A_116 = arith.constant 0 : i32
      %dma_start3A_117 = tpu.memref_slice %arg21[%dma_start3A_115, %dma_start3A_116] : memref<48x144xf32, #tpu.memory_space<vmem>> -> memref<2x144xf32, #tpu.memory_space<vmem>>
      %dma_start3A_118 = arith.constant 0 : i32
      %dma_start3A_119 = tpu.memref_slice %arg22[%add3A_35, %dma_start3A_118] : memref<10016x144xf32, #tpu.memory_space<vmem_shared>> -> memref<2x144xf32, #tpu.memory_space<vmem_shared>>
      %dma_start3A_120 = arith.constant 0 : i32
      %dma_start3A_121 = tpu.memref_slice %arg22[%add3A_35, %dma_start3A_120] : memref<10016x144xf32, #tpu.memory_space<vmem_shared>> -> memref<2x144xf32, #tpu.memory_space<vmem_shared>>
      %dma_start3A_122 = arith.constant 0 : i32
      %dma_start3A_123 = arith.constant 0 : i32
      %dma_start3A_124 = tpu.memref_slice %arg21[%dma_start3A_122, %dma_start3A_123] : memref<48x144xf32, #tpu.memory_space<vmem>> -> memref<2x144xf32, #tpu.memory_space<vmem>>
      tpu.enqueue_dma source(%dma_start3A_124 : memref<2x144xf32, #tpu.memory_space<vmem>>) target(%dma_start3A_121 : memref<2x144xf32, #tpu.memory_space<vmem_shared>>) target_semaphore(%run_scoped3A : memref<!tpu.dma_semaphore, #tpu.memory_space<semaphore_mem>>)
      %dma_wait3A_125 = arith.constant 0 : i32
      %dma_wait3A_126 = arith.constant 0 : i32
      %dma_wait3A_127 = tpu.memref_slice %arg21[%dma_wait3A_125, %dma_wait3A_126] : memref<48x144xf32, #tpu.memory_space<vmem>> -> memref<2x144xf32, #tpu.memory_space<vmem>>
      %dma_wait3A_128 = arith.constant 0 : i32
      %dma_wait3A_129 = tpu.memref_slice %arg22[%add3A_35, %dma_wait3A_128] : memref<10016x144xf32, #tpu.memory_space<vmem_shared>> -> memref<2x144xf32, #tpu.memory_space<vmem_shared>>
      %dma_wait3A_130 = arith.constant 0 : i32
      %dma_wait3A_131 = tpu.memref_slice %arg22[%add3A_35, %dma_wait3A_130] : memref<10016x144xf32, #tpu.memory_space<vmem_shared>> -> memref<2x144xf32, #tpu.memory_space<vmem_shared>>
      %dma_wait3A_132 = arith.constant 0 : i32
      %dma_wait3A_133 = arith.constant 0 : i32
      %dma_wait3A_134 = tpu.memref_slice %arg21[%dma_wait3A_132, %dma_wait3A_133] : memref<48x144xf32, #tpu.memory_space<vmem>> -> memref<2x144xf32, #tpu.memory_space<vmem>>
      tpu.wait_dma2 semaphore(%run_scoped3A : memref<!tpu.dma_semaphore, #tpu.memory_space<semaphore_mem>>) src(%dma_wait3A_134 : memref<2x144xf32, #tpu.memory_space<vmem>>) dst(%dma_wait3A_131 : memref<2x144xf32, #tpu.memory_space<vmem_shared>>)
      tpu.yield
    }) : () -> ()
    %barrier3A = arith.constant 0 : index
    tpu.barrier barrier_id(%barrier3A)
    "tpu.region"() ({
      %run_scoped3A = tpu.sem_alloc : memref<!tpu.dma_semaphore, #tpu.memory_space<semaphore_mem>>
      tpu.enqueue_dma source(%arg4 : memref<1x16xf32, #tpu.memory_space<hbm>>) target(%arg18 : memref<1x16xf32, #tpu.memory_space<vmem>>) target_semaphore(%run_scoped3A : memref<!tpu.dma_semaphore, #tpu.memory_space<semaphore_mem>>)
      tpu.wait_dma2 semaphore(%run_scoped3A : memref<!tpu.dma_semaphore, #tpu.memory_space<semaphore_mem>>) src(%arg4 : memref<1x16xf32, #tpu.memory_space<hbm>>) dst(%arg18 : memref<1x16xf32, #tpu.memory_space<vmem>>)
      tpu.yield
    }) : () -> ()
    %get3A = arith.constant 0 : i32
    %get3A_36 = arith.index_cast %get3A : i32 to index
    %get3A_37 = arith.constant 0 : index
    %get3A_38 = tpu.vector_load %arg18[%get3A_36, %get3A_37] {strides = array<i32>} : memref<1x16xf32, #tpu.memory_space<vmem>>, vector<1x16xf32>,
    %get3A_39 = vector.shape_cast %get3A_38 : vector<1x16xf32> to vector<16xf32>
    %mul3A_40 = arith.constant 10368 : i32
    %mul3A_41 = arith.muli %add3A, %mul3A_40 : i32
    %add3A_42 = arith.constant 0 : i32
    %add3A_43 = arith.addi %mul3A_41, %add3A_42 : i32
    "tpu.region"() ({
      %run_scoped3A = tpu.sem_alloc : memref<!tpu.dma_semaphore, #tpu.memory_space<semaphore_mem>>
      %dma_start3A_115 = tpu.memref_slice %arg5[%add3A_43] : memref<331776xi32, #tpu.memory_space<hbm>> -> memref<48xi32, #tpu.memory_space<hbm>>
      %dma_start3A_116 = tpu.memref_slice %arg5[%add3A_43] : memref<331776xi32, #tpu.memory_space<hbm>> -> memref<48xi32, #tpu.memory_space<hbm>>
      tpu.enqueue_dma source(%dma_start3A_116 : memref<48xi32, #tpu.memory_space<hbm>>) target(%arg8 : memref<48xi32, #tpu.memory_space<vmem>>) target_semaphore(%run_scoped3A : memref<!tpu.dma_semaphore, #tpu.memory_space<semaphore_mem>>)
      %dma_wait3A_117 = tpu.memref_slice %arg5[%add3A_43] : memref<331776xi32, #tpu.memory_space<hbm>> -> memref<48xi32, #tpu.memory_space<hbm>>
      %dma_wait3A_118 = tpu.memref_slice %arg5[%add3A_43] : memref<331776xi32, #tpu.memory_space<hbm>> -> memref<48xi32, #tpu.memory_space<hbm>>
      tpu.wait_dma2 semaphore(%run_scoped3A : memref<!tpu.dma_semaphore, #tpu.memory_space<semaphore_mem>>) src(%dma_wait3A_118 : memref<48xi32, #tpu.memory_space<hbm>>) dst(%arg8 : memref<48xi32, #tpu.memory_space<vmem>>)
      tpu.yield
    }) : () -> ()
    "tpu.region"() ({
      %run_scoped3A = tpu.sem_alloc : memref<!tpu.dma_semaphore, #tpu.memory_space<semaphore_mem>>
      %dma_start3A_115 = tpu.memref_slice %arg6[%add3A_43] : memref<331776xi32, #tpu.memory_space<hbm>> -> memref<48xi32, #tpu.memory_space<hbm>>
      %dma_start3A_116 = tpu.memref_slice %arg6[%add3A_43] : memref<331776xi32, #tpu.memory_space<hbm>> -> memref<48xi32, #tpu.memory_space<hbm>>
      tpu.enqueue_dma source(%dma_start3A_116 : memref<48xi32, #tpu.memory_space<hbm>>) target(%arg10 : memref<48xi32, #tpu.memory_space<vmem>>) target_semaphore(%run_scoped3A : memref<!tpu.dma_semaphore, #tpu.memory_space<semaphore_mem>>)
      %dma_wait3A_117 = tpu.memref_slice %arg6[%add3A_43] : memref<331776xi32, #tpu.memory_space<hbm>> -> memref<48xi32, #tpu.memory_space<hbm>>
      %dma_wait3A_118 = tpu.memref_slice %arg6[%add3A_43] : memref<331776xi32, #tpu.memory_space<hbm>> -> memref<48xi32, #tpu.memory_space<hbm>>
      tpu.wait_dma2 semaphore(%run_scoped3A : memref<!tpu.dma_semaphore, #tpu.memory_space<semaphore_mem>>) src(%dma_wait3A_118 : memref<48xi32, #tpu.memory_space<hbm>>) dst(%arg10 : memref<48xi32, #tpu.memory_space<vmem>>)
      tpu.yield
    }) : () -> ()
    %dma_start3A = arith.constant 0 : i32
    %dma_start3A_44 = arith.constant 0 : i32
    %dma_start3A_45 = tpu.memref_slice %arg2[%dma_start3A, %dma_start3A_44] : memref<10000x144xf32, #tpu.memory_space<hbm>> -> memref<10000x144xf32, #tpu.memory_space<hbm>>
    tpu.enqueue_indirect_dma source(%dma_start3A_45 : memref<10000x144xf32, #tpu.memory_space<hbm>>) target(%arg14 : memref<48x144xf32, #tpu.memory_space<vmem>>) offsets(%arg8 : memref<48xi32, #tpu.memory_space<vmem>>) semaphore(%arg23 : memref<!tpu.dma_semaphore, #tpu.memory_space<semaphore_mem>>)
    %dma_start3A_46 = arith.constant 0 : i32
    %dma_start3A_47 = arith.constant 0 : i32
    %dma_start3A_48 = tpu.memref_slice %arg3[%dma_start3A_46, %dma_start3A_47] : memref<10016x16xf32, #tpu.memory_space<hbm>> -> memref<10016x16xf32, #tpu.memory_space<hbm>>
    tpu.enqueue_indirect_dma source(%dma_start3A_48 : memref<10016x16xf32, #tpu.memory_space<hbm>>) target(%arg16 : memref<48x16xf32, #tpu.memory_space<vmem>>) offsets(%arg10 : memref<48xi32, #tpu.memory_space<vmem>>) semaphore(%arg23 : memref<!tpu.dma_semaphore, #tpu.memory_space<semaphore_mem>>)
    %scan3A_49 = arith.constant 0 : i32
    %scan3A_50 = arith.constant 108 : i32
    %scan3A_51 = arith.addi %scan3A_49, %scan3A_50 : i32
    %scan3A_52 = arith.constant 1 : i32
    scf.for %scan3A_115 = %scan3A_49 to %scan3A_51 step %scan3A_52  : i32 {
      %mul3A_116 = arith.constant 1 : i32
      %mul3A_117 = arith.muli %scan3A_115, %mul3A_116 : i32
      %add3A_118 = arith.constant 0 : i32
      %add3A_119 = arith.addi %add3A_118, %mul3A_117 : i32
      %mul3A_120 = arith.constant 2 : i32
      %mul3A_121 = arith.muli %mul3A_120, %add3A_119 : i32
      %add3A_122 = arith.constant 0 : i32
      %add3A_123 = arith.addi %mul3A_121, %add3A_122 : i32
      %dma_wait3A_124 = arith.constant 0 : i32
      %dma_wait3A_125 = arith.constant 0 : i32
      %dma_wait3A_126 = tpu.memref_slice %arg2[%dma_wait3A_124, %dma_wait3A_125] : memref<10000x144xf32, #tpu.memory_space<hbm>> -> memref<10000x144xf32, #tpu.memory_space<hbm>>
      tpu.wait_indirect_dma semaphore(%arg23 : memref<!tpu.dma_semaphore, #tpu.memory_space<semaphore_mem>>) src(%dma_wait3A_126 : memref<10000x144xf32, #tpu.memory_space<hbm>>) dst(%arg14 : memref<48x144xf32, #tpu.memory_space<vmem>>)
      %dma_wait3A_127 = arith.constant 0 : i32
      %dma_wait3A_128 = arith.constant 0 : i32
      %dma_wait3A_129 = tpu.memref_slice %arg3[%dma_wait3A_127, %dma_wait3A_128] : memref<10016x16xf32, #tpu.memory_space<hbm>> -> memref<10016x16xf32, #tpu.memory_space<hbm>>
      tpu.wait_indirect_dma semaphore(%arg23 : memref<!tpu.dma_semaphore, #tpu.memory_space<semaphore_mem>>) src(%dma_wait3A_129 : memref<10016x16xf32, #tpu.memory_space<hbm>>) dst(%arg16 : memref<48x16xf32, #tpu.memory_space<vmem>>)
      %add3A_130 = arith.constant 1 : i32
      %add3A_131 = arith.addi %add3A_123, %add3A_130 : i32
      %lt3A = arith.constant 216 : i32
      %lt3A_132 = arith.cmpi slt, %add3A_131, %lt3A : i32
      %convert_element_type3A = arith.extui %lt3A_132 : i1 to i32
      %cond3A = arith.constant 0 : i32
      %cond3A_133 = arith.cmpi ne, %convert_element_type3A, %cond3A : i32
      scf.if %cond3A_133 {
        %add3A_184 = arith.constant 1 : i32
        %add3A_185 = arith.addi %add3A_123, %add3A_184 : i32
        %mul3A_186 = arith.constant 10368 : i32
        %mul3A_187 = arith.muli %add3A, %mul3A_186 : i32
        %mul3A_188 = arith.constant 48 : i32
        %mul3A_189 = arith.muli %add3A_185, %mul3A_188 : i32
        %add3A_190 = arith.addi %mul3A_187, %mul3A_189 : i32
        "tpu.region"() ({
          %run_scoped3A = tpu.sem_alloc : memref<!tpu.dma_semaphore, #tpu.memory_space<semaphore_mem>>
          %dma_start3A_197 = tpu.memref_slice %arg5[%add3A_190] : memref<331776xi32, #tpu.memory_space<hbm>> -> memref<48xi32, #tpu.memory_space<hbm>>
          %dma_start3A_198 = tpu.memref_slice %arg5[%add3A_190] : memref<331776xi32, #tpu.memory_space<hbm>> -> memref<48xi32, #tpu.memory_space<hbm>>
          tpu.enqueue_dma source(%dma_start3A_198 : memref<48xi32, #tpu.memory_space<hbm>>) target(%arg9 : memref<48xi32, #tpu.memory_space<vmem>>) target_semaphore(%run_scoped3A : memref<!tpu.dma_semaphore, #tpu.memory_space<semaphore_mem>>)
          %dma_wait3A_199 = tpu.memref_slice %arg5[%add3A_190] : memref<331776xi32, #tpu.memory_space<hbm>> -> memref<48xi32, #tpu.memory_space<hbm>>
          %dma_wait3A_200 = tpu.memref_slice %arg5[%add3A_190] : memref<331776xi32, #tpu.memory_space<hbm>> -> memref<48xi32, #tpu.memory_space<hbm>>
          tpu.wait_dma2 semaphore(%run_scoped3A : memref<!tpu.dma_semaphore, #tpu.memory_space<semaphore_mem>>) src(%dma_wait3A_200 : memref<48xi32, #tpu.memory_space<hbm>>) dst(%arg9 : memref<48xi32, #tpu.memory_space<vmem>>)
          tpu.yield
        }) : () -> ()
        "tpu.region"() ({
          %run_scoped3A = tpu.sem_alloc : memref<!tpu.dma_semaphore, #tpu.memory_space<semaphore_mem>>
          %dma_start3A_197 = tpu.memref_slice %arg6[%add3A_190] : memref<331776xi32, #tpu.memory_space<hbm>> -> memref<48xi32, #tpu.memory_space<hbm>>
          %dma_start3A_198 = tpu.memref_slice %arg6[%add3A_190] : memref<331776xi32, #tpu.memory_space<hbm>> -> memref<48xi32, #tpu.memory_space<hbm>>
          tpu.enqueue_dma source(%dma_start3A_198 : memref<48xi32, #tpu.memory_space<hbm>>) target(%arg11 : memref<48xi32, #tpu.memory_space<vmem>>) target_semaphore(%run_scoped3A : memref<!tpu.dma_semaphore, #tpu.memory_space<semaphore_mem>>)
          %dma_wait3A_199 = tpu.memref_slice %arg6[%add3A_190] : memref<331776xi32, #tpu.memory_space<hbm>> -> memref<48xi32, #tpu.memory_space<hbm>>
          %dma_wait3A_200 = tpu.memref_slice %arg6[%add3A_190] : memref<331776xi32, #tpu.memory_space<hbm>> -> memref<48xi32, #tpu.memory_space<hbm>>
          tpu.wait_dma2 semaphore(%run_scoped3A : memref<!tpu.dma_semaphore, #tpu.memory_space<semaphore_mem>>) src(%dma_wait3A_200 : memref<48xi32, #tpu.memory_space<hbm>>) dst(%arg11 : memref<48xi32, #tpu.memory_space<vmem>>)
          tpu.yield
        }) : () -> ()
        %dma_start3A_191 = arith.constant 0 : i32
        %dma_start3A_192 = arith.constant 0 : i32
        %dma_start3A_193 = tpu.memref_slice %arg2[%dma_start3A_191, %dma_start3A_192] : memref<10000x144xf32, #tpu.memory_space<hbm>> -> memref<10000x144xf32, #tpu.memory_space<hbm>>
        tpu.enqueue_indirect_dma source(%dma_start3A_193 : memref<10000x144xf32, #tpu.memory_space<hbm>>) target(%arg15 : memref<48x144xf32, #tpu.memory_space<vmem>>) offsets(%arg9 : memref<48xi32, #tpu.memory_space<vmem>>) semaphore(%arg24 : memref<!tpu.dma_semaphore, #tpu.memory_space<semaphore_mem>>)
        %dma_start3A_194 = arith.constant 0 : i32
        %dma_start3A_195 = arith.constant 0 : i32
        %dma_start3A_196 = tpu.memref_slice %arg3[%dma_start3A_194, %dma_start3A_195] : memref<10016x16xf32, #tpu.memory_space<hbm>> -> memref<10016x16xf32, #tpu.memory_space<hbm>>
        tpu.enqueue_indirect_dma source(%dma_start3A_196 : memref<10016x16xf32, #tpu.memory_space<hbm>>) target(%arg17 : memref<48x16xf32, #tpu.memory_space<vmem>>) offsets(%arg11 : memref<48xi32, #tpu.memory_space<vmem>>) semaphore(%arg24 : memref<!tpu.dma_semaphore, #tpu.memory_space<semaphore_mem>>)
      } else {
      }
      %ge3A = arith.constant 1 : i32
      %ge3A_134 = arith.cmpi sge, %add3A_123, %ge3A : i32
      %convert_element_type3A_135 = arith.extui %ge3A_134 : i1 to i32
      %cond3A_136 = arith.constant 0 : i32
      %cond3A_137 = arith.cmpi ne, %convert_element_type3A_135, %cond3A_136 : i32
      scf.if %cond3A_137 {
        %dma_wait3A_184 = arith.constant 0 : i32
        %dma_wait3A_185 = arith.constant 0 : i32
        %dma_wait3A_186 = tpu.memref_slice %arg22[%dma_wait3A_184, %dma_wait3A_185] : memref<10016x144xf32, #tpu.memory_space<vmem_shared>> -> memref<10016x144xf32, #tpu.memory_space<vmem_shared>>
        tpu.wait_indirect_dma semaphore(%arg26 : memref<!tpu.dma_semaphore, #tpu.memory_space<semaphore_mem>>) src(%arg20 : memref<48x144xf32, #tpu.memory_space<vmem>>) dst(%dma_wait3A_186 : memref<10016x144xf32, #tpu.memory_space<vmem_shared>>)
      } else {
      }
      %scan3A_138 = arith.constant 0 : i32
      %scan3A_139 = arith.constant 48 : i32
      %scan3A_140 = arith.addi %scan3A_138, %scan3A_139 : i32
      %scan3A_141 = arith.constant 1 : i32
      scf.for %scan3A_184 = %scan3A_138 to %scan3A_140 step %scan3A_141  : i32 {
        %mul3A_185 = arith.constant 1 : i32
        %mul3A_186 = arith.muli %scan3A_184, %mul3A_185 : i32
        %add3A_187 = arith.constant 0 : i32
        %add3A_188 = arith.addi %add3A_187, %mul3A_186 : i32
        %get3A_189 = arith.index_cast %add3A_188 : i32 to index
        %get3A_190 = arith.constant 128 : index
        %get3A_191 = tpu.vector_load %arg14[%get3A_189, %get3A_190] {strides = array<i32>} : memref<48x144xf32, #tpu.memory_space<vmem>>, vector<1x16xf32>,
        %get3A_192 = vector.shape_cast %get3A_191 : vector<1x16xf32> to vector<16xf32>
        %get3A_193 = arith.index_cast %add3A_188 : i32 to index
        %get3A_194 = arith.constant 0 : index
        %get3A_195 = tpu.vector_load %arg16[%get3A_193, %get3A_194] {strides = array<i32>} : memref<48x16xf32, #tpu.memory_space<vmem>>, vector<1x16xf32>,
        %get3A_196 = vector.shape_cast %get3A_195 : vector<1x16xf32> to vector<16xf32>
        %add3A_197 = arith.addf %get3A_39, %get3A_196 : vector<16xf32>
        %mul3A_198 = arith.constant 2.000000e-01 : f32
        %mul3A_199 = vector.broadcast %mul3A_198 : f32 to vector<16xf32>
        %mul3A_200 = arith.mulf %add3A_197, %mul3A_199 : vector<16xf32>
        %max3A = arith.maximumf %add3A_197, %mul3A_200 : vector<16xf32>
        %add3A_201 = arith.addf %get3A_192, %get3A_196 : vector<16xf32>
        %mul3A_202 = arith.constant 2.000000e-01 : f32
        %mul3A_203 = vector.broadcast %mul3A_202 : f32 to vector<16xf32>
        %mul3A_204 = arith.mulf %add3A_201, %mul3A_203 : vector<16xf32>
        %max3A_205 = arith.maximumf %add3A_201, %mul3A_204 : vector<16xf32>
        %sub3A = arith.subf %max3A_205, %max3A : vector<16xf32>
        %exp3A = math.exp %sub3A : vector<16xf32>
        %swap3A = arith.index_cast %add3A_188 : i32 to index
        %swap3A_206 = arith.constant 128 : index
        %swap3A_207 = tpu.vector_load %arg19[%swap3A, %swap3A_206] {strides = array<i32>} : memref<48x144xf32, #tpu.memory_space<vmem>>, vector<1x16xf32>,
        %swap3A_208 = vector.shape_cast %swap3A_207 : vector<1x16xf32> to vector<16xf32>
        %swap3A_209 = vector.shape_cast %exp3A : vector<16xf32> to vector<1x16xf32>
        tpu.vector_store %arg19[%swap3A, %swap3A_206], %swap3A_209 {strides = array<i32>} : memref<48x144xf32, #tpu.memory_space<vmem>>, vector<1x16xf32>,
        %slice3A = vector.extract_strided_slice %exp3A {offsets = [0], sizes = [1], strides = [1]} : vector<16xf32> to vector<1xf32>
        %squeeze3A = vector.extract %slice3A[0] : f32 from vector<1xf32>
        %broadcast_in_dim3A_210 = vector.broadcast %squeeze3A : f32 to vector<16xf32>
        %get3A_211 = arith.index_cast %add3A_188 : i32 to index
        %get3A_212 = arith.constant 0 : index
        %get3A_213 = tpu.vector_load %arg14[%get3A_211, %get3A_212] {strides = array<i32>} : memref<48x144xf32, #tpu.memory_space<vmem>>, vector<1x16xf32>,
        %get3A_214 = vector.shape_cast %get3A_213 : vector<1x16xf32> to vector<16xf32>
        %mul3A_215 = arith.mulf %get3A_214, %broadcast_in_dim3A_210 : vector<16xf32>
        %swap3A_216 = arith.index_cast %add3A_188 : i32 to index
        %swap3A_217 = arith.constant 0 : index
        %swap3A_218 = tpu.vector_load %arg19[%swap3A_216, %swap3A_217] {strides = array<i32>} : memref<48x144xf32, #tpu.memory_space<vmem>>, vector<1x16xf32>,
        %swap3A_219 = vector.shape_cast %swap3A_218 : vector<1x16xf32> to vector<16xf32>
        %swap3A_220 = vector.shape_cast %mul3A_215 : vector<16xf32> to vector<1x16xf32>
        tpu.vector_store %arg19[%swap3A_216, %swap3A_217], %swap3A_220 {strides = array<i32>} : memref<48x144xf32, #tpu.memory_space<vmem>>, vector<1x16xf32>,
        %get3A_221 = arith.index_cast %add3A_188 : i32 to index
        %get3A_222 = arith.constant 16 : index
        %get3A_223 = tpu.vector_load %arg14[%get3A_221, %get3A_222] {strides = array<i32>} : memref<48x144xf32, #tpu.memory_space<vmem>>, vector<1x16xf32>,
        %get3A_224 = vector.shape_cast %get3A_223 : vector<1x16xf32> to vector<16xf32>
        %mul3A_225 = arith.mulf %get3A_224, %broadcast_in_dim3A_210 : vector<16xf32>
        %swap3A_226 = arith.index_cast %add3A_188 : i32 to index
        %swap3A_227 = arith.constant 16 : index
        %swap3A_228 = tpu.vector_load %arg19[%swap3A_226, %swap3A_227] {strides = array<i32>} : memref<48x144xf32, #tpu.memory_space<vmem>>, vector<1x16xf32>,
        %swap3A_229 = vector.shape_cast %swap3A_228 : vector<1x16xf32> to vector<16xf32>
        %swap3A_230 = vector.shape_cast %mul3A_225 : vector<16xf32> to vector<1x16xf32>
        tpu.vector_store %arg19[%swap3A_226, %swap3A_227], %swap3A_230 {strides = array<i32>} : memref<48x144xf32, #tpu.memory_space<vmem>>, vector<1x16xf32>,
        %get3A_231 = arith.index_cast %add3A_188 : i32 to index
        %get3A_232 = arith.constant 32 : index
        %get3A_233 = tpu.vector_load %arg14[%get3A_231, %get3A_232] {strides = array<i32>} : memref<48x144xf32, #tpu.memory_space<vmem>>, vector<1x16xf32>,
        %get3A_234 = vector.shape_cast %get3A_233 : vector<1x16xf32> to vector<16xf32>
        %mul3A_235 = arith.mulf %get3A_234, %broadcast_in_dim3A_210 : vector<16xf32>
        %swap3A_236 = arith.index_cast %add3A_188 : i32 to index
        %swap3A_237 = arith.constant 32 : index
        %swap3A_238 = tpu.vector_load %arg19[%swap3A_236, %swap3A_237] {strides = array<i32>} : memref<48x144xf32, #tpu.memory_space<vmem>>, vector<1x16xf32>,
        %swap3A_239 = vector.shape_cast %swap3A_238 : vector<1x16xf32> to vector<16xf32>
        %swap3A_240 = vector.shape_cast %mul3A_235 : vector<16xf32> to vector<1x16xf32>
        tpu.vector_store %arg19[%swap3A_236, %swap3A_237], %swap3A_240 {strides = array<i32>} : memref<48x144xf32, #tpu.memory_space<vmem>>, vector<1x16xf32>,
        %get3A_241 = arith.index_cast %add3A_188 : i32 to index
        %get3A_242 = arith.constant 48 : index
        %get3A_243 = tpu.vector_load %arg14[%get3A_241, %get3A_242] {strides = array<i32>} : memref<48x144xf32, #tpu.memory_space<vmem>>, vector<1x16xf32>,
        %get3A_244 = vector.shape_cast %get3A_243 : vector<1x16xf32> to vector<16xf32>
        %mul3A_245 = arith.mulf %get3A_244, %broadcast_in_dim3A_210 : vector<16xf32>
        %swap3A_246 = arith.index_cast %add3A_188 : i32 to index
        %swap3A_247 = arith.constant 48 : index
        %swap3A_248 = tpu.vector_load %arg19[%swap3A_246, %swap3A_247] {strides = array<i32>} : memref<48x144xf32, #tpu.memory_space<vmem>>, vector<1x16xf32>,
        %swap3A_249 = vector.shape_cast %swap3A_248 : vector<1x16xf32> to vector<16xf32>
        %swap3A_250 = vector.shape_cast %mul3A_245 : vector<16xf32> to vector<1x16xf32>
        tpu.vector_store %arg19[%swap3A_246, %swap3A_247], %swap3A_250 {strides = array<i32>} : memref<48x144xf32, #tpu.memory_space<vmem>>, vector<1x16xf32>,
        %get3A_251 = arith.index_cast %add3A_188 : i32 to index
        %get3A_252 = arith.constant 64 : index
        %get3A_253 = tpu.vector_load %arg14[%get3A_251, %get3A_252] {strides = array<i32>} : memref<48x144xf32, #tpu.memory_space<vmem>>, vector<1x16xf32>,
        %get3A_254 = vector.shape_cast %get3A_253 : vector<1x16xf32> to vector<16xf32>
        %mul3A_255 = arith.mulf %get3A_254, %broadcast_in_dim3A_210 : vector<16xf32>
        %swap3A_256 = arith.index_cast %add3A_188 : i32 to index
        %swap3A_257 = arith.constant 64 : index
        %swap3A_258 = tpu.vector_load %arg19[%swap3A_256, %swap3A_257] {strides = array<i32>} : memref<48x144xf32, #tpu.memory_space<vmem>>, vector<1x16xf32>,
        %swap3A_259 = vector.shape_cast %swap3A_258 : vector<1x16xf32> to vector<16xf32>
        %swap3A_260 = vector.shape_cast %mul3A_255 : vector<16xf32> to vector<1x16xf32>
        tpu.vector_store %arg19[%swap3A_256, %swap3A_257], %swap3A_260 {strides = array<i32>} : memref<48x144xf32, #tpu.memory_space<vmem>>, vector<1x16xf32>,
        %get3A_261 = arith.index_cast %add3A_188 : i32 to index
        %get3A_262 = arith.constant 80 : index
        %get3A_263 = tpu.vector_load %arg14[%get3A_261, %get3A_262] {strides = array<i32>} : memref<48x144xf32, #tpu.memory_space<vmem>>, vector<1x16xf32>,
        %get3A_264 = vector.shape_cast %get3A_263 : vector<1x16xf32> to vector<16xf32>
        %mul3A_265 = arith.mulf %get3A_264, %broadcast_in_dim3A_210 : vector<16xf32>
        %swap3A_266 = arith.index_cast %add3A_188 : i32 to index
        %swap3A_267 = arith.constant 80 : index
        %swap3A_268 = tpu.vector_load %arg19[%swap3A_266, %swap3A_267] {strides = array<i32>} : memref<48x144xf32, #tpu.memory_space<vmem>>, vector<1x16xf32>,
        %swap3A_269 = vector.shape_cast %swap3A_268 : vector<1x16xf32> to vector<16xf32>
        %swap3A_270 = vector.shape_cast %mul3A_265 : vector<16xf32> to vector<1x16xf32>
        tpu.vector_store %arg19[%swap3A_266, %swap3A_267], %swap3A_270 {strides = array<i32>} : memref<48x144xf32, #tpu.memory_space<vmem>>, vector<1x16xf32>,
        %get3A_271 = arith.index_cast %add3A_188 : i32 to index
        %get3A_272 = arith.constant 96 : index
        %get3A_273 = tpu.vector_load %arg14[%get3A_271, %get3A_272] {strides = array<i32>} : memref<48x144xf32, #tpu.memory_space<vmem>>, vector<1x16xf32>,
        %get3A_274 = vector.shape_cast %get3A_273 : vector<1x16xf32> to vector<16xf32>
        %mul3A_275 = arith.mulf %get3A_274, %broadcast_in_dim3A_210 : vector<16xf32>
        %swap3A_276 = arith.index_cast %add3A_188 : i32 to index
        %swap3A_277 = arith.constant 96 : index
        %swap3A_278 = tpu.vector_load %arg19[%swap3A_276, %swap3A_277] {strides = array<i32>} : memref<48x144xf32, #tpu.memory_space<vmem>>, vector<1x16xf32>,
        %swap3A_279 = vector.shape_cast %swap3A_278 : vector<1x16xf32> to vector<16xf32>
        %swap3A_280 = vector.shape_cast %mul3A_275 : vector<16xf32> to vector<1x16xf32>
        tpu.vector_store %arg19[%swap3A_276, %swap3A_277], %swap3A_280 {strides = array<i32>} : memref<48x144xf32, #tpu.memory_space<vmem>>, vector<1x16xf32>,
        %get3A_281 = arith.index_cast %add3A_188 : i32 to index
        %get3A_282 = arith.constant 112 : index
        %get3A_283 = tpu.vector_load %arg14[%get3A_281, %get3A_282] {strides = array<i32>} : memref<48x144xf32, #tpu.memory_space<vmem>>, vector<1x16xf32>,
        %get3A_284 = vector.shape_cast %get3A_283 : vector<1x16xf32> to vector<16xf32>
        %mul3A_285 = arith.mulf %get3A_284, %broadcast_in_dim3A_210 : vector<16xf32>
        %swap3A_286 = arith.index_cast %add3A_188 : i32 to index
        %swap3A_287 = arith.constant 112 : index
        %swap3A_288 = tpu.vector_load %arg19[%swap3A_286, %swap3A_287] {strides = array<i32>} : memref<48x144xf32, #tpu.memory_space<vmem>>, vector<1x16xf32>,
        %swap3A_289 = vector.shape_cast %swap3A_288 : vector<1x16xf32> to vector<16xf32>
        %swap3A_290 = vector.shape_cast %mul3A_285 : vector<16xf32> to vector<1x16xf32>
        tpu.vector_store %arg19[%swap3A_286, %swap3A_287], %swap3A_290 {strides = array<i32>} : memref<48x144xf32, #tpu.memory_space<vmem>>, vector<1x16xf32>,
      }
      %scan3A_142 = arith.constant 48 : i32
      %scan3A_143 = arith.constant 0 : i32
      %scan3A_144 = arith.constant 3 : i32
      %scan3A_145 = arith.addi %scan3A_143, %scan3A_144 : i32
      %scan3A_146 = arith.constant 1 : i32
      scf.for %scan3A_184 = %scan3A_143 to %scan3A_145 step %scan3A_146  : i32 {
        %mul3A_185 = arith.constant 1 : i32
        %mul3A_186 = arith.muli %scan3A_184, %mul3A_185 : i32
        %add3A_187 = arith.constant 0 : i32
        %add3A_188 = arith.addi %add3A_187, %mul3A_186 : i32
        %mul3A_189 = arith.constant 16 : i32
        %mul3A_190 = arith.muli %add3A_188, %mul3A_189 : i32
        %get3A_191 = arith.index_cast %mul3A_190 : i32 to index
        %get3A_192 = tpu.vector_load %arg10[%get3A_191] {strides = array<i32>} : memref<48xi32, #tpu.memory_space<vmem>>, vector<16xi32>,
        %get3A_193 = vector.shape_cast %get3A_192 : vector<16xi32> to vector<16xi32>
        %mul3A_194 = arith.constant 16 : i32
        %mul3A_195 = arith.muli %add3A_188, %mul3A_194 : i32
        %swap3A = arith.index_cast %mul3A_195 : i32 to index
        %swap3A_196 = tpu.vector_load %arg12[%swap3A] {strides = array<i32>} : memref<48xi32, #tpu.memory_space<vmem>>, vector<16xi32>,
        %swap3A_197 = vector.shape_cast %swap3A_196 : vector<16xi32> to vector<16xi32>
        %swap3A_198 = vector.shape_cast %get3A_193 : vector<16xi32> to vector<16xi32>
        tpu.vector_store %arg12[%swap3A], %swap3A_198 {strides = array<i32>} : memref<48xi32, #tpu.memory_space<vmem>>, vector<16xi32>,
      }
      %scan3A_147 = arith.constant 3 : i32
      %dma_start3A_148 = arith.constant 0 : i32
      %dma_start3A_149 = arith.constant 0 : i32
      %dma_start3A_150 = tpu.memref_slice %arg22[%dma_start3A_148, %dma_start3A_149] : memref<10016x144xf32, #tpu.memory_space<vmem_shared>> -> memref<10016x144xf32, #tpu.memory_space<vmem_shared>>
      tpu.enqueue_indirect_dma source(%arg19 : memref<48x144xf32, #tpu.memory_space<vmem>>) target(%dma_start3A_150 : memref<10016x144xf32, #tpu.memory_space<vmem_shared>>) offsets(%arg12 : memref<48xi32, #tpu.memory_space<vmem>>) semaphore(%arg25 : memref<!tpu.dma_semaphore, #tpu.memory_space<semaphore_mem>>) {add = true}
      %mul3A_151 = arith.constant 2 : i32
      %mul3A_152 = arith.muli %mul3A_151, %add3A_119 : i32
      %add3A_153 = arith.constant 1 : i32
      %add3A_154 = arith.addi %mul3A_152, %add3A_153 : i32
      %dma_wait3A_155 = arith.constant 0 : i32
      %dma_wait3A_156 = arith.constant 0 : i32
      %dma_wait3A_157 = tpu.memref_slice %arg2[%dma_wait3A_155, %dma_wait3A_156] : memref<10000x144xf32, #tpu.memory_space<hbm>> -> memref<10000x144xf32, #tpu.memory_space<hbm>>
      tpu.wait_indirect_dma semaphore(%arg24 : memref<!tpu.dma_semaphore, #tpu.memory_space<semaphore_mem>>) src(%dma_wait3A_157 : memref<10000x144xf32, #tpu.memory_space<hbm>>) dst(%arg15 : memref<48x144xf32, #tpu.memory_space<vmem>>)
      %dma_wait3A_158 = arith.constant 0 : i32
      %dma_wait3A_159 = arith.constant 0 : i32
      %dma_wait3A_160 = tpu.memref_slice %arg3[%dma_wait3A_158, %dma_wait3A_159] : memref<10016x16xf32, #tpu.memory_space<hbm>> -> memref<10016x16xf32, #tpu.memory_space<hbm>>
      tpu.wait_indirect_dma semaphore(%arg24 : memref<!tpu.dma_semaphore, #tpu.memory_space<semaphore_mem>>) src(%dma_wait3A_160 : memref<10016x16xf32, #tpu.memory_space<hbm>>) dst(%arg17 : memref<48x16xf32, #tpu.memory_space<vmem>>)
      %add3A_161 = arith.constant 1 : i32
      %add3A_162 = arith.addi %add3A_154, %add3A_161 : i32
      %lt3A_163 = arith.constant 216 : i32
      %lt3A_164 = arith.cmpi slt, %add3A_162, %lt3A_163 : i32
      %convert_element_type3A_165 = arith.extui %lt3A_164 : i1 to i32
      %cond3A_166 = arith.constant 0 : i32
      %cond3A_167 = arith.cmpi ne, %convert_element_type3A_165, %cond3A_166 : i32
      scf.if %cond3A_167 {
        %add3A_184 = arith.constant 1 : i32
        %add3A_185 = arith.addi %add3A_154, %add3A_184 : i32
        %mul3A_186 = arith.constant 10368 : i32
        %mul3A_187 = arith.muli %add3A, %mul3A_186 : i32
        %mul3A_188 = arith.constant 48 : i32
        %mul3A_189 = arith.muli %add3A_185, %mul3A_188 : i32
        %add3A_190 = arith.addi %mul3A_187, %mul3A_189 : i32
        "tpu.region"() ({
          %run_scoped3A = tpu.sem_alloc : memref<!tpu.dma_semaphore, #tpu.memory_space<semaphore_mem>>
          %dma_start3A_197 = tpu.memref_slice %arg5[%add3A_190] : memref<331776xi32, #tpu.memory_space<hbm>> -> memref<48xi32, #tpu.memory_space<hbm>>
          %dma_start3A_198 = tpu.memref_slice %arg5[%add3A_190] : memref<331776xi32, #tpu.memory_space<hbm>> -> memref<48xi32, #tpu.memory_space<hbm>>
          tpu.enqueue_dma source(%dma_start3A_198 : memref<48xi32, #tpu.memory_space<hbm>>) target(%arg8 : memref<48xi32, #tpu.memory_space<vmem>>) target_semaphore(%run_scoped3A : memref<!tpu.dma_semaphore, #tpu.memory_space<semaphore_mem>>)
          %dma_wait3A_199 = tpu.memref_slice %arg5[%add3A_190] : memref<331776xi32, #tpu.memory_space<hbm>> -> memref<48xi32, #tpu.memory_space<hbm>>
          %dma_wait3A_200 = tpu.memref_slice %arg5[%add3A_190] : memref<331776xi32, #tpu.memory_space<hbm>> -> memref<48xi32, #tpu.memory_space<hbm>>
          tpu.wait_dma2 semaphore(%run_scoped3A : memref<!tpu.dma_semaphore, #tpu.memory_space<semaphore_mem>>) src(%dma_wait3A_200 : memref<48xi32, #tpu.memory_space<hbm>>) dst(%arg8 : memref<48xi32, #tpu.memory_space<vmem>>)
          tpu.yield
        }) : () -> ()
        "tpu.region"() ({
          %run_scoped3A = tpu.sem_alloc : memref<!tpu.dma_semaphore, #tpu.memory_space<semaphore_mem>>
          %dma_start3A_197 = tpu.memref_slice %arg6[%add3A_190] : memref<331776xi32, #tpu.memory_space<hbm>> -> memref<48xi32, #tpu.memory_space<hbm>>
          %dma_start3A_198 = tpu.memref_slice %arg6[%add3A_190] : memref<331776xi32, #tpu.memory_space<hbm>> -> memref<48xi32, #tpu.memory_space<hbm>>
          tpu.enqueue_dma source(%dma_start3A_198 : memref<48xi32, #tpu.memory_space<hbm>>) target(%arg10 : memref<48xi32, #tpu.memory_space<vmem>>) target_semaphore(%run_scoped3A : memref<!tpu.dma_semaphore, #tpu.memory_space<semaphore_mem>>)
          %dma_wait3A_199 = tpu.memref_slice %arg6[%add3A_190] : memref<331776xi32, #tpu.memory_space<hbm>> -> memref<48xi32, #tpu.memory_space<hbm>>
          %dma_wait3A_200 = tpu.memref_slice %arg6[%add3A_190] : memref<331776xi32, #tpu.memory_space<hbm>> -> memref<48xi32, #tpu.memory_space<hbm>>
          tpu.wait_dma2 semaphore(%run_scoped3A : memref<!tpu.dma_semaphore, #tpu.memory_space<semaphore_mem>>) src(%dma_wait3A_200 : memref<48xi32, #tpu.memory_space<hbm>>) dst(%arg10 : memref<48xi32, #tpu.memory_space<vmem>>)
          tpu.yield
        }) : () -> ()
        %dma_start3A_191 = arith.constant 0 : i32
        %dma_start3A_192 = arith.constant 0 : i32
        %dma_start3A_193 = tpu.memref_slice %arg2[%dma_start3A_191, %dma_start3A_192] : memref<10000x144xf32, #tpu.memory_space<hbm>> -> memref<10000x144xf32, #tpu.memory_space<hbm>>
        tpu.enqueue_indirect_dma source(%dma_start3A_193 : memref<10000x144xf32, #tpu.memory_space<hbm>>) target(%arg14 : memref<48x144xf32, #tpu.memory_space<vmem>>) offsets(%arg8 : memref<48xi32, #tpu.memory_space<vmem>>) semaphore(%arg23 : memref<!tpu.dma_semaphore, #tpu.memory_space<semaphore_mem>>)
        %dma_start3A_194 = arith.constant 0 : i32
        %dma_start3A_195 = arith.constant 0 : i32
        %dma_start3A_196 = tpu.memref_slice %arg3[%dma_start3A_194, %dma_start3A_195] : memref<10016x16xf32, #tpu.memory_space<hbm>> -> memref<10016x16xf32, #tpu.memory_space<hbm>>
        tpu.enqueue_indirect_dma source(%dma_start3A_196 : memref<10016x16xf32, #tpu.memory_space<hbm>>) target(%arg16 : memref<48x16xf32, #tpu.memory_space<vmem>>) offsets(%arg10 : memref<48xi32, #tpu.memory_space<vmem>>) semaphore(%arg23 : memref<!tpu.dma_semaphore, #tpu.memory_space<semaphore_mem>>)
      } else {
      }
      %dma_wait3A_168 = arith.constant 0 : i32
      %dma_wait3A_169 = arith.constant 0 : i32
      %dma_wait3A_170 = tpu.memref_slice %arg22[%dma_wait3A_168, %dma_wait3A_169] : memref<10016x144xf32, #tpu.memory_space<vmem_shared>> -> memref<10016x144xf32, #tpu.memory_space<vmem_shared>>
      tpu.wait_indirect_dma semaphore(%arg25 : memref<!tpu.dma_semaphore, #tpu.memory_space<semaphore_mem>>) src(%arg19 : memref<48x144xf32, #tpu.memory_space<vmem>>) dst(%dma_wait3A_170 : memref<10016x144xf32, #tpu.memory_space<vmem_shared>>)
      %scan3A_171 = arith.constant 0 : i32
      %scan3A_172 = arith.constant 48 : i32
      %scan3A_173 = arith.addi %scan3A_171, %scan3A_172 : i32
      %scan3A_174 = arith.constant 1 : i32
      scf.for %scan3A_184 = %scan3A_171 to %scan3A_173 step %scan3A_174  : i32 {
        %mul3A_185 = arith.constant 1 : i32
        %mul3A_186 = arith.muli %scan3A_184, %mul3A_185 : i32
        %add3A_187 = arith.constant 0 : i32
        %add3A_188 = arith.addi %add3A_187, %mul3A_186 : i32
        %get3A_189 = arith.index_cast %add3A_188 : i32 to index
        %get3A_190 = arith.constant 128 : index
        %get3A_191 = tpu.vector_load %arg15[%get3A_189, %get3A_190] {strides = array<i32>} : memref<48x144xf32, #tpu.memory_space<vmem>>, vector<1x16xf32>,
        %get3A_192 = vector.shape_cast %get3A_191 : vector<1x16xf32> to vector<16xf32>
        %get3A_193 = arith.index_cast %add3A_188 : i32 to index
        %get3A_194 = arith.constant 0 : index
        %get3A_195 = tpu.vector_load %arg17[%get3A_193, %get3A_194] {strides = array<i32>} : memref<48x16xf32, #tpu.memory_space<vmem>>, vector<1x16xf32>,
        %get3A_196 = vector.shape_cast %get3A_195 : vector<1x16xf32> to vector<16xf32>
        %add3A_197 = arith.addf %get3A_39, %get3A_196 : vector<16xf32>
        %mul3A_198 = arith.constant 2.000000e-01 : f32
        %mul3A_199 = vector.broadcast %mul3A_198 : f32 to vector<16xf32>
        %mul3A_200 = arith.mulf %add3A_197, %mul3A_199 : vector<16xf32>
        %max3A = arith.maximumf %add3A_197, %mul3A_200 : vector<16xf32>
        %add3A_201 = arith.addf %get3A_192, %get3A_196 : vector<16xf32>
        %mul3A_202 = arith.constant 2.000000e-01 : f32
        %mul3A_203 = vector.broadcast %mul3A_202 : f32 to vector<16xf32>
        %mul3A_204 = arith.mulf %add3A_201, %mul3A_203 : vector<16xf32>
        %max3A_205 = arith.maximumf %add3A_201, %mul3A_204 : vector<16xf32>
        %sub3A = arith.subf %max3A_205, %max3A : vector<16xf32>
        %exp3A = math.exp %sub3A : vector<16xf32>
        %swap3A = arith.index_cast %add3A_188 : i32 to index
        %swap3A_206 = arith.constant 128 : index
        %swap3A_207 = tpu.vector_load %arg20[%swap3A, %swap3A_206] {strides = array<i32>} : memref<48x144xf32, #tpu.memory_space<vmem>>, vector<1x16xf32>,
        %swap3A_208 = vector.shape_cast %swap3A_207 : vector<1x16xf32> to vector<16xf32>
        %swap3A_209 = vector.shape_cast %exp3A : vector<16xf32> to vector<1x16xf32>
        tpu.vector_store %arg20[%swap3A, %swap3A_206], %swap3A_209 {strides = array<i32>} : memref<48x144xf32, #tpu.memory_space<vmem>>, vector<1x16xf32>,
        %slice3A = vector.extract_strided_slice %exp3A {offsets = [0], sizes = [1], strides = [1]} : vector<16xf32> to vector<1xf32>
        %squeeze3A = vector.extract %slice3A[0] : f32 from vector<1xf32>
        %broadcast_in_dim3A_210 = vector.broadcast %squeeze3A : f32 to vector<16xf32>
        %get3A_211 = arith.index_cast %add3A_188 : i32 to index
        %get3A_212 = arith.constant 0 : index
        %get3A_213 = tpu.vector_load %arg15[%get3A_211, %get3A_212] {strides = array<i32>} : memref<48x144xf32, #tpu.memory_space<vmem>>, vector<1x16xf32>,
        %get3A_214 = vector.shape_cast %get3A_213 : vector<1x16xf32> to vector<16xf32>
        %mul3A_215 = arith.mulf %get3A_214, %broadcast_in_dim3A_210 : vector<16xf32>
        %swap3A_216 = arith.index_cast %add3A_188 : i32 to index
        %swap3A_217 = arith.constant 0 : index
        %swap3A_218 = tpu.vector_load %arg20[%swap3A_216, %swap3A_217] {strides = array<i32>} : memref<48x144xf32, #tpu.memory_space<vmem>>, vector<1x16xf32>,
        %swap3A_219 = vector.shape_cast %swap3A_218 : vector<1x16xf32> to vector<16xf32>
        %swap3A_220 = vector.shape_cast %mul3A_215 : vector<16xf32> to vector<1x16xf32>
        tpu.vector_store %arg20[%swap3A_216, %swap3A_217], %swap3A_220 {strides = array<i32>} : memref<48x144xf32, #tpu.memory_space<vmem>>, vector<1x16xf32>,
        %get3A_221 = arith.index_cast %add3A_188 : i32 to index
        %get3A_222 = arith.constant 16 : index
        %get3A_223 = tpu.vector_load %arg15[%get3A_221, %get3A_222] {strides = array<i32>} : memref<48x144xf32, #tpu.memory_space<vmem>>, vector<1x16xf32>,
        %get3A_224 = vector.shape_cast %get3A_223 : vector<1x16xf32> to vector<16xf32>
        %mul3A_225 = arith.mulf %get3A_224, %broadcast_in_dim3A_210 : vector<16xf32>
        %swap3A_226 = arith.index_cast %add3A_188 : i32 to index
        %swap3A_227 = arith.constant 16 : index
        %swap3A_228 = tpu.vector_load %arg20[%swap3A_226, %swap3A_227] {strides = array<i32>} : memref<48x144xf32, #tpu.memory_space<vmem>>, vector<1x16xf32>,
        %swap3A_229 = vector.shape_cast %swap3A_228 : vector<1x16xf32> to vector<16xf32>
        %swap3A_230 = vector.shape_cast %mul3A_225 : vector<16xf32> to vector<1x16xf32>
        tpu.vector_store %arg20[%swap3A_226, %swap3A_227], %swap3A_230 {strides = array<i32>} : memref<48x144xf32, #tpu.memory_space<vmem>>, vector<1x16xf32>,
        %get3A_231 = arith.index_cast %add3A_188 : i32 to index
        %get3A_232 = arith.constant 32 : index
        %get3A_233 = tpu.vector_load %arg15[%get3A_231, %get3A_232] {strides = array<i32>} : memref<48x144xf32, #tpu.memory_space<vmem>>, vector<1x16xf32>,
        %get3A_234 = vector.shape_cast %get3A_233 : vector<1x16xf32> to vector<16xf32>
        %mul3A_235 = arith.mulf %get3A_234, %broadcast_in_dim3A_210 : vector<16xf32>
        %swap3A_236 = arith.index_cast %add3A_188 : i32 to index
        %swap3A_237 = arith.constant 32 : index
        %swap3A_238 = tpu.vector_load %arg20[%swap3A_236, %swap3A_237] {strides = array<i32>} : memref<48x144xf32, #tpu.memory_space<vmem>>, vector<1x16xf32>,
        %swap3A_239 = vector.shape_cast %swap3A_238 : vector<1x16xf32> to vector<16xf32>
        %swap3A_240 = vector.shape_cast %mul3A_235 : vector<16xf32> to vector<1x16xf32>
        tpu.vector_store %arg20[%swap3A_236, %swap3A_237], %swap3A_240 {strides = array<i32>} : memref<48x144xf32, #tpu.memory_space<vmem>>, vector<1x16xf32>,
        %get3A_241 = arith.index_cast %add3A_188 : i32 to index
        %get3A_242 = arith.constant 48 : index
        %get3A_243 = tpu.vector_load %arg15[%get3A_241, %get3A_242] {strides = array<i32>} : memref<48x144xf32, #tpu.memory_space<vmem>>, vector<1x16xf32>,
        %get3A_244 = vector.shape_cast %get3A_243 : vector<1x16xf32> to vector<16xf32>
        %mul3A_245 = arith.mulf %get3A_244, %broadcast_in_dim3A_210 : vector<16xf32>
        %swap3A_246 = arith.index_cast %add3A_188 : i32 to index
        %swap3A_247 = arith.constant 48 : index
        %swap3A_248 = tpu.vector_load %arg20[%swap3A_246, %swap3A_247] {strides = array<i32>} : memref<48x144xf32, #tpu.memory_space<vmem>>, vector<1x16xf32>,
        %swap3A_249 = vector.shape_cast %swap3A_248 : vector<1x16xf32> to vector<16xf32>
        %swap3A_250 = vector.shape_cast %mul3A_245 : vector<16xf32> to vector<1x16xf32>
        tpu.vector_store %arg20[%swap3A_246, %swap3A_247], %swap3A_250 {strides = array<i32>} : memref<48x144xf32, #tpu.memory_space<vmem>>, vector<1x16xf32>,
        %get3A_251 = arith.index_cast %add3A_188 : i32 to index
        %get3A_252 = arith.constant 64 : index
        %get3A_253 = tpu.vector_load %arg15[%get3A_251, %get3A_252] {strides = array<i32>} : memref<48x144xf32, #tpu.memory_space<vmem>>, vector<1x16xf32>,
        %get3A_254 = vector.shape_cast %get3A_253 : vector<1x16xf32> to vector<16xf32>
        %mul3A_255 = arith.mulf %get3A_254, %broadcast_in_dim3A_210 : vector<16xf32>
        %swap3A_256 = arith.index_cast %add3A_188 : i32 to index
        %swap3A_257 = arith.constant 64 : index
        %swap3A_258 = tpu.vector_load %arg20[%swap3A_256, %swap3A_257] {strides = array<i32>} : memref<48x144xf32, #tpu.memory_space<vmem>>, vector<1x16xf32>,
        %swap3A_259 = vector.shape_cast %swap3A_258 : vector<1x16xf32> to vector<16xf32>
        %swap3A_260 = vector.shape_cast %mul3A_255 : vector<16xf32> to vector<1x16xf32>
        tpu.vector_store %arg20[%swap3A_256, %swap3A_257], %swap3A_260 {strides = array<i32>} : memref<48x144xf32, #tpu.memory_space<vmem>>, vector<1x16xf32>,
        %get3A_261 = arith.index_cast %add3A_188 : i32 to index
        %get3A_262 = arith.constant 80 : index
        %get3A_263 = tpu.vector_load %arg15[%get3A_261, %get3A_262] {strides = array<i32>} : memref<48x144xf32, #tpu.memory_space<vmem>>, vector<1x16xf32>,
        %get3A_264 = vector.shape_cast %get3A_263 : vector<1x16xf32> to vector<16xf32>
        %mul3A_265 = arith.mulf %get3A_264, %broadcast_in_dim3A_210 : vector<16xf32>
        %swap3A_266 = arith.index_cast %add3A_188 : i32 to index
        %swap3A_267 = arith.constant 80 : index
        %swap3A_268 = tpu.vector_load %arg20[%swap3A_266, %swap3A_267] {strides = array<i32>} : memref<48x144xf32, #tpu.memory_space<vmem>>, vector<1x16xf32>,
        %swap3A_269 = vector.shape_cast %swap3A_268 : vector<1x16xf32> to vector<16xf32>
        %swap3A_270 = vector.shape_cast %mul3A_265 : vector<16xf32> to vector<1x16xf32>
        tpu.vector_store %arg20[%swap3A_266, %swap3A_267], %swap3A_270 {strides = array<i32>} : memref<48x144xf32, #tpu.memory_space<vmem>>, vector<1x16xf32>,
        %get3A_271 = arith.index_cast %add3A_188 : i32 to index
        %get3A_272 = arith.constant 96 : index
        %get3A_273 = tpu.vector_load %arg15[%get3A_271, %get3A_272] {strides = array<i32>} : memref<48x144xf32, #tpu.memory_space<vmem>>, vector<1x16xf32>,
        %get3A_274 = vector.shape_cast %get3A_273 : vector<1x16xf32> to vector<16xf32>
        %mul3A_275 = arith.mulf %get3A_274, %broadcast_in_dim3A_210 : vector<16xf32>
        %swap3A_276 = arith.index_cast %add3A_188 : i32 to index
        %swap3A_277 = arith.constant 96 : index
        %swap3A_278 = tpu.vector_load %arg20[%swap3A_276, %swap3A_277] {strides = array<i32>} : memref<48x144xf32, #tpu.memory_space<vmem>>, vector<1x16xf32>,
        %swap3A_279 = vector.shape_cast %swap3A_278 : vector<1x16xf32> to vector<16xf32>
        %swap3A_280 = vector.shape_cast %mul3A_275 : vector<16xf32> to vector<1x16xf32>
        tpu.vector_store %arg20[%swap3A_276, %swap3A_277], %swap3A_280 {strides = array<i32>} : memref<48x144xf32, #tpu.memory_space<vmem>>, vector<1x16xf32>,
        %get3A_281 = arith.index_cast %add3A_188 : i32 to index
        %get3A_282 = arith.constant 112 : index
        %get3A_283 = tpu.vector_load %arg15[%get3A_281, %get3A_282] {strides = array<i32>} : memref<48x144xf32, #tpu.memory_space<vmem>>, vector<1x16xf32>,
        %get3A_284 = vector.shape_cast %get3A_283 : vector<1x16xf32> to vector<16xf32>
        %mul3A_285 = arith.mulf %get3A_284, %broadcast_in_dim3A_210 : vector<16xf32>
        %swap3A_286 = arith.index_cast %add3A_188 : i32 to index
        %swap3A_287 = arith.constant 112 : index
        %swap3A_288 = tpu.vector_load %arg20[%swap3A_286, %swap3A_287] {strides = array<i32>} : memref<48x144xf32, #tpu.memory_space<vmem>>, vector<1x16xf32>,
        %swap3A_289 = vector.shape_cast %swap3A_288 : vector<1x16xf32> to vector<16xf32>
        %swap3A_290 = vector.shape_cast %mul3A_285 : vector<16xf32> to vector<1x16xf32>
        tpu.vector_store %arg20[%swap3A_286, %swap3A_287], %swap3A_290 {strides = array<i32>} : memref<48x144xf32, #tpu.memory_space<vmem>>, vector<1x16xf32>,
      }
      %scan3A_175 = arith.constant 48 : i32
      %scan3A_176 = arith.constant 0 : i32
      %scan3A_177 = arith.constant 3 : i32
      %scan3A_178 = arith.addi %scan3A_176, %scan3A_177 : i32
      %scan3A_179 = arith.constant 1 : i32
      scf.for %scan3A_184 = %scan3A_176 to %scan3A_178 step %scan3A_179  : i32 {
        %mul3A_185 = arith.constant 1 : i32
        %mul3A_186 = arith.muli %scan3A_184, %mul3A_185 : i32
        %add3A_187 = arith.constant 0 : i32
        %add3A_188 = arith.addi %add3A_187, %mul3A_186 : i32
        %mul3A_189 = arith.constant 16 : i32
        %mul3A_190 = arith.muli %add3A_188, %mul3A_189 : i32
        %get3A_191 = arith.index_cast %mul3A_190 : i32 to index
        %get3A_192 = tpu.vector_load %arg11[%get3A_191] {strides = array<i32>} : memref<48xi32, #tpu.memory_space<vmem>>, vector<16xi32>,
        %get3A_193 = vector.shape_cast %get3A_192 : vector<16xi32> to vector<16xi32>
        %mul3A_194 = arith.constant 16 : i32
        %mul3A_195 = arith.muli %add3A_188, %mul3A_194 : i32
        %swap3A = arith.index_cast %mul3A_195 : i32 to index
        %swap3A_196 = tpu.vector_load %arg13[%swap3A] {strides = array<i32>} : memref<48xi32, #tpu.memory_space<vmem>>, vector<16xi32>,
        %swap3A_197 = vector.shape_cast %swap3A_196 : vector<16xi32> to vector<16xi32>
        %swap3A_198 = vector.shape_cast %get3A_193 : vector<16xi32> to vector<16xi32>
        tpu.vector_store %arg13[%swap3A], %swap3A_198 {strides = array<i32>} : memref<48xi32, #tpu.memory_space<vmem>>, vector<16xi32>,
      }
      %scan3A_180 = arith.constant 3 : i32
      %dma_start3A_181 = arith.constant 0 : i32
      %dma_start3A_182 = arith.constant 0 : i32
      %dma_start3A_183 = tpu.memref_slice %arg22[%dma_start3A_181, %dma_start3A_182] : memref<10016x144xf32, #tpu.memory_space<vmem_shared>> -> memref<10016x144xf32, #tpu.memory_space<vmem_shared>>
      tpu.enqueue_indirect_dma source(%arg20 : memref<48x144xf32, #tpu.memory_space<vmem>>) target(%dma_start3A_183 : memref<10016x144xf32, #tpu.memory_space<vmem_shared>>) offsets(%arg13 : memref<48xi32, #tpu.memory_space<vmem>>) semaphore(%arg26 : memref<!tpu.dma_semaphore, #tpu.memory_space<semaphore_mem>>) {add = true}
    }
    %scan3A_53 = arith.constant 108 : i32
    %dma_wait3A = arith.constant 0 : i32
    %dma_wait3A_54 = arith.constant 0 : i32
    %dma_wait3A_55 = tpu.memref_slice %arg22[%dma_wait3A, %dma_wait3A_54] : memref<10016x144xf32, #tpu.memory_space<vmem_shared>> -> memref<10016x144xf32, #tpu.memory_space<vmem_shared>>
    tpu.wait_indirect_dma semaphore(%arg26 : memref<!tpu.dma_semaphore, #tpu.memory_space<semaphore_mem>>) src(%arg20 : memref<48x144xf32, #tpu.memory_space<vmem>>) dst(%dma_wait3A_55 : memref<10016x144xf32, #tpu.memory_space<vmem_shared>>)
    %barrier3A_56 = arith.constant 0 : index
    tpu.barrier barrier_id(%barrier3A_56)
    %mul3A_57 = arith.constant 626 : i32
    %mul3A_58 = arith.muli %arg1, %mul3A_57 : i32
    %add3A_59 = arith.constant 0 : i32
    %add3A_60 = arith.addi %mul3A_58, %add3A_59 : i32
    %add3A_61 = arith.constant 0 : i32
    %add3A_62 = arith.addi %mul3A_58, %add3A_61 : i32
    "tpu.region"() ({
      %run_scoped3A = tpu.sem_alloc : memref<!tpu.dma_semaphore, #tpu.memory_space<semaphore_mem>>
      %dma_start3A_115 = arith.constant 0 : i32
      %dma_start3A_116 = tpu.memref_slice %arg7[%arg0, %add3A_62, %dma_start3A_115] : memref<2x10016x144xf32, #tpu.memory_space<hbm>> -> memref<1x48x144xf32, #tpu.memory_space<hbm>>
      %dma_start3A_117 = tpu.memref_squeeze %dma_start3A_116 : memref<1x48x144xf32, #tpu.memory_space<hbm>> -> memref<48x144xf32, #tpu.memory_space<hbm>>
      %dma_start3A_118 = arith.constant 0 : i32
      %dma_start3A_119 = tpu.memref_slice %arg22[%add3A_60, %dma_start3A_118] : memref<10016x144xf32, #tpu.memory_space<vmem_shared>> -> memref<48x144xf32, #tpu.memory_space<vmem_shared>>
      tpu.enqueue_dma source(%dma_start3A_119 : memref<48x144xf32, #tpu.memory_space<vmem_shared>>) target(%dma_start3A_117 : memref<48x144xf32, #tpu.memory_space<hbm>>) target_semaphore(%run_scoped3A : memref<!tpu.dma_semaphore, #tpu.memory_space<semaphore_mem>>)
      %dma_wait3A_120 = arith.constant 0 : i32
      %dma_wait3A_121 = tpu.memref_slice %arg7[%arg0, %add3A_62, %dma_wait3A_120] : memref<2x10016x144xf32, #tpu.memory_space<hbm>> -> memref<1x48x144xf32, #tpu.memory_space<hbm>>
      %dma_wait3A_122 = tpu.memref_squeeze %dma_wait3A_121 : memref<1x48x144xf32, #tpu.memory_space<hbm>> -> memref<48x144xf32, #tpu.memory_space<hbm>>
      %dma_wait3A_123 = arith.constant 0 : i32
      %dma_wait3A_124 = tpu.memref_slice %arg22[%add3A_60, %dma_wait3A_123] : memref<10016x144xf32, #tpu.memory_space<vmem_shared>> -> memref<48x144xf32, #tpu.memory_space<vmem_shared>>
      tpu.wait_dma2 semaphore(%run_scoped3A : memref<!tpu.dma_semaphore, #tpu.memory_space<semaphore_mem>>) src(%dma_wait3A_124 : memref<48x144xf32, #tpu.memory_space<vmem_shared>>) dst(%dma_wait3A_122 : memref<48x144xf32, #tpu.memory_space<hbm>>)
      tpu.yield
    }) : () -> ()
    %add3A_63 = arith.constant 48 : i32
    %add3A_64 = arith.addi %mul3A_58, %add3A_63 : i32
    %add3A_65 = arith.constant 48 : i32
    %add3A_66 = arith.addi %mul3A_58, %add3A_65 : i32
    "tpu.region"() ({
      %run_scoped3A = tpu.sem_alloc : memref<!tpu.dma_semaphore, #tpu.memory_space<semaphore_mem>>
      %dma_start3A_115 = arith.constant 0 : i32
      %dma_start3A_116 = tpu.memref_slice %arg7[%arg0, %add3A_66, %dma_start3A_115] : memref<2x10016x144xf32, #tpu.memory_space<hbm>> -> memref<1x48x144xf32, #tpu.memory_space<hbm>>
      %dma_start3A_117 = tpu.memref_squeeze %dma_start3A_116 : memref<1x48x144xf32, #tpu.memory_space<hbm>> -> memref<48x144xf32, #tpu.memory_space<hbm>>
      %dma_start3A_118 = arith.constant 0 : i32
      %dma_start3A_119 = tpu.memref_slice %arg22[%add3A_64, %dma_start3A_118] : memref<10016x144xf32, #tpu.memory_space<vmem_shared>> -> memref<48x144xf32, #tpu.memory_space<vmem_shared>>
      tpu.enqueue_dma source(%dma_start3A_119 : memref<48x144xf32, #tpu.memory_space<vmem_shared>>) target(%dma_start3A_117 : memref<48x144xf32, #tpu.memory_space<hbm>>) target_semaphore(%run_scoped3A : memref<!tpu.dma_semaphore, #tpu.memory_space<semaphore_mem>>)
      %dma_wait3A_120 = arith.constant 0 : i32
      %dma_wait3A_121 = tpu.memref_slice %arg7[%arg0, %add3A_66, %dma_wait3A_120] : memref<2x10016x144xf32, #tpu.memory_space<hbm>> -> memref<1x48x144xf32, #tpu.memory_space<hbm>>
      %dma_wait3A_122 = tpu.memref_squeeze %dma_wait3A_121 : memref<1x48x144xf32, #tpu.memory_space<hbm>> -> memref<48x144xf32, #tpu.memory_space<hbm>>
      %dma_wait3A_123 = arith.constant 0 : i32
      %dma_wait3A_124 = tpu.memref_slice %arg22[%add3A_64, %dma_wait3A_123] : memref<10016x144xf32, #tpu.memory_space<vmem_shared>> -> memref<48x144xf32, #tpu.memory_space<vmem_shared>>
      tpu.wait_dma2 semaphore(%run_scoped3A : memref<!tpu.dma_semaphore, #tpu.memory_space<semaphore_mem>>) src(%dma_wait3A_124 : memref<48x144xf32, #tpu.memory_space<vmem_shared>>) dst(%dma_wait3A_122 : memref<48x144xf32, #tpu.memory_space<hbm>>)
      tpu.yield
    }) : () -> ()
    %add3A_67 = arith.constant 96 : i32
    %add3A_68 = arith.addi %mul3A_58, %add3A_67 : i32
    %add3A_69 = arith.constant 96 : i32
    %add3A_70 = arith.addi %mul3A_58, %add3A_69 : i32
    "tpu.region"() ({
      %run_scoped3A = tpu.sem_alloc : memref<!tpu.dma_semaphore, #tpu.memory_space<semaphore_mem>>
      %dma_start3A_115 = arith.constant 0 : i32
      %dma_start3A_116 = tpu.memref_slice %arg7[%arg0, %add3A_70, %dma_start3A_115] : memref<2x10016x144xf32, #tpu.memory_space<hbm>> -> memref<1x48x144xf32, #tpu.memory_space<hbm>>
      %dma_start3A_117 = tpu.memref_squeeze %dma_start3A_116 : memref<1x48x144xf32, #tpu.memory_space<hbm>> -> memref<48x144xf32, #tpu.memory_space<hbm>>
      %dma_start3A_118 = arith.constant 0 : i32
      %dma_start3A_119 = tpu.memref_slice %arg22[%add3A_68, %dma_start3A_118] : memref<10016x144xf32, #tpu.memory_space<vmem_shared>> -> memref<48x144xf32, #tpu.memory_space<vmem_shared>>
      tpu.enqueue_dma source(%dma_start3A_119 : memref<48x144xf32, #tpu.memory_space<vmem_shared>>) target(%dma_start3A_117 : memref<48x144xf32, #tpu.memory_space<hbm>>) target_semaphore(%run_scoped3A : memref<!tpu.dma_semaphore, #tpu.memory_space<semaphore_mem>>)
      %dma_wait3A_120 = arith.constant 0 : i32
      %dma_wait3A_121 = tpu.memref_slice %arg7[%arg0, %add3A_70, %dma_wait3A_120] : memref<2x10016x144xf32, #tpu.memory_space<hbm>> -> memref<1x48x144xf32, #tpu.memory_space<hbm>>
      %dma_wait3A_122 = tpu.memref_squeeze %dma_wait3A_121 : memref<1x48x144xf32, #tpu.memory_space<hbm>> -> memref<48x144xf32, #tpu.memory_space<hbm>>
      %dma_wait3A_123 = arith.constant 0 : i32
      %dma_wait3A_124 = tpu.memref_slice %arg22[%add3A_68, %dma_wait3A_123] : memref<10016x144xf32, #tpu.memory_space<vmem_shared>> -> memref<48x144xf32, #tpu.memory_space<vmem_shared>>
      tpu.wait_dma2 semaphore(%run_scoped3A : memref<!tpu.dma_semaphore, #tpu.memory_space<semaphore_mem>>) src(%dma_wait3A_124 : memref<48x144xf32, #tpu.memory_space<vmem_shared>>) dst(%dma_wait3A_122 : memref<48x144xf32, #tpu.memory_space<hbm>>)
      tpu.yield
    }) : () -> ()
    %add3A_71 = arith.constant 144 : i32
    %add3A_72 = arith.addi %mul3A_58, %add3A_71 : i32
    %add3A_73 = arith.constant 144 : i32
    %add3A_74 = arith.addi %mul3A_58, %add3A_73 : i32
    "tpu.region"() ({
      %run_scoped3A = tpu.sem_alloc : memref<!tpu.dma_semaphore, #tpu.memory_space<semaphore_mem>>
      %dma_start3A_115 = arith.constant 0 : i32
      %dma_start3A_116 = tpu.memref_slice %arg7[%arg0, %add3A_74, %dma_start3A_115] : memref<2x10016x144xf32, #tpu.memory_space<hbm>> -> memref<1x48x144xf32, #tpu.memory_space<hbm>>
      %dma_start3A_117 = tpu.memref_squeeze %dma_start3A_116 : memref<1x48x144xf32, #tpu.memory_space<hbm>> -> memref<48x144xf32, #tpu.memory_space<hbm>>
      %dma_start3A_118 = arith.constant 0 : i32
      %dma_start3A_119 = tpu.memref_slice %arg22[%add3A_72, %dma_start3A_118] : memref<10016x144xf32, #tpu.memory_space<vmem_shared>> -> memref<48x144xf32, #tpu.memory_space<vmem_shared>>
      tpu.enqueue_dma source(%dma_start3A_119 : memref<48x144xf32, #tpu.memory_space<vmem_shared>>) target(%dma_start3A_117 : memref<48x144xf32, #tpu.memory_space<hbm>>) target_semaphore(%run_scoped3A : memref<!tpu.dma_semaphore, #tpu.memory_space<semaphore_mem>>)
      %dma_wait3A_120 = arith.constant 0 : i32
      %dma_wait3A_121 = tpu.memref_slice %arg7[%arg0, %add3A_74, %dma_wait3A_120] : memref<2x10016x144xf32, #tpu.memory_space<hbm>> -> memref<1x48x144xf32, #tpu.memory_space<hbm>>
      %dma_wait3A_122 = tpu.memref_squeeze %dma_wait3A_121 : memref<1x48x144xf32, #tpu.memory_space<hbm>> -> memref<48x144xf32, #tpu.memory_space<hbm>>
      %dma_wait3A_123 = arith.constant 0 : i32
      %dma_wait3A_124 = tpu.memref_slice %arg22[%add3A_72, %dma_wait3A_123] : memref<10016x144xf32, #tpu.memory_space<vmem_shared>> -> memref<48x144xf32, #tpu.memory_space<vmem_shared>>
      tpu.wait_dma2 semaphore(%run_scoped3A : memref<!tpu.dma_semaphore, #tpu.memory_space<semaphore_mem>>) src(%dma_wait3A_124 : memref<48x144xf32, #tpu.memory_space<vmem_shared>>) dst(%dma_wait3A_122 : memref<48x144xf32, #tpu.memory_space<hbm>>)
      tpu.yield
    }) : () -> ()
    %add3A_75 = arith.constant 192 : i32
    %add3A_76 = arith.addi %mul3A_58, %add3A_75 : i32
    %add3A_77 = arith.constant 192 : i32
    %add3A_78 = arith.addi %mul3A_58, %add3A_77 : i32
    "tpu.region"() ({
      %run_scoped3A = tpu.sem_alloc : memref<!tpu.dma_semaphore, #tpu.memory_space<semaphore_mem>>
      %dma_start3A_115 = arith.constant 0 : i32
      %dma_start3A_116 = tpu.memref_slice %arg7[%arg0, %add3A_78, %dma_start3A_115] : memref<2x10016x144xf32, #tpu.memory_space<hbm>> -> memref<1x48x144xf32, #tpu.memory_space<hbm>>
      %dma_start3A_117 = tpu.memref_squeeze %dma_start3A_116 : memref<1x48x144xf32, #tpu.memory_space<hbm>> -> memref<48x144xf32, #tpu.memory_space<hbm>>
      %dma_start3A_118 = arith.constant 0 : i32
      %dma_start3A_119 = tpu.memref_slice %arg22[%add3A_76, %dma_start3A_118] : memref<10016x144xf32, #tpu.memory_space<vmem_shared>> -> memref<48x144xf32, #tpu.memory_space<vmem_shared>>
      tpu.enqueue_dma source(%dma_start3A_119 : memref<48x144xf32, #tpu.memory_space<vmem_shared>>) target(%dma_start3A_117 : memref<48x144xf32, #tpu.memory_space<hbm>>) target_semaphore(%run_scoped3A : memref<!tpu.dma_semaphore, #tpu.memory_space<semaphore_mem>>)
      %dma_wait3A_120 = arith.constant 0 : i32
      %dma_wait3A_121 = tpu.memref_slice %arg7[%arg0, %add3A_78, %dma_wait3A_120] : memref<2x10016x144xf32, #tpu.memory_space<hbm>> -> memref<1x48x144xf32, #tpu.memory_space<hbm>>
      %dma_wait3A_122 = tpu.memref_squeeze %dma_wait3A_121 : memref<1x48x144xf32, #tpu.memory_space<hbm>> -> memref<48x144xf32, #tpu.memory_space<hbm>>
      %dma_wait3A_123 = arith.constant 0 : i32
      %dma_wait3A_124 = tpu.memref_slice %arg22[%add3A_76, %dma_wait3A_123] : memref<10016x144xf32, #tpu.memory_space<vmem_shared>> -> memref<48x144xf32, #tpu.memory_space<vmem_shared>>
      tpu.wait_dma2 semaphore(%run_scoped3A : memref<!tpu.dma_semaphore, #tpu.memory_space<semaphore_mem>>) src(%dma_wait3A_124 : memref<48x144xf32, #tpu.memory_space<vmem_shared>>) dst(%dma_wait3A_122 : memref<48x144xf32, #tpu.memory_space<hbm>>)
      tpu.yield
    }) : () -> ()
    %add3A_79 = arith.constant 240 : i32
    %add3A_80 = arith.addi %mul3A_58, %add3A_79 : i32
    %add3A_81 = arith.constant 240 : i32
    %add3A_82 = arith.addi %mul3A_58, %add3A_81 : i32
    "tpu.region"() ({
      %run_scoped3A = tpu.sem_alloc : memref<!tpu.dma_semaphore, #tpu.memory_space<semaphore_mem>>
      %dma_start3A_115 = arith.constant 0 : i32
      %dma_start3A_116 = tpu.memref_slice %arg7[%arg0, %add3A_82, %dma_start3A_115] : memref<2x10016x144xf32, #tpu.memory_space<hbm>> -> memref<1x48x144xf32, #tpu.memory_space<hbm>>
      %dma_start3A_117 = tpu.memref_squeeze %dma_start3A_116 : memref<1x48x144xf32, #tpu.memory_space<hbm>> -> memref<48x144xf32, #tpu.memory_space<hbm>>
      %dma_start3A_118 = arith.constant 0 : i32
      %dma_start3A_119 = tpu.memref_slice %arg22[%add3A_80, %dma_start3A_118] : memref<10016x144xf32, #tpu.memory_space<vmem_shared>> -> memref<48x144xf32, #tpu.memory_space<vmem_shared>>
      tpu.enqueue_dma source(%dma_start3A_119 : memref<48x144xf32, #tpu.memory_space<vmem_shared>>) target(%dma_start3A_117 : memref<48x144xf32, #tpu.memory_space<hbm>>) target_semaphore(%run_scoped3A : memref<!tpu.dma_semaphore, #tpu.memory_space<semaphore_mem>>)
      %dma_wait3A_120 = arith.constant 0 : i32
      %dma_wait3A_121 = tpu.memref_slice %arg7[%arg0, %add3A_82, %dma_wait3A_120] : memref<2x10016x144xf32, #tpu.memory_space<hbm>> -> memref<1x48x144xf32, #tpu.memory_space<hbm>>
      %dma_wait3A_122 = tpu.memref_squeeze %dma_wait3A_121 : memref<1x48x144xf32, #tpu.memory_space<hbm>> -> memref<48x144xf32, #tpu.memory_space<hbm>>
      %dma_wait3A_123 = arith.constant 0 : i32
      %dma_wait3A_124 = tpu.memref_slice %arg22[%add3A_80, %dma_wait3A_123] : memref<10016x144xf32, #tpu.memory_space<vmem_shared>> -> memref<48x144xf32, #tpu.memory_space<vmem_shared>>
      tpu.wait_dma2 semaphore(%run_scoped3A : memref<!tpu.dma_semaphore, #tpu.memory_space<semaphore_mem>>) src(%dma_wait3A_124 : memref<48x144xf32, #tpu.memory_space<vmem_shared>>) dst(%dma_wait3A_122 : memref<48x144xf32, #tpu.memory_space<hbm>>)
      tpu.yield
    }) : () -> ()
    %add3A_83 = arith.constant 288 : i32
    %add3A_84 = arith.addi %mul3A_58, %add3A_83 : i32
    %add3A_85 = arith.constant 288 : i32
    %add3A_86 = arith.addi %mul3A_58, %add3A_85 : i32
    "tpu.region"() ({
      %run_scoped3A = tpu.sem_alloc : memref<!tpu.dma_semaphore, #tpu.memory_space<semaphore_mem>>
      %dma_start3A_115 = arith.constant 0 : i32
      %dma_start3A_116 = tpu.memref_slice %arg7[%arg0, %add3A_86, %dma_start3A_115] : memref<2x10016x144xf32, #tpu.memory_space<hbm>> -> memref<1x48x144xf32, #tpu.memory_space<hbm>>
      %dma_start3A_117 = tpu.memref_squeeze %dma_start3A_116 : memref<1x48x144xf32, #tpu.memory_space<hbm>> -> memref<48x144xf32, #tpu.memory_space<hbm>>
      %dma_start3A_118 = arith.constant 0 : i32
      %dma_start3A_119 = tpu.memref_slice %arg22[%add3A_84, %dma_start3A_118] : memref<10016x144xf32, #tpu.memory_space<vmem_shared>> -> memref<48x144xf32, #tpu.memory_space<vmem_shared>>
      tpu.enqueue_dma source(%dma_start3A_119 : memref<48x144xf32, #tpu.memory_space<vmem_shared>>) target(%dma_start3A_117 : memref<48x144xf32, #tpu.memory_space<hbm>>) target_semaphore(%run_scoped3A : memref<!tpu.dma_semaphore, #tpu.memory_space<semaphore_mem>>)
      %dma_wait3A_120 = arith.constant 0 : i32
      %dma_wait3A_121 = tpu.memref_slice %arg7[%arg0, %add3A_86, %dma_wait3A_120] : memref<2x10016x144xf32, #tpu.memory_space<hbm>> -> memref<1x48x144xf32, #tpu.memory_space<hbm>>
      %dma_wait3A_122 = tpu.memref_squeeze %dma_wait3A_121 : memref<1x48x144xf32, #tpu.memory_space<hbm>> -> memref<48x144xf32, #tpu.memory_space<hbm>>
      %dma_wait3A_123 = arith.constant 0 : i32
      %dma_wait3A_124 = tpu.memref_slice %arg22[%add3A_84, %dma_wait3A_123] : memref<10016x144xf32, #tpu.memory_space<vmem_shared>> -> memref<48x144xf32, #tpu.memory_space<vmem_shared>>
      tpu.wait_dma2 semaphore(%run_scoped3A : memref<!tpu.dma_semaphore, #tpu.memory_space<semaphore_mem>>) src(%dma_wait3A_124 : memref<48x144xf32, #tpu.memory_space<vmem_shared>>) dst(%dma_wait3A_122 : memref<48x144xf32, #tpu.memory_space<hbm>>)
      tpu.yield
    }) : () -> ()
    %add3A_87 = arith.constant 336 : i32
    %add3A_88 = arith.addi %mul3A_58, %add3A_87 : i32
    %add3A_89 = arith.constant 336 : i32
    %add3A_90 = arith.addi %mul3A_58, %add3A_89 : i32
    "tpu.region"() ({
      %run_scoped3A = tpu.sem_alloc : memref<!tpu.dma_semaphore, #tpu.memory_space<semaphore_mem>>
      %dma_start3A_115 = arith.constant 0 : i32
      %dma_start3A_116 = tpu.memref_slice %arg7[%arg0, %add3A_90, %dma_start3A_115] : memref<2x10016x144xf32, #tpu.memory_space<hbm>> -> memref<1x48x144xf32, #tpu.memory_space<hbm>>
      %dma_start3A_117 = tpu.memref_squeeze %dma_start3A_116 : memref<1x48x144xf32, #tpu.memory_space<hbm>> -> memref<48x144xf32, #tpu.memory_space<hbm>>
      %dma_start3A_118 = arith.constant 0 : i32
      %dma_start3A_119 = tpu.memref_slice %arg22[%add3A_88, %dma_start3A_118] : memref<10016x144xf32, #tpu.memory_space<vmem_shared>> -> memref<48x144xf32, #tpu.memory_space<vmem_shared>>
      tpu.enqueue_dma source(%dma_start3A_119 : memref<48x144xf32, #tpu.memory_space<vmem_shared>>) target(%dma_start3A_117 : memref<48x144xf32, #tpu.memory_space<hbm>>) target_semaphore(%run_scoped3A : memref<!tpu.dma_semaphore, #tpu.memory_space<semaphore_mem>>)
      %dma_wait3A_120 = arith.constant 0 : i32
      %dma_wait3A_121 = tpu.memref_slice %arg7[%arg0, %add3A_90, %dma_wait3A_120] : memref<2x10016x144xf32, #tpu.memory_space<hbm>> -> memref<1x48x144xf32, #tpu.memory_space<hbm>>
      %dma_wait3A_122 = tpu.memref_squeeze %dma_wait3A_121 : memref<1x48x144xf32, #tpu.memory_space<hbm>> -> memref<48x144xf32, #tpu.memory_space<hbm>>
      %dma_wait3A_123 = arith.constant 0 : i32
      %dma_wait3A_124 = tpu.memref_slice %arg22[%add3A_88, %dma_wait3A_123] : memref<10016x144xf32, #tpu.memory_space<vmem_shared>> -> memref<48x144xf32, #tpu.memory_space<vmem_shared>>
      tpu.wait_dma2 semaphore(%run_scoped3A : memref<!tpu.dma_semaphore, #tpu.memory_space<semaphore_mem>>) src(%dma_wait3A_124 : memref<48x144xf32, #tpu.memory_space<vmem_shared>>) dst(%dma_wait3A_122 : memref<48x144xf32, #tpu.memory_space<hbm>>)
      tpu.yield
    }) : () -> ()
    %add3A_91 = arith.constant 384 : i32
    %add3A_92 = arith.addi %mul3A_58, %add3A_91 : i32
    %add3A_93 = arith.constant 384 : i32
    %add3A_94 = arith.addi %mul3A_58, %add3A_93 : i32
    "tpu.region"() ({
      %run_scoped3A = tpu.sem_alloc : memref<!tpu.dma_semaphore, #tpu.memory_space<semaphore_mem>>
      %dma_start3A_115 = arith.constant 0 : i32
      %dma_start3A_116 = tpu.memref_slice %arg7[%arg0, %add3A_94, %dma_start3A_115] : memref<2x10016x144xf32, #tpu.memory_space<hbm>> -> memref<1x48x144xf32, #tpu.memory_space<hbm>>
      %dma_start3A_117 = tpu.memref_squeeze %dma_start3A_116 : memref<1x48x144xf32, #tpu.memory_space<hbm>> -> memref<48x144xf32, #tpu.memory_space<hbm>>
      %dma_start3A_118 = arith.constant 0 : i32
      %dma_start3A_119 = tpu.memref_slice %arg22[%add3A_92, %dma_start3A_118] : memref<10016x144xf32, #tpu.memory_space<vmem_shared>> -> memref<48x144xf32, #tpu.memory_space<vmem_shared>>
      tpu.enqueue_dma source(%dma_start3A_119 : memref<48x144xf32, #tpu.memory_space<vmem_shared>>) target(%dma_start3A_117 : memref<48x144xf32, #tpu.memory_space<hbm>>) target_semaphore(%run_scoped3A : memref<!tpu.dma_semaphore, #tpu.memory_space<semaphore_mem>>)
      %dma_wait3A_120 = arith.constant 0 : i32
      %dma_wait3A_121 = tpu.memref_slice %arg7[%arg0, %add3A_94, %dma_wait3A_120] : memref<2x10016x144xf32, #tpu.memory_space<hbm>> -> memref<1x48x144xf32, #tpu.memory_space<hbm>>
      %dma_wait3A_122 = tpu.memref_squeeze %dma_wait3A_121 : memref<1x48x144xf32, #tpu.memory_space<hbm>> -> memref<48x144xf32, #tpu.memory_space<hbm>>
      %dma_wait3A_123 = arith.constant 0 : i32
      %dma_wait3A_124 = tpu.memref_slice %arg22[%add3A_92, %dma_wait3A_123] : memref<10016x144xf32, #tpu.memory_space<vmem_shared>> -> memref<48x144xf32, #tpu.memory_space<vmem_shared>>
      tpu.wait_dma2 semaphore(%run_scoped3A : memref<!tpu.dma_semaphore, #tpu.memory_space<semaphore_mem>>) src(%dma_wait3A_124 : memref<48x144xf32, #tpu.memory_space<vmem_shared>>) dst(%dma_wait3A_122 : memref<48x144xf32, #tpu.memory_space<hbm>>)
      tpu.yield
    }) : () -> ()
    %add3A_95 = arith.constant 432 : i32
    %add3A_96 = arith.addi %mul3A_58, %add3A_95 : i32
    %add3A_97 = arith.constant 432 : i32
    %add3A_98 = arith.addi %mul3A_58, %add3A_97 : i32
    "tpu.region"() ({
      %run_scoped3A = tpu.sem_alloc : memref<!tpu.dma_semaphore, #tpu.memory_space<semaphore_mem>>
      %dma_start3A_115 = arith.constant 0 : i32
      %dma_start3A_116 = tpu.memref_slice %arg7[%arg0, %add3A_98, %dma_start3A_115] : memref<2x10016x144xf32, #tpu.memory_space<hbm>> -> memref<1x48x144xf32, #tpu.memory_space<hbm>>
      %dma_start3A_117 = tpu.memref_squeeze %dma_start3A_116 : memref<1x48x144xf32, #tpu.memory_space<hbm>> -> memref<48x144xf32, #tpu.memory_space<hbm>>
      %dma_start3A_118 = arith.constant 0 : i32
      %dma_start3A_119 = tpu.memref_slice %arg22[%add3A_96, %dma_start3A_118] : memref<10016x144xf32, #tpu.memory_space<vmem_shared>> -> memref<48x144xf32, #tpu.memory_space<vmem_shared>>
      tpu.enqueue_dma source(%dma_start3A_119 : memref<48x144xf32, #tpu.memory_space<vmem_shared>>) target(%dma_start3A_117 : memref<48x144xf32, #tpu.memory_space<hbm>>) target_semaphore(%run_scoped3A : memref<!tpu.dma_semaphore, #tpu.memory_space<semaphore_mem>>)
      %dma_wait3A_120 = arith.constant 0 : i32
      %dma_wait3A_121 = tpu.memref_slice %arg7[%arg0, %add3A_98, %dma_wait3A_120] : memref<2x10016x144xf32, #tpu.memory_space<hbm>> -> memref<1x48x144xf32, #tpu.memory_space<hbm>>
      %dma_wait3A_122 = tpu.memref_squeeze %dma_wait3A_121 : memref<1x48x144xf32, #tpu.memory_space<hbm>> -> memref<48x144xf32, #tpu.memory_space<hbm>>
      %dma_wait3A_123 = arith.constant 0 : i32
      %dma_wait3A_124 = tpu.memref_slice %arg22[%add3A_96, %dma_wait3A_123] : memref<10016x144xf32, #tpu.memory_space<vmem_shared>> -> memref<48x144xf32, #tpu.memory_space<vmem_shared>>
      tpu.wait_dma2 semaphore(%run_scoped3A : memref<!tpu.dma_semaphore, #tpu.memory_space<semaphore_mem>>) src(%dma_wait3A_124 : memref<48x144xf32, #tpu.memory_space<vmem_shared>>) dst(%dma_wait3A_122 : memref<48x144xf32, #tpu.memory_space<hbm>>)
      tpu.yield
    }) : () -> ()
    %add3A_99 = arith.constant 480 : i32
    %add3A_100 = arith.addi %mul3A_58, %add3A_99 : i32
    %add3A_101 = arith.constant 480 : i32
    %add3A_102 = arith.addi %mul3A_58, %add3A_101 : i32
    "tpu.region"() ({
      %run_scoped3A = tpu.sem_alloc : memref<!tpu.dma_semaphore, #tpu.memory_space<semaphore_mem>>
      %dma_start3A_115 = arith.constant 0 : i32
      %dma_start3A_116 = tpu.memref_slice %arg7[%arg0, %add3A_102, %dma_start3A_115] : memref<2x10016x144xf32, #tpu.memory_space<hbm>> -> memref<1x48x144xf32, #tpu.memory_space<hbm>>
      %dma_start3A_117 = tpu.memref_squeeze %dma_start3A_116 : memref<1x48x144xf32, #tpu.memory_space<hbm>> -> memref<48x144xf32, #tpu.memory_space<hbm>>
      %dma_start3A_118 = arith.constant 0 : i32
      %dma_start3A_119 = tpu.memref_slice %arg22[%add3A_100, %dma_start3A_118] : memref<10016x144xf32, #tpu.memory_space<vmem_shared>> -> memref<48x144xf32, #tpu.memory_space<vmem_shared>>
      tpu.enqueue_dma source(%dma_start3A_119 : memref<48x144xf32, #tpu.memory_space<vmem_shared>>) target(%dma_start3A_117 : memref<48x144xf32, #tpu.memory_space<hbm>>) target_semaphore(%run_scoped3A : memref<!tpu.dma_semaphore, #tpu.memory_space<semaphore_mem>>)
      %dma_wait3A_120 = arith.constant 0 : i32
      %dma_wait3A_121 = tpu.memref_slice %arg7[%arg0, %add3A_102, %dma_wait3A_120] : memref<2x10016x144xf32, #tpu.memory_space<hbm>> -> memref<1x48x144xf32, #tpu.memory_space<hbm>>
      %dma_wait3A_122 = tpu.memref_squeeze %dma_wait3A_121 : memref<1x48x144xf32, #tpu.memory_space<hbm>> -> memref<48x144xf32, #tpu.memory_space<hbm>>
      %dma_wait3A_123 = arith.constant 0 : i32
      %dma_wait3A_124 = tpu.memref_slice %arg22[%add3A_100, %dma_wait3A_123] : memref<10016x144xf32, #tpu.memory_space<vmem_shared>> -> memref<48x144xf32, #tpu.memory_space<vmem_shared>>
      tpu.wait_dma2 semaphore(%run_scoped3A : memref<!tpu.dma_semaphore, #tpu.memory_space<semaphore_mem>>) src(%dma_wait3A_124 : memref<48x144xf32, #tpu.memory_space<vmem_shared>>) dst(%dma_wait3A_122 : memref<48x144xf32, #tpu.memory_space<hbm>>)
      tpu.yield
    }) : () -> ()
    %add3A_103 = arith.constant 528 : i32
    %add3A_104 = arith.addi %mul3A_58, %add3A_103 : i32
    %add3A_105 = arith.constant 528 : i32
    %add3A_106 = arith.addi %mul3A_58, %add3A_105 : i32
    "tpu.region"() ({
      %run_scoped3A = tpu.sem_alloc : memref<!tpu.dma_semaphore, #tpu.memory_space<semaphore_mem>>
      %dma_start3A_115 = arith.constant 0 : i32
      %dma_start3A_116 = tpu.memref_slice %arg7[%arg0, %add3A_106, %dma_start3A_115] : memref<2x10016x144xf32, #tpu.memory_space<hbm>> -> memref<1x48x144xf32, #tpu.memory_space<hbm>>
      %dma_start3A_117 = tpu.memref_squeeze %dma_start3A_116 : memref<1x48x144xf32, #tpu.memory_space<hbm>> -> memref<48x144xf32, #tpu.memory_space<hbm>>
      %dma_start3A_118 = arith.constant 0 : i32
      %dma_start3A_119 = tpu.memref_slice %arg22[%add3A_104, %dma_start3A_118] : memref<10016x144xf32, #tpu.memory_space<vmem_shared>> -> memref<48x144xf32, #tpu.memory_space<vmem_shared>>
      tpu.enqueue_dma source(%dma_start3A_119 : memref<48x144xf32, #tpu.memory_space<vmem_shared>>) target(%dma_start3A_117 : memref<48x144xf32, #tpu.memory_space<hbm>>) target_semaphore(%run_scoped3A : memref<!tpu.dma_semaphore, #tpu.memory_space<semaphore_mem>>)
      %dma_wait3A_120 = arith.constant 0 : i32
      %dma_wait3A_121 = tpu.memref_slice %arg7[%arg0, %add3A_106, %dma_wait3A_120] : memref<2x10016x144xf32, #tpu.memory_space<hbm>> -> memref<1x48x144xf32, #tpu.memory_space<hbm>>
      %dma_wait3A_122 = tpu.memref_squeeze %dma_wait3A_121 : memref<1x48x144xf32, #tpu.memory_space<hbm>> -> memref<48x144xf32, #tpu.memory_space<hbm>>
      %dma_wait3A_123 = arith.constant 0 : i32
      %dma_wait3A_124 = tpu.memref_slice %arg22[%add3A_104, %dma_wait3A_123] : memref<10016x144xf32, #tpu.memory_space<vmem_shared>> -> memref<48x144xf32, #tpu.memory_space<vmem_shared>>
      tpu.wait_dma2 semaphore(%run_scoped3A : memref<!tpu.dma_semaphore, #tpu.memory_space<semaphore_mem>>) src(%dma_wait3A_124 : memref<48x144xf32, #tpu.memory_space<vmem_shared>>) dst(%dma_wait3A_122 : memref<48x144xf32, #tpu.memory_space<hbm>>)
      tpu.yield
    }) : () -> ()
    %add3A_107 = arith.constant 576 : i32
    %add3A_108 = arith.addi %mul3A_58, %add3A_107 : i32
    %add3A_109 = arith.constant 576 : i32
    %add3A_110 = arith.addi %mul3A_58, %add3A_109 : i32
    "tpu.region"() ({
      %run_scoped3A = tpu.sem_alloc : memref<!tpu.dma_semaphore, #tpu.memory_space<semaphore_mem>>
      %dma_start3A_115 = arith.constant 0 : i32
      %dma_start3A_116 = tpu.memref_slice %arg7[%arg0, %add3A_110, %dma_start3A_115] : memref<2x10016x144xf32, #tpu.memory_space<hbm>> -> memref<1x48x144xf32, #tpu.memory_space<hbm>>
      %dma_start3A_117 = tpu.memref_squeeze %dma_start3A_116 : memref<1x48x144xf32, #tpu.memory_space<hbm>> -> memref<48x144xf32, #tpu.memory_space<hbm>>
      %dma_start3A_118 = arith.constant 0 : i32
      %dma_start3A_119 = tpu.memref_slice %arg22[%add3A_108, %dma_start3A_118] : memref<10016x144xf32, #tpu.memory_space<vmem_shared>> -> memref<48x144xf32, #tpu.memory_space<vmem_shared>>
      tpu.enqueue_dma source(%dma_start3A_119 : memref<48x144xf32, #tpu.memory_space<vmem_shared>>) target(%dma_start3A_117 : memref<48x144xf32, #tpu.memory_space<hbm>>) target_semaphore(%run_scoped3A : memref<!tpu.dma_semaphore, #tpu.memory_space<semaphore_mem>>)
      %dma_wait3A_120 = arith.constant 0 : i32
      %dma_wait3A_121 = tpu.memref_slice %arg7[%arg0, %add3A_110, %dma_wait3A_120] : memref<2x10016x144xf32, #tpu.memory_space<hbm>> -> memref<1x48x144xf32, #tpu.memory_space<hbm>>
      %dma_wait3A_122 = tpu.memref_squeeze %dma_wait3A_121 : memref<1x48x144xf32, #tpu.memory_space<hbm>> -> memref<48x144xf32, #tpu.memory_space<hbm>>
      %dma_wait3A_123 = arith.constant 0 : i32
      %dma_wait3A_124 = tpu.memref_slice %arg22[%add3A_108, %dma_wait3A_123] : memref<10016x144xf32, #tpu.memory_space<vmem_shared>> -> memref<48x144xf32, #tpu.memory_space<vmem_shared>>
      tpu.wait_dma2 semaphore(%run_scoped3A : memref<!tpu.dma_semaphore, #tpu.memory_space<semaphore_mem>>) src(%dma_wait3A_124 : memref<48x144xf32, #tpu.memory_space<vmem_shared>>) dst(%dma_wait3A_122 : memref<48x144xf32, #tpu.memory_space<hbm>>)
      tpu.yield
    }) : () -> ()
    %add3A_111 = arith.constant 624 : i32
    %add3A_112 = arith.addi %mul3A_58, %add3A_111 : i32
    %add3A_113 = arith.constant 624 : i32
    %add3A_114 = arith.addi %mul3A_58, %add3A_113 : i32
    "tpu.region"() ({
      %run_scoped3A = tpu.sem_alloc : memref<!tpu.dma_semaphore, #tpu.memory_space<semaphore_mem>>
      %dma_start3A_115 = arith.constant 0 : i32
      %dma_start3A_116 = tpu.memref_slice %arg7[%arg0, %add3A_114, %dma_start3A_115] : memref<2x10016x144xf32, #tpu.memory_space<hbm>> -> memref<1x2x144xf32, #tpu.memory_space<hbm>>
      %dma_start3A_117 = tpu.memref_squeeze %dma_start3A_116 : memref<1x2x144xf32, #tpu.memory_space<hbm>> -> memref<2x144xf32, #tpu.memory_space<hbm>>
      %dma_start3A_118 = arith.constant 0 : i32
      %dma_start3A_119 = tpu.memref_slice %arg22[%add3A_112, %dma_start3A_118] : memref<10016x144xf32, #tpu.memory_space<vmem_shared>> -> memref<2x144xf32, #tpu.memory_space<vmem_shared>>
      tpu.enqueue_dma source(%dma_start3A_119 : memref<2x144xf32, #tpu.memory_space<vmem_shared>>) target(%dma_start3A_117 : memref<2x144xf32, #tpu.memory_space<hbm>>) target_semaphore(%run_scoped3A : memref<!tpu.dma_semaphore, #tpu.memory_space<semaphore_mem>>)
      %dma_wait3A_120 = arith.constant 0 : i32
      %dma_wait3A_121 = tpu.memref_slice %arg7[%arg0, %add3A_114, %dma_wait3A_120] : memref<2x10016x144xf32, #tpu.memory_space<hbm>> -> memref<1x2x144xf32, #tpu.memory_space<hbm>>
      %dma_wait3A_122 = tpu.memref_squeeze %dma_wait3A_121 : memref<1x2x144xf32, #tpu.memory_space<hbm>> -> memref<2x144xf32, #tpu.memory_space<hbm>>
      %dma_wait3A_123 = arith.constant 0 : i32
      %dma_wait3A_124 = tpu.memref_slice %arg22[%add3A_112, %dma_wait3A_123] : memref<10016x144xf32, #tpu.memory_space<vmem_shared>> -> memref<2x144xf32, #tpu.memory_space<vmem_shared>>
      tpu.wait_dma2 semaphore(%run_scoped3A : memref<!tpu.dma_semaphore, #tpu.memory_space<semaphore_mem>>) src(%dma_wait3A_124 : memref<2x144xf32, #tpu.memory_space<vmem_shared>>) dst(%dma_wait3A_122 : memref<2x144xf32, #tpu.memory_space<hbm>>)
      tpu.yield
    }) : () -> ()
    return
  }
}

#map = affine_map<(d0, d1) -> (0, 0)>
#map1 = affine_map<(d0, d1) -> (0)>
#map2 = affine_map<(d0, d1) -> (0, 0, 0)>
module attributes {stable_mosaic.version = 14 : i64} {
  func.func @_edge_body(%arg0: i32, %arg1: i32, %arg2: memref<10000x144xf32, #tpu.memory_space<hbm>>, %arg3: memref<10016x16xf32, #tpu.memory_space<hbm>>, %arg4: memref<1x16xf32, #tpu.memory_space<hbm>>, %arg5: memref<331776xi32, #tpu.memory_space<hbm>>, %arg6: memref<331776xi32, #tpu.memory_space<hbm>>, %arg7: memref<2x10016x144xf32, #tpu.memory_space<hbm>>, %arg8: memref<48xi32, #tpu.memory_space<vmem>>, %arg9: memref<48xi32, #tpu.memory_space<vmem>>, %arg10: memref<48xi32, #tpu.memory_space<vmem>>, %arg11: memref<48xi32, #tpu.memory_space<vmem>>, %arg12: memref<48xi32, #tpu.memory_space<vmem>>, %arg13: memref<48xi32, #tpu.memory_space<vmem>>, %arg14: memref<48x144xf32, #tpu.memory_space<vmem>>, %arg15: memref<48x144xf32, #tpu.memory_space<vmem>>, %arg16: memref<48x16xf32, #tpu.memory_space<vmem>>, %arg17: memref<48x16xf32, #tpu.memory_space<vmem>>, %arg18: memref<1x16xf32, #tpu.memory_space<vmem>>, %arg19: memref<48x144xf32, #tpu.memory_space<vmem>>, %arg20: memref<48x144xf32, #tpu.memory_space<vmem>>, %arg21: memref<48x144xf32, #tpu.memory_space<vmem>>, %arg22: memref<10016x144xf32, #tpu.memory_space<vmem_shared>>, %arg23: memref<!tpu.dma_semaphore, #tpu.memory_space<semaphore_mem>>, %arg24: memref<!tpu.dma_semaphore, #tpu.memory_space<semaphore_mem>>, %arg25: memref<!tpu.dma_semaphore, #tpu.memory_space<semaphore_mem>>, %arg26: memref<!tpu.dma_semaphore, #tpu.memory_space<semaphore_mem>>) attributes {dimension_semantics = [#tpu.dimension_semantics<core_parallel>, #tpu.dimension_semantics<subcore_parallel>], iteration_bounds = array<i64: 2, 16>, scalar_prefetch = 0 : i64, scratch_operands = 19 : i64, tpu.core_type = #tpu.core_type<sc_vector_subcore>, window_params = [{transform_indices = #map}, {transform_indices = #map}, {transform_indices = #map}, {transform_indices = #map1}, {transform_indices = #map1}, {transform_indices = #map2}]} {
    %mul3A = arith.constant 2 : i32
    %mul3A_0 = arith.muli %arg1, %mul3A : i32
    %add3A = arith.addi %mul3A_0, %arg0 : i32
    %broadcast_in_dim3A = arith.constant 0.000000e+00 : f32
    %broadcast_in_dim3A_1 = vector.broadcast %broadcast_in_dim3A : f32 to vector<16xf32>
    %scan3A = arith.constant 0 : i32
    %scan3A_2 = arith.constant 48 : i32
    %scan3A_3 = arith.addi %scan3A, %scan3A_2 : i32
    %scan3A_4 = arith.constant 1 : i32
    scf.for %scan3A_115 = %scan3A to %scan3A_3 step %scan3A_4  : i32 {
      %mul3A_116 = arith.constant 1 : i32
      %mul3A_117 = arith.muli %scan3A_115, %mul3A_116 : i32
      %add3A_118 = arith.constant 0 : i32
      %add3A_119 = arith.addi %add3A_118, %mul3A_117 : i32
      %swap3A = arith.index_cast %add3A_119 : i32 to index
      %swap3A_120 = arith.constant 0 : index
      %swap3A_121 = tpu.vector_load %arg21[%swap3A, %swap3A_120] {strides = array<i32>} : memref<48x144xf32, #tpu.memory_space<vmem>>, vector<1x16xf32>,
      %swap3A_122 = vector.shape_cast %swap3A_121 : vector<1x16xf32> to vector<16xf32>
      %swap3A_123 = vector.shape_cast %broadcast_in_dim3A_1 : vector<16xf32> to vector<1x16xf32>
      tpu.vector_store %arg21[%swap3A, %swap3A_120], %swap3A_123 {strides = array<i32>} : memref<48x144xf32, #tpu.memory_space<vmem>>, vector<1x16xf32>,
      %swap3A_124 = arith.index_cast %add3A_119 : i32 to index
      %swap3A_125 = arith.constant 16 : index
      %swap3A_126 = tpu.vector_load %arg21[%swap3A_124, %swap3A_125] {strides = array<i32>} : memref<48x144xf32, #tpu.memory_space<vmem>>, vector<1x16xf32>,
      %swap3A_127 = vector.shape_cast %swap3A_126 : vector<1x16xf32> to vector<16xf32>
      %swap3A_128 = vector.shape_cast %broadcast_in_dim3A_1 : vector<16xf32> to vector<1x16xf32>
      tpu.vector_store %arg21[%swap3A_124, %swap3A_125], %swap3A_128 {strides = array<i32>} : memref<48x144xf32, #tpu.memory_space<vmem>>, vector<1x16xf32>,
      %swap3A_129 = arith.index_cast %add3A_119 : i32 to index
      %swap3A_130 = arith.constant 32 : index
      %swap3A_131 = tpu.vector_load %arg21[%swap3A_129, %swap3A_130] {strides = array<i32>} : memref<48x144xf32, #tpu.memory_space<vmem>>, vector<1x16xf32>,
      %swap3A_132 = vector.shape_cast %swap3A_131 : vector<1x16xf32> to vector<16xf32>
      %swap3A_133 = vector.shape_cast %broadcast_in_dim3A_1 : vector<16xf32> to vector<1x16xf32>
      tpu.vector_store %arg21[%swap3A_129, %swap3A_130], %swap3A_133 {strides = array<i32>} : memref<48x144xf32, #tpu.memory_space<vmem>>, vector<1x16xf32>,
      %swap3A_134 = arith.index_cast %add3A_119 : i32 to index
      %swap3A_135 = arith.constant 48 : index
      %swap3A_136 = tpu.vector_load %arg21[%swap3A_134, %swap3A_135] {strides = array<i32>} : memref<48x144xf32, #tpu.memory_space<vmem>>, vector<1x16xf32>,
      %swap3A_137 = vector.shape_cast %swap3A_136 : vector<1x16xf32> to vector<16xf32>
      %swap3A_138 = vector.shape_cast %broadcast_in_dim3A_1 : vector<16xf32> to vector<1x16xf32>
      tpu.vector_store %arg21[%swap3A_134, %swap3A_135], %swap3A_138 {strides = array<i32>} : memref<48x144xf32, #tpu.memory_space<vmem>>, vector<1x16xf32>,
      %swap3A_139 = arith.index_cast %add3A_119 : i32 to index
      %swap3A_140 = arith.constant 64 : index
      %swap3A_141 = tpu.vector_load %arg21[%swap3A_139, %swap3A_140] {strides = array<i32>} : memref<48x144xf32, #tpu.memory_space<vmem>>, vector<1x16xf32>,
      %swap3A_142 = vector.shape_cast %swap3A_141 : vector<1x16xf32> to vector<16xf32>
      %swap3A_143 = vector.shape_cast %broadcast_in_dim3A_1 : vector<16xf32> to vector<1x16xf32>
      tpu.vector_store %arg21[%swap3A_139, %swap3A_140], %swap3A_143 {strides = array<i32>} : memref<48x144xf32, #tpu.memory_space<vmem>>, vector<1x16xf32>,
      %swap3A_144 = arith.index_cast %add3A_119 : i32 to index
      %swap3A_145 = arith.constant 80 : index
      %swap3A_146 = tpu.vector_load %arg21[%swap3A_144, %swap3A_145] {strides = array<i32>} : memref<48x144xf32, #tpu.memory_space<vmem>>, vector<1x16xf32>,
      %swap3A_147 = vector.shape_cast %swap3A_146 : vector<1x16xf32> to vector<16xf32>
      %swap3A_148 = vector.shape_cast %broadcast_in_dim3A_1 : vector<16xf32> to vector<1x16xf32>
      tpu.vector_store %arg21[%swap3A_144, %swap3A_145], %swap3A_148 {strides = array<i32>} : memref<48x144xf32, #tpu.memory_space<vmem>>, vector<1x16xf32>,
      %swap3A_149 = arith.index_cast %add3A_119 : i32 to index
      %swap3A_150 = arith.constant 96 : index
      %swap3A_151 = tpu.vector_load %arg21[%swap3A_149, %swap3A_150] {strides = array<i32>} : memref<48x144xf32, #tpu.memory_space<vmem>>, vector<1x16xf32>,
      %swap3A_152 = vector.shape_cast %swap3A_151 : vector<1x16xf32> to vector<16xf32>
      %swap3A_153 = vector.shape_cast %broadcast_in_dim3A_1 : vector<16xf32> to vector<1x16xf32>
      tpu.vector_store %arg21[%swap3A_149, %swap3A_150], %swap3A_153 {strides = array<i32>} : memref<48x144xf32, #tpu.memory_space<vmem>>, vector<1x16xf32>,
      %swap3A_154 = arith.index_cast %add3A_119 : i32 to index
      %swap3A_155 = arith.constant 112 : index
      %swap3A_156 = tpu.vector_load %arg21[%swap3A_154, %swap3A_155] {strides = array<i32>} : memref<48x144xf32, #tpu.memory_space<vmem>>, vector<1x16xf32>,
      %swap3A_157 = vector.shape_cast %swap3A_156 : vector<1x16xf32> to vector<16xf32>
      %swap3A_158 = vector.shape_cast %broadcast_in_dim3A_1 : vector<16xf32> to vector<1x16xf32>
      tpu.vector_store %arg21[%swap3A_154, %swap3A_155], %swap3A_158 {strides = array<i32>} : memref<48x144xf32, #tpu.memory_space<vmem>>, vector<1x16xf32>,
      %swap3A_159 = arith.index_cast %add3A_119 : i32 to index
      %swap3A_160 = arith.constant 128 : index
      %swap3A_161 = tpu.vector_load %arg21[%swap3A_159, %swap3A_160] {strides = array<i32>} : memref<48x144xf32, #tpu.memory_space<vmem>>, vector<1x16xf32>,
      %swap3A_162 = vector.shape_cast %swap3A_161 : vector<1x16xf32> to vector<16xf32>
      %swap3A_163 = vector.shape_cast %broadcast_in_dim3A_1 : vector<16xf32> to vector<1x16xf32>
      tpu.vector_store %arg21[%swap3A_159, %swap3A_160], %swap3A_163 {strides = array<i32>} : memref<48x144xf32, #tpu.memory_space<vmem>>, vector<1x16xf32>,
    }
    %scan3A_5 = arith.constant 48 : i32
    %mul3A_6 = arith.constant 626 : i32
    %mul3A_7 = arith.muli %arg1, %mul3A_6 : i32
    %add3A_8 = arith.constant 0 : i32
    %add3A_9 = arith.addi %mul3A_7, %add3A_8 : i32
    "tpu.region"() ({
      %run_scoped3A = tpu.sem_alloc : memref<!tpu.dma_semaphore, #tpu.memory_space<semaphore_mem>>
      %dma_start3A_115 = arith.constant 0 : i32
      %dma_start3A_116 = arith.constant 0 : i32
      %dma_start3A_117 = tpu.memref_slice %arg21[%dma_start3A_115, %dma_start3A_116] : memref<48x144xf32, #tpu.memory_space<vmem>> -> memref<48x144xf32, #tpu.memory_space<vmem>>
      %dma_start3A_118 = arith.constant 0 : i32
      %dma_start3A_119 = tpu.memref_slice %arg22[%add3A_9, %dma_start3A_118] : memref<10016x144xf32, #tpu.memory_space<vmem_shared>> -> memref<48x144xf32, #tpu.memory_space<vmem_shared>>
      %dma_start3A_120 = arith.constant 0 : i32
      %dma_start3A_121 = tpu.memref_slice %arg22[%add3A_9, %dma_start3A_120] : memref<10016x144xf32, #tpu.memory_space<vmem_shared>> -> memref<48x144xf32, #tpu.memory_space<vmem_shared>>
      %dma_start3A_122 = arith.constant 0 : i32
      %dma_start3A_123 = arith.constant 0 : i32
      %dma_start3A_124 = tpu.memref_slice %arg21[%dma_start3A_122, %dma_start3A_123] : memref<48x144xf32, #tpu.memory_space<vmem>> -> memref<48x144xf32, #tpu.memory_space<vmem>>
      tpu.enqueue_dma source(%dma_start3A_124 : memref<48x144xf32, #tpu.memory_space<vmem>>) target(%dma_start3A_121 : memref<48x144xf32, #tpu.memory_space<vmem_shared>>) target_semaphore(%run_scoped3A : memref<!tpu.dma_semaphore, #tpu.memory_space<semaphore_mem>>)
      %dma_wait3A_125 = arith.constant 0 : i32
      %dma_wait3A_126 = arith.constant 0 : i32
      %dma_wait3A_127 = tpu.memref_slice %arg21[%dma_wait3A_125, %dma_wait3A_126] : memref<48x144xf32, #tpu.memory_space<vmem>> -> memref<48x144xf32, #tpu.memory_space<vmem>>
      %dma_wait3A_128 = arith.constant 0 : i32
      %dma_wait3A_129 = tpu.memref_slice %arg22[%add3A_9, %dma_wait3A_128] : memref<10016x144xf32, #tpu.memory_space<vmem_shared>> -> memref<48x144xf32, #tpu.memory_space<vmem_shared>>
      %dma_wait3A_130 = arith.constant 0 : i32
      %dma_wait3A_131 = tpu.memref_slice %arg22[%add3A_9, %dma_wait3A_130] : memref<10016x144xf32, #tpu.memory_space<vmem_shared>> -> memref<48x144xf32, #tpu.memory_space<vmem_shared>>
      %dma_wait3A_132 = arith.constant 0 : i32
      %dma_wait3A_133 = arith.constant 0 : i32
      %dma_wait3A_134 = tpu.memref_slice %arg21[%dma_wait3A_132, %dma_wait3A_133] : memref<48x144xf32, #tpu.memory_space<vmem>> -> memref<48x144xf32, #tpu.memory_space<vmem>>
      tpu.wait_dma2 semaphore(%run_scoped3A : memref<!tpu.dma_semaphore, #tpu.memory_space<semaphore_mem>>) src(%dma_wait3A_134 : memref<48x144xf32, #tpu.memory_space<vmem>>) dst(%dma_wait3A_131 : memref<48x144xf32, #tpu.memory_space<vmem_shared>>)
      tpu.yield
    }) : () -> ()
    %add3A_10 = arith.constant 48 : i32
    %add3A_11 = arith.addi %mul3A_7, %add3A_10 : i32
    "tpu.region"() ({
      %run_scoped3A = tpu.sem_alloc : memref<!tpu.dma_semaphore, #tpu.memory_space<semaphore_mem>>
      %dma_start3A_115 = arith.constant 0 : i32
      %dma_start3A_116 = arith.constant 0 : i32
      %dma_start3A_117 = tpu.memref_slice %arg21[%dma_start3A_115, %dma_start3A_116] : memref<48x144xf32, #tpu.memory_space<vmem>> -> memref<48x144xf32, #tpu.memory_space<vmem>>
      %dma_start3A_118 = arith.constant 0 : i32
      %dma_start3A_119 = tpu.memref_slice %arg22[%add3A_11, %dma_start3A_118] : memref<10016x144xf32, #tpu.memory_space<vmem_shared>> -> memref<48x144xf32, #tpu.memory_space<vmem_shared>>
      %dma_start3A_120 = arith.constant 0 : i32
      %dma_start3A_121 = tpu.memref_slice %arg22[%add3A_11, %dma_start3A_120] : memref<10016x144xf32, #tpu.memory_space<vmem_shared>> -> memref<48x144xf32, #tpu.memory_space<vmem_shared>>
      %dma_start3A_122 = arith.constant 0 : i32
      %dma_start3A_123 = arith.constant 0 : i32
      %dma_start3A_124 = tpu.memref_slice %arg21[%dma_start3A_122, %dma_start3A_123] : memref<48x144xf32, #tpu.memory_space<vmem>> -> memref<48x144xf32, #tpu.memory_space<vmem>>
      tpu.enqueue_dma source(%dma_start3A_124 : memref<48x144xf32, #tpu.memory_space<vmem>>) target(%dma_start3A_121 : memref<48x144xf32, #tpu.memory_space<vmem_shared>>) target_semaphore(%run_scoped3A : memref<!tpu.dma_semaphore, #tpu.memory_space<semaphore_mem>>)
      %dma_wait3A_125 = arith.constant 0 : i32
      %dma_wait3A_126 = arith.constant 0 : i32
      %dma_wait3A_127 = tpu.memref_slice %arg21[%dma_wait3A_125, %dma_wait3A_126] : memref<48x144xf32, #tpu.memory_space<vmem>> -> memref<48x144xf32, #tpu.memory_space<vmem>>
      %dma_wait3A_128 = arith.constant 0 : i32
      %dma_wait3A_129 = tpu.memref_slice %arg22[%add3A_11, %dma_wait3A_128] : memref<10016x144xf32, #tpu.memory_space<vmem_shared>> -> memref<48x144xf32, #tpu.memory_space<vmem_shared>>
      %dma_wait3A_130 = arith.constant 0 : i32
      %dma_wait3A_131 = tpu.memref_slice %arg22[%add3A_11, %dma_wait3A_130] : memref<10016x144xf32, #tpu.memory_space<vmem_shared>> -> memref<48x144xf32, #tpu.memory_space<vmem_shared>>
      %dma_wait3A_132 = arith.constant 0 : i32
      %dma_wait3A_133 = arith.constant 0 : i32
      %dma_wait3A_134 = tpu.memref_slice %arg21[%dma_wait3A_132, %dma_wait3A_133] : memref<48x144xf32, #tpu.memory_space<vmem>> -> memref<48x144xf32, #tpu.memory_space<vmem>>
      tpu.wait_dma2 semaphore(%run_scoped3A : memref<!tpu.dma_semaphore, #tpu.memory_space<semaphore_mem>>) src(%dma_wait3A_134 : memref<48x144xf32, #tpu.memory_space<vmem>>) dst(%dma_wait3A_131 : memref<48x144xf32, #tpu.memory_space<vmem_shared>>)
      tpu.yield
    }) : () -> ()
    %add3A_12 = arith.constant 96 : i32
    %add3A_13 = arith.addi %mul3A_7, %add3A_12 : i32
    "tpu.region"() ({
      %run_scoped3A = tpu.sem_alloc : memref<!tpu.dma_semaphore, #tpu.memory_space<semaphore_mem>>
      %dma_start3A_115 = arith.constant 0 : i32
      %dma_start3A_116 = arith.constant 0 : i32
      %dma_start3A_117 = tpu.memref_slice %arg21[%dma_start3A_115, %dma_start3A_116] : memref<48x144xf32, #tpu.memory_space<vmem>> -> memref<48x144xf32, #tpu.memory_space<vmem>>
      %dma_start3A_118 = arith.constant 0 : i32
      %dma_start3A_119 = tpu.memref_slice %arg22[%add3A_13, %dma_start3A_118] : memref<10016x144xf32, #tpu.memory_space<vmem_shared>> -> memref<48x144xf32, #tpu.memory_space<vmem_shared>>
      %dma_start3A_120 = arith.constant 0 : i32
      %dma_start3A_121 = tpu.memref_slice %arg22[%add3A_13, %dma_start3A_120] : memref<10016x144xf32, #tpu.memory_space<vmem_shared>> -> memref<48x144xf32, #tpu.memory_space<vmem_shared>>
      %dma_start3A_122 = arith.constant 0 : i32
      %dma_start3A_123 = arith.constant 0 : i32
      %dma_start3A_124 = tpu.memref_slice %arg21[%dma_start3A_122, %dma_start3A_123] : memref<48x144xf32, #tpu.memory_space<vmem>> -> memref<48x144xf32, #tpu.memory_space<vmem>>
      tpu.enqueue_dma source(%dma_start3A_124 : memref<48x144xf32, #tpu.memory_space<vmem>>) target(%dma_start3A_121 : memref<48x144xf32, #tpu.memory_space<vmem_shared>>) target_semaphore(%run_scoped3A : memref<!tpu.dma_semaphore, #tpu.memory_space<semaphore_mem>>)
      %dma_wait3A_125 = arith.constant 0 : i32
      %dma_wait3A_126 = arith.constant 0 : i32
      %dma_wait3A_127 = tpu.memref_slice %arg21[%dma_wait3A_125, %dma_wait3A_126] : memref<48x144xf32, #tpu.memory_space<vmem>> -> memref<48x144xf32, #tpu.memory_space<vmem>>
      %dma_wait3A_128 = arith.constant 0 : i32
      %dma_wait3A_129 = tpu.memref_slice %arg22[%add3A_13, %dma_wait3A_128] : memref<10016x144xf32, #tpu.memory_space<vmem_shared>> -> memref<48x144xf32, #tpu.memory_space<vmem_shared>>
      %dma_wait3A_130 = arith.constant 0 : i32
      %dma_wait3A_131 = tpu.memref_slice %arg22[%add3A_13, %dma_wait3A_130] : memref<10016x144xf32, #tpu.memory_space<vmem_shared>> -> memref<48x144xf32, #tpu.memory_space<vmem_shared>>
      %dma_wait3A_132 = arith.constant 0 : i32
      %dma_wait3A_133 = arith.constant 0 : i32
      %dma_wait3A_134 = tpu.memref_slice %arg21[%dma_wait3A_132, %dma_wait3A_133] : memref<48x144xf32, #tpu.memory_space<vmem>> -> memref<48x144xf32, #tpu.memory_space<vmem>>
      tpu.wait_dma2 semaphore(%run_scoped3A : memref<!tpu.dma_semaphore, #tpu.memory_space<semaphore_mem>>) src(%dma_wait3A_134 : memref<48x144xf32, #tpu.memory_space<vmem>>) dst(%dma_wait3A_131 : memref<48x144xf32, #tpu.memory_space<vmem_shared>>)
      tpu.yield
    }) : () -> ()
    %add3A_14 = arith.constant 144 : i32
    %add3A_15 = arith.addi %mul3A_7, %add3A_14 : i32
    "tpu.region"() ({
      %run_scoped3A = tpu.sem_alloc : memref<!tpu.dma_semaphore, #tpu.memory_space<semaphore_mem>>
      %dma_start3A_115 = arith.constant 0 : i32
      %dma_start3A_116 = arith.constant 0 : i32
      %dma_start3A_117 = tpu.memref_slice %arg21[%dma_start3A_115, %dma_start3A_116] : memref<48x144xf32, #tpu.memory_space<vmem>> -> memref<48x144xf32, #tpu.memory_space<vmem>>
      %dma_start3A_118 = arith.constant 0 : i32
      %dma_start3A_119 = tpu.memref_slice %arg22[%add3A_15, %dma_start3A_118] : memref<10016x144xf32, #tpu.memory_space<vmem_shared>> -> memref<48x144xf32, #tpu.memory_space<vmem_shared>>
      %dma_start3A_120 = arith.constant 0 : i32
      %dma_start3A_121 = tpu.memref_slice %arg22[%add3A_15, %dma_start3A_120] : memref<10016x144xf32, #tpu.memory_space<vmem_shared>> -> memref<48x144xf32, #tpu.memory_space<vmem_shared>>
      %dma_start3A_122 = arith.constant 0 : i32
      %dma_start3A_123 = arith.constant 0 : i32
      %dma_start3A_124 = tpu.memref_slice %arg21[%dma_start3A_122, %dma_start3A_123] : memref<48x144xf32, #tpu.memory_space<vmem>> -> memref<48x144xf32, #tpu.memory_space<vmem>>
      tpu.enqueue_dma source(%dma_start3A_124 : memref<48x144xf32, #tpu.memory_space<vmem>>) target(%dma_start3A_121 : memref<48x144xf32, #tpu.memory_space<vmem_shared>>) target_semaphore(%run_scoped3A : memref<!tpu.dma_semaphore, #tpu.memory_space<semaphore_mem>>)
      %dma_wait3A_125 = arith.constant 0 : i32
      %dma_wait3A_126 = arith.constant 0 : i32
      %dma_wait3A_127 = tpu.memref_slice %arg21[%dma_wait3A_125, %dma_wait3A_126] : memref<48x144xf32, #tpu.memory_space<vmem>> -> memref<48x144xf32, #tpu.memory_space<vmem>>
      %dma_wait3A_128 = arith.constant 0 : i32
      %dma_wait3A_129 = tpu.memref_slice %arg22[%add3A_15, %dma_wait3A_128] : memref<10016x144xf32, #tpu.memory_space<vmem_shared>> -> memref<48x144xf32, #tpu.memory_space<vmem_shared>>
      %dma_wait3A_130 = arith.constant 0 : i32
      %dma_wait3A_131 = tpu.memref_slice %arg22[%add3A_15, %dma_wait3A_130] : memref<10016x144xf32, #tpu.memory_space<vmem_shared>> -> memref<48x144xf32, #tpu.memory_space<vmem_shared>>
      %dma_wait3A_132 = arith.constant 0 : i32
      %dma_wait3A_133 = arith.constant 0 : i32
      %dma_wait3A_134 = tpu.memref_slice %arg21[%dma_wait3A_132, %dma_wait3A_133] : memref<48x144xf32, #tpu.memory_space<vmem>> -> memref<48x144xf32, #tpu.memory_space<vmem>>
      tpu.wait_dma2 semaphore(%run_scoped3A : memref<!tpu.dma_semaphore, #tpu.memory_space<semaphore_mem>>) src(%dma_wait3A_134 : memref<48x144xf32, #tpu.memory_space<vmem>>) dst(%dma_wait3A_131 : memref<48x144xf32, #tpu.memory_space<vmem_shared>>)
      tpu.yield
    }) : () -> ()
    %add3A_16 = arith.constant 192 : i32
    %add3A_17 = arith.addi %mul3A_7, %add3A_16 : i32
    "tpu.region"() ({
      %run_scoped3A = tpu.sem_alloc : memref<!tpu.dma_semaphore, #tpu.memory_space<semaphore_mem>>
      %dma_start3A_115 = arith.constant 0 : i32
      %dma_start3A_116 = arith.constant 0 : i32
      %dma_start3A_117 = tpu.memref_slice %arg21[%dma_start3A_115, %dma_start3A_116] : memref<48x144xf32, #tpu.memory_space<vmem>> -> memref<48x144xf32, #tpu.memory_space<vmem>>
      %dma_start3A_118 = arith.constant 0 : i32
      %dma_start3A_119 = tpu.memref_slice %arg22[%add3A_17, %dma_start3A_118] : memref<10016x144xf32, #tpu.memory_space<vmem_shared>> -> memref<48x144xf32, #tpu.memory_space<vmem_shared>>
      %dma_start3A_120 = arith.constant 0 : i32
      %dma_start3A_121 = tpu.memref_slice %arg22[%add3A_17, %dma_start3A_120] : memref<10016x144xf32, #tpu.memory_space<vmem_shared>> -> memref<48x144xf32, #tpu.memory_space<vmem_shared>>
      %dma_start3A_122 = arith.constant 0 : i32
      %dma_start3A_123 = arith.constant 0 : i32
      %dma_start3A_124 = tpu.memref_slice %arg21[%dma_start3A_122, %dma_start3A_123] : memref<48x144xf32, #tpu.memory_space<vmem>> -> memref<48x144xf32, #tpu.memory_space<vmem>>
      tpu.enqueue_dma source(%dma_start3A_124 : memref<48x144xf32, #tpu.memory_space<vmem>>) target(%dma_start3A_121 : memref<48x144xf32, #tpu.memory_space<vmem_shared>>) target_semaphore(%run_scoped3A : memref<!tpu.dma_semaphore, #tpu.memory_space<semaphore_mem>>)
      %dma_wait3A_125 = arith.constant 0 : i32
      %dma_wait3A_126 = arith.constant 0 : i32
      %dma_wait3A_127 = tpu.memref_slice %arg21[%dma_wait3A_125, %dma_wait3A_126] : memref<48x144xf32, #tpu.memory_space<vmem>> -> memref<48x144xf32, #tpu.memory_space<vmem>>
      %dma_wait3A_128 = arith.constant 0 : i32
      %dma_wait3A_129 = tpu.memref_slice %arg22[%add3A_17, %dma_wait3A_128] : memref<10016x144xf32, #tpu.memory_space<vmem_shared>> -> memref<48x144xf32, #tpu.memory_space<vmem_shared>>
      %dma_wait3A_130 = arith.constant 0 : i32
      %dma_wait3A_131 = tpu.memref_slice %arg22[%add3A_17, %dma_wait3A_130] : memref<10016x144xf32, #tpu.memory_space<vmem_shared>> -> memref<48x144xf32, #tpu.memory_space<vmem_shared>>
      %dma_wait3A_132 = arith.constant 0 : i32
      %dma_wait3A_133 = arith.constant 0 : i32
      %dma_wait3A_134 = tpu.memref_slice %arg21[%dma_wait3A_132, %dma_wait3A_133] : memref<48x144xf32, #tpu.memory_space<vmem>> -> memref<48x144xf32, #tpu.memory_space<vmem>>
      tpu.wait_dma2 semaphore(%run_scoped3A : memref<!tpu.dma_semaphore, #tpu.memory_space<semaphore_mem>>) src(%dma_wait3A_134 : memref<48x144xf32, #tpu.memory_space<vmem>>) dst(%dma_wait3A_131 : memref<48x144xf32, #tpu.memory_space<vmem_shared>>)
      tpu.yield
    }) : () -> ()
    %add3A_18 = arith.constant 240 : i32
    %add3A_19 = arith.addi %mul3A_7, %add3A_18 : i32
    "tpu.region"() ({
      %run_scoped3A = tpu.sem_alloc : memref<!tpu.dma_semaphore, #tpu.memory_space<semaphore_mem>>
      %dma_start3A_115 = arith.constant 0 : i32
      %dma_start3A_116 = arith.constant 0 : i32
      %dma_start3A_117 = tpu.memref_slice %arg21[%dma_start3A_115, %dma_start3A_116] : memref<48x144xf32, #tpu.memory_space<vmem>> -> memref<48x144xf32, #tpu.memory_space<vmem>>
      %dma_start3A_118 = arith.constant 0 : i32
      %dma_start3A_119 = tpu.memref_slice %arg22[%add3A_19, %dma_start3A_118] : memref<10016x144xf32, #tpu.memory_space<vmem_shared>> -> memref<48x144xf32, #tpu.memory_space<vmem_shared>>
      %dma_start3A_120 = arith.constant 0 : i32
      %dma_start3A_121 = tpu.memref_slice %arg22[%add3A_19, %dma_start3A_120] : memref<10016x144xf32, #tpu.memory_space<vmem_shared>> -> memref<48x144xf32, #tpu.memory_space<vmem_shared>>
      %dma_start3A_122 = arith.constant 0 : i32
      %dma_start3A_123 = arith.constant 0 : i32
      %dma_start3A_124 = tpu.memref_slice %arg21[%dma_start3A_122, %dma_start3A_123] : memref<48x144xf32, #tpu.memory_space<vmem>> -> memref<48x144xf32, #tpu.memory_space<vmem>>
      tpu.enqueue_dma source(%dma_start3A_124 : memref<48x144xf32, #tpu.memory_space<vmem>>) target(%dma_start3A_121 : memref<48x144xf32, #tpu.memory_space<vmem_shared>>) target_semaphore(%run_scoped3A : memref<!tpu.dma_semaphore, #tpu.memory_space<semaphore_mem>>)
      %dma_wait3A_125 = arith.constant 0 : i32
      %dma_wait3A_126 = arith.constant 0 : i32
      %dma_wait3A_127 = tpu.memref_slice %arg21[%dma_wait3A_125, %dma_wait3A_126] : memref<48x144xf32, #tpu.memory_space<vmem>> -> memref<48x144xf32, #tpu.memory_space<vmem>>
      %dma_wait3A_128 = arith.constant 0 : i32
      %dma_wait3A_129 = tpu.memref_slice %arg22[%add3A_19, %dma_wait3A_128] : memref<10016x144xf32, #tpu.memory_space<vmem_shared>> -> memref<48x144xf32, #tpu.memory_space<vmem_shared>>
      %dma_wait3A_130 = arith.constant 0 : i32
      %dma_wait3A_131 = tpu.memref_slice %arg22[%add3A_19, %dma_wait3A_130] : memref<10016x144xf32, #tpu.memory_space<vmem_shared>> -> memref<48x144xf32, #tpu.memory_space<vmem_shared>>
      %dma_wait3A_132 = arith.constant 0 : i32
      %dma_wait3A_133 = arith.constant 0 : i32
      %dma_wait3A_134 = tpu.memref_slice %arg21[%dma_wait3A_132, %dma_wait3A_133] : memref<48x144xf32, #tpu.memory_space<vmem>> -> memref<48x144xf32, #tpu.memory_space<vmem>>
      tpu.wait_dma2 semaphore(%run_scoped3A : memref<!tpu.dma_semaphore, #tpu.memory_space<semaphore_mem>>) src(%dma_wait3A_134 : memref<48x144xf32, #tpu.memory_space<vmem>>) dst(%dma_wait3A_131 : memref<48x144xf32, #tpu.memory_space<vmem_shared>>)
      tpu.yield
    }) : () -> ()
    %add3A_20 = arith.constant 288 : i32
    %add3A_21 = arith.addi %mul3A_7, %add3A_20 : i32
    "tpu.region"() ({
      %run_scoped3A = tpu.sem_alloc : memref<!tpu.dma_semaphore, #tpu.memory_space<semaphore_mem>>
      %dma_start3A_115 = arith.constant 0 : i32
      %dma_start3A_116 = arith.constant 0 : i32
      %dma_start3A_117 = tpu.memref_slice %arg21[%dma_start3A_115, %dma_start3A_116] : memref<48x144xf32, #tpu.memory_space<vmem>> -> memref<48x144xf32, #tpu.memory_space<vmem>>
      %dma_start3A_118 = arith.constant 0 : i32
      %dma_start3A_119 = tpu.memref_slice %arg22[%add3A_21, %dma_start3A_118] : memref<10016x144xf32, #tpu.memory_space<vmem_shared>> -> memref<48x144xf32, #tpu.memory_space<vmem_shared>>
      %dma_start3A_120 = arith.constant 0 : i32
      %dma_start3A_121 = tpu.memref_slice %arg22[%add3A_21, %dma_start3A_120] : memref<10016x144xf32, #tpu.memory_space<vmem_shared>> -> memref<48x144xf32, #tpu.memory_space<vmem_shared>>
      %dma_start3A_122 = arith.constant 0 : i32
      %dma_start3A_123 = arith.constant 0 : i32
      %dma_start3A_124 = tpu.memref_slice %arg21[%dma_start3A_122, %dma_start3A_123] : memref<48x144xf32, #tpu.memory_space<vmem>> -> memref<48x144xf32, #tpu.memory_space<vmem>>
      tpu.enqueue_dma source(%dma_start3A_124 : memref<48x144xf32, #tpu.memory_space<vmem>>) target(%dma_start3A_121 : memref<48x144xf32, #tpu.memory_space<vmem_shared>>) target_semaphore(%run_scoped3A : memref<!tpu.dma_semaphore, #tpu.memory_space<semaphore_mem>>)
      %dma_wait3A_125 = arith.constant 0 : i32
      %dma_wait3A_126 = arith.constant 0 : i32
      %dma_wait3A_127 = tpu.memref_slice %arg21[%dma_wait3A_125, %dma_wait3A_126] : memref<48x144xf32, #tpu.memory_space<vmem>> -> memref<48x144xf32, #tpu.memory_space<vmem>>
      %dma_wait3A_128 = arith.constant 0 : i32
      %dma_wait3A_129 = tpu.memref_slice %arg22[%add3A_21, %dma_wait3A_128] : memref<10016x144xf32, #tpu.memory_space<vmem_shared>> -> memref<48x144xf32, #tpu.memory_space<vmem_shared>>
      %dma_wait3A_130 = arith.constant 0 : i32
      %dma_wait3A_131 = tpu.memref_slice %arg22[%add3A_21, %dma_wait3A_130] : memref<10016x144xf32, #tpu.memory_space<vmem_shared>> -> memref<48x144xf32, #tpu.memory_space<vmem_shared>>
      %dma_wait3A_132 = arith.constant 0 : i32
      %dma_wait3A_133 = arith.constant 0 : i32
      %dma_wait3A_134 = tpu.memref_slice %arg21[%dma_wait3A_132, %dma_wait3A_133] : memref<48x144xf32, #tpu.memory_space<vmem>> -> memref<48x144xf32, #tpu.memory_space<vmem>>
      tpu.wait_dma2 semaphore(%run_scoped3A : memref<!tpu.dma_semaphore, #tpu.memory_space<semaphore_mem>>) src(%dma_wait3A_134 : memref<48x144xf32, #tpu.memory_space<vmem>>) dst(%dma_wait3A_131 : memref<48x144xf32, #tpu.memory_space<vmem_shared>>)
      tpu.yield
    }) : () -> ()
    %add3A_22 = arith.constant 336 : i32
    %add3A_23 = arith.addi %mul3A_7, %add3A_22 : i32
    "tpu.region"() ({
      %run_scoped3A = tpu.sem_alloc : memref<!tpu.dma_semaphore, #tpu.memory_space<semaphore_mem>>
      %dma_start3A_115 = arith.constant 0 : i32
      %dma_start3A_116 = arith.constant 0 : i32
      %dma_start3A_117 = tpu.memref_slice %arg21[%dma_start3A_115, %dma_start3A_116] : memref<48x144xf32, #tpu.memory_space<vmem>> -> memref<48x144xf32, #tpu.memory_space<vmem>>
      %dma_start3A_118 = arith.constant 0 : i32
      %dma_start3A_119 = tpu.memref_slice %arg22[%add3A_23, %dma_start3A_118] : memref<10016x144xf32, #tpu.memory_space<vmem_shared>> -> memref<48x144xf32, #tpu.memory_space<vmem_shared>>
      %dma_start3A_120 = arith.constant 0 : i32
      %dma_start3A_121 = tpu.memref_slice %arg22[%add3A_23, %dma_start3A_120] : memref<10016x144xf32, #tpu.memory_space<vmem_shared>> -> memref<48x144xf32, #tpu.memory_space<vmem_shared>>
      %dma_start3A_122 = arith.constant 0 : i32
      %dma_start3A_123 = arith.constant 0 : i32
      %dma_start3A_124 = tpu.memref_slice %arg21[%dma_start3A_122, %dma_start3A_123] : memref<48x144xf32, #tpu.memory_space<vmem>> -> memref<48x144xf32, #tpu.memory_space<vmem>>
      tpu.enqueue_dma source(%dma_start3A_124 : memref<48x144xf32, #tpu.memory_space<vmem>>) target(%dma_start3A_121 : memref<48x144xf32, #tpu.memory_space<vmem_shared>>) target_semaphore(%run_scoped3A : memref<!tpu.dma_semaphore, #tpu.memory_space<semaphore_mem>>)
      %dma_wait3A_125 = arith.constant 0 : i32
      %dma_wait3A_126 = arith.constant 0 : i32
      %dma_wait3A_127 = tpu.memref_slice %arg21[%dma_wait3A_125, %dma_wait3A_126] : memref<48x144xf32, #tpu.memory_space<vmem>> -> memref<48x144xf32, #tpu.memory_space<vmem>>
      %dma_wait3A_128 = arith.constant 0 : i32
      %dma_wait3A_129 = tpu.memref_slice %arg22[%add3A_23, %dma_wait3A_128] : memref<10016x144xf32, #tpu.memory_space<vmem_shared>> -> memref<48x144xf32, #tpu.memory_space<vmem_shared>>
      %dma_wait3A_130 = arith.constant 0 : i32
      %dma_wait3A_131 = tpu.memref_slice %arg22[%add3A_23, %dma_wait3A_130] : memref<10016x144xf32, #tpu.memory_space<vmem_shared>> -> memref<48x144xf32, #tpu.memory_space<vmem_shared>>
      %dma_wait3A_132 = arith.constant 0 : i32
      %dma_wait3A_133 = arith.constant 0 : i32
      %dma_wait3A_134 = tpu.memref_slice %arg21[%dma_wait3A_132, %dma_wait3A_133] : memref<48x144xf32, #tpu.memory_space<vmem>> -> memref<48x144xf32, #tpu.memory_space<vmem>>
      tpu.wait_dma2 semaphore(%run_scoped3A : memref<!tpu.dma_semaphore, #tpu.memory_space<semaphore_mem>>) src(%dma_wait3A_134 : memref<48x144xf32, #tpu.memory_space<vmem>>) dst(%dma_wait3A_131 : memref<48x144xf32, #tpu.memory_space<vmem_shared>>)
      tpu.yield
    }) : () -> ()
    %add3A_24 = arith.constant 384 : i32
    %add3A_25 = arith.addi %mul3A_7, %add3A_24 : i32
    "tpu.region"() ({
      %run_scoped3A = tpu.sem_alloc : memref<!tpu.dma_semaphore, #tpu.memory_space<semaphore_mem>>
      %dma_start3A_115 = arith.constant 0 : i32
      %dma_start3A_116 = arith.constant 0 : i32
      %dma_start3A_117 = tpu.memref_slice %arg21[%dma_start3A_115, %dma_start3A_116] : memref<48x144xf32, #tpu.memory_space<vmem>> -> memref<48x144xf32, #tpu.memory_space<vmem>>
      %dma_start3A_118 = arith.constant 0 : i32
      %dma_start3A_119 = tpu.memref_slice %arg22[%add3A_25, %dma_start3A_118] : memref<10016x144xf32, #tpu.memory_space<vmem_shared>> -> memref<48x144xf32, #tpu.memory_space<vmem_shared>>
      %dma_start3A_120 = arith.constant 0 : i32
      %dma_start3A_121 = tpu.memref_slice %arg22[%add3A_25, %dma_start3A_120] : memref<10016x144xf32, #tpu.memory_space<vmem_shared>> -> memref<48x144xf32, #tpu.memory_space<vmem_shared>>
      %dma_start3A_122 = arith.constant 0 : i32
      %dma_start3A_123 = arith.constant 0 : i32
      %dma_start3A_124 = tpu.memref_slice %arg21[%dma_start3A_122, %dma_start3A_123] : memref<48x144xf32, #tpu.memory_space<vmem>> -> memref<48x144xf32, #tpu.memory_space<vmem>>
      tpu.enqueue_dma source(%dma_start3A_124 : memref<48x144xf32, #tpu.memory_space<vmem>>) target(%dma_start3A_121 : memref<48x144xf32, #tpu.memory_space<vmem_shared>>) target_semaphore(%run_scoped3A : memref<!tpu.dma_semaphore, #tpu.memory_space<semaphore_mem>>)
      %dma_wait3A_125 = arith.constant 0 : i32
      %dma_wait3A_126 = arith.constant 0 : i32
      %dma_wait3A_127 = tpu.memref_slice %arg21[%dma_wait3A_125, %dma_wait3A_126] : memref<48x144xf32, #tpu.memory_space<vmem>> -> memref<48x144xf32, #tpu.memory_space<vmem>>
      %dma_wait3A_128 = arith.constant 0 : i32
      %dma_wait3A_129 = tpu.memref_slice %arg22[%add3A_25, %dma_wait3A_128] : memref<10016x144xf32, #tpu.memory_space<vmem_shared>> -> memref<48x144xf32, #tpu.memory_space<vmem_shared>>
      %dma_wait3A_130 = arith.constant 0 : i32
      %dma_wait3A_131 = tpu.memref_slice %arg22[%add3A_25, %dma_wait3A_130] : memref<10016x144xf32, #tpu.memory_space<vmem_shared>> -> memref<48x144xf32, #tpu.memory_space<vmem_shared>>
      %dma_wait3A_132 = arith.constant 0 : i32
      %dma_wait3A_133 = arith.constant 0 : i32
      %dma_wait3A_134 = tpu.memref_slice %arg21[%dma_wait3A_132, %dma_wait3A_133] : memref<48x144xf32, #tpu.memory_space<vmem>> -> memref<48x144xf32, #tpu.memory_space<vmem>>
      tpu.wait_dma2 semaphore(%run_scoped3A : memref<!tpu.dma_semaphore, #tpu.memory_space<semaphore_mem>>) src(%dma_wait3A_134 : memref<48x144xf32, #tpu.memory_space<vmem>>) dst(%dma_wait3A_131 : memref<48x144xf32, #tpu.memory_space<vmem_shared>>)
      tpu.yield
    }) : () -> ()
    %add3A_26 = arith.constant 432 : i32
    %add3A_27 = arith.addi %mul3A_7, %add3A_26 : i32
    "tpu.region"() ({
      %run_scoped3A = tpu.sem_alloc : memref<!tpu.dma_semaphore, #tpu.memory_space<semaphore_mem>>
      %dma_start3A_115 = arith.constant 0 : i32
      %dma_start3A_116 = arith.constant 0 : i32
      %dma_start3A_117 = tpu.memref_slice %arg21[%dma_start3A_115, %dma_start3A_116] : memref<48x144xf32, #tpu.memory_space<vmem>> -> memref<48x144xf32, #tpu.memory_space<vmem>>
      %dma_start3A_118 = arith.constant 0 : i32
      %dma_start3A_119 = tpu.memref_slice %arg22[%add3A_27, %dma_start3A_118] : memref<10016x144xf32, #tpu.memory_space<vmem_shared>> -> memref<48x144xf32, #tpu.memory_space<vmem_shared>>
      %dma_start3A_120 = arith.constant 0 : i32
      %dma_start3A_121 = tpu.memref_slice %arg22[%add3A_27, %dma_start3A_120] : memref<10016x144xf32, #tpu.memory_space<vmem_shared>> -> memref<48x144xf32, #tpu.memory_space<vmem_shared>>
      %dma_start3A_122 = arith.constant 0 : i32
      %dma_start3A_123 = arith.constant 0 : i32
      %dma_start3A_124 = tpu.memref_slice %arg21[%dma_start3A_122, %dma_start3A_123] : memref<48x144xf32, #tpu.memory_space<vmem>> -> memref<48x144xf32, #tpu.memory_space<vmem>>
      tpu.enqueue_dma source(%dma_start3A_124 : memref<48x144xf32, #tpu.memory_space<vmem>>) target(%dma_start3A_121 : memref<48x144xf32, #tpu.memory_space<vmem_shared>>) target_semaphore(%run_scoped3A : memref<!tpu.dma_semaphore, #tpu.memory_space<semaphore_mem>>)
      %dma_wait3A_125 = arith.constant 0 : i32
      %dma_wait3A_126 = arith.constant 0 : i32
      %dma_wait3A_127 = tpu.memref_slice %arg21[%dma_wait3A_125, %dma_wait3A_126] : memref<48x144xf32, #tpu.memory_space<vmem>> -> memref<48x144xf32, #tpu.memory_space<vmem>>
      %dma_wait3A_128 = arith.constant 0 : i32
      %dma_wait3A_129 = tpu.memref_slice %arg22[%add3A_27, %dma_wait3A_128] : memref<10016x144xf32, #tpu.memory_space<vmem_shared>> -> memref<48x144xf32, #tpu.memory_space<vmem_shared>>
      %dma_wait3A_130 = arith.constant 0 : i32
      %dma_wait3A_131 = tpu.memref_slice %arg22[%add3A_27, %dma_wait3A_130] : memref<10016x144xf32, #tpu.memory_space<vmem_shared>> -> memref<48x144xf32, #tpu.memory_space<vmem_shared>>
      %dma_wait3A_132 = arith.constant 0 : i32
      %dma_wait3A_133 = arith.constant 0 : i32
      %dma_wait3A_134 = tpu.memref_slice %arg21[%dma_wait3A_132, %dma_wait3A_133] : memref<48x144xf32, #tpu.memory_space<vmem>> -> memref<48x144xf32, #tpu.memory_space<vmem>>
      tpu.wait_dma2 semaphore(%run_scoped3A : memref<!tpu.dma_semaphore, #tpu.memory_space<semaphore_mem>>) src(%dma_wait3A_134 : memref<48x144xf32, #tpu.memory_space<vmem>>) dst(%dma_wait3A_131 : memref<48x144xf32, #tpu.memory_space<vmem_shared>>)
      tpu.yield
    }) : () -> ()
    %add3A_28 = arith.constant 480 : i32
    %add3A_29 = arith.addi %mul3A_7, %add3A_28 : i32
    "tpu.region"() ({
      %run_scoped3A = tpu.sem_alloc : memref<!tpu.dma_semaphore, #tpu.memory_space<semaphore_mem>>
      %dma_start3A_115 = arith.constant 0 : i32
      %dma_start3A_116 = arith.constant 0 : i32
      %dma_start3A_117 = tpu.memref_slice %arg21[%dma_start3A_115, %dma_start3A_116] : memref<48x144xf32, #tpu.memory_space<vmem>> -> memref<48x144xf32, #tpu.memory_space<vmem>>
      %dma_start3A_118 = arith.constant 0 : i32
      %dma_start3A_119 = tpu.memref_slice %arg22[%add3A_29, %dma_start3A_118] : memref<10016x144xf32, #tpu.memory_space<vmem_shared>> -> memref<48x144xf32, #tpu.memory_space<vmem_shared>>
      %dma_start3A_120 = arith.constant 0 : i32
      %dma_start3A_121 = tpu.memref_slice %arg22[%add3A_29, %dma_start3A_120] : memref<10016x144xf32, #tpu.memory_space<vmem_shared>> -> memref<48x144xf32, #tpu.memory_space<vmem_shared>>
      %dma_start3A_122 = arith.constant 0 : i32
      %dma_start3A_123 = arith.constant 0 : i32
      %dma_start3A_124 = tpu.memref_slice %arg21[%dma_start3A_122, %dma_start3A_123] : memref<48x144xf32, #tpu.memory_space<vmem>> -> memref<48x144xf32, #tpu.memory_space<vmem>>
      tpu.enqueue_dma source(%dma_start3A_124 : memref<48x144xf32, #tpu.memory_space<vmem>>) target(%dma_start3A_121 : memref<48x144xf32, #tpu.memory_space<vmem_shared>>) target_semaphore(%run_scoped3A : memref<!tpu.dma_semaphore, #tpu.memory_space<semaphore_mem>>)
      %dma_wait3A_125 = arith.constant 0 : i32
      %dma_wait3A_126 = arith.constant 0 : i32
      %dma_wait3A_127 = tpu.memref_slice %arg21[%dma_wait3A_125, %dma_wait3A_126] : memref<48x144xf32, #tpu.memory_space<vmem>> -> memref<48x144xf32, #tpu.memory_space<vmem>>
      %dma_wait3A_128 = arith.constant 0 : i32
      %dma_wait3A_129 = tpu.memref_slice %arg22[%add3A_29, %dma_wait3A_128] : memref<10016x144xf32, #tpu.memory_space<vmem_shared>> -> memref<48x144xf32, #tpu.memory_space<vmem_shared>>
      %dma_wait3A_130 = arith.constant 0 : i32
      %dma_wait3A_131 = tpu.memref_slice %arg22[%add3A_29, %dma_wait3A_130] : memref<10016x144xf32, #tpu.memory_space<vmem_shared>> -> memref<48x144xf32, #tpu.memory_space<vmem_shared>>
      %dma_wait3A_132 = arith.constant 0 : i32
      %dma_wait3A_133 = arith.constant 0 : i32
      %dma_wait3A_134 = tpu.memref_slice %arg21[%dma_wait3A_132, %dma_wait3A_133] : memref<48x144xf32, #tpu.memory_space<vmem>> -> memref<48x144xf32, #tpu.memory_space<vmem>>
      tpu.wait_dma2 semaphore(%run_scoped3A : memref<!tpu.dma_semaphore, #tpu.memory_space<semaphore_mem>>) src(%dma_wait3A_134 : memref<48x144xf32, #tpu.memory_space<vmem>>) dst(%dma_wait3A_131 : memref<48x144xf32, #tpu.memory_space<vmem_shared>>)
      tpu.yield
    }) : () -> ()
    %add3A_30 = arith.constant 528 : i32
    %add3A_31 = arith.addi %mul3A_7, %add3A_30 : i32
    "tpu.region"() ({
      %run_scoped3A = tpu.sem_alloc : memref<!tpu.dma_semaphore, #tpu.memory_space<semaphore_mem>>
      %dma_start3A_115 = arith.constant 0 : i32
      %dma_start3A_116 = arith.constant 0 : i32
      %dma_start3A_117 = tpu.memref_slice %arg21[%dma_start3A_115, %dma_start3A_116] : memref<48x144xf32, #tpu.memory_space<vmem>> -> memref<48x144xf32, #tpu.memory_space<vmem>>
      %dma_start3A_118 = arith.constant 0 : i32
      %dma_start3A_119 = tpu.memref_slice %arg22[%add3A_31, %dma_start3A_118] : memref<10016x144xf32, #tpu.memory_space<vmem_shared>> -> memref<48x144xf32, #tpu.memory_space<vmem_shared>>
      %dma_start3A_120 = arith.constant 0 : i32
      %dma_start3A_121 = tpu.memref_slice %arg22[%add3A_31, %dma_start3A_120] : memref<10016x144xf32, #tpu.memory_space<vmem_shared>> -> memref<48x144xf32, #tpu.memory_space<vmem_shared>>
      %dma_start3A_122 = arith.constant 0 : i32
      %dma_start3A_123 = arith.constant 0 : i32
      %dma_start3A_124 = tpu.memref_slice %arg21[%dma_start3A_122, %dma_start3A_123] : memref<48x144xf32, #tpu.memory_space<vmem>> -> memref<48x144xf32, #tpu.memory_space<vmem>>
      tpu.enqueue_dma source(%dma_start3A_124 : memref<48x144xf32, #tpu.memory_space<vmem>>) target(%dma_start3A_121 : memref<48x144xf32, #tpu.memory_space<vmem_shared>>) target_semaphore(%run_scoped3A : memref<!tpu.dma_semaphore, #tpu.memory_space<semaphore_mem>>)
      %dma_wait3A_125 = arith.constant 0 : i32
      %dma_wait3A_126 = arith.constant 0 : i32
      %dma_wait3A_127 = tpu.memref_slice %arg21[%dma_wait3A_125, %dma_wait3A_126] : memref<48x144xf32, #tpu.memory_space<vmem>> -> memref<48x144xf32, #tpu.memory_space<vmem>>
      %dma_wait3A_128 = arith.constant 0 : i32
      %dma_wait3A_129 = tpu.memref_slice %arg22[%add3A_31, %dma_wait3A_128] : memref<10016x144xf32, #tpu.memory_space<vmem_shared>> -> memref<48x144xf32, #tpu.memory_space<vmem_shared>>
      %dma_wait3A_130 = arith.constant 0 : i32
      %dma_wait3A_131 = tpu.memref_slice %arg22[%add3A_31, %dma_wait3A_130] : memref<10016x144xf32, #tpu.memory_space<vmem_shared>> -> memref<48x144xf32, #tpu.memory_space<vmem_shared>>
      %dma_wait3A_132 = arith.constant 0 : i32
      %dma_wait3A_133 = arith.constant 0 : i32
      %dma_wait3A_134 = tpu.memref_slice %arg21[%dma_wait3A_132, %dma_wait3A_133] : memref<48x144xf32, #tpu.memory_space<vmem>> -> memref<48x144xf32, #tpu.memory_space<vmem>>
      tpu.wait_dma2 semaphore(%run_scoped3A : memref<!tpu.dma_semaphore, #tpu.memory_space<semaphore_mem>>) src(%dma_wait3A_134 : memref<48x144xf32, #tpu.memory_space<vmem>>) dst(%dma_wait3A_131 : memref<48x144xf32, #tpu.memory_space<vmem_shared>>)
      tpu.yield
    }) : () -> ()
    %add3A_32 = arith.constant 576 : i32
    %add3A_33 = arith.addi %mul3A_7, %add3A_32 : i32
    "tpu.region"() ({
      %run_scoped3A = tpu.sem_alloc : memref<!tpu.dma_semaphore, #tpu.memory_space<semaphore_mem>>
      %dma_start3A_115 = arith.constant 0 : i32
      %dma_start3A_116 = arith.constant 0 : i32
      %dma_start3A_117 = tpu.memref_slice %arg21[%dma_start3A_115, %dma_start3A_116] : memref<48x144xf32, #tpu.memory_space<vmem>> -> memref<48x144xf32, #tpu.memory_space<vmem>>
      %dma_start3A_118 = arith.constant 0 : i32
      %dma_start3A_119 = tpu.memref_slice %arg22[%add3A_33, %dma_start3A_118] : memref<10016x144xf32, #tpu.memory_space<vmem_shared>> -> memref<48x144xf32, #tpu.memory_space<vmem_shared>>
      %dma_start3A_120 = arith.constant 0 : i32
      %dma_start3A_121 = tpu.memref_slice %arg22[%add3A_33, %dma_start3A_120] : memref<10016x144xf32, #tpu.memory_space<vmem_shared>> -> memref<48x144xf32, #tpu.memory_space<vmem_shared>>
      %dma_start3A_122 = arith.constant 0 : i32
      %dma_start3A_123 = arith.constant 0 : i32
      %dma_start3A_124 = tpu.memref_slice %arg21[%dma_start3A_122, %dma_start3A_123] : memref<48x144xf32, #tpu.memory_space<vmem>> -> memref<48x144xf32, #tpu.memory_space<vmem>>
      tpu.enqueue_dma source(%dma_start3A_124 : memref<48x144xf32, #tpu.memory_space<vmem>>) target(%dma_start3A_121 : memref<48x144xf32, #tpu.memory_space<vmem_shared>>) target_semaphore(%run_scoped3A : memref<!tpu.dma_semaphore, #tpu.memory_space<semaphore_mem>>)
      %dma_wait3A_125 = arith.constant 0 : i32
      %dma_wait3A_126 = arith.constant 0 : i32
      %dma_wait3A_127 = tpu.memref_slice %arg21[%dma_wait3A_125, %dma_wait3A_126] : memref<48x144xf32, #tpu.memory_space<vmem>> -> memref<48x144xf32, #tpu.memory_space<vmem>>
      %dma_wait3A_128 = arith.constant 0 : i32
      %dma_wait3A_129 = tpu.memref_slice %arg22[%add3A_33, %dma_wait3A_128] : memref<10016x144xf32, #tpu.memory_space<vmem_shared>> -> memref<48x144xf32, #tpu.memory_space<vmem_shared>>
      %dma_wait3A_130 = arith.constant 0 : i32
      %dma_wait3A_131 = tpu.memref_slice %arg22[%add3A_33, %dma_wait3A_130] : memref<10016x144xf32, #tpu.memory_space<vmem_shared>> -> memref<48x144xf32, #tpu.memory_space<vmem_shared>>
      %dma_wait3A_132 = arith.constant 0 : i32
      %dma_wait3A_133 = arith.constant 0 : i32
      %dma_wait3A_134 = tpu.memref_slice %arg21[%dma_wait3A_132, %dma_wait3A_133] : memref<48x144xf32, #tpu.memory_space<vmem>> -> memref<48x144xf32, #tpu.memory_space<vmem>>
      tpu.wait_dma2 semaphore(%run_scoped3A : memref<!tpu.dma_semaphore, #tpu.memory_space<semaphore_mem>>) src(%dma_wait3A_134 : memref<48x144xf32, #tpu.memory_space<vmem>>) dst(%dma_wait3A_131 : memref<48x144xf32, #tpu.memory_space<vmem_shared>>)
      tpu.yield
    }) : () -> ()
    %add3A_34 = arith.constant 624 : i32
    %add3A_35 = arith.addi %mul3A_7, %add3A_34 : i32
    "tpu.region"() ({
      %run_scoped3A = tpu.sem_alloc : memref<!tpu.dma_semaphore, #tpu.memory_space<semaphore_mem>>
      %dma_start3A_115 = arith.constant 0 : i32
      %dma_start3A_116 = arith.constant 0 : i32
      %dma_start3A_117 = tpu.memref_slice %arg21[%dma_start3A_115, %dma_start3A_116] : memref<48x144xf32, #tpu.memory_space<vmem>> -> memref<2x144xf32, #tpu.memory_space<vmem>>
      %dma_start3A_118 = arith.constant 0 : i32
      %dma_start3A_119 = tpu.memref_slice %arg22[%add3A_35, %dma_start3A_118] : memref<10016x144xf32, #tpu.memory_space<vmem_shared>> -> memref<2x144xf32, #tpu.memory_space<vmem_shared>>
      %dma_start3A_120 = arith.constant 0 : i32
      %dma_start3A_121 = tpu.memref_slice %arg22[%add3A_35, %dma_start3A_120] : memref<10016x144xf32, #tpu.memory_space<vmem_shared>> -> memref<2x144xf32, #tpu.memory_space<vmem_shared>>
      %dma_start3A_122 = arith.constant 0 : i32
      %dma_start3A_123 = arith.constant 0 : i32
      %dma_start3A_124 = tpu.memref_slice %arg21[%dma_start3A_122, %dma_start3A_123] : memref<48x144xf32, #tpu.memory_space<vmem>> -> memref<2x144xf32, #tpu.memory_space<vmem>>
      tpu.enqueue_dma source(%dma_start3A_124 : memref<2x144xf32, #tpu.memory_space<vmem>>) target(%dma_start3A_121 : memref<2x144xf32, #tpu.memory_space<vmem_shared>>) target_semaphore(%run_scoped3A : memref<!tpu.dma_semaphore, #tpu.memory_space<semaphore_mem>>)
      %dma_wait3A_125 = arith.constant 0 : i32
      %dma_wait3A_126 = arith.constant 0 : i32
      %dma_wait3A_127 = tpu.memref_slice %arg21[%dma_wait3A_125, %dma_wait3A_126] : memref<48x144xf32, #tpu.memory_space<vmem>> -> memref<2x144xf32, #tpu.memory_space<vmem>>
      %dma_wait3A_128 = arith.constant 0 : i32
      %dma_wait3A_129 = tpu.memref_slice %arg22[%add3A_35, %dma_wait3A_128] : memref<10016x144xf32, #tpu.memory_space<vmem_shared>> -> memref<2x144xf32, #tpu.memory_space<vmem_shared>>
      %dma_wait3A_130 = arith.constant 0 : i32
      %dma_wait3A_131 = tpu.memref_slice %arg22[%add3A_35, %dma_wait3A_130] : memref<10016x144xf32, #tpu.memory_space<vmem_shared>> -> memref<2x144xf32, #tpu.memory_space<vmem_shared>>
      %dma_wait3A_132 = arith.constant 0 : i32
      %dma_wait3A_133 = arith.constant 0 : i32
      %dma_wait3A_134 = tpu.memref_slice %arg21[%dma_wait3A_132, %dma_wait3A_133] : memref<48x144xf32, #tpu.memory_space<vmem>> -> memref<2x144xf32, #tpu.memory_space<vmem>>
      tpu.wait_dma2 semaphore(%run_scoped3A : memref<!tpu.dma_semaphore, #tpu.memory_space<semaphore_mem>>) src(%dma_wait3A_134 : memref<2x144xf32, #tpu.memory_space<vmem>>) dst(%dma_wait3A_131 : memref<2x144xf32, #tpu.memory_space<vmem_shared>>)
      tpu.yield
    }) : () -> ()
    %barrier3A = arith.constant 0 : index
    tpu.barrier barrier_id(%barrier3A)
    "tpu.region"() ({
      %run_scoped3A = tpu.sem_alloc : memref<!tpu.dma_semaphore, #tpu.memory_space<semaphore_mem>>
      tpu.enqueue_dma source(%arg4 : memref<1x16xf32, #tpu.memory_space<hbm>>) target(%arg18 : memref<1x16xf32, #tpu.memory_space<vmem>>) target_semaphore(%run_scoped3A : memref<!tpu.dma_semaphore, #tpu.memory_space<semaphore_mem>>)
      tpu.wait_dma2 semaphore(%run_scoped3A : memref<!tpu.dma_semaphore, #tpu.memory_space<semaphore_mem>>) src(%arg4 : memref<1x16xf32, #tpu.memory_space<hbm>>) dst(%arg18 : memref<1x16xf32, #tpu.memory_space<vmem>>)
      tpu.yield
    }) : () -> ()
    %get3A = arith.constant 0 : i32
    %get3A_36 = arith.index_cast %get3A : i32 to index
    %get3A_37 = arith.constant 0 : index
    %get3A_38 = tpu.vector_load %arg18[%get3A_36, %get3A_37] {strides = array<i32>} : memref<1x16xf32, #tpu.memory_space<vmem>>, vector<1x16xf32>,
    %get3A_39 = vector.shape_cast %get3A_38 : vector<1x16xf32> to vector<16xf32>
    %mul3A_40 = arith.constant 10368 : i32
    %mul3A_41 = arith.muli %add3A, %mul3A_40 : i32
    %add3A_42 = arith.constant 0 : i32
    %add3A_43 = arith.addi %mul3A_41, %add3A_42 : i32
    "tpu.region"() ({
      %run_scoped3A = tpu.sem_alloc : memref<!tpu.dma_semaphore, #tpu.memory_space<semaphore_mem>>
      %dma_start3A_115 = tpu.memref_slice %arg5[%add3A_43] : memref<331776xi32, #tpu.memory_space<hbm>> -> memref<48xi32, #tpu.memory_space<hbm>>
      %dma_start3A_116 = tpu.memref_slice %arg5[%add3A_43] : memref<331776xi32, #tpu.memory_space<hbm>> -> memref<48xi32, #tpu.memory_space<hbm>>
      tpu.enqueue_dma source(%dma_start3A_116 : memref<48xi32, #tpu.memory_space<hbm>>) target(%arg8 : memref<48xi32, #tpu.memory_space<vmem>>) target_semaphore(%run_scoped3A : memref<!tpu.dma_semaphore, #tpu.memory_space<semaphore_mem>>)
      %dma_wait3A_117 = tpu.memref_slice %arg5[%add3A_43] : memref<331776xi32, #tpu.memory_space<hbm>> -> memref<48xi32, #tpu.memory_space<hbm>>
      %dma_wait3A_118 = tpu.memref_slice %arg5[%add3A_43] : memref<331776xi32, #tpu.memory_space<hbm>> -> memref<48xi32, #tpu.memory_space<hbm>>
      tpu.wait_dma2 semaphore(%run_scoped3A : memref<!tpu.dma_semaphore, #tpu.memory_space<semaphore_mem>>) src(%dma_wait3A_118 : memref<48xi32, #tpu.memory_space<hbm>>) dst(%arg8 : memref<48xi32, #tpu.memory_space<vmem>>)
      tpu.yield
    }) : () -> ()
    "tpu.region"() ({
      %run_scoped3A = tpu.sem_alloc : memref<!tpu.dma_semaphore, #tpu.memory_space<semaphore_mem>>
      %dma_start3A_115 = tpu.memref_slice %arg6[%add3A_43] : memref<331776xi32, #tpu.memory_space<hbm>> -> memref<48xi32, #tpu.memory_space<hbm>>
      %dma_start3A_116 = tpu.memref_slice %arg6[%add3A_43] : memref<331776xi32, #tpu.memory_space<hbm>> -> memref<48xi32, #tpu.memory_space<hbm>>
      tpu.enqueue_dma source(%dma_start3A_116 : memref<48xi32, #tpu.memory_space<hbm>>) target(%arg10 : memref<48xi32, #tpu.memory_space<vmem>>) target_semaphore(%run_scoped3A : memref<!tpu.dma_semaphore, #tpu.memory_space<semaphore_mem>>)
      %dma_wait3A_117 = tpu.memref_slice %arg6[%add3A_43] : memref<331776xi32, #tpu.memory_space<hbm>> -> memref<48xi32, #tpu.memory_space<hbm>>
      %dma_wait3A_118 = tpu.memref_slice %arg6[%add3A_43] : memref<331776xi32, #tpu.memory_space<hbm>> -> memref<48xi32, #tpu.memory_space<hbm>>
      tpu.wait_dma2 semaphore(%run_scoped3A : memref<!tpu.dma_semaphore, #tpu.memory_space<semaphore_mem>>) src(%dma_wait3A_118 : memref<48xi32, #tpu.memory_space<hbm>>) dst(%arg10 : memref<48xi32, #tpu.memory_space<vmem>>)
      tpu.yield
    }) : () -> ()
    %dma_start3A = arith.constant 0 : i32
    %dma_start3A_44 = arith.constant 0 : i32
    %dma_start3A_45 = tpu.memref_slice %arg2[%dma_start3A, %dma_start3A_44] : memref<10000x144xf32, #tpu.memory_space<hbm>> -> memref<10000x144xf32, #tpu.memory_space<hbm>>
    tpu.enqueue_indirect_dma source(%dma_start3A_45 : memref<10000x144xf32, #tpu.memory_space<hbm>>) target(%arg14 : memref<48x144xf32, #tpu.memory_space<vmem>>) offsets(%arg8 : memref<48xi32, #tpu.memory_space<vmem>>) semaphore(%arg23 : memref<!tpu.dma_semaphore, #tpu.memory_space<semaphore_mem>>)
    %dma_start3A_46 = arith.constant 0 : i32
    %dma_start3A_47 = arith.constant 0 : i32
    %dma_start3A_48 = tpu.memref_slice %arg3[%dma_start3A_46, %dma_start3A_47] : memref<10016x16xf32, #tpu.memory_space<hbm>> -> memref<10016x16xf32, #tpu.memory_space<hbm>>
    tpu.enqueue_indirect_dma source(%dma_start3A_48 : memref<10016x16xf32, #tpu.memory_space<hbm>>) target(%arg16 : memref<48x16xf32, #tpu.memory_space<vmem>>) offsets(%arg10 : memref<48xi32, #tpu.memory_space<vmem>>) semaphore(%arg23 : memref<!tpu.dma_semaphore, #tpu.memory_space<semaphore_mem>>)
    %scan3A_49 = arith.constant 0 : i32
    %scan3A_50 = arith.constant 108 : i32
    %scan3A_51 = arith.addi %scan3A_49, %scan3A_50 : i32
    %scan3A_52 = arith.constant 1 : i32
    scf.for %scan3A_115 = %scan3A_49 to %scan3A_51 step %scan3A_52  : i32 {
      %mul3A_116 = arith.constant 1 : i32
      %mul3A_117 = arith.muli %scan3A_115, %mul3A_116 : i32
      %add3A_118 = arith.constant 0 : i32
      %add3A_119 = arith.addi %add3A_118, %mul3A_117 : i32
      %mul3A_120 = arith.constant 2 : i32
      %mul3A_121 = arith.muli %mul3A_120, %add3A_119 : i32
      %add3A_122 = arith.constant 0 : i32
      %add3A_123 = arith.addi %mul3A_121, %add3A_122 : i32
      %dma_wait3A_124 = arith.constant 0 : i32
      %dma_wait3A_125 = arith.constant 0 : i32
      %dma_wait3A_126 = tpu.memref_slice %arg2[%dma_wait3A_124, %dma_wait3A_125] : memref<10000x144xf32, #tpu.memory_space<hbm>> -> memref<10000x144xf32, #tpu.memory_space<hbm>>
      tpu.wait_indirect_dma semaphore(%arg23 : memref<!tpu.dma_semaphore, #tpu.memory_space<semaphore_mem>>) src(%dma_wait3A_126 : memref<10000x144xf32, #tpu.memory_space<hbm>>) dst(%arg14 : memref<48x144xf32, #tpu.memory_space<vmem>>)
      %dma_wait3A_127 = arith.constant 0 : i32
      %dma_wait3A_128 = arith.constant 0 : i32
      %dma_wait3A_129 = tpu.memref_slice %arg3[%dma_wait3A_127, %dma_wait3A_128] : memref<10016x16xf32, #tpu.memory_space<hbm>> -> memref<10016x16xf32, #tpu.memory_space<hbm>>
      tpu.wait_indirect_dma semaphore(%arg23 : memref<!tpu.dma_semaphore, #tpu.memory_space<semaphore_mem>>) src(%dma_wait3A_129 : memref<10016x16xf32, #tpu.memory_space<hbm>>) dst(%arg16 : memref<48x16xf32, #tpu.memory_space<vmem>>)
      %add3A_130 = arith.constant 1 : i32
      %add3A_131 = arith.addi %add3A_123, %add3A_130 : i32
      %lt3A = arith.constant 216 : i32
      %lt3A_132 = arith.cmpi slt, %add3A_131, %lt3A : i32
      %convert_element_type3A = arith.extui %lt3A_132 : i1 to i32
      %cond3A = arith.constant 0 : i32
      %cond3A_133 = arith.cmpi ne, %convert_element_type3A, %cond3A : i32
      scf.if %cond3A_133 {
        %add3A_184 = arith.constant 1 : i32
        %add3A_185 = arith.addi %add3A_123, %add3A_184 : i32
        %mul3A_186 = arith.constant 10368 : i32
        %mul3A_187 = arith.muli %add3A, %mul3A_186 : i32
        %mul3A_188 = arith.constant 48 : i32
        %mul3A_189 = arith.muli %add3A_185, %mul3A_188 : i32
        %add3A_190 = arith.addi %mul3A_187, %mul3A_189 : i32
        "tpu.region"() ({
          %run_scoped3A = tpu.sem_alloc : memref<!tpu.dma_semaphore, #tpu.memory_space<semaphore_mem>>
          %dma_start3A_197 = tpu.memref_slice %arg5[%add3A_190] : memref<331776xi32, #tpu.memory_space<hbm>> -> memref<48xi32, #tpu.memory_space<hbm>>
          %dma_start3A_198 = tpu.memref_slice %arg5[%add3A_190] : memref<331776xi32, #tpu.memory_space<hbm>> -> memref<48xi32, #tpu.memory_space<hbm>>
          tpu.enqueue_dma source(%dma_start3A_198 : memref<48xi32, #tpu.memory_space<hbm>>) target(%arg9 : memref<48xi32, #tpu.memory_space<vmem>>) target_semaphore(%run_scoped3A : memref<!tpu.dma_semaphore, #tpu.memory_space<semaphore_mem>>)
          %dma_wait3A_199 = tpu.memref_slice %arg5[%add3A_190] : memref<331776xi32, #tpu.memory_space<hbm>> -> memref<48xi32, #tpu.memory_space<hbm>>
          %dma_wait3A_200 = tpu.memref_slice %arg5[%add3A_190] : memref<331776xi32, #tpu.memory_space<hbm>> -> memref<48xi32, #tpu.memory_space<hbm>>
          tpu.wait_dma2 semaphore(%run_scoped3A : memref<!tpu.dma_semaphore, #tpu.memory_space<semaphore_mem>>) src(%dma_wait3A_200 : memref<48xi32, #tpu.memory_space<hbm>>) dst(%arg9 : memref<48xi32, #tpu.memory_space<vmem>>)
          tpu.yield
        }) : () -> ()
        "tpu.region"() ({
          %run_scoped3A = tpu.sem_alloc : memref<!tpu.dma_semaphore, #tpu.memory_space<semaphore_mem>>
          %dma_start3A_197 = tpu.memref_slice %arg6[%add3A_190] : memref<331776xi32, #tpu.memory_space<hbm>> -> memref<48xi32, #tpu.memory_space<hbm>>
          %dma_start3A_198 = tpu.memref_slice %arg6[%add3A_190] : memref<331776xi32, #tpu.memory_space<hbm>> -> memref<48xi32, #tpu.memory_space<hbm>>
          tpu.enqueue_dma source(%dma_start3A_198 : memref<48xi32, #tpu.memory_space<hbm>>) target(%arg11 : memref<48xi32, #tpu.memory_space<vmem>>) target_semaphore(%run_scoped3A : memref<!tpu.dma_semaphore, #tpu.memory_space<semaphore_mem>>)
          %dma_wait3A_199 = tpu.memref_slice %arg6[%add3A_190] : memref<331776xi32, #tpu.memory_space<hbm>> -> memref<48xi32, #tpu.memory_space<hbm>>
          %dma_wait3A_200 = tpu.memref_slice %arg6[%add3A_190] : memref<331776xi32, #tpu.memory_space<hbm>> -> memref<48xi32, #tpu.memory_space<hbm>>
          tpu.wait_dma2 semaphore(%run_scoped3A : memref<!tpu.dma_semaphore, #tpu.memory_space<semaphore_mem>>) src(%dma_wait3A_200 : memref<48xi32, #tpu.memory_space<hbm>>) dst(%arg11 : memref<48xi32, #tpu.memory_space<vmem>>)
          tpu.yield
        }) : () -> ()
        %dma_start3A_191 = arith.constant 0 : i32
        %dma_start3A_192 = arith.constant 0 : i32
        %dma_start3A_193 = tpu.memref_slice %arg2[%dma_start3A_191, %dma_start3A_192] : memref<10000x144xf32, #tpu.memory_space<hbm>> -> memref<10000x144xf32, #tpu.memory_space<hbm>>
        tpu.enqueue_indirect_dma source(%dma_start3A_193 : memref<10000x144xf32, #tpu.memory_space<hbm>>) target(%arg15 : memref<48x144xf32, #tpu.memory_space<vmem>>) offsets(%arg9 : memref<48xi32, #tpu.memory_space<vmem>>) semaphore(%arg24 : memref<!tpu.dma_semaphore, #tpu.memory_space<semaphore_mem>>)
        %dma_start3A_194 = arith.constant 0 : i32
        %dma_start3A_195 = arith.constant 0 : i32
        %dma_start3A_196 = tpu.memref_slice %arg3[%dma_start3A_194, %dma_start3A_195] : memref<10016x16xf32, #tpu.memory_space<hbm>> -> memref<10016x16xf32, #tpu.memory_space<hbm>>
        tpu.enqueue_indirect_dma source(%dma_start3A_196 : memref<10016x16xf32, #tpu.memory_space<hbm>>) target(%arg17 : memref<48x16xf32, #tpu.memory_space<vmem>>) offsets(%arg11 : memref<48xi32, #tpu.memory_space<vmem>>) semaphore(%arg24 : memref<!tpu.dma_semaphore, #tpu.memory_space<semaphore_mem>>)
      } else {
      }
      %ge3A = arith.constant 1 : i32
      %ge3A_134 = arith.cmpi sge, %add3A_123, %ge3A : i32
      %convert_element_type3A_135 = arith.extui %ge3A_134 : i1 to i32
      %cond3A_136 = arith.constant 0 : i32
      %cond3A_137 = arith.cmpi ne, %convert_element_type3A_135, %cond3A_136 : i32
      scf.if %cond3A_137 {
        %dma_wait3A_184 = arith.constant 0 : i32
        %dma_wait3A_185 = arith.constant 0 : i32
        %dma_wait3A_186 = tpu.memref_slice %arg22[%dma_wait3A_184, %dma_wait3A_185] : memref<10016x144xf32, #tpu.memory_space<vmem_shared>> -> memref<10016x144xf32, #tpu.memory_space<vmem_shared>>
        tpu.wait_indirect_dma semaphore(%arg26 : memref<!tpu.dma_semaphore, #tpu.memory_space<semaphore_mem>>) src(%arg20 : memref<48x144xf32, #tpu.memory_space<vmem>>) dst(%dma_wait3A_186 : memref<10016x144xf32, #tpu.memory_space<vmem_shared>>)
      } else {
      }
      %scan3A_138 = arith.constant 0 : i32
      %scan3A_139 = arith.constant 48 : i32
      %scan3A_140 = arith.addi %scan3A_138, %scan3A_139 : i32
      %scan3A_141 = arith.constant 1 : i32
      scf.for %scan3A_184 = %scan3A_138 to %scan3A_140 step %scan3A_141  : i32 {
        %mul3A_185 = arith.constant 1 : i32
        %mul3A_186 = arith.muli %scan3A_184, %mul3A_185 : i32
        %add3A_187 = arith.constant 0 : i32
        %add3A_188 = arith.addi %add3A_187, %mul3A_186 : i32
        %get3A_189 = arith.index_cast %add3A_188 : i32 to index
        %get3A_190 = arith.constant 128 : index
        %get3A_191 = tpu.vector_load %arg14[%get3A_189, %get3A_190] {strides = array<i32>} : memref<48x144xf32, #tpu.memory_space<vmem>>, vector<1x16xf32>,
        %get3A_192 = vector.shape_cast %get3A_191 : vector<1x16xf32> to vector<16xf32>
        %get3A_193 = arith.index_cast %add3A_188 : i32 to index
        %get3A_194 = arith.constant 0 : index
        %get3A_195 = tpu.vector_load %arg16[%get3A_193, %get3A_194] {strides = array<i32>} : memref<48x16xf32, #tpu.memory_space<vmem>>, vector<1x16xf32>,
        %get3A_196 = vector.shape_cast %get3A_195 : vector<1x16xf32> to vector<16xf32>
        %add3A_197 = arith.addf %get3A_39, %get3A_196 : vector<16xf32>
        %mul3A_198 = arith.constant 2.000000e-01 : f32
        %mul3A_199 = vector.broadcast %mul3A_198 : f32 to vector<16xf32>
        %mul3A_200 = arith.mulf %add3A_197, %mul3A_199 : vector<16xf32>
        %max3A = arith.maximumf %add3A_197, %mul3A_200 : vector<16xf32>
        %add3A_201 = arith.addf %get3A_192, %get3A_196 : vector<16xf32>
        %mul3A_202 = arith.constant 2.000000e-01 : f32
        %mul3A_203 = vector.broadcast %mul3A_202 : f32 to vector<16xf32>
        %mul3A_204 = arith.mulf %add3A_201, %mul3A_203 : vector<16xf32>
        %max3A_205 = arith.maximumf %add3A_201, %mul3A_204 : vector<16xf32>
        %sub3A = arith.subf %max3A_205, %max3A : vector<16xf32>
        %exp3A = math.exp %sub3A : vector<16xf32>
        %swap3A = arith.index_cast %add3A_188 : i32 to index
        %swap3A_206 = arith.constant 128 : index
        %swap3A_207 = tpu.vector_load %arg19[%swap3A, %swap3A_206] {strides = array<i32>} : memref<48x144xf32, #tpu.memory_space<vmem>>, vector<1x16xf32>,
        %swap3A_208 = vector.shape_cast %swap3A_207 : vector<1x16xf32> to vector<16xf32>
        %swap3A_209 = vector.shape_cast %exp3A : vector<16xf32> to vector<1x16xf32>
        tpu.vector_store %arg19[%swap3A, %swap3A_206], %swap3A_209 {strides = array<i32>} : memref<48x144xf32, #tpu.memory_space<vmem>>, vector<1x16xf32>,
        %slice3A = vector.extract_strided_slice %exp3A {offsets = [0], sizes = [1], strides = [1]} : vector<16xf32> to vector<1xf32>
        %squeeze3A = vector.extract %slice3A[0] : f32 from vector<1xf32>
        %broadcast_in_dim3A_210 = vector.broadcast %squeeze3A : f32 to vector<16xf32>
        %slice3A_211 = vector.extract_strided_slice %exp3A {offsets = [0], sizes = [1], strides = [1]} : vector<16xf32> to vector<1xf32>
        %squeeze3A_212 = vector.extract %slice3A_211[0] : f32 from vector<1xf32>
        %broadcast_in_dim3A_213 = vector.broadcast %squeeze3A_212 : f32 to vector<16xf32>
        %get3A_214 = arith.index_cast %add3A_188 : i32 to index
        %get3A_215 = arith.constant 0 : index
        %get3A_216 = tpu.vector_load %arg14[%get3A_214, %get3A_215] {strides = array<i32>} : memref<48x144xf32, #tpu.memory_space<vmem>>, vector<1x16xf32>,
        %get3A_217 = vector.shape_cast %get3A_216 : vector<1x16xf32> to vector<16xf32>
        %mul3A_218 = arith.mulf %get3A_217, %broadcast_in_dim3A_213 : vector<16xf32>
        %swap3A_219 = arith.index_cast %add3A_188 : i32 to index
        %swap3A_220 = arith.constant 0 : index
        %swap3A_221 = tpu.vector_load %arg19[%swap3A_219, %swap3A_220] {strides = array<i32>} : memref<48x144xf32, #tpu.memory_space<vmem>>, vector<1x16xf32>,
        %swap3A_222 = vector.shape_cast %swap3A_221 : vector<1x16xf32> to vector<16xf32>
        %swap3A_223 = vector.shape_cast %mul3A_218 : vector<16xf32> to vector<1x16xf32>
        tpu.vector_store %arg19[%swap3A_219, %swap3A_220], %swap3A_223 {strides = array<i32>} : memref<48x144xf32, #tpu.memory_space<vmem>>, vector<1x16xf32>,
        %slice3A_224 = vector.extract_strided_slice %exp3A {offsets = [1], sizes = [1], strides = [1]} : vector<16xf32> to vector<1xf32>
        %squeeze3A_225 = vector.extract %slice3A_224[0] : f32 from vector<1xf32>
        %broadcast_in_dim3A_226 = vector.broadcast %squeeze3A_225 : f32 to vector<16xf32>
        %get3A_227 = arith.index_cast %add3A_188 : i32 to index
        %get3A_228 = arith.constant 16 : index
        %get3A_229 = tpu.vector_load %arg14[%get3A_227, %get3A_228] {strides = array<i32>} : memref<48x144xf32, #tpu.memory_space<vmem>>, vector<1x16xf32>,
        %get3A_230 = vector.shape_cast %get3A_229 : vector<1x16xf32> to vector<16xf32>
        %mul3A_231 = arith.mulf %get3A_230, %broadcast_in_dim3A_226 : vector<16xf32>
        %swap3A_232 = arith.index_cast %add3A_188 : i32 to index
        %swap3A_233 = arith.constant 16 : index
        %swap3A_234 = tpu.vector_load %arg19[%swap3A_232, %swap3A_233] {strides = array<i32>} : memref<48x144xf32, #tpu.memory_space<vmem>>, vector<1x16xf32>,
        %swap3A_235 = vector.shape_cast %swap3A_234 : vector<1x16xf32> to vector<16xf32>
        %swap3A_236 = vector.shape_cast %mul3A_231 : vector<16xf32> to vector<1x16xf32>
        tpu.vector_store %arg19[%swap3A_232, %swap3A_233], %swap3A_236 {strides = array<i32>} : memref<48x144xf32, #tpu.memory_space<vmem>>, vector<1x16xf32>,
        %slice3A_237 = vector.extract_strided_slice %exp3A {offsets = [2], sizes = [1], strides = [1]} : vector<16xf32> to vector<1xf32>
        %squeeze3A_238 = vector.extract %slice3A_237[0] : f32 from vector<1xf32>
        %broadcast_in_dim3A_239 = vector.broadcast %squeeze3A_238 : f32 to vector<16xf32>
        %get3A_240 = arith.index_cast %add3A_188 : i32 to index
        %get3A_241 = arith.constant 32 : index
        %get3A_242 = tpu.vector_load %arg14[%get3A_240, %get3A_241] {strides = array<i32>} : memref<48x144xf32, #tpu.memory_space<vmem>>, vector<1x16xf32>,
        %get3A_243 = vector.shape_cast %get3A_242 : vector<1x16xf32> to vector<16xf32>
        %mul3A_244 = arith.mulf %get3A_243, %broadcast_in_dim3A_239 : vector<16xf32>
        %swap3A_245 = arith.index_cast %add3A_188 : i32 to index
        %swap3A_246 = arith.constant 32 : index
        %swap3A_247 = tpu.vector_load %arg19[%swap3A_245, %swap3A_246] {strides = array<i32>} : memref<48x144xf32, #tpu.memory_space<vmem>>, vector<1x16xf32>,
        %swap3A_248 = vector.shape_cast %swap3A_247 : vector<1x16xf32> to vector<16xf32>
        %swap3A_249 = vector.shape_cast %mul3A_244 : vector<16xf32> to vector<1x16xf32>
        tpu.vector_store %arg19[%swap3A_245, %swap3A_246], %swap3A_249 {strides = array<i32>} : memref<48x144xf32, #tpu.memory_space<vmem>>, vector<1x16xf32>,
        %slice3A_250 = vector.extract_strided_slice %exp3A {offsets = [3], sizes = [1], strides = [1]} : vector<16xf32> to vector<1xf32>
        %squeeze3A_251 = vector.extract %slice3A_250[0] : f32 from vector<1xf32>
        %broadcast_in_dim3A_252 = vector.broadcast %squeeze3A_251 : f32 to vector<16xf32>
        %get3A_253 = arith.index_cast %add3A_188 : i32 to index
        %get3A_254 = arith.constant 48 : index
        %get3A_255 = tpu.vector_load %arg14[%get3A_253, %get3A_254] {strides = array<i32>} : memref<48x144xf32, #tpu.memory_space<vmem>>, vector<1x16xf32>,
        %get3A_256 = vector.shape_cast %get3A_255 : vector<1x16xf32> to vector<16xf32>
        %mul3A_257 = arith.mulf %get3A_256, %broadcast_in_dim3A_252 : vector<16xf32>
        %swap3A_258 = arith.index_cast %add3A_188 : i32 to index
        %swap3A_259 = arith.constant 48 : index
        %swap3A_260 = tpu.vector_load %arg19[%swap3A_258, %swap3A_259] {strides = array<i32>} : memref<48x144xf32, #tpu.memory_space<vmem>>, vector<1x16xf32>,
        %swap3A_261 = vector.shape_cast %swap3A_260 : vector<1x16xf32> to vector<16xf32>
        %swap3A_262 = vector.shape_cast %mul3A_257 : vector<16xf32> to vector<1x16xf32>
        tpu.vector_store %arg19[%swap3A_258, %swap3A_259], %swap3A_262 {strides = array<i32>} : memref<48x144xf32, #tpu.memory_space<vmem>>, vector<1x16xf32>,
        %slice3A_263 = vector.extract_strided_slice %exp3A {offsets = [4], sizes = [1], strides = [1]} : vector<16xf32> to vector<1xf32>
        %squeeze3A_264 = vector.extract %slice3A_263[0] : f32 from vector<1xf32>
        %broadcast_in_dim3A_265 = vector.broadcast %squeeze3A_264 : f32 to vector<16xf32>
        %get3A_266 = arith.index_cast %add3A_188 : i32 to index
        %get3A_267 = arith.constant 64 : index
        %get3A_268 = tpu.vector_load %arg14[%get3A_266, %get3A_267] {strides = array<i32>} : memref<48x144xf32, #tpu.memory_space<vmem>>, vector<1x16xf32>,
        %get3A_269 = vector.shape_cast %get3A_268 : vector<1x16xf32> to vector<16xf32>
        %mul3A_270 = arith.mulf %get3A_269, %broadcast_in_dim3A_265 : vector<16xf32>
        %swap3A_271 = arith.index_cast %add3A_188 : i32 to index
        %swap3A_272 = arith.constant 64 : index
        %swap3A_273 = tpu.vector_load %arg19[%swap3A_271, %swap3A_272] {strides = array<i32>} : memref<48x144xf32, #tpu.memory_space<vmem>>, vector<1x16xf32>,
        %swap3A_274 = vector.shape_cast %swap3A_273 : vector<1x16xf32> to vector<16xf32>
        %swap3A_275 = vector.shape_cast %mul3A_270 : vector<16xf32> to vector<1x16xf32>
        tpu.vector_store %arg19[%swap3A_271, %swap3A_272], %swap3A_275 {strides = array<i32>} : memref<48x144xf32, #tpu.memory_space<vmem>>, vector<1x16xf32>,
        %slice3A_276 = vector.extract_strided_slice %exp3A {offsets = [5], sizes = [1], strides = [1]} : vector<16xf32> to vector<1xf32>
        %squeeze3A_277 = vector.extract %slice3A_276[0] : f32 from vector<1xf32>
        %broadcast_in_dim3A_278 = vector.broadcast %squeeze3A_277 : f32 to vector<16xf32>
        %get3A_279 = arith.index_cast %add3A_188 : i32 to index
        %get3A_280 = arith.constant 80 : index
        %get3A_281 = tpu.vector_load %arg14[%get3A_279, %get3A_280] {strides = array<i32>} : memref<48x144xf32, #tpu.memory_space<vmem>>, vector<1x16xf32>,
        %get3A_282 = vector.shape_cast %get3A_281 : vector<1x16xf32> to vector<16xf32>
        %mul3A_283 = arith.mulf %get3A_282, %broadcast_in_dim3A_278 : vector<16xf32>
        %swap3A_284 = arith.index_cast %add3A_188 : i32 to index
        %swap3A_285 = arith.constant 80 : index
        %swap3A_286 = tpu.vector_load %arg19[%swap3A_284, %swap3A_285] {strides = array<i32>} : memref<48x144xf32, #tpu.memory_space<vmem>>, vector<1x16xf32>,
        %swap3A_287 = vector.shape_cast %swap3A_286 : vector<1x16xf32> to vector<16xf32>
        %swap3A_288 = vector.shape_cast %mul3A_283 : vector<16xf32> to vector<1x16xf32>
        tpu.vector_store %arg19[%swap3A_284, %swap3A_285], %swap3A_288 {strides = array<i32>} : memref<48x144xf32, #tpu.memory_space<vmem>>, vector<1x16xf32>,
        %slice3A_289 = vector.extract_strided_slice %exp3A {offsets = [6], sizes = [1], strides = [1]} : vector<16xf32> to vector<1xf32>
        %squeeze3A_290 = vector.extract %slice3A_289[0] : f32 from vector<1xf32>
        %broadcast_in_dim3A_291 = vector.broadcast %squeeze3A_290 : f32 to vector<16xf32>
        %get3A_292 = arith.index_cast %add3A_188 : i32 to index
        %get3A_293 = arith.constant 96 : index
        %get3A_294 = tpu.vector_load %arg14[%get3A_292, %get3A_293] {strides = array<i32>} : memref<48x144xf32, #tpu.memory_space<vmem>>, vector<1x16xf32>,
        %get3A_295 = vector.shape_cast %get3A_294 : vector<1x16xf32> to vector<16xf32>
        %mul3A_296 = arith.mulf %get3A_295, %broadcast_in_dim3A_291 : vector<16xf32>
        %swap3A_297 = arith.index_cast %add3A_188 : i32 to index
        %swap3A_298 = arith.constant 96 : index
        %swap3A_299 = tpu.vector_load %arg19[%swap3A_297, %swap3A_298] {strides = array<i32>} : memref<48x144xf32, #tpu.memory_space<vmem>>, vector<1x16xf32>,
        %swap3A_300 = vector.shape_cast %swap3A_299 : vector<1x16xf32> to vector<16xf32>
        %swap3A_301 = vector.shape_cast %mul3A_296 : vector<16xf32> to vector<1x16xf32>
        tpu.vector_store %arg19[%swap3A_297, %swap3A_298], %swap3A_301 {strides = array<i32>} : memref<48x144xf32, #tpu.memory_space<vmem>>, vector<1x16xf32>,
        %slice3A_302 = vector.extract_strided_slice %exp3A {offsets = [7], sizes = [1], strides = [1]} : vector<16xf32> to vector<1xf32>
        %squeeze3A_303 = vector.extract %slice3A_302[0] : f32 from vector<1xf32>
        %broadcast_in_dim3A_304 = vector.broadcast %squeeze3A_303 : f32 to vector<16xf32>
        %get3A_305 = arith.index_cast %add3A_188 : i32 to index
        %get3A_306 = arith.constant 112 : index
        %get3A_307 = tpu.vector_load %arg14[%get3A_305, %get3A_306] {strides = array<i32>} : memref<48x144xf32, #tpu.memory_space<vmem>>, vector<1x16xf32>,
        %get3A_308 = vector.shape_cast %get3A_307 : vector<1x16xf32> to vector<16xf32>
        %mul3A_309 = arith.mulf %get3A_308, %broadcast_in_dim3A_304 : vector<16xf32>
        %swap3A_310 = arith.index_cast %add3A_188 : i32 to index
        %swap3A_311 = arith.constant 112 : index
        %swap3A_312 = tpu.vector_load %arg19[%swap3A_310, %swap3A_311] {strides = array<i32>} : memref<48x144xf32, #tpu.memory_space<vmem>>, vector<1x16xf32>,
        %swap3A_313 = vector.shape_cast %swap3A_312 : vector<1x16xf32> to vector<16xf32>
        %swap3A_314 = vector.shape_cast %mul3A_309 : vector<16xf32> to vector<1x16xf32>
        tpu.vector_store %arg19[%swap3A_310, %swap3A_311], %swap3A_314 {strides = array<i32>} : memref<48x144xf32, #tpu.memory_space<vmem>>, vector<1x16xf32>,
      }
      %scan3A_142 = arith.constant 48 : i32
      %scan3A_143 = arith.constant 0 : i32
      %scan3A_144 = arith.constant 3 : i32
      %scan3A_145 = arith.addi %scan3A_143, %scan3A_144 : i32
      %scan3A_146 = arith.constant 1 : i32
      scf.for %scan3A_184 = %scan3A_143 to %scan3A_145 step %scan3A_146  : i32 {
        %mul3A_185 = arith.constant 1 : i32
        %mul3A_186 = arith.muli %scan3A_184, %mul3A_185 : i32
        %add3A_187 = arith.constant 0 : i32
        %add3A_188 = arith.addi %add3A_187, %mul3A_186 : i32
        %mul3A_189 = arith.constant 16 : i32
        %mul3A_190 = arith.muli %add3A_188, %mul3A_189 : i32
        %get3A_191 = arith.index_cast %mul3A_190 : i32 to index
        %get3A_192 = tpu.vector_load %arg10[%get3A_191] {strides = array<i32>} : memref<48xi32, #tpu.memory_space<vmem>>, vector<16xi32>,
        %get3A_193 = vector.shape_cast %get3A_192 : vector<16xi32> to vector<16xi32>
        %mul3A_194 = arith.constant 16 : i32
        %mul3A_195 = arith.muli %add3A_188, %mul3A_194 : i32
        %swap3A = arith.index_cast %mul3A_195 : i32 to index
        %swap3A_196 = tpu.vector_load %arg12[%swap3A] {strides = array<i32>} : memref<48xi32, #tpu.memory_space<vmem>>, vector<16xi32>,
        %swap3A_197 = vector.shape_cast %swap3A_196 : vector<16xi32> to vector<16xi32>
        %swap3A_198 = vector.shape_cast %get3A_193 : vector<16xi32> to vector<16xi32>
        tpu.vector_store %arg12[%swap3A], %swap3A_198 {strides = array<i32>} : memref<48xi32, #tpu.memory_space<vmem>>, vector<16xi32>,
      }
      %scan3A_147 = arith.constant 3 : i32
      %dma_start3A_148 = arith.constant 0 : i32
      %dma_start3A_149 = arith.constant 0 : i32
      %dma_start3A_150 = tpu.memref_slice %arg22[%dma_start3A_148, %dma_start3A_149] : memref<10016x144xf32, #tpu.memory_space<vmem_shared>> -> memref<10016x144xf32, #tpu.memory_space<vmem_shared>>
      tpu.enqueue_indirect_dma source(%arg19 : memref<48x144xf32, #tpu.memory_space<vmem>>) target(%dma_start3A_150 : memref<10016x144xf32, #tpu.memory_space<vmem_shared>>) offsets(%arg12 : memref<48xi32, #tpu.memory_space<vmem>>) semaphore(%arg25 : memref<!tpu.dma_semaphore, #tpu.memory_space<semaphore_mem>>) {add = true}
      %mul3A_151 = arith.constant 2 : i32
      %mul3A_152 = arith.muli %mul3A_151, %add3A_119 : i32
      %add3A_153 = arith.constant 1 : i32
      %add3A_154 = arith.addi %mul3A_152, %add3A_153 : i32
      %dma_wait3A_155 = arith.constant 0 : i32
      %dma_wait3A_156 = arith.constant 0 : i32
      %dma_wait3A_157 = tpu.memref_slice %arg2[%dma_wait3A_155, %dma_wait3A_156] : memref<10000x144xf32, #tpu.memory_space<hbm>> -> memref<10000x144xf32, #tpu.memory_space<hbm>>
      tpu.wait_indirect_dma semaphore(%arg24 : memref<!tpu.dma_semaphore, #tpu.memory_space<semaphore_mem>>) src(%dma_wait3A_157 : memref<10000x144xf32, #tpu.memory_space<hbm>>) dst(%arg15 : memref<48x144xf32, #tpu.memory_space<vmem>>)
      %dma_wait3A_158 = arith.constant 0 : i32
      %dma_wait3A_159 = arith.constant 0 : i32
      %dma_wait3A_160 = tpu.memref_slice %arg3[%dma_wait3A_158, %dma_wait3A_159] : memref<10016x16xf32, #tpu.memory_space<hbm>> -> memref<10016x16xf32, #tpu.memory_space<hbm>>
      tpu.wait_indirect_dma semaphore(%arg24 : memref<!tpu.dma_semaphore, #tpu.memory_space<semaphore_mem>>) src(%dma_wait3A_160 : memref<10016x16xf32, #tpu.memory_space<hbm>>) dst(%arg17 : memref<48x16xf32, #tpu.memory_space<vmem>>)
      %add3A_161 = arith.constant 1 : i32
      %add3A_162 = arith.addi %add3A_154, %add3A_161 : i32
      %lt3A_163 = arith.constant 216 : i32
      %lt3A_164 = arith.cmpi slt, %add3A_162, %lt3A_163 : i32
      %convert_element_type3A_165 = arith.extui %lt3A_164 : i1 to i32
      %cond3A_166 = arith.constant 0 : i32
      %cond3A_167 = arith.cmpi ne, %convert_element_type3A_165, %cond3A_166 : i32
      scf.if %cond3A_167 {
        %add3A_184 = arith.constant 1 : i32
        %add3A_185 = arith.addi %add3A_154, %add3A_184 : i32
        %mul3A_186 = arith.constant 10368 : i32
        %mul3A_187 = arith.muli %add3A, %mul3A_186 : i32
        %mul3A_188 = arith.constant 48 : i32
        %mul3A_189 = arith.muli %add3A_185, %mul3A_188 : i32
        %add3A_190 = arith.addi %mul3A_187, %mul3A_189 : i32
        "tpu.region"() ({
          %run_scoped3A = tpu.sem_alloc : memref<!tpu.dma_semaphore, #tpu.memory_space<semaphore_mem>>
          %dma_start3A_197 = tpu.memref_slice %arg5[%add3A_190] : memref<331776xi32, #tpu.memory_space<hbm>> -> memref<48xi32, #tpu.memory_space<hbm>>
          %dma_start3A_198 = tpu.memref_slice %arg5[%add3A_190] : memref<331776xi32, #tpu.memory_space<hbm>> -> memref<48xi32, #tpu.memory_space<hbm>>
          tpu.enqueue_dma source(%dma_start3A_198 : memref<48xi32, #tpu.memory_space<hbm>>) target(%arg8 : memref<48xi32, #tpu.memory_space<vmem>>) target_semaphore(%run_scoped3A : memref<!tpu.dma_semaphore, #tpu.memory_space<semaphore_mem>>)
          %dma_wait3A_199 = tpu.memref_slice %arg5[%add3A_190] : memref<331776xi32, #tpu.memory_space<hbm>> -> memref<48xi32, #tpu.memory_space<hbm>>
          %dma_wait3A_200 = tpu.memref_slice %arg5[%add3A_190] : memref<331776xi32, #tpu.memory_space<hbm>> -> memref<48xi32, #tpu.memory_space<hbm>>
          tpu.wait_dma2 semaphore(%run_scoped3A : memref<!tpu.dma_semaphore, #tpu.memory_space<semaphore_mem>>) src(%dma_wait3A_200 : memref<48xi32, #tpu.memory_space<hbm>>) dst(%arg8 : memref<48xi32, #tpu.memory_space<vmem>>)
          tpu.yield
        }) : () -> ()
        "tpu.region"() ({
          %run_scoped3A = tpu.sem_alloc : memref<!tpu.dma_semaphore, #tpu.memory_space<semaphore_mem>>
          %dma_start3A_197 = tpu.memref_slice %arg6[%add3A_190] : memref<331776xi32, #tpu.memory_space<hbm>> -> memref<48xi32, #tpu.memory_space<hbm>>
          %dma_start3A_198 = tpu.memref_slice %arg6[%add3A_190] : memref<331776xi32, #tpu.memory_space<hbm>> -> memref<48xi32, #tpu.memory_space<hbm>>
          tpu.enqueue_dma source(%dma_start3A_198 : memref<48xi32, #tpu.memory_space<hbm>>) target(%arg10 : memref<48xi32, #tpu.memory_space<vmem>>) target_semaphore(%run_scoped3A : memref<!tpu.dma_semaphore, #tpu.memory_space<semaphore_mem>>)
          %dma_wait3A_199 = tpu.memref_slice %arg6[%add3A_190] : memref<331776xi32, #tpu.memory_space<hbm>> -> memref<48xi32, #tpu.memory_space<hbm>>
          %dma_wait3A_200 = tpu.memref_slice %arg6[%add3A_190] : memref<331776xi32, #tpu.memory_space<hbm>> -> memref<48xi32, #tpu.memory_space<hbm>>
          tpu.wait_dma2 semaphore(%run_scoped3A : memref<!tpu.dma_semaphore, #tpu.memory_space<semaphore_mem>>) src(%dma_wait3A_200 : memref<48xi32, #tpu.memory_space<hbm>>) dst(%arg10 : memref<48xi32, #tpu.memory_space<vmem>>)
          tpu.yield
        }) : () -> ()
        %dma_start3A_191 = arith.constant 0 : i32
        %dma_start3A_192 = arith.constant 0 : i32
        %dma_start3A_193 = tpu.memref_slice %arg2[%dma_start3A_191, %dma_start3A_192] : memref<10000x144xf32, #tpu.memory_space<hbm>> -> memref<10000x144xf32, #tpu.memory_space<hbm>>
        tpu.enqueue_indirect_dma source(%dma_start3A_193 : memref<10000x144xf32, #tpu.memory_space<hbm>>) target(%arg14 : memref<48x144xf32, #tpu.memory_space<vmem>>) offsets(%arg8 : memref<48xi32, #tpu.memory_space<vmem>>) semaphore(%arg23 : memref<!tpu.dma_semaphore, #tpu.memory_space<semaphore_mem>>)
        %dma_start3A_194 = arith.constant 0 : i32
        %dma_start3A_195 = arith.constant 0 : i32
        %dma_start3A_196 = tpu.memref_slice %arg3[%dma_start3A_194, %dma_start3A_195] : memref<10016x16xf32, #tpu.memory_space<hbm>> -> memref<10016x16xf32, #tpu.memory_space<hbm>>
        tpu.enqueue_indirect_dma source(%dma_start3A_196 : memref<10016x16xf32, #tpu.memory_space<hbm>>) target(%arg16 : memref<48x16xf32, #tpu.memory_space<vmem>>) offsets(%arg10 : memref<48xi32, #tpu.memory_space<vmem>>) semaphore(%arg23 : memref<!tpu.dma_semaphore, #tpu.memory_space<semaphore_mem>>)
      } else {
      }
      %dma_wait3A_168 = arith.constant 0 : i32
      %dma_wait3A_169 = arith.constant 0 : i32
      %dma_wait3A_170 = tpu.memref_slice %arg22[%dma_wait3A_168, %dma_wait3A_169] : memref<10016x144xf32, #tpu.memory_space<vmem_shared>> -> memref<10016x144xf32, #tpu.memory_space<vmem_shared>>
      tpu.wait_indirect_dma semaphore(%arg25 : memref<!tpu.dma_semaphore, #tpu.memory_space<semaphore_mem>>) src(%arg19 : memref<48x144xf32, #tpu.memory_space<vmem>>) dst(%dma_wait3A_170 : memref<10016x144xf32, #tpu.memory_space<vmem_shared>>)
      %scan3A_171 = arith.constant 0 : i32
      %scan3A_172 = arith.constant 48 : i32
      %scan3A_173 = arith.addi %scan3A_171, %scan3A_172 : i32
      %scan3A_174 = arith.constant 1 : i32
      scf.for %scan3A_184 = %scan3A_171 to %scan3A_173 step %scan3A_174  : i32 {
        %mul3A_185 = arith.constant 1 : i32
        %mul3A_186 = arith.muli %scan3A_184, %mul3A_185 : i32
        %add3A_187 = arith.constant 0 : i32
        %add3A_188 = arith.addi %add3A_187, %mul3A_186 : i32
        %get3A_189 = arith.index_cast %add3A_188 : i32 to index
        %get3A_190 = arith.constant 128 : index
        %get3A_191 = tpu.vector_load %arg15[%get3A_189, %get3A_190] {strides = array<i32>} : memref<48x144xf32, #tpu.memory_space<vmem>>, vector<1x16xf32>,
        %get3A_192 = vector.shape_cast %get3A_191 : vector<1x16xf32> to vector<16xf32>
        %get3A_193 = arith.index_cast %add3A_188 : i32 to index
        %get3A_194 = arith.constant 0 : index
        %get3A_195 = tpu.vector_load %arg17[%get3A_193, %get3A_194] {strides = array<i32>} : memref<48x16xf32, #tpu.memory_space<vmem>>, vector<1x16xf32>,
        %get3A_196 = vector.shape_cast %get3A_195 : vector<1x16xf32> to vector<16xf32>
        %add3A_197 = arith.addf %get3A_39, %get3A_196 : vector<16xf32>
        %mul3A_198 = arith.constant 2.000000e-01 : f32
        %mul3A_199 = vector.broadcast %mul3A_198 : f32 to vector<16xf32>
        %mul3A_200 = arith.mulf %add3A_197, %mul3A_199 : vector<16xf32>
        %max3A = arith.maximumf %add3A_197, %mul3A_200 : vector<16xf32>
        %add3A_201 = arith.addf %get3A_192, %get3A_196 : vector<16xf32>
        %mul3A_202 = arith.constant 2.000000e-01 : f32
        %mul3A_203 = vector.broadcast %mul3A_202 : f32 to vector<16xf32>
        %mul3A_204 = arith.mulf %add3A_201, %mul3A_203 : vector<16xf32>
        %max3A_205 = arith.maximumf %add3A_201, %mul3A_204 : vector<16xf32>
        %sub3A = arith.subf %max3A_205, %max3A : vector<16xf32>
        %exp3A = math.exp %sub3A : vector<16xf32>
        %swap3A = arith.index_cast %add3A_188 : i32 to index
        %swap3A_206 = arith.constant 128 : index
        %swap3A_207 = tpu.vector_load %arg20[%swap3A, %swap3A_206] {strides = array<i32>} : memref<48x144xf32, #tpu.memory_space<vmem>>, vector<1x16xf32>,
        %swap3A_208 = vector.shape_cast %swap3A_207 : vector<1x16xf32> to vector<16xf32>
        %swap3A_209 = vector.shape_cast %exp3A : vector<16xf32> to vector<1x16xf32>
        tpu.vector_store %arg20[%swap3A, %swap3A_206], %swap3A_209 {strides = array<i32>} : memref<48x144xf32, #tpu.memory_space<vmem>>, vector<1x16xf32>,
        %slice3A = vector.extract_strided_slice %exp3A {offsets = [0], sizes = [1], strides = [1]} : vector<16xf32> to vector<1xf32>
        %squeeze3A = vector.extract %slice3A[0] : f32 from vector<1xf32>
        %broadcast_in_dim3A_210 = vector.broadcast %squeeze3A : f32 to vector<16xf32>
        %slice3A_211 = vector.extract_strided_slice %exp3A {offsets = [0], sizes = [1], strides = [1]} : vector<16xf32> to vector<1xf32>
        %squeeze3A_212 = vector.extract %slice3A_211[0] : f32 from vector<1xf32>
        %broadcast_in_dim3A_213 = vector.broadcast %squeeze3A_212 : f32 to vector<16xf32>
        %get3A_214 = arith.index_cast %add3A_188 : i32 to index
        %get3A_215 = arith.constant 0 : index
        %get3A_216 = tpu.vector_load %arg15[%get3A_214, %get3A_215] {strides = array<i32>} : memref<48x144xf32, #tpu.memory_space<vmem>>, vector<1x16xf32>,
        %get3A_217 = vector.shape_cast %get3A_216 : vector<1x16xf32> to vector<16xf32>
        %mul3A_218 = arith.mulf %get3A_217, %broadcast_in_dim3A_213 : vector<16xf32>
        %swap3A_219 = arith.index_cast %add3A_188 : i32 to index
        %swap3A_220 = arith.constant 0 : index
        %swap3A_221 = tpu.vector_load %arg20[%swap3A_219, %swap3A_220] {strides = array<i32>} : memref<48x144xf32, #tpu.memory_space<vmem>>, vector<1x16xf32>,
        %swap3A_222 = vector.shape_cast %swap3A_221 : vector<1x16xf32> to vector<16xf32>
        %swap3A_223 = vector.shape_cast %mul3A_218 : vector<16xf32> to vector<1x16xf32>
        tpu.vector_store %arg20[%swap3A_219, %swap3A_220], %swap3A_223 {strides = array<i32>} : memref<48x144xf32, #tpu.memory_space<vmem>>, vector<1x16xf32>,
        %slice3A_224 = vector.extract_strided_slice %exp3A {offsets = [1], sizes = [1], strides = [1]} : vector<16xf32> to vector<1xf32>
        %squeeze3A_225 = vector.extract %slice3A_224[0] : f32 from vector<1xf32>
        %broadcast_in_dim3A_226 = vector.broadcast %squeeze3A_225 : f32 to vector<16xf32>
        %get3A_227 = arith.index_cast %add3A_188 : i32 to index
        %get3A_228 = arith.constant 16 : index
        %get3A_229 = tpu.vector_load %arg15[%get3A_227, %get3A_228] {strides = array<i32>} : memref<48x144xf32, #tpu.memory_space<vmem>>, vector<1x16xf32>,
        %get3A_230 = vector.shape_cast %get3A_229 : vector<1x16xf32> to vector<16xf32>
        %mul3A_231 = arith.mulf %get3A_230, %broadcast_in_dim3A_226 : vector<16xf32>
        %swap3A_232 = arith.index_cast %add3A_188 : i32 to index
        %swap3A_233 = arith.constant 16 : index
        %swap3A_234 = tpu.vector_load %arg20[%swap3A_232, %swap3A_233] {strides = array<i32>} : memref<48x144xf32, #tpu.memory_space<vmem>>, vector<1x16xf32>,
        %swap3A_235 = vector.shape_cast %swap3A_234 : vector<1x16xf32> to vector<16xf32>
        %swap3A_236 = vector.shape_cast %mul3A_231 : vector<16xf32> to vector<1x16xf32>
        tpu.vector_store %arg20[%swap3A_232, %swap3A_233], %swap3A_236 {strides = array<i32>} : memref<48x144xf32, #tpu.memory_space<vmem>>, vector<1x16xf32>,
        %slice3A_237 = vector.extract_strided_slice %exp3A {offsets = [2], sizes = [1], strides = [1]} : vector<16xf32> to vector<1xf32>
        %squeeze3A_238 = vector.extract %slice3A_237[0] : f32 from vector<1xf32>
        %broadcast_in_dim3A_239 = vector.broadcast %squeeze3A_238 : f32 to vector<16xf32>
        %get3A_240 = arith.index_cast %add3A_188 : i32 to index
        %get3A_241 = arith.constant 32 : index
        %get3A_242 = tpu.vector_load %arg15[%get3A_240, %get3A_241] {strides = array<i32>} : memref<48x144xf32, #tpu.memory_space<vmem>>, vector<1x16xf32>,
        %get3A_243 = vector.shape_cast %get3A_242 : vector<1x16xf32> to vector<16xf32>
        %mul3A_244 = arith.mulf %get3A_243, %broadcast_in_dim3A_239 : vector<16xf32>
        %swap3A_245 = arith.index_cast %add3A_188 : i32 to index
        %swap3A_246 = arith.constant 32 : index
        %swap3A_247 = tpu.vector_load %arg20[%swap3A_245, %swap3A_246] {strides = array<i32>} : memref<48x144xf32, #tpu.memory_space<vmem>>, vector<1x16xf32>,
        %swap3A_248 = vector.shape_cast %swap3A_247 : vector<1x16xf32> to vector<16xf32>
        %swap3A_249 = vector.shape_cast %mul3A_244 : vector<16xf32> to vector<1x16xf32>
        tpu.vector_store %arg20[%swap3A_245, %swap3A_246], %swap3A_249 {strides = array<i32>} : memref<48x144xf32, #tpu.memory_space<vmem>>, vector<1x16xf32>,
        %slice3A_250 = vector.extract_strided_slice %exp3A {offsets = [3], sizes = [1], strides = [1]} : vector<16xf32> to vector<1xf32>
        %squeeze3A_251 = vector.extract %slice3A_250[0] : f32 from vector<1xf32>
        %broadcast_in_dim3A_252 = vector.broadcast %squeeze3A_251 : f32 to vector<16xf32>
        %get3A_253 = arith.index_cast %add3A_188 : i32 to index
        %get3A_254 = arith.constant 48 : index
        %get3A_255 = tpu.vector_load %arg15[%get3A_253, %get3A_254] {strides = array<i32>} : memref<48x144xf32, #tpu.memory_space<vmem>>, vector<1x16xf32>,
        %get3A_256 = vector.shape_cast %get3A_255 : vector<1x16xf32> to vector<16xf32>
        %mul3A_257 = arith.mulf %get3A_256, %broadcast_in_dim3A_252 : vector<16xf32>
        %swap3A_258 = arith.index_cast %add3A_188 : i32 to index
        %swap3A_259 = arith.constant 48 : index
        %swap3A_260 = tpu.vector_load %arg20[%swap3A_258, %swap3A_259] {strides = array<i32>} : memref<48x144xf32, #tpu.memory_space<vmem>>, vector<1x16xf32>,
        %swap3A_261 = vector.shape_cast %swap3A_260 : vector<1x16xf32> to vector<16xf32>
        %swap3A_262 = vector.shape_cast %mul3A_257 : vector<16xf32> to vector<1x16xf32>
        tpu.vector_store %arg20[%swap3A_258, %swap3A_259], %swap3A_262 {strides = array<i32>} : memref<48x144xf32, #tpu.memory_space<vmem>>, vector<1x16xf32>,
        %slice3A_263 = vector.extract_strided_slice %exp3A {offsets = [4], sizes = [1], strides = [1]} : vector<16xf32> to vector<1xf32>
        %squeeze3A_264 = vector.extract %slice3A_263[0] : f32 from vector<1xf32>
        %broadcast_in_dim3A_265 = vector.broadcast %squeeze3A_264 : f32 to vector<16xf32>
        %get3A_266 = arith.index_cast %add3A_188 : i32 to index
        %get3A_267 = arith.constant 64 : index
        %get3A_268 = tpu.vector_load %arg15[%get3A_266, %get3A_267] {strides = array<i32>} : memref<48x144xf32, #tpu.memory_space<vmem>>, vector<1x16xf32>,
        %get3A_269 = vector.shape_cast %get3A_268 : vector<1x16xf32> to vector<16xf32>
        %mul3A_270 = arith.mulf %get3A_269, %broadcast_in_dim3A_265 : vector<16xf32>
        %swap3A_271 = arith.index_cast %add3A_188 : i32 to index
        %swap3A_272 = arith.constant 64 : index
        %swap3A_273 = tpu.vector_load %arg20[%swap3A_271, %swap3A_272] {strides = array<i32>} : memref<48x144xf32, #tpu.memory_space<vmem>>, vector<1x16xf32>,
        %swap3A_274 = vector.shape_cast %swap3A_273 : vector<1x16xf32> to vector<16xf32>
        %swap3A_275 = vector.shape_cast %mul3A_270 : vector<16xf32> to vector<1x16xf32>
        tpu.vector_store %arg20[%swap3A_271, %swap3A_272], %swap3A_275 {strides = array<i32>} : memref<48x144xf32, #tpu.memory_space<vmem>>, vector<1x16xf32>,
        %slice3A_276 = vector.extract_strided_slice %exp3A {offsets = [5], sizes = [1], strides = [1]} : vector<16xf32> to vector<1xf32>
        %squeeze3A_277 = vector.extract %slice3A_276[0] : f32 from vector<1xf32>
        %broadcast_in_dim3A_278 = vector.broadcast %squeeze3A_277 : f32 to vector<16xf32>
        %get3A_279 = arith.index_cast %add3A_188 : i32 to index
        %get3A_280 = arith.constant 80 : index
        %get3A_281 = tpu.vector_load %arg15[%get3A_279, %get3A_280] {strides = array<i32>} : memref<48x144xf32, #tpu.memory_space<vmem>>, vector<1x16xf32>,
        %get3A_282 = vector.shape_cast %get3A_281 : vector<1x16xf32> to vector<16xf32>
        %mul3A_283 = arith.mulf %get3A_282, %broadcast_in_dim3A_278 : vector<16xf32>
        %swap3A_284 = arith.index_cast %add3A_188 : i32 to index
        %swap3A_285 = arith.constant 80 : index
        %swap3A_286 = tpu.vector_load %arg20[%swap3A_284, %swap3A_285] {strides = array<i32>} : memref<48x144xf32, #tpu.memory_space<vmem>>, vector<1x16xf32>,
        %swap3A_287 = vector.shape_cast %swap3A_286 : vector<1x16xf32> to vector<16xf32>
        %swap3A_288 = vector.shape_cast %mul3A_283 : vector<16xf32> to vector<1x16xf32>
        tpu.vector_store %arg20[%swap3A_284, %swap3A_285], %swap3A_288 {strides = array<i32>} : memref<48x144xf32, #tpu.memory_space<vmem>>, vector<1x16xf32>,
        %slice3A_289 = vector.extract_strided_slice %exp3A {offsets = [6], sizes = [1], strides = [1]} : vector<16xf32> to vector<1xf32>
        %squeeze3A_290 = vector.extract %slice3A_289[0] : f32 from vector<1xf32>
        %broadcast_in_dim3A_291 = vector.broadcast %squeeze3A_290 : f32 to vector<16xf32>
        %get3A_292 = arith.index_cast %add3A_188 : i32 to index
        %get3A_293 = arith.constant 96 : index
        %get3A_294 = tpu.vector_load %arg15[%get3A_292, %get3A_293] {strides = array<i32>} : memref<48x144xf32, #tpu.memory_space<vmem>>, vector<1x16xf32>,
        %get3A_295 = vector.shape_cast %get3A_294 : vector<1x16xf32> to vector<16xf32>
        %mul3A_296 = arith.mulf %get3A_295, %broadcast_in_dim3A_291 : vector<16xf32>
        %swap3A_297 = arith.index_cast %add3A_188 : i32 to index
        %swap3A_298 = arith.constant 96 : index
        %swap3A_299 = tpu.vector_load %arg20[%swap3A_297, %swap3A_298] {strides = array<i32>} : memref<48x144xf32, #tpu.memory_space<vmem>>, vector<1x16xf32>,
        %swap3A_300 = vector.shape_cast %swap3A_299 : vector<1x16xf32> to vector<16xf32>
        %swap3A_301 = vector.shape_cast %mul3A_296 : vector<16xf32> to vector<1x16xf32>
        tpu.vector_store %arg20[%swap3A_297, %swap3A_298], %swap3A_301 {strides = array<i32>} : memref<48x144xf32, #tpu.memory_space<vmem>>, vector<1x16xf32>,
        %slice3A_302 = vector.extract_strided_slice %exp3A {offsets = [7], sizes = [1], strides = [1]} : vector<16xf32> to vector<1xf32>
        %squeeze3A_303 = vector.extract %slice3A_302[0] : f32 from vector<1xf32>
        %broadcast_in_dim3A_304 = vector.broadcast %squeeze3A_303 : f32 to vector<16xf32>
        %get3A_305 = arith.index_cast %add3A_188 : i32 to index
        %get3A_306 = arith.constant 112 : index
        %get3A_307 = tpu.vector_load %arg15[%get3A_305, %get3A_306] {strides = array<i32>} : memref<48x144xf32, #tpu.memory_space<vmem>>, vector<1x16xf32>,
        %get3A_308 = vector.shape_cast %get3A_307 : vector<1x16xf32> to vector<16xf32>
        %mul3A_309 = arith.mulf %get3A_308, %broadcast_in_dim3A_304 : vector<16xf32>
        %swap3A_310 = arith.index_cast %add3A_188 : i32 to index
        %swap3A_311 = arith.constant 112 : index
        %swap3A_312 = tpu.vector_load %arg20[%swap3A_310, %swap3A_311] {strides = array<i32>} : memref<48x144xf32, #tpu.memory_space<vmem>>, vector<1x16xf32>,
        %swap3A_313 = vector.shape_cast %swap3A_312 : vector<1x16xf32> to vector<16xf32>
        %swap3A_314 = vector.shape_cast %mul3A_309 : vector<16xf32> to vector<1x16xf32>
        tpu.vector_store %arg20[%swap3A_310, %swap3A_311], %swap3A_314 {strides = array<i32>} : memref<48x144xf32, #tpu.memory_space<vmem>>, vector<1x16xf32>,
      }
      %scan3A_175 = arith.constant 48 : i32
      %scan3A_176 = arith.constant 0 : i32
      %scan3A_177 = arith.constant 3 : i32
      %scan3A_178 = arith.addi %scan3A_176, %scan3A_177 : i32
      %scan3A_179 = arith.constant 1 : i32
      scf.for %scan3A_184 = %scan3A_176 to %scan3A_178 step %scan3A_179  : i32 {
        %mul3A_185 = arith.constant 1 : i32
        %mul3A_186 = arith.muli %scan3A_184, %mul3A_185 : i32
        %add3A_187 = arith.constant 0 : i32
        %add3A_188 = arith.addi %add3A_187, %mul3A_186 : i32
        %mul3A_189 = arith.constant 16 : i32
        %mul3A_190 = arith.muli %add3A_188, %mul3A_189 : i32
        %get3A_191 = arith.index_cast %mul3A_190 : i32 to index
        %get3A_192 = tpu.vector_load %arg11[%get3A_191] {strides = array<i32>} : memref<48xi32, #tpu.memory_space<vmem>>, vector<16xi32>,
        %get3A_193 = vector.shape_cast %get3A_192 : vector<16xi32> to vector<16xi32>
        %mul3A_194 = arith.constant 16 : i32
        %mul3A_195 = arith.muli %add3A_188, %mul3A_194 : i32
        %swap3A = arith.index_cast %mul3A_195 : i32 to index
        %swap3A_196 = tpu.vector_load %arg13[%swap3A] {strides = array<i32>} : memref<48xi32, #tpu.memory_space<vmem>>, vector<16xi32>,
        %swap3A_197 = vector.shape_cast %swap3A_196 : vector<16xi32> to vector<16xi32>
        %swap3A_198 = vector.shape_cast %get3A_193 : vector<16xi32> to vector<16xi32>
        tpu.vector_store %arg13[%swap3A], %swap3A_198 {strides = array<i32>} : memref<48xi32, #tpu.memory_space<vmem>>, vector<16xi32>,
      }
      %scan3A_180 = arith.constant 3 : i32
      %dma_start3A_181 = arith.constant 0 : i32
      %dma_start3A_182 = arith.constant 0 : i32
      %dma_start3A_183 = tpu.memref_slice %arg22[%dma_start3A_181, %dma_start3A_182] : memref<10016x144xf32, #tpu.memory_space<vmem_shared>> -> memref<10016x144xf32, #tpu.memory_space<vmem_shared>>
      tpu.enqueue_indirect_dma source(%arg20 : memref<48x144xf32, #tpu.memory_space<vmem>>) target(%dma_start3A_183 : memref<10016x144xf32, #tpu.memory_space<vmem_shared>>) offsets(%arg13 : memref<48xi32, #tpu.memory_space<vmem>>) semaphore(%arg26 : memref<!tpu.dma_semaphore, #tpu.memory_space<semaphore_mem>>) {add = true}
    }
    %scan3A_53 = arith.constant 108 : i32
    %dma_wait3A = arith.constant 0 : i32
    %dma_wait3A_54 = arith.constant 0 : i32
    %dma_wait3A_55 = tpu.memref_slice %arg22[%dma_wait3A, %dma_wait3A_54] : memref<10016x144xf32, #tpu.memory_space<vmem_shared>> -> memref<10016x144xf32, #tpu.memory_space<vmem_shared>>
    tpu.wait_indirect_dma semaphore(%arg26 : memref<!tpu.dma_semaphore, #tpu.memory_space<semaphore_mem>>) src(%arg20 : memref<48x144xf32, #tpu.memory_space<vmem>>) dst(%dma_wait3A_55 : memref<10016x144xf32, #tpu.memory_space<vmem_shared>>)
    %barrier3A_56 = arith.constant 0 : index
    tpu.barrier barrier_id(%barrier3A_56)
    %mul3A_57 = arith.constant 626 : i32
    %mul3A_58 = arith.muli %arg1, %mul3A_57 : i32
    %add3A_59 = arith.constant 0 : i32
    %add3A_60 = arith.addi %mul3A_58, %add3A_59 : i32
    %add3A_61 = arith.constant 0 : i32
    %add3A_62 = arith.addi %mul3A_58, %add3A_61 : i32
    "tpu.region"() ({
      %run_scoped3A = tpu.sem_alloc : memref<!tpu.dma_semaphore, #tpu.memory_space<semaphore_mem>>
      %dma_start3A_115 = arith.constant 0 : i32
      %dma_start3A_116 = tpu.memref_slice %arg7[%arg0, %add3A_62, %dma_start3A_115] : memref<2x10016x144xf32, #tpu.memory_space<hbm>> -> memref<1x48x144xf32, #tpu.memory_space<hbm>>
      %dma_start3A_117 = tpu.memref_squeeze %dma_start3A_116 : memref<1x48x144xf32, #tpu.memory_space<hbm>> -> memref<48x144xf32, #tpu.memory_space<hbm>>
      %dma_start3A_118 = arith.constant 0 : i32
      %dma_start3A_119 = tpu.memref_slice %arg22[%add3A_60, %dma_start3A_118] : memref<10016x144xf32, #tpu.memory_space<vmem_shared>> -> memref<48x144xf32, #tpu.memory_space<vmem_shared>>
      tpu.enqueue_dma source(%dma_start3A_119 : memref<48x144xf32, #tpu.memory_space<vmem_shared>>) target(%dma_start3A_117 : memref<48x144xf32, #tpu.memory_space<hbm>>) target_semaphore(%run_scoped3A : memref<!tpu.dma_semaphore, #tpu.memory_space<semaphore_mem>>)
      %dma_wait3A_120 = arith.constant 0 : i32
      %dma_wait3A_121 = tpu.memref_slice %arg7[%arg0, %add3A_62, %dma_wait3A_120] : memref<2x10016x144xf32, #tpu.memory_space<hbm>> -> memref<1x48x144xf32, #tpu.memory_space<hbm>>
      %dma_wait3A_122 = tpu.memref_squeeze %dma_wait3A_121 : memref<1x48x144xf32, #tpu.memory_space<hbm>> -> memref<48x144xf32, #tpu.memory_space<hbm>>
      %dma_wait3A_123 = arith.constant 0 : i32
      %dma_wait3A_124 = tpu.memref_slice %arg22[%add3A_60, %dma_wait3A_123] : memref<10016x144xf32, #tpu.memory_space<vmem_shared>> -> memref<48x144xf32, #tpu.memory_space<vmem_shared>>
      tpu.wait_dma2 semaphore(%run_scoped3A : memref<!tpu.dma_semaphore, #tpu.memory_space<semaphore_mem>>) src(%dma_wait3A_124 : memref<48x144xf32, #tpu.memory_space<vmem_shared>>) dst(%dma_wait3A_122 : memref<48x144xf32, #tpu.memory_space<hbm>>)
      tpu.yield
    }) : () -> ()
    %add3A_63 = arith.constant 48 : i32
    %add3A_64 = arith.addi %mul3A_58, %add3A_63 : i32
    %add3A_65 = arith.constant 48 : i32
    %add3A_66 = arith.addi %mul3A_58, %add3A_65 : i32
    "tpu.region"() ({
      %run_scoped3A = tpu.sem_alloc : memref<!tpu.dma_semaphore, #tpu.memory_space<semaphore_mem>>
      %dma_start3A_115 = arith.constant 0 : i32
      %dma_start3A_116 = tpu.memref_slice %arg7[%arg0, %add3A_66, %dma_start3A_115] : memref<2x10016x144xf32, #tpu.memory_space<hbm>> -> memref<1x48x144xf32, #tpu.memory_space<hbm>>
      %dma_start3A_117 = tpu.memref_squeeze %dma_start3A_116 : memref<1x48x144xf32, #tpu.memory_space<hbm>> -> memref<48x144xf32, #tpu.memory_space<hbm>>
      %dma_start3A_118 = arith.constant 0 : i32
      %dma_start3A_119 = tpu.memref_slice %arg22[%add3A_64, %dma_start3A_118] : memref<10016x144xf32, #tpu.memory_space<vmem_shared>> -> memref<48x144xf32, #tpu.memory_space<vmem_shared>>
      tpu.enqueue_dma source(%dma_start3A_119 : memref<48x144xf32, #tpu.memory_space<vmem_shared>>) target(%dma_start3A_117 : memref<48x144xf32, #tpu.memory_space<hbm>>) target_semaphore(%run_scoped3A : memref<!tpu.dma_semaphore, #tpu.memory_space<semaphore_mem>>)
      %dma_wait3A_120 = arith.constant 0 : i32
      %dma_wait3A_121 = tpu.memref_slice %arg7[%arg0, %add3A_66, %dma_wait3A_120] : memref<2x10016x144xf32, #tpu.memory_space<hbm>> -> memref<1x48x144xf32, #tpu.memory_space<hbm>>
      %dma_wait3A_122 = tpu.memref_squeeze %dma_wait3A_121 : memref<1x48x144xf32, #tpu.memory_space<hbm>> -> memref<48x144xf32, #tpu.memory_space<hbm>>
      %dma_wait3A_123 = arith.constant 0 : i32
      %dma_wait3A_124 = tpu.memref_slice %arg22[%add3A_64, %dma_wait3A_123] : memref<10016x144xf32, #tpu.memory_space<vmem_shared>> -> memref<48x144xf32, #tpu.memory_space<vmem_shared>>
      tpu.wait_dma2 semaphore(%run_scoped3A : memref<!tpu.dma_semaphore, #tpu.memory_space<semaphore_mem>>) src(%dma_wait3A_124 : memref<48x144xf32, #tpu.memory_space<vmem_shared>>) dst(%dma_wait3A_122 : memref<48x144xf32, #tpu.memory_space<hbm>>)
      tpu.yield
    }) : () -> ()
    %add3A_67 = arith.constant 96 : i32
    %add3A_68 = arith.addi %mul3A_58, %add3A_67 : i32
    %add3A_69 = arith.constant 96 : i32
    %add3A_70 = arith.addi %mul3A_58, %add3A_69 : i32
    "tpu.region"() ({
      %run_scoped3A = tpu.sem_alloc : memref<!tpu.dma_semaphore, #tpu.memory_space<semaphore_mem>>
      %dma_start3A_115 = arith.constant 0 : i32
      %dma_start3A_116 = tpu.memref_slice %arg7[%arg0, %add3A_70, %dma_start3A_115] : memref<2x10016x144xf32, #tpu.memory_space<hbm>> -> memref<1x48x144xf32, #tpu.memory_space<hbm>>
      %dma_start3A_117 = tpu.memref_squeeze %dma_start3A_116 : memref<1x48x144xf32, #tpu.memory_space<hbm>> -> memref<48x144xf32, #tpu.memory_space<hbm>>
      %dma_start3A_118 = arith.constant 0 : i32
      %dma_start3A_119 = tpu.memref_slice %arg22[%add3A_68, %dma_start3A_118] : memref<10016x144xf32, #tpu.memory_space<vmem_shared>> -> memref<48x144xf32, #tpu.memory_space<vmem_shared>>
      tpu.enqueue_dma source(%dma_start3A_119 : memref<48x144xf32, #tpu.memory_space<vmem_shared>>) target(%dma_start3A_117 : memref<48x144xf32, #tpu.memory_space<hbm>>) target_semaphore(%run_scoped3A : memref<!tpu.dma_semaphore, #tpu.memory_space<semaphore_mem>>)
      %dma_wait3A_120 = arith.constant 0 : i32
      %dma_wait3A_121 = tpu.memref_slice %arg7[%arg0, %add3A_70, %dma_wait3A_120] : memref<2x10016x144xf32, #tpu.memory_space<hbm>> -> memref<1x48x144xf32, #tpu.memory_space<hbm>>
      %dma_wait3A_122 = tpu.memref_squeeze %dma_wait3A_121 : memref<1x48x144xf32, #tpu.memory_space<hbm>> -> memref<48x144xf32, #tpu.memory_space<hbm>>
      %dma_wait3A_123 = arith.constant 0 : i32
      %dma_wait3A_124 = tpu.memref_slice %arg22[%add3A_68, %dma_wait3A_123] : memref<10016x144xf32, #tpu.memory_space<vmem_shared>> -> memref<48x144xf32, #tpu.memory_space<vmem_shared>>
      tpu.wait_dma2 semaphore(%run_scoped3A : memref<!tpu.dma_semaphore, #tpu.memory_space<semaphore_mem>>) src(%dma_wait3A_124 : memref<48x144xf32, #tpu.memory_space<vmem_shared>>) dst(%dma_wait3A_122 : memref<48x144xf32, #tpu.memory_space<hbm>>)
      tpu.yield
    }) : () -> ()
    %add3A_71 = arith.constant 144 : i32
    %add3A_72 = arith.addi %mul3A_58, %add3A_71 : i32
    %add3A_73 = arith.constant 144 : i32
    %add3A_74 = arith.addi %mul3A_58, %add3A_73 : i32
    "tpu.region"() ({
      %run_scoped3A = tpu.sem_alloc : memref<!tpu.dma_semaphore, #tpu.memory_space<semaphore_mem>>
      %dma_start3A_115 = arith.constant 0 : i32
      %dma_start3A_116 = tpu.memref_slice %arg7[%arg0, %add3A_74, %dma_start3A_115] : memref<2x10016x144xf32, #tpu.memory_space<hbm>> -> memref<1x48x144xf32, #tpu.memory_space<hbm>>
      %dma_start3A_117 = tpu.memref_squeeze %dma_start3A_116 : memref<1x48x144xf32, #tpu.memory_space<hbm>> -> memref<48x144xf32, #tpu.memory_space<hbm>>
      %dma_start3A_118 = arith.constant 0 : i32
      %dma_start3A_119 = tpu.memref_slice %arg22[%add3A_72, %dma_start3A_118] : memref<10016x144xf32, #tpu.memory_space<vmem_shared>> -> memref<48x144xf32, #tpu.memory_space<vmem_shared>>
      tpu.enqueue_dma source(%dma_start3A_119 : memref<48x144xf32, #tpu.memory_space<vmem_shared>>) target(%dma_start3A_117 : memref<48x144xf32, #tpu.memory_space<hbm>>) target_semaphore(%run_scoped3A : memref<!tpu.dma_semaphore, #tpu.memory_space<semaphore_mem>>)
      %dma_wait3A_120 = arith.constant 0 : i32
      %dma_wait3A_121 = tpu.memref_slice %arg7[%arg0, %add3A_74, %dma_wait3A_120] : memref<2x10016x144xf32, #tpu.memory_space<hbm>> -> memref<1x48x144xf32, #tpu.memory_space<hbm>>
      %dma_wait3A_122 = tpu.memref_squeeze %dma_wait3A_121 : memref<1x48x144xf32, #tpu.memory_space<hbm>> -> memref<48x144xf32, #tpu.memory_space<hbm>>
      %dma_wait3A_123 = arith.constant 0 : i32
      %dma_wait3A_124 = tpu.memref_slice %arg22[%add3A_72, %dma_wait3A_123] : memref<10016x144xf32, #tpu.memory_space<vmem_shared>> -> memref<48x144xf32, #tpu.memory_space<vmem_shared>>
      tpu.wait_dma2 semaphore(%run_scoped3A : memref<!tpu.dma_semaphore, #tpu.memory_space<semaphore_mem>>) src(%dma_wait3A_124 : memref<48x144xf32, #tpu.memory_space<vmem_shared>>) dst(%dma_wait3A_122 : memref<48x144xf32, #tpu.memory_space<hbm>>)
      tpu.yield
    }) : () -> ()
    %add3A_75 = arith.constant 192 : i32
    %add3A_76 = arith.addi %mul3A_58, %add3A_75 : i32
    %add3A_77 = arith.constant 192 : i32
    %add3A_78 = arith.addi %mul3A_58, %add3A_77 : i32
    "tpu.region"() ({
      %run_scoped3A = tpu.sem_alloc : memref<!tpu.dma_semaphore, #tpu.memory_space<semaphore_mem>>
      %dma_start3A_115 = arith.constant 0 : i32
      %dma_start3A_116 = tpu.memref_slice %arg7[%arg0, %add3A_78, %dma_start3A_115] : memref<2x10016x144xf32, #tpu.memory_space<hbm>> -> memref<1x48x144xf32, #tpu.memory_space<hbm>>
      %dma_start3A_117 = tpu.memref_squeeze %dma_start3A_116 : memref<1x48x144xf32, #tpu.memory_space<hbm>> -> memref<48x144xf32, #tpu.memory_space<hbm>>
      %dma_start3A_118 = arith.constant 0 : i32
      %dma_start3A_119 = tpu.memref_slice %arg22[%add3A_76, %dma_start3A_118] : memref<10016x144xf32, #tpu.memory_space<vmem_shared>> -> memref<48x144xf32, #tpu.memory_space<vmem_shared>>
      tpu.enqueue_dma source(%dma_start3A_119 : memref<48x144xf32, #tpu.memory_space<vmem_shared>>) target(%dma_start3A_117 : memref<48x144xf32, #tpu.memory_space<hbm>>) target_semaphore(%run_scoped3A : memref<!tpu.dma_semaphore, #tpu.memory_space<semaphore_mem>>)
      %dma_wait3A_120 = arith.constant 0 : i32
      %dma_wait3A_121 = tpu.memref_slice %arg7[%arg0, %add3A_78, %dma_wait3A_120] : memref<2x10016x144xf32, #tpu.memory_space<hbm>> -> memref<1x48x144xf32, #tpu.memory_space<hbm>>
      %dma_wait3A_122 = tpu.memref_squeeze %dma_wait3A_121 : memref<1x48x144xf32, #tpu.memory_space<hbm>> -> memref<48x144xf32, #tpu.memory_space<hbm>>
      %dma_wait3A_123 = arith.constant 0 : i32
      %dma_wait3A_124 = tpu.memref_slice %arg22[%add3A_76, %dma_wait3A_123] : memref<10016x144xf32, #tpu.memory_space<vmem_shared>> -> memref<48x144xf32, #tpu.memory_space<vmem_shared>>
      tpu.wait_dma2 semaphore(%run_scoped3A : memref<!tpu.dma_semaphore, #tpu.memory_space<semaphore_mem>>) src(%dma_wait3A_124 : memref<48x144xf32, #tpu.memory_space<vmem_shared>>) dst(%dma_wait3A_122 : memref<48x144xf32, #tpu.memory_space<hbm>>)
      tpu.yield
    }) : () -> ()
    %add3A_79 = arith.constant 240 : i32
    %add3A_80 = arith.addi %mul3A_58, %add3A_79 : i32
    %add3A_81 = arith.constant 240 : i32
    %add3A_82 = arith.addi %mul3A_58, %add3A_81 : i32
    "tpu.region"() ({
      %run_scoped3A = tpu.sem_alloc : memref<!tpu.dma_semaphore, #tpu.memory_space<semaphore_mem>>
      %dma_start3A_115 = arith.constant 0 : i32
      %dma_start3A_116 = tpu.memref_slice %arg7[%arg0, %add3A_82, %dma_start3A_115] : memref<2x10016x144xf32, #tpu.memory_space<hbm>> -> memref<1x48x144xf32, #tpu.memory_space<hbm>>
      %dma_start3A_117 = tpu.memref_squeeze %dma_start3A_116 : memref<1x48x144xf32, #tpu.memory_space<hbm>> -> memref<48x144xf32, #tpu.memory_space<hbm>>
      %dma_start3A_118 = arith.constant 0 : i32
      %dma_start3A_119 = tpu.memref_slice %arg22[%add3A_80, %dma_start3A_118] : memref<10016x144xf32, #tpu.memory_space<vmem_shared>> -> memref<48x144xf32, #tpu.memory_space<vmem_shared>>
      tpu.enqueue_dma source(%dma_start3A_119 : memref<48x144xf32, #tpu.memory_space<vmem_shared>>) target(%dma_start3A_117 : memref<48x144xf32, #tpu.memory_space<hbm>>) target_semaphore(%run_scoped3A : memref<!tpu.dma_semaphore, #tpu.memory_space<semaphore_mem>>)
      %dma_wait3A_120 = arith.constant 0 : i32
      %dma_wait3A_121 = tpu.memref_slice %arg7[%arg0, %add3A_82, %dma_wait3A_120] : memref<2x10016x144xf32, #tpu.memory_space<hbm>> -> memref<1x48x144xf32, #tpu.memory_space<hbm>>
      %dma_wait3A_122 = tpu.memref_squeeze %dma_wait3A_121 : memref<1x48x144xf32, #tpu.memory_space<hbm>> -> memref<48x144xf32, #tpu.memory_space<hbm>>
      %dma_wait3A_123 = arith.constant 0 : i32
      %dma_wait3A_124 = tpu.memref_slice %arg22[%add3A_80, %dma_wait3A_123] : memref<10016x144xf32, #tpu.memory_space<vmem_shared>> -> memref<48x144xf32, #tpu.memory_space<vmem_shared>>
      tpu.wait_dma2 semaphore(%run_scoped3A : memref<!tpu.dma_semaphore, #tpu.memory_space<semaphore_mem>>) src(%dma_wait3A_124 : memref<48x144xf32, #tpu.memory_space<vmem_shared>>) dst(%dma_wait3A_122 : memref<48x144xf32, #tpu.memory_space<hbm>>)
      tpu.yield
    }) : () -> ()
    %add3A_83 = arith.constant 288 : i32
    %add3A_84 = arith.addi %mul3A_58, %add3A_83 : i32
    %add3A_85 = arith.constant 288 : i32
    %add3A_86 = arith.addi %mul3A_58, %add3A_85 : i32
    "tpu.region"() ({
      %run_scoped3A = tpu.sem_alloc : memref<!tpu.dma_semaphore, #tpu.memory_space<semaphore_mem>>
      %dma_start3A_115 = arith.constant 0 : i32
      %dma_start3A_116 = tpu.memref_slice %arg7[%arg0, %add3A_86, %dma_start3A_115] : memref<2x10016x144xf32, #tpu.memory_space<hbm>> -> memref<1x48x144xf32, #tpu.memory_space<hbm>>
      %dma_start3A_117 = tpu.memref_squeeze %dma_start3A_116 : memref<1x48x144xf32, #tpu.memory_space<hbm>> -> memref<48x144xf32, #tpu.memory_space<hbm>>
      %dma_start3A_118 = arith.constant 0 : i32
      %dma_start3A_119 = tpu.memref_slice %arg22[%add3A_84, %dma_start3A_118] : memref<10016x144xf32, #tpu.memory_space<vmem_shared>> -> memref<48x144xf32, #tpu.memory_space<vmem_shared>>
      tpu.enqueue_dma source(%dma_start3A_119 : memref<48x144xf32, #tpu.memory_space<vmem_shared>>) target(%dma_start3A_117 : memref<48x144xf32, #tpu.memory_space<hbm>>) target_semaphore(%run_scoped3A : memref<!tpu.dma_semaphore, #tpu.memory_space<semaphore_mem>>)
      %dma_wait3A_120 = arith.constant 0 : i32
      %dma_wait3A_121 = tpu.memref_slice %arg7[%arg0, %add3A_86, %dma_wait3A_120] : memref<2x10016x144xf32, #tpu.memory_space<hbm>> -> memref<1x48x144xf32, #tpu.memory_space<hbm>>
      %dma_wait3A_122 = tpu.memref_squeeze %dma_wait3A_121 : memref<1x48x144xf32, #tpu.memory_space<hbm>> -> memref<48x144xf32, #tpu.memory_space<hbm>>
      %dma_wait3A_123 = arith.constant 0 : i32
      %dma_wait3A_124 = tpu.memref_slice %arg22[%add3A_84, %dma_wait3A_123] : memref<10016x144xf32, #tpu.memory_space<vmem_shared>> -> memref<48x144xf32, #tpu.memory_space<vmem_shared>>
      tpu.wait_dma2 semaphore(%run_scoped3A : memref<!tpu.dma_semaphore, #tpu.memory_space<semaphore_mem>>) src(%dma_wait3A_124 : memref<48x144xf32, #tpu.memory_space<vmem_shared>>) dst(%dma_wait3A_122 : memref<48x144xf32, #tpu.memory_space<hbm>>)
      tpu.yield
    }) : () -> ()
    %add3A_87 = arith.constant 336 : i32
    %add3A_88 = arith.addi %mul3A_58, %add3A_87 : i32
    %add3A_89 = arith.constant 336 : i32
    %add3A_90 = arith.addi %mul3A_58, %add3A_89 : i32
    "tpu.region"() ({
      %run_scoped3A = tpu.sem_alloc : memref<!tpu.dma_semaphore, #tpu.memory_space<semaphore_mem>>
      %dma_start3A_115 = arith.constant 0 : i32
      %dma_start3A_116 = tpu.memref_slice %arg7[%arg0, %add3A_90, %dma_start3A_115] : memref<2x10016x144xf32, #tpu.memory_space<hbm>> -> memref<1x48x144xf32, #tpu.memory_space<hbm>>
      %dma_start3A_117 = tpu.memref_squeeze %dma_start3A_116 : memref<1x48x144xf32, #tpu.memory_space<hbm>> -> memref<48x144xf32, #tpu.memory_space<hbm>>
      %dma_start3A_118 = arith.constant 0 : i32
      %dma_start3A_119 = tpu.memref_slice %arg22[%add3A_88, %dma_start3A_118] : memref<10016x144xf32, #tpu.memory_space<vmem_shared>> -> memref<48x144xf32, #tpu.memory_space<vmem_shared>>
      tpu.enqueue_dma source(%dma_start3A_119 : memref<48x144xf32, #tpu.memory_space<vmem_shared>>) target(%dma_start3A_117 : memref<48x144xf32, #tpu.memory_space<hbm>>) target_semaphore(%run_scoped3A : memref<!tpu.dma_semaphore, #tpu.memory_space<semaphore_mem>>)
      %dma_wait3A_120 = arith.constant 0 : i32
      %dma_wait3A_121 = tpu.memref_slice %arg7[%arg0, %add3A_90, %dma_wait3A_120] : memref<2x10016x144xf32, #tpu.memory_space<hbm>> -> memref<1x48x144xf32, #tpu.memory_space<hbm>>
      %dma_wait3A_122 = tpu.memref_squeeze %dma_wait3A_121 : memref<1x48x144xf32, #tpu.memory_space<hbm>> -> memref<48x144xf32, #tpu.memory_space<hbm>>
      %dma_wait3A_123 = arith.constant 0 : i32
      %dma_wait3A_124 = tpu.memref_slice %arg22[%add3A_88, %dma_wait3A_123] : memref<10016x144xf32, #tpu.memory_space<vmem_shared>> -> memref<48x144xf32, #tpu.memory_space<vmem_shared>>
      tpu.wait_dma2 semaphore(%run_scoped3A : memref<!tpu.dma_semaphore, #tpu.memory_space<semaphore_mem>>) src(%dma_wait3A_124 : memref<48x144xf32, #tpu.memory_space<vmem_shared>>) dst(%dma_wait3A_122 : memref<48x144xf32, #tpu.memory_space<hbm>>)
      tpu.yield
    }) : () -> ()
    %add3A_91 = arith.constant 384 : i32
    %add3A_92 = arith.addi %mul3A_58, %add3A_91 : i32
    %add3A_93 = arith.constant 384 : i32
    %add3A_94 = arith.addi %mul3A_58, %add3A_93 : i32
    "tpu.region"() ({
      %run_scoped3A = tpu.sem_alloc : memref<!tpu.dma_semaphore, #tpu.memory_space<semaphore_mem>>
      %dma_start3A_115 = arith.constant 0 : i32
      %dma_start3A_116 = tpu.memref_slice %arg7[%arg0, %add3A_94, %dma_start3A_115] : memref<2x10016x144xf32, #tpu.memory_space<hbm>> -> memref<1x48x144xf32, #tpu.memory_space<hbm>>
      %dma_start3A_117 = tpu.memref_squeeze %dma_start3A_116 : memref<1x48x144xf32, #tpu.memory_space<hbm>> -> memref<48x144xf32, #tpu.memory_space<hbm>>
      %dma_start3A_118 = arith.constant 0 : i32
      %dma_start3A_119 = tpu.memref_slice %arg22[%add3A_92, %dma_start3A_118] : memref<10016x144xf32, #tpu.memory_space<vmem_shared>> -> memref<48x144xf32, #tpu.memory_space<vmem_shared>>
      tpu.enqueue_dma source(%dma_start3A_119 : memref<48x144xf32, #tpu.memory_space<vmem_shared>>) target(%dma_start3A_117 : memref<48x144xf32, #tpu.memory_space<hbm>>) target_semaphore(%run_scoped3A : memref<!tpu.dma_semaphore, #tpu.memory_space<semaphore_mem>>)
      %dma_wait3A_120 = arith.constant 0 : i32
      %dma_wait3A_121 = tpu.memref_slice %arg7[%arg0, %add3A_94, %dma_wait3A_120] : memref<2x10016x144xf32, #tpu.memory_space<hbm>> -> memref<1x48x144xf32, #tpu.memory_space<hbm>>
      %dma_wait3A_122 = tpu.memref_squeeze %dma_wait3A_121 : memref<1x48x144xf32, #tpu.memory_space<hbm>> -> memref<48x144xf32, #tpu.memory_space<hbm>>
      %dma_wait3A_123 = arith.constant 0 : i32
      %dma_wait3A_124 = tpu.memref_slice %arg22[%add3A_92, %dma_wait3A_123] : memref<10016x144xf32, #tpu.memory_space<vmem_shared>> -> memref<48x144xf32, #tpu.memory_space<vmem_shared>>
      tpu.wait_dma2 semaphore(%run_scoped3A : memref<!tpu.dma_semaphore, #tpu.memory_space<semaphore_mem>>) src(%dma_wait3A_124 : memref<48x144xf32, #tpu.memory_space<vmem_shared>>) dst(%dma_wait3A_122 : memref<48x144xf32, #tpu.memory_space<hbm>>)
      tpu.yield
    }) : () -> ()
    %add3A_95 = arith.constant 432 : i32
    %add3A_96 = arith.addi %mul3A_58, %add3A_95 : i32
    %add3A_97 = arith.constant 432 : i32
    %add3A_98 = arith.addi %mul3A_58, %add3A_97 : i32
    "tpu.region"() ({
      %run_scoped3A = tpu.sem_alloc : memref<!tpu.dma_semaphore, #tpu.memory_space<semaphore_mem>>
      %dma_start3A_115 = arith.constant 0 : i32
      %dma_start3A_116 = tpu.memref_slice %arg7[%arg0, %add3A_98, %dma_start3A_115] : memref<2x10016x144xf32, #tpu.memory_space<hbm>> -> memref<1x48x144xf32, #tpu.memory_space<hbm>>
      %dma_start3A_117 = tpu.memref_squeeze %dma_start3A_116 : memref<1x48x144xf32, #tpu.memory_space<hbm>> -> memref<48x144xf32, #tpu.memory_space<hbm>>
      %dma_start3A_118 = arith.constant 0 : i32
      %dma_start3A_119 = tpu.memref_slice %arg22[%add3A_96, %dma_start3A_118] : memref<10016x144xf32, #tpu.memory_space<vmem_shared>> -> memref<48x144xf32, #tpu.memory_space<vmem_shared>>
      tpu.enqueue_dma source(%dma_start3A_119 : memref<48x144xf32, #tpu.memory_space<vmem_shared>>) target(%dma_start3A_117 : memref<48x144xf32, #tpu.memory_space<hbm>>) target_semaphore(%run_scoped3A : memref<!tpu.dma_semaphore, #tpu.memory_space<semaphore_mem>>)
      %dma_wait3A_120 = arith.constant 0 : i32
      %dma_wait3A_121 = tpu.memref_slice %arg7[%arg0, %add3A_98, %dma_wait3A_120] : memref<2x10016x144xf32, #tpu.memory_space<hbm>> -> memref<1x48x144xf32, #tpu.memory_space<hbm>>
      %dma_wait3A_122 = tpu.memref_squeeze %dma_wait3A_121 : memref<1x48x144xf32, #tpu.memory_space<hbm>> -> memref<48x144xf32, #tpu.memory_space<hbm>>
      %dma_wait3A_123 = arith.constant 0 : i32
      %dma_wait3A_124 = tpu.memref_slice %arg22[%add3A_96, %dma_wait3A_123] : memref<10016x144xf32, #tpu.memory_space<vmem_shared>> -> memref<48x144xf32, #tpu.memory_space<vmem_shared>>
      tpu.wait_dma2 semaphore(%run_scoped3A : memref<!tpu.dma_semaphore, #tpu.memory_space<semaphore_mem>>) src(%dma_wait3A_124 : memref<48x144xf32, #tpu.memory_space<vmem_shared>>) dst(%dma_wait3A_122 : memref<48x144xf32, #tpu.memory_space<hbm>>)
      tpu.yield
    }) : () -> ()
    %add3A_99 = arith.constant 480 : i32
    %add3A_100 = arith.addi %mul3A_58, %add3A_99 : i32
    %add3A_101 = arith.constant 480 : i32
    %add3A_102 = arith.addi %mul3A_58, %add3A_101 : i32
    "tpu.region"() ({
      %run_scoped3A = tpu.sem_alloc : memref<!tpu.dma_semaphore, #tpu.memory_space<semaphore_mem>>
      %dma_start3A_115 = arith.constant 0 : i32
      %dma_start3A_116 = tpu.memref_slice %arg7[%arg0, %add3A_102, %dma_start3A_115] : memref<2x10016x144xf32, #tpu.memory_space<hbm>> -> memref<1x48x144xf32, #tpu.memory_space<hbm>>
      %dma_start3A_117 = tpu.memref_squeeze %dma_start3A_116 : memref<1x48x144xf32, #tpu.memory_space<hbm>> -> memref<48x144xf32, #tpu.memory_space<hbm>>
      %dma_start3A_118 = arith.constant 0 : i32
      %dma_start3A_119 = tpu.memref_slice %arg22[%add3A_100, %dma_start3A_118] : memref<10016x144xf32, #tpu.memory_space<vmem_shared>> -> memref<48x144xf32, #tpu.memory_space<vmem_shared>>
      tpu.enqueue_dma source(%dma_start3A_119 : memref<48x144xf32, #tpu.memory_space<vmem_shared>>) target(%dma_start3A_117 : memref<48x144xf32, #tpu.memory_space<hbm>>) target_semaphore(%run_scoped3A : memref<!tpu.dma_semaphore, #tpu.memory_space<semaphore_mem>>)
      %dma_wait3A_120 = arith.constant 0 : i32
      %dma_wait3A_121 = tpu.memref_slice %arg7[%arg0, %add3A_102, %dma_wait3A_120] : memref<2x10016x144xf32, #tpu.memory_space<hbm>> -> memref<1x48x144xf32, #tpu.memory_space<hbm>>
      %dma_wait3A_122 = tpu.memref_squeeze %dma_wait3A_121 : memref<1x48x144xf32, #tpu.memory_space<hbm>> -> memref<48x144xf32, #tpu.memory_space<hbm>>
      %dma_wait3A_123 = arith.constant 0 : i32
      %dma_wait3A_124 = tpu.memref_slice %arg22[%add3A_100, %dma_wait3A_123] : memref<10016x144xf32, #tpu.memory_space<vmem_shared>> -> memref<48x144xf32, #tpu.memory_space<vmem_shared>>
      tpu.wait_dma2 semaphore(%run_scoped3A : memref<!tpu.dma_semaphore, #tpu.memory_space<semaphore_mem>>) src(%dma_wait3A_124 : memref<48x144xf32, #tpu.memory_space<vmem_shared>>) dst(%dma_wait3A_122 : memref<48x144xf32, #tpu.memory_space<hbm>>)
      tpu.yield
    }) : () -> ()
    %add3A_103 = arith.constant 528 : i32
    %add3A_104 = arith.addi %mul3A_58, %add3A_103 : i32
    %add3A_105 = arith.constant 528 : i32
    %add3A_106 = arith.addi %mul3A_58, %add3A_105 : i32
    "tpu.region"() ({
      %run_scoped3A = tpu.sem_alloc : memref<!tpu.dma_semaphore, #tpu.memory_space<semaphore_mem>>
      %dma_start3A_115 = arith.constant 0 : i32
      %dma_start3A_116 = tpu.memref_slice %arg7[%arg0, %add3A_106, %dma_start3A_115] : memref<2x10016x144xf32, #tpu.memory_space<hbm>> -> memref<1x48x144xf32, #tpu.memory_space<hbm>>
      %dma_start3A_117 = tpu.memref_squeeze %dma_start3A_116 : memref<1x48x144xf32, #tpu.memory_space<hbm>> -> memref<48x144xf32, #tpu.memory_space<hbm>>
      %dma_start3A_118 = arith.constant 0 : i32
      %dma_start3A_119 = tpu.memref_slice %arg22[%add3A_104, %dma_start3A_118] : memref<10016x144xf32, #tpu.memory_space<vmem_shared>> -> memref<48x144xf32, #tpu.memory_space<vmem_shared>>
      tpu.enqueue_dma source(%dma_start3A_119 : memref<48x144xf32, #tpu.memory_space<vmem_shared>>) target(%dma_start3A_117 : memref<48x144xf32, #tpu.memory_space<hbm>>) target_semaphore(%run_scoped3A : memref<!tpu.dma_semaphore, #tpu.memory_space<semaphore_mem>>)
      %dma_wait3A_120 = arith.constant 0 : i32
      %dma_wait3A_121 = tpu.memref_slice %arg7[%arg0, %add3A_106, %dma_wait3A_120] : memref<2x10016x144xf32, #tpu.memory_space<hbm>> -> memref<1x48x144xf32, #tpu.memory_space<hbm>>
      %dma_wait3A_122 = tpu.memref_squeeze %dma_wait3A_121 : memref<1x48x144xf32, #tpu.memory_space<hbm>> -> memref<48x144xf32, #tpu.memory_space<hbm>>
      %dma_wait3A_123 = arith.constant 0 : i32
      %dma_wait3A_124 = tpu.memref_slice %arg22[%add3A_104, %dma_wait3A_123] : memref<10016x144xf32, #tpu.memory_space<vmem_shared>> -> memref<48x144xf32, #tpu.memory_space<vmem_shared>>
      tpu.wait_dma2 semaphore(%run_scoped3A : memref<!tpu.dma_semaphore, #tpu.memory_space<semaphore_mem>>) src(%dma_wait3A_124 : memref<48x144xf32, #tpu.memory_space<vmem_shared>>) dst(%dma_wait3A_122 : memref<48x144xf32, #tpu.memory_space<hbm>>)
      tpu.yield
    }) : () -> ()
    %add3A_107 = arith.constant 576 : i32
    %add3A_108 = arith.addi %mul3A_58, %add3A_107 : i32
    %add3A_109 = arith.constant 576 : i32
    %add3A_110 = arith.addi %mul3A_58, %add3A_109 : i32
    "tpu.region"() ({
      %run_scoped3A = tpu.sem_alloc : memref<!tpu.dma_semaphore, #tpu.memory_space<semaphore_mem>>
      %dma_start3A_115 = arith.constant 0 : i32
      %dma_start3A_116 = tpu.memref_slice %arg7[%arg0, %add3A_110, %dma_start3A_115] : memref<2x10016x144xf32, #tpu.memory_space<hbm>> -> memref<1x48x144xf32, #tpu.memory_space<hbm>>
      %dma_start3A_117 = tpu.memref_squeeze %dma_start3A_116 : memref<1x48x144xf32, #tpu.memory_space<hbm>> -> memref<48x144xf32, #tpu.memory_space<hbm>>
      %dma_start3A_118 = arith.constant 0 : i32
      %dma_start3A_119 = tpu.memref_slice %arg22[%add3A_108, %dma_start3A_118] : memref<10016x144xf32, #tpu.memory_space<vmem_shared>> -> memref<48x144xf32, #tpu.memory_space<vmem_shared>>
      tpu.enqueue_dma source(%dma_start3A_119 : memref<48x144xf32, #tpu.memory_space<vmem_shared>>) target(%dma_start3A_117 : memref<48x144xf32, #tpu.memory_space<hbm>>) target_semaphore(%run_scoped3A : memref<!tpu.dma_semaphore, #tpu.memory_space<semaphore_mem>>)
      %dma_wait3A_120 = arith.constant 0 : i32
      %dma_wait3A_121 = tpu.memref_slice %arg7[%arg0, %add3A_110, %dma_wait3A_120] : memref<2x10016x144xf32, #tpu.memory_space<hbm>> -> memref<1x48x144xf32, #tpu.memory_space<hbm>>
      %dma_wait3A_122 = tpu.memref_squeeze %dma_wait3A_121 : memref<1x48x144xf32, #tpu.memory_space<hbm>> -> memref<48x144xf32, #tpu.memory_space<hbm>>
      %dma_wait3A_123 = arith.constant 0 : i32
      %dma_wait3A_124 = tpu.memref_slice %arg22[%add3A_108, %dma_wait3A_123] : memref<10016x144xf32, #tpu.memory_space<vmem_shared>> -> memref<48x144xf32, #tpu.memory_space<vmem_shared>>
      tpu.wait_dma2 semaphore(%run_scoped3A : memref<!tpu.dma_semaphore, #tpu.memory_space<semaphore_mem>>) src(%dma_wait3A_124 : memref<48x144xf32, #tpu.memory_space<vmem_shared>>) dst(%dma_wait3A_122 : memref<48x144xf32, #tpu.memory_space<hbm>>)
      tpu.yield
    }) : () -> ()
    %add3A_111 = arith.constant 624 : i32
    %add3A_112 = arith.addi %mul3A_58, %add3A_111 : i32
    %add3A_113 = arith.constant 624 : i32
    %add3A_114 = arith.addi %mul3A_58, %add3A_113 : i32
    "tpu.region"() ({
      %run_scoped3A = tpu.sem_alloc : memref<!tpu.dma_semaphore, #tpu.memory_space<semaphore_mem>>
      %dma_start3A_115 = arith.constant 0 : i32
      %dma_start3A_116 = tpu.memref_slice %arg7[%arg0, %add3A_114, %dma_start3A_115] : memref<2x10016x144xf32, #tpu.memory_space<hbm>> -> memref<1x2x144xf32, #tpu.memory_space<hbm>>
      %dma_start3A_117 = tpu.memref_squeeze %dma_start3A_116 : memref<1x2x144xf32, #tpu.memory_space<hbm>> -> memref<2x144xf32, #tpu.memory_space<hbm>>
      %dma_start3A_118 = arith.constant 0 : i32
      %dma_start3A_119 = tpu.memref_slice %arg22[%add3A_112, %dma_start3A_118] : memref<10016x144xf32, #tpu.memory_space<vmem_shared>> -> memref<2x144xf32, #tpu.memory_space<vmem_shared>>
      tpu.enqueue_dma source(%dma_start3A_119 : memref<2x144xf32, #tpu.memory_space<vmem_shared>>) target(%dma_start3A_117 : memref<2x144xf32, #tpu.memory_space<hbm>>) target_semaphore(%run_scoped3A : memref<!tpu.dma_semaphore, #tpu.memory_space<semaphore_mem>>)
      %dma_wait3A_120 = arith.constant 0 : i32
      %dma_wait3A_121 = tpu.memref_slice %arg7[%arg0, %add3A_114, %dma_wait3A_120] : memref<2x10016x144xf32, #tpu.memory_space<hbm>> -> memref<1x2x144xf32, #tpu.memory_space<hbm>>
      %dma_wait3A_122 = tpu.memref_squeeze %dma_wait3A_121 : memref<1x2x144xf32, #tpu.memory_space<hbm>> -> memref<2x144xf32, #tpu.memory_space<hbm>>
      %dma_wait3A_123 = arith.constant 0 : i32
      %dma_wait3A_124 = tpu.memref_slice %arg22[%add3A_112, %dma_wait3A_123] : memref<10016x144xf32, #tpu.memory_space<vmem_shared>> -> memref<2x144xf32, #tpu.memory_space<vmem_shared>>
      tpu.wait_dma2 semaphore(%run_scoped3A : memref<!tpu.dma_semaphore, #tpu.memory_space<semaphore_mem>>) src(%dma_wait3A_124 : memref<2x144xf32, #tpu.memory_space<vmem_shared>>) dst(%dma_wait3A_122 : memref<2x144xf32, #tpu.memory_space<hbm>>)
      tpu.yield
    }) : () -> ()
    return
  }
}

module attributes {stable_mosaic.version = 14 : i64} {
  func.func @_k1_body(%arg0: i32, %arg1: memref<1000x128xf32, #tpu.memory_space<vmem>>, %arg2: memref<128x128xf32, #tpu.memory_space<vmem>>, %arg3: memref<128x8xf32, #tpu.memory_space<vmem>>, %arg4: memref<128x8xf32, #tpu.memory_space<vmem>>, %arg5: memref<1000x144xf32, #tpu.memory_space<vmem>>, %arg6: memref<1000x8xf32, #tpu.memory_space<vmem>>, %arg7: memref<1x8xf32, #tpu.memory_space<vmem>>, %arg8: memref<1x8xf32, #tpu.memory_space<vmem>>) attributes {dimension_semantics = [#tpu.dimension_semantics<arbitrary>], iteration_bounds = array<i64: 10>, scalar_prefetch = 0 : i64, scratch_operands = 1 : i64, tpu.core_type = #tpu.core_type<tc>, window_params = [{transform_indices = @transform_0, window_bounds = array<i64: 1000, 128>}, {pipeline_mode = #tpu.pipeline_mode<synchronous>, transform_indices = @transform_1, window_bounds = array<i64: 128, 128>}, {pipeline_mode = #tpu.pipeline_mode<synchronous>, transform_indices = @transform_2, window_bounds = array<i64: 128, 8>}, {pipeline_mode = #tpu.pipeline_mode<synchronous>, transform_indices = @transform_3, window_bounds = array<i64: 128, 8>}, {transform_indices = @transform_4, window_bounds = array<i64: 1000, 144>}, {transform_indices = @transform_5, window_bounds = array<i64: 1000, 8>}, {pipeline_mode = #tpu.pipeline_mode<synchronous>, transform_indices = @transform_6, window_bounds = array<i64: 1, 8>}]} {
    %get3A = arith.constant 0 : index
    %get3A_0 = arith.constant 0 : index
    %get3A_1 = vector.load %arg1[%get3A, %get3A_0] : memref<1000x128xf32, #tpu.memory_space<vmem>>, vector<1000x128xf32>
    %get3A_2 = arith.constant 0 : index
    %get3A_3 = arith.constant 0 : index
    %get3A_4 = vector.load %arg2[%get3A_2, %get3A_3] : memref<128x128xf32, #tpu.memory_space<vmem>>, vector<128x128xf32>
    %dot_general3A = arith.constant dense<0.000000e+00> : vector<1000x128xf32>
    %dot_general3A_5 = tpu.matmul %get3A_1, %get3A_4, %dot_general3A {dimension_numbers = #tpu.dot_dimension_numbers<[1], [0], [0], [1], [0, 0, 1, 1], [], []>, transpose_lhs_hint = false} : vector<1000x128xf32>, vector<128x128xf32>, vector<1000x128xf32> -> vector<1000x128xf32>
    %get3A_6 = arith.constant 0 : index
    %get3A_7 = arith.constant 0 : index
    %get3A_8 = vector.load %arg3[%get3A_6, %get3A_7] : memref<128x8xf32, #tpu.memory_space<vmem>>, vector<128x8xf32>
    %dot_general3A_9 = arith.constant dense<0.000000e+00> : vector<1000x8xf32>
    %dot_general3A_10 = tpu.matmul %dot_general3A_5, %get3A_8, %dot_general3A_9 {dimension_numbers = #tpu.dot_dimension_numbers<[1], [0], [0], [1], [0, 0, 1, 1], [], []>, precision = #tpu.contract_precision<fp32>, transpose_lhs_hint = false} : vector<1000x128xf32>, vector<128x8xf32>, vector<1000x8xf32> -> vector<1000x8xf32>
    %get3A_11 = arith.constant 0 : index
    %get3A_12 = arith.constant 0 : index
    %get3A_13 = vector.load %arg4[%get3A_11, %get3A_12] : memref<128x8xf32, #tpu.memory_space<vmem>>, vector<128x8xf32>
    %dot_general3A_14 = arith.constant dense<0.000000e+00> : vector<1000x8xf32>
    %dot_general3A_15 = tpu.matmul %dot_general3A_5, %get3A_13, %dot_general3A_14 {dimension_numbers = #tpu.dot_dimension_numbers<[1], [0], [0], [1], [0, 0, 1, 1], [], []>, precision = #tpu.contract_precision<fp32>, transpose_lhs_hint = false} : vector<1000x128xf32>, vector<128x8xf32>, vector<1000x8xf32> -> vector<1000x8xf32>
    %broadcast_in_dim3A = arith.constant 0.000000e+00 : f32
    %broadcast_in_dim3A_16 = vector.broadcast %broadcast_in_dim3A : f32 to vector<1000x8xf32>
    %concatenate3A = tpu.concatenate %dot_general3A_5, %dot_general3A_10, %broadcast_in_dim3A_16 in 1 : vector<1000x128xf32>, vector<1000x8xf32>, vector<1000x8xf32> -> vector<1000x144xf32>
    %swap3A = arith.constant 0 : index
    %swap3A_17 = arith.constant 0 : index
    %swap3A_18 = vector.load %arg5[%swap3A, %swap3A_17] : memref<1000x144xf32, #tpu.memory_space<vmem>>, vector<1000x144xf32>
    tpu.vector_store %arg5[%swap3A, %swap3A_17], %concatenate3A {strides = array<i32>} : memref<1000x144xf32, #tpu.memory_space<vmem>>, vector<1000x144xf32>,
    %swap3A_19 = arith.constant 0 : index
    %swap3A_20 = arith.constant 0 : index
    %swap3A_21 = vector.load %arg6[%swap3A_19, %swap3A_20] : memref<1000x8xf32, #tpu.memory_space<vmem>>, vector<1000x8xf32>
    tpu.vector_store %arg6[%swap3A_19, %swap3A_20], %dot_general3A_15 {strides = array<i32>} : memref<1000x8xf32, #tpu.memory_space<vmem>>, vector<1000x8xf32>,
    %eq3A = arith.constant 0 : i32
    %eq3A_22 = arith.cmpi eq, %arg0, %eq3A : i32
    %convert_element_type3A = arith.extui %eq3A_22 : i1 to i32
    %cond3A = arith.constant 0 : i32
    %cond3A_23 = arith.cmpi ne, %convert_element_type3A, %cond3A : i32
    scf.if %cond3A_23 {
      %broadcast_in_dim3A_37 = arith.constant -1.000000e+30 : f32
      %broadcast_in_dim3A_38 = vector.broadcast %broadcast_in_dim3A_37 : f32 to vector<1x8xf32>
      %swap3A_39 = arith.constant 0 : index
      %swap3A_40 = arith.constant 0 : index
      %swap3A_41 = vector.load %arg8[%swap3A_39, %swap3A_40] : memref<1x8xf32, #tpu.memory_space<vmem>>, vector<1x8xf32>
      tpu.vector_store %arg8[%swap3A_39, %swap3A_40], %broadcast_in_dim3A_38 {strides = array<i32>} : memref<1x8xf32, #tpu.memory_space<vmem>>, vector<1x8xf32>,
    } else {
    }
    %get3A_24 = arith.constant 0 : index
    %get3A_25 = arith.constant 0 : index
    %get3A_26 = vector.load %arg8[%get3A_24, %get3A_25] : memref<1x8xf32, #tpu.memory_space<vmem>>, vector<1x8xf32>
    %reduce_max3A = arith.constant dense<0xFF800000> : vector<8xf32>
    %reduce_max3A_27 = vector.multi_reduction <maximumf>, %dot_general3A_10, %reduce_max3A [0] : vector<1000x8xf32> to vector<8xf32>
    %broadcast_in_dim3A_28 = vector.shape_cast %reduce_max3A_27 : vector<8xf32> to vector<1x8xf32>
    %max3A = arith.maximumf %get3A_26, %broadcast_in_dim3A_28 : vector<1x8xf32>
    %swap3A_29 = arith.constant 0 : index
    %swap3A_30 = arith.constant 0 : index
    %swap3A_31 = vector.load %arg8[%swap3A_29, %swap3A_30] : memref<1x8xf32, #tpu.memory_space<vmem>>, vector<1x8xf32>
    tpu.vector_store %arg8[%swap3A_29, %swap3A_30], %max3A {strides = array<i32>} : memref<1x8xf32, #tpu.memory_space<vmem>>, vector<1x8xf32>,
    %eq3A_32 = arith.constant 9 : i32
    %eq3A_33 = arith.cmpi eq, %arg0, %eq3A_32 : i32
    %convert_element_type3A_34 = arith.extui %eq3A_33 : i1 to i32
    %cond3A_35 = arith.constant 0 : i32
    %cond3A_36 = arith.cmpi ne, %convert_element_type3A_34, %cond3A_35 : i32
    scf.if %cond3A_36 {
      %get3A_37 = arith.constant 0 : index
      %get3A_38 = arith.constant 0 : index
      %get3A_39 = vector.load %arg8[%get3A_37, %get3A_38] : memref<1x8xf32, #tpu.memory_space<vmem>>, vector<1x8xf32>
      %swap3A_40 = arith.constant 0 : index
      %swap3A_41 = arith.constant 0 : index
      %swap3A_42 = vector.load %arg7[%swap3A_40, %swap3A_41] : memref<1x8xf32, #tpu.memory_space<vmem>>, vector<1x8xf32>
      tpu.vector_store %arg7[%swap3A_40, %swap3A_41], %get3A_39 {strides = array<i32>} : memref<1x8xf32, #tpu.memory_space<vmem>>, vector<1x8xf32>,
    } else {
    }
    return
  }
  func.func @transform_0(%arg0: i32) -> (i32, i32) {
    %c0_i32 = arith.constant 0 : i32
    %c0_i32_0 = arith.constant 0 : i32
    return %arg0, %c0_i32 : i32, i32
  }
  func.func @transform_1(%arg0: i32) -> (i32, i32) {
    %c0_i32 = arith.constant 0 : i32
    %c0_i32_0 = arith.constant 0 : i32
    %c0_i32_1 = arith.constant 0 : i32
    return %c0_i32, %c0_i32_0 : i32, i32
  }
  func.func @transform_2(%arg0: i32) -> (i32, i32) {
    %c0_i32 = arith.constant 0 : i32
    %c0_i32_0 = arith.constant 0 : i32
    %c0_i32_1 = arith.constant 0 : i32
    return %c0_i32, %c0_i32_0 : i32, i32
  }
  func.func @transform_3(%arg0: i32) -> (i32, i32) {
    %c0_i32 = arith.constant 0 : i32
    %c0_i32_0 = arith.constant 0 : i32
    %c0_i32_1 = arith.constant 0 : i32
    return %c0_i32, %c0_i32_0 : i32, i32
  }
  func.func @transform_4(%arg0: i32) -> (i32, i32) {
    %c0_i32 = arith.constant 0 : i32
    %c0_i32_0 = arith.constant 0 : i32
    return %arg0, %c0_i32 : i32, i32
  }
  func.func @transform_5(%arg0: i32) -> (i32, i32) {
    %c0_i32 = arith.constant 0 : i32
    %c0_i32_0 = arith.constant 0 : i32
    return %arg0, %c0_i32 : i32, i32
  }
  func.func @transform_6(%arg0: i32) -> (i32, i32) {
    %c0_i32 = arith.constant 0 : i32
    %c0_i32_0 = arith.constant 0 : i32
    %c0_i32_1 = arith.constant 0 : i32
    return %c0_i32, %c0_i32_0 : i32, i32
  }
}

module attributes {stable_mosaic.version = 14 : i64} {
  func.func @_mlp_bn_stats_body(%arg0: i32, %arg1: memref<1000x144xf32, #tpu.memory_space<vmem>>, %arg2: memref<1000x144xf32, #tpu.memory_space<vmem>>, %arg3: memref<1x128xf32, #tpu.memory_space<vmem>>, %arg4: memref<128x128xf32, #tpu.memory_space<vmem>>, %arg5: memref<1x128xf32, #tpu.memory_space<vmem>>, %arg6: memref<8x128xf32, #tpu.memory_space<vmem>>, %arg7: memref<1000x128xf32, #tpu.memory_space<vmem>>, %arg8: memref<2x128xf32, #tpu.memory_space<vmem>>, %arg9: memref<2x128xf32, #tpu.memory_space<vmem>>) attributes {dimension_semantics = [#tpu.dimension_semantics<arbitrary>], iteration_bounds = array<i64: 10>, scalar_prefetch = 0 : i64, scratch_operands = 1 : i64, tpu.core_type = #tpu.core_type<tc>, window_params = [{transform_indices = @transform_0, window_bounds = array<i64: 1000, 144>}, {transform_indices = @transform_1, window_bounds = array<i64: 1000, 144>}, {pipeline_mode = #tpu.pipeline_mode<synchronous>, transform_indices = @transform_2, window_bounds = array<i64: 1, 128>}, {pipeline_mode = #tpu.pipeline_mode<synchronous>, transform_indices = @transform_3, window_bounds = array<i64: 128, 128>}, {pipeline_mode = #tpu.pipeline_mode<synchronous>, transform_indices = @transform_4, window_bounds = array<i64: 1, 128>}, {pipeline_mode = #tpu.pipeline_mode<synchronous>, transform_indices = @transform_5, window_bounds = array<i64: 8, 128>}, {transform_indices = @transform_6, window_bounds = array<i64: 1000, 128>}, {pipeline_mode = #tpu.pipeline_mode<synchronous>, transform_indices = @transform_7, window_bounds = array<i64: 2, 128>}]} {
    %get3A = arith.constant 0 : index
    %get3A_0 = arith.constant 0 : index
    %get3A_1 = vector.load %arg1[%get3A, %get3A_0] : memref<1000x144xf32, #tpu.memory_space<vmem>>, vector<1000x144xf32>
    %get3A_2 = arith.constant 0 : index
    %get3A_3 = arith.constant 0 : index
    %get3A_4 = vector.load %arg2[%get3A_2, %get3A_3] : memref<1000x144xf32, #tpu.memory_space<vmem>>, vector<1000x144xf32>
    %add3A = arith.addf %get3A_1, %get3A_4 : vector<1000x144xf32>
    %slice3A = vector.extract_strided_slice %add3A {offsets = [0, 0], sizes = [1000, 128], strides = [1, 1]} : vector<1000x144xf32> to vector<1000x128xf32>
    %slice3A_5 = vector.extract_strided_slice %add3A {offsets = [0, 128], sizes = [1000, 8], strides = [1, 1]} : vector<1000x144xf32> to vector<1000x8xf32>
    %add3A_6 = arith.constant 1.000000e-16 : f32
    %add3A_7 = vector.broadcast %add3A_6 : f32 to vector<1000x8xf32>
    %add3A_8 = arith.addf %slice3A_5, %add3A_7 : vector<1000x8xf32>
    %div3A = arith.constant 1.000000e+00 : f32
    %div3A_9 = vector.broadcast %div3A : f32 to vector<1000x8xf32>
    %div3A_10 = arith.divf %div3A_9, %add3A_8 : vector<1000x8xf32>
    %get3A_11 = arith.constant 0 : index
    %get3A_12 = arith.constant 0 : index
    %get3A_13 = vector.load %arg6[%get3A_11, %get3A_12] : memref<8x128xf32, #tpu.memory_space<vmem>>, vector<8x128xf32>
    %dot_general3A = arith.constant dense<0.000000e+00> : vector<1000x128xf32>
    %dot_general3A_14 = tpu.matmul %div3A_10, %get3A_13, %dot_general3A {dimension_numbers = #tpu.dot_dimension_numbers<[1], [0], [0], [1], [0, 0, 1, 1], [], []>, precision = #tpu.contract_precision<fp32>, transpose_lhs_hint = false} : vector<1000x8xf32>, vector<8x128xf32>, vector<1000x128xf32> -> vector<1000x128xf32>
    %mul3A = arith.mulf %slice3A, %dot_general3A_14 : vector<1000x128xf32>
    %get3A_15 = arith.constant 0 : index
    %get3A_16 = arith.constant 0 : index
    %get3A_17 = vector.load %arg3[%get3A_15, %get3A_16] : memref<1x128xf32, #tpu.memory_space<vmem>>, vector<1x128xf32>
    %add3A_18 = vector.broadcast %get3A_17 : vector<1x128xf32> to vector<1000x128xf32>
    %add3A_19 = arith.addf %mul3A, %add3A_18 : vector<1000x128xf32>
    %get3A_20 = arith.constant 0 : index
    %get3A_21 = arith.constant 0 : index
    %get3A_22 = vector.load %arg4[%get3A_20, %get3A_21] : memref<128x128xf32, #tpu.memory_space<vmem>>, vector<128x128xf32>
    %dot_general3A_23 = arith.constant dense<0.000000e+00> : vector<1000x128xf32>
    %dot_general3A_24 = tpu.matmul %add3A_19, %get3A_22, %dot_general3A_23 {dimension_numbers = #tpu.dot_dimension_numbers<[1], [0], [0], [1], [0, 0, 1, 1], [], []>, transpose_lhs_hint = false} : vector<1000x128xf32>, vector<128x128xf32>, vector<1000x128xf32> -> vector<1000x128xf32>
    %get3A_25 = arith.constant 0 : index
    %get3A_26 = arith.constant 0 : index
    %get3A_27 = vector.load %arg5[%get3A_25, %get3A_26] : memref<1x128xf32, #tpu.memory_space<vmem>>, vector<1x128xf32>
    %add3A_28 = vector.broadcast %get3A_27 : vector<1x128xf32> to vector<1000x128xf32>
    %add3A_29 = arith.addf %dot_general3A_24, %add3A_28 : vector<1000x128xf32>
    %max3A = arith.constant 0.000000e+00 : f32
    %max3A_30 = vector.broadcast %max3A : f32 to vector<1000x128xf32>
    %max3A_31 = arith.maximumf %add3A_29, %max3A_30 : vector<1000x128xf32>
    %swap3A = arith.constant 0 : index
    %swap3A_32 = arith.constant 0 : index
    %swap3A_33 = vector.load %arg7[%swap3A, %swap3A_32] : memref<1000x128xf32, #tpu.memory_space<vmem>>, vector<1000x128xf32>
    tpu.vector_store %arg7[%swap3A, %swap3A_32], %max3A_31 {strides = array<i32>} : memref<1000x128xf32, #tpu.memory_space<vmem>>, vector<1000x128xf32>,
    %eq3A = arith.constant 0 : i32
    %eq3A_34 = arith.cmpi eq, %arg0, %eq3A : i32
    %convert_element_type3A = arith.extui %eq3A_34 : i1 to i32
    %cond3A = arith.constant 0 : i32
    %cond3A_35 = arith.cmpi ne, %convert_element_type3A, %cond3A : i32
    scf.if %cond3A_35 {
      %broadcast_in_dim3A_60 = arith.constant 0.000000e+00 : f32
      %broadcast_in_dim3A_61 = vector.broadcast %broadcast_in_dim3A_60 : f32 to vector<2x128xf32>
      %swap3A_62 = arith.constant 0 : index
      %swap3A_63 = arith.constant 0 : index
      %swap3A_64 = vector.load %arg9[%swap3A_62, %swap3A_63] : memref<2x128xf32, #tpu.memory_space<vmem>>, vector<2x128xf32>
      tpu.vector_store %arg9[%swap3A_62, %swap3A_63], %broadcast_in_dim3A_61 {strides = array<i32>} : memref<2x128xf32, #tpu.memory_space<vmem>>, vector<2x128xf32>,
    } else {
    }
    %get3A_36 = arith.constant 0 : index
    %get3A_37 = arith.constant 0 : index
    %get3A_38 = vector.load %arg9[%get3A_36, %get3A_37] : memref<2x128xf32, #tpu.memory_space<vmem>>, vector<1x128xf32>
    %reduce_sum3A = arith.constant dense<0.000000e+00> : vector<128xf32>
    %reduce_sum3A_39 = vector.multi_reduction <add>, %max3A_31, %reduce_sum3A [0] : vector<1000x128xf32> to vector<128xf32>
    %broadcast_in_dim3A = vector.shape_cast %reduce_sum3A_39 : vector<128xf32> to vector<1x128xf32>
    %add3A_40 = arith.addf %get3A_38, %broadcast_in_dim3A : vector<1x128xf32>
    %swap3A_41 = arith.constant 0 : index
    %swap3A_42 = arith.constant 0 : index
    %swap3A_43 = vector.load %arg9[%swap3A_41, %swap3A_42] : memref<2x128xf32, #tpu.memory_space<vmem>>, vector<1x128xf32>
    tpu.vector_store %arg9[%swap3A_41, %swap3A_42], %add3A_40 {strides = array<i32>} : memref<2x128xf32, #tpu.memory_space<vmem>>, vector<1x128xf32>,
    %get3A_44 = arith.constant 1 : index
    %get3A_45 = arith.constant 0 : index
    %get3A_46 = vector.load %arg9[%get3A_44, %get3A_45] : memref<2x128xf32, #tpu.memory_space<vmem>>, vector<1x128xf32>
    %mul3A_47 = arith.mulf %max3A_31, %max3A_31 : vector<1000x128xf32>
    %reduce_sum3A_48 = arith.constant dense<0.000000e+00> : vector<128xf32>
    %reduce_sum3A_49 = vector.multi_reduction <add>, %mul3A_47, %reduce_sum3A_48 [0] : vector<1000x128xf32> to vector<128xf32>
    %broadcast_in_dim3A_50 = vector.shape_cast %reduce_sum3A_49 : vector<128xf32> to vector<1x128xf32>
    %add3A_51 = arith.addf %get3A_46, %broadcast_in_dim3A_50 : vector<1x128xf32>
    %swap3A_52 = arith.constant 1 : index
    %swap3A_53 = arith.constant 0 : index
    %swap3A_54 = vector.load %arg9[%swap3A_52, %swap3A_53] : memref<2x128xf32, #tpu.memory_space<vmem>>, vector<1x128xf32>
    tpu.vector_store %arg9[%swap3A_52, %swap3A_53], %add3A_51 {strides = array<i32>} : memref<2x128xf32, #tpu.memory_space<vmem>>, vector<1x128xf32>,
    %eq3A_55 = arith.constant 9 : i32
    %eq3A_56 = arith.cmpi eq, %arg0, %eq3A_55 : i32
    %convert_element_type3A_57 = arith.extui %eq3A_56 : i1 to i32
    %cond3A_58 = arith.constant 0 : i32
    %cond3A_59 = arith.cmpi ne, %convert_element_type3A_57, %cond3A_58 : i32
    scf.if %cond3A_59 {
      %get3A_60 = arith.constant 0 : index
      %get3A_61 = arith.constant 0 : index
      %get3A_62 = vector.load %arg9[%get3A_60, %get3A_61] : memref<2x128xf32, #tpu.memory_space<vmem>>, vector<2x128xf32>
      %swap3A_63 = arith.constant 0 : index
      %swap3A_64 = arith.constant 0 : index
      %swap3A_65 = vector.load %arg8[%swap3A_63, %swap3A_64] : memref<2x128xf32, #tpu.memory_space<vmem>>, vector<2x128xf32>
      tpu.vector_store %arg8[%swap3A_63, %swap3A_64], %get3A_62 {strides = array<i32>} : memref<2x128xf32, #tpu.memory_space<vmem>>, vector<2x128xf32>,
    } else {
    }
    return
  }
  func.func @transform_0(%arg0: i32) -> (i32, i32) {
    %c0_i32 = arith.constant 0 : i32
    %c0_i32_0 = arith.constant 0 : i32
    return %arg0, %c0_i32 : i32, i32
  }
  func.func @transform_1(%arg0: i32) -> (i32, i32) {
    %c0_i32 = arith.constant 0 : i32
    %c0_i32_0 = arith.constant 0 : i32
    return %arg0, %c0_i32 : i32, i32
  }
  func.func @transform_2(%arg0: i32) -> (i32, i32) {
    %c0_i32 = arith.constant 0 : i32
    %c0_i32_0 = arith.constant 0 : i32
    %c0_i32_1 = arith.constant 0 : i32
    return %c0_i32, %c0_i32_0 : i32, i32
  }
  func.func @transform_3(%arg0: i32) -> (i32, i32) {
    %c0_i32 = arith.constant 0 : i32
    %c0_i32_0 = arith.constant 0 : i32
    %c0_i32_1 = arith.constant 0 : i32
    return %c0_i32, %c0_i32_0 : i32, i32
  }
  func.func @transform_4(%arg0: i32) -> (i32, i32) {
    %c0_i32 = arith.constant 0 : i32
    %c0_i32_0 = arith.constant 0 : i32
    %c0_i32_1 = arith.constant 0 : i32
    return %c0_i32, %c0_i32_0 : i32, i32
  }
  func.func @transform_5(%arg0: i32) -> (i32, i32) {
    %c0_i32 = arith.constant 0 : i32
    %c0_i32_0 = arith.constant 0 : i32
    %c0_i32_1 = arith.constant 0 : i32
    return %c0_i32, %c0_i32_0 : i32, i32
  }
  func.func @transform_6(%arg0: i32) -> (i32, i32) {
    %c0_i32 = arith.constant 0 : i32
    %c0_i32_0 = arith.constant 0 : i32
    return %arg0, %c0_i32 : i32, i32
  }
  func.func @transform_7(%arg0: i32) -> (i32, i32) {
    %c0_i32 = arith.constant 0 : i32
    %c0_i32_0 = arith.constant 0 : i32
    %c0_i32_1 = arith.constant 0 : i32
    return %c0_i32, %c0_i32_0 : i32, i32
  }
}

module attributes {stable_mosaic.version = 14 : i64} {
  func.func @_bn_proj_body(%arg0: i32, %arg1: memref<1000x128xf32, #tpu.memory_space<vmem>>, %arg2: memref<2x128xf32, #tpu.memory_space<vmem>>, %arg3: memref<1x128xf32, #tpu.memory_space<vmem>>, %arg4: memref<1x128xf32, #tpu.memory_space<vmem>>, %arg5: memref<128x128xf32, #tpu.memory_space<vmem>>, %arg6: memref<128x8xf32, #tpu.memory_space<vmem>>, %arg7: memref<1000x144xf32, #tpu.memory_space<vmem>>, %arg8: memref<1000x8xf32, #tpu.memory_space<vmem>>, %arg9: memref<1x8xf32, #tpu.memory_space<vmem>>, %arg10: memref<1x8xf32, #tpu.memory_space<vmem>>) attributes {dimension_semantics = [#tpu.dimension_semantics<arbitrary>], iteration_bounds = array<i64: 10>, scalar_prefetch = 0 : i64, scratch_operands = 1 : i64, tpu.core_type = #tpu.core_type<tc>, window_params = [{transform_indices = @transform_0, window_bounds = array<i64: 1000, 128>}, {pipeline_mode = #tpu.pipeline_mode<synchronous>, transform_indices = @transform_1, window_bounds = array<i64: 2, 128>}, {pipeline_mode = #tpu.pipeline_mode<synchronous>, transform_indices = @transform_2, window_bounds = array<i64: 1, 128>}, {pipeline_mode = #tpu.pipeline_mode<synchronous>, transform_indices = @transform_3, window_bounds = array<i64: 1, 128>}, {pipeline_mode = #tpu.pipeline_mode<synchronous>, transform_indices = @transform_4, window_bounds = array<i64: 128, 128>}, {pipeline_mode = #tpu.pipeline_mode<synchronous>, transform_indices = @transform_5, window_bounds = array<i64: 128, 8>}, {transform_indices = @transform_6, window_bounds = array<i64: 1000, 144>}, {transform_indices = @transform_7, window_bounds = array<i64: 1000, 8>}, {pipeline_mode = #tpu.pipeline_mode<synchronous>, transform_indices = @transform_8, window_bounds = array<i64: 1, 8>}]} {
    %get3A = arith.constant 0 : index
    %get3A_0 = arith.constant 0 : index
    %get3A_1 = vector.load %arg2[%get3A, %get3A_0] : memref<2x128xf32, #tpu.memory_space<vmem>>, vector<1x128xf32>
    %div3A = arith.constant 1.000000e+04 : f32
    %div3A_2 = vector.broadcast %div3A : f32 to vector<1x128xf32>
    %div3A_3 = arith.divf %get3A_1, %div3A_2 : vector<1x128xf32>
    %get3A_4 = arith.constant 1 : index
    %get3A_5 = arith.constant 0 : index
    %get3A_6 = vector.load %arg2[%get3A_4, %get3A_5] : memref<2x128xf32, #tpu.memory_space<vmem>>, vector<1x128xf32>
    %div3A_7 = arith.constant 1.000000e+04 : f32
    %div3A_8 = vector.broadcast %div3A_7 : f32 to vector<1x128xf32>
    %div3A_9 = arith.divf %get3A_6, %div3A_8 : vector<1x128xf32>
    %mul3A = arith.mulf %div3A_3, %div3A_3 : vector<1x128xf32>
    %sub3A = arith.subf %div3A_9, %mul3A : vector<1x128xf32>
    %get3A_10 = arith.constant 0 : index
    %get3A_11 = arith.constant 0 : index
    %get3A_12 = vector.load %arg1[%get3A_10, %get3A_11] : memref<1000x128xf32, #tpu.memory_space<vmem>>, vector<1000x128xf32>
    %sub3A_13 = vector.broadcast %div3A_3 : vector<1x128xf32> to vector<1000x128xf32>
    %sub3A_14 = arith.subf %get3A_12, %sub3A_13 : vector<1000x128xf32>
    %add3A = arith.constant 9.99999974E-6 : f32
    %add3A_15 = vector.broadcast %add3A : f32 to vector<1x128xf32>
    %add3A_16 = arith.addf %sub3A, %add3A_15 : vector<1x128xf32>
    %rsqrt3A = math.rsqrt %add3A_16 : vector<1x128xf32>
    %mul3A_17 = arith.constant 5.000000e-01 : f32
    %mul3A_18 = vector.broadcast %mul3A_17 : f32 to vector<1x128xf32>
    %mul3A_19 = arith.mulf %mul3A_18, %add3A_16 : vector<1x128xf32>
    %mul3A_20 = arith.mulf %mul3A_19, %rsqrt3A : vector<1x128xf32>
    %mul3A_21 = arith.mulf %mul3A_20, %rsqrt3A : vector<1x128xf32>
    %sub3A_22 = arith.constant 1.500000e+00 : f32
    %sub3A_23 = vector.broadcast %sub3A_22 : f32 to vector<1x128xf32>
    %sub3A_24 = arith.subf %sub3A_23, %mul3A_21 : vector<1x128xf32>
    %mul3A_25 = arith.mulf %rsqrt3A, %sub3A_24 : vector<1x128xf32>
    %mul3A_26 = arith.constant 5.000000e-01 : f32
    %mul3A_27 = vector.broadcast %mul3A_26 : f32 to vector<1x128xf32>
    %mul3A_28 = arith.mulf %mul3A_27, %add3A_16 : vector<1x128xf32>
    %mul3A_29 = arith.mulf %mul3A_28, %mul3A_25 : vector<1x128xf32>
    %mul3A_30 = arith.mulf %mul3A_29, %mul3A_25 : vector<1x128xf32>
    %sub3A_31 = arith.constant 1.500000e+00 : f32
    %sub3A_32 = vector.broadcast %sub3A_31 : f32 to vector<1x128xf32>
    %sub3A_33 = arith.subf %sub3A_32, %mul3A_30 : vector<1x128xf32>
    %mul3A_34 = arith.mulf %mul3A_25, %sub3A_33 : vector<1x128xf32>
    %mul3A_35 = vector.broadcast %mul3A_34 : vector<1x128xf32> to vector<1000x128xf32>
    %mul3A_36 = arith.mulf %sub3A_14, %mul3A_35 : vector<1000x128xf32>
    %get3A_37 = arith.constant 0 : index
    %get3A_38 = arith.constant 0 : index
    %get3A_39 = vector.load %arg3[%get3A_37, %get3A_38] : memref<1x128xf32, #tpu.memory_space<vmem>>, vector<1x128xf32>
    %mul3A_40 = vector.broadcast %get3A_39 : vector<1x128xf32> to vector<1000x128xf32>
    %mul3A_41 = arith.mulf %mul3A_36, %mul3A_40 : vector<1000x128xf32>
    %get3A_42 = arith.constant 0 : index
    %get3A_43 = arith.constant 0 : index
    %get3A_44 = vector.load %arg4[%get3A_42, %get3A_43] : memref<1x128xf32, #tpu.memory_space<vmem>>, vector<1x128xf32>
    %add3A_45 = vector.broadcast %get3A_44 : vector<1x128xf32> to vector<1000x128xf32>
    %add3A_46 = arith.addf %mul3A_41, %add3A_45 : vector<1000x128xf32>
    %get3A_47 = arith.constant 0 : index
    %get3A_48 = arith.constant 0 : index
    %get3A_49 = vector.load %arg5[%get3A_47, %get3A_48] : memref<128x128xf32, #tpu.memory_space<vmem>>, vector<128x128xf32>
    %dot_general3A = arith.constant dense<0.000000e+00> : vector<1000x128xf32>
    %dot_general3A_50 = tpu.matmul %add3A_46, %get3A_49, %dot_general3A {dimension_numbers = #tpu.dot_dimension_numbers<[1], [0], [0], [1], [0, 0, 1, 1], [], []>, transpose_lhs_hint = false} : vector<1000x128xf32>, vector<128x128xf32>, vector<1000x128xf32> -> vector<1000x128xf32>
    %get3A_51 = arith.constant 0 : index
    %get3A_52 = arith.constant 0 : index
    %get3A_53 = vector.load %arg6[%get3A_51, %get3A_52] : memref<128x8xf32, #tpu.memory_space<vmem>>, vector<128x8xf32>
    %dot_general3A_54 = arith.constant dense<0.000000e+00> : vector<1000x8xf32>
    %dot_general3A_55 = tpu.matmul %dot_general3A_50, %get3A_53, %dot_general3A_54 {dimension_numbers = #tpu.dot_dimension_numbers<[1], [0], [0], [1], [0, 0, 1, 1], [], []>, precision = #tpu.contract_precision<fp32>, transpose_lhs_hint = false} : vector<1000x128xf32>, vector<128x8xf32>, vector<1000x8xf32> -> vector<1000x8xf32>
    %slice3A = vector.extract_strided_slice %dot_general3A_55 {offsets = [0, 0], sizes = [1000, 1], strides = [1, 1]} : vector<1000x8xf32> to vector<1000x1xf32>
    %broadcast_in_dim3A = arith.constant 0.000000e+00 : f32
    %broadcast_in_dim3A_56 = vector.broadcast %broadcast_in_dim3A : f32 to vector<1000x15xf32>
    %concatenate3A = tpu.concatenate %dot_general3A_50, %slice3A, %broadcast_in_dim3A_56 in 1 : vector<1000x128xf32>, vector<1000x1xf32>, vector<1000x15xf32> -> vector<1000x144xf32>
    %swap3A = arith.constant 0 : index
    %swap3A_57 = arith.constant 0 : index
    %swap3A_58 = vector.load %arg7[%swap3A, %swap3A_57] : memref<1000x144xf32, #tpu.memory_space<vmem>>, vector<1000x144xf32>
    tpu.vector_store %arg7[%swap3A, %swap3A_57], %concatenate3A {strides = array<i32>} : memref<1000x144xf32, #tpu.memory_space<vmem>>, vector<1000x144xf32>,
    %swap3A_59 = arith.constant 0 : index
    %swap3A_60 = arith.constant 0 : index
    %swap3A_61 = vector.load %arg8[%swap3A_59, %swap3A_60] : memref<1000x8xf32, #tpu.memory_space<vmem>>, vector<1000x8xf32>
    tpu.vector_store %arg8[%swap3A_59, %swap3A_60], %dot_general3A_55 {strides = array<i32>} : memref<1000x8xf32, #tpu.memory_space<vmem>>, vector<1000x8xf32>,
    %eq3A = arith.constant 0 : i32
    %eq3A_62 = arith.cmpi eq, %arg0, %eq3A : i32
    %convert_element_type3A = arith.extui %eq3A_62 : i1 to i32
    %cond3A = arith.constant 0 : i32
    %cond3A_63 = arith.cmpi ne, %convert_element_type3A, %cond3A : i32
    scf.if %cond3A_63 {
      %broadcast_in_dim3A_77 = arith.constant -1.000000e+30 : f32
      %broadcast_in_dim3A_78 = vector.broadcast %broadcast_in_dim3A_77 : f32 to vector<1x8xf32>
      %swap3A_79 = arith.constant 0 : index
      %swap3A_80 = arith.constant 0 : index
      %swap3A_81 = vector.load %arg10[%swap3A_79, %swap3A_80] : memref<1x8xf32, #tpu.memory_space<vmem>>, vector<1x8xf32>
      tpu.vector_store %arg10[%swap3A_79, %swap3A_80], %broadcast_in_dim3A_78 {strides = array<i32>} : memref<1x8xf32, #tpu.memory_space<vmem>>, vector<1x8xf32>,
    } else {
    }
    %get3A_64 = arith.constant 0 : index
    %get3A_65 = arith.constant 0 : index
    %get3A_66 = vector.load %arg10[%get3A_64, %get3A_65] : memref<1x8xf32, #tpu.memory_space<vmem>>, vector<1x8xf32>
    %reduce_max3A = arith.constant dense<0xFF800000> : vector<8xf32>
    %reduce_max3A_67 = vector.multi_reduction <maximumf>, %dot_general3A_55, %reduce_max3A [0] : vector<1000x8xf32> to vector<8xf32>
    %broadcast_in_dim3A_68 = vector.shape_cast %reduce_max3A_67 : vector<8xf32> to vector<1x8xf32>
    %max3A = arith.maximumf %get3A_66, %broadcast_in_dim3A_68 : vector<1x8xf32>
    %swap3A_69 = arith.constant 0 : index
    %swap3A_70 = arith.constant 0 : index
    %swap3A_71 = vector.load %arg10[%swap3A_69, %swap3A_70] : memref<1x8xf32, #tpu.memory_space<vmem>>, vector<1x8xf32>
    tpu.vector_store %arg10[%swap3A_69, %swap3A_70], %max3A {strides = array<i32>} : memref<1x8xf32, #tpu.memory_space<vmem>>, vector<1x8xf32>,
    %eq3A_72 = arith.constant 9 : i32
    %eq3A_73 = arith.cmpi eq, %arg0, %eq3A_72 : i32
    %convert_element_type3A_74 = arith.extui %eq3A_73 : i1 to i32
    %cond3A_75 = arith.constant 0 : i32
    %cond3A_76 = arith.cmpi ne, %convert_element_type3A_74, %cond3A_75 : i32
    scf.if %cond3A_76 {
      %get3A_77 = arith.constant 0 : index
      %get3A_78 = arith.constant 0 : index
      %get3A_79 = vector.load %arg10[%get3A_77, %get3A_78] : memref<1x8xf32, #tpu.memory_space<vmem>>, vector<1x8xf32>
      %swap3A_80 = arith.constant 0 : index
      %swap3A_81 = arith.constant 0 : index
      %swap3A_82 = vector.load %arg9[%swap3A_80, %swap3A_81] : memref<1x8xf32, #tpu.memory_space<vmem>>, vector<1x8xf32>
      tpu.vector_store %arg9[%swap3A_80, %swap3A_81], %get3A_79 {strides = array<i32>} : memref<1x8xf32, #tpu.memory_space<vmem>>, vector<1x8xf32>,
    } else {
    }
    return
  }
  func.func @transform_0(%arg0: i32) -> (i32, i32) {
    %c0_i32 = arith.constant 0 : i32
    %c0_i32_0 = arith.constant 0 : i32
    return %arg0, %c0_i32 : i32, i32
  }
  func.func @transform_1(%arg0: i32) -> (i32, i32) {
    %c0_i32 = arith.constant 0 : i32
    %c0_i32_0 = arith.constant 0 : i32
    %c0_i32_1 = arith.constant 0 : i32
    return %c0_i32, %c0_i32_0 : i32, i32
  }
  func.func @transform_2(%arg0: i32) -> (i32, i32) {
    %c0_i32 = arith.constant 0 : i32
    %c0_i32_0 = arith.constant 0 : i32
    %c0_i32_1 = arith.constant 0 : i32
    return %c0_i32, %c0_i32_0 : i32, i32
  }
  func.func @transform_3(%arg0: i32) -> (i32, i32) {
    %c0_i32 = arith.constant 0 : i32
    %c0_i32_0 = arith.constant 0 : i32
    %c0_i32_1 = arith.constant 0 : i32
    return %c0_i32, %c0_i32_0 : i32, i32
  }
  func.func @transform_4(%arg0: i32) -> (i32, i32) {
    %c0_i32 = arith.constant 0 : i32
    %c0_i32_0 = arith.constant 0 : i32
    %c0_i32_1 = arith.constant 0 : i32
    return %c0_i32, %c0_i32_0 : i32, i32
  }
  func.func @transform_5(%arg0: i32) -> (i32, i32) {
    %c0_i32 = arith.constant 0 : i32
    %c0_i32_0 = arith.constant 0 : i32
    %c0_i32_1 = arith.constant 0 : i32
    return %c0_i32, %c0_i32_0 : i32, i32
  }
  func.func @transform_6(%arg0: i32) -> (i32, i32) {
    %c0_i32 = arith.constant 0 : i32
    %c0_i32_0 = arith.constant 0 : i32
    return %arg0, %c0_i32 : i32, i32
  }
  func.func @transform_7(%arg0: i32) -> (i32, i32) {
    %c0_i32 = arith.constant 0 : i32
    %c0_i32_0 = arith.constant 0 : i32
    return %arg0, %c0_i32 : i32, i32
  }
  func.func @transform_8(%arg0: i32) -> (i32, i32) {
    %c0_i32 = arith.constant 0 : i32
    %c0_i32_0 = arith.constant 0 : i32
    %c0_i32_1 = arith.constant 0 : i32
    return %c0_i32, %c0_i32_0 : i32, i32
  }
}

module attributes {stable_mosaic.version = 14 : i64} {
  func.func @_mlp2_bn_stats_body(%arg0: i32, %arg1: memref<1000x144xf32, #tpu.memory_space<vmem>>, %arg2: memref<1000x144xf32, #tpu.memory_space<vmem>>, %arg3: memref<1x128xf32, #tpu.memory_space<vmem>>, %arg4: memref<128x128xf32, #tpu.memory_space<vmem>>, %arg5: memref<1x128xf32, #tpu.memory_space<vmem>>, %arg6: memref<1000x128xf32, #tpu.memory_space<vmem>>, %arg7: memref<2x128xf32, #tpu.memory_space<vmem>>, %arg8: memref<2x128xf32, #tpu.memory_space<vmem>>) attributes {dimension_semantics = [#tpu.dimension_semantics<arbitrary>], iteration_bounds = array<i64: 10>, scalar_prefetch = 0 : i64, scratch_operands = 1 : i64, tpu.core_type = #tpu.core_type<tc>, window_params = [{transform_indices = @transform_0, window_bounds = array<i64: 1000, 144>}, {transform_indices = @transform_1, window_bounds = array<i64: 1000, 144>}, {pipeline_mode = #tpu.pipeline_mode<synchronous>, transform_indices = @transform_2, window_bounds = array<i64: 1, 128>}, {pipeline_mode = #tpu.pipeline_mode<synchronous>, transform_indices = @transform_3, window_bounds = array<i64: 128, 128>}, {pipeline_mode = #tpu.pipeline_mode<synchronous>, transform_indices = @transform_4, window_bounds = array<i64: 1, 128>}, {transform_indices = @transform_5, window_bounds = array<i64: 1000, 128>}, {pipeline_mode = #tpu.pipeline_mode<synchronous>, transform_indices = @transform_6, window_bounds = array<i64: 2, 128>}]} {
    %get3A = arith.constant 0 : index
    %get3A_0 = arith.constant 0 : index
    %get3A_1 = vector.load %arg1[%get3A, %get3A_0] : memref<1000x144xf32, #tpu.memory_space<vmem>>, vector<1000x144xf32>
    %get3A_2 = arith.constant 0 : index
    %get3A_3 = arith.constant 0 : index
    %get3A_4 = vector.load %arg2[%get3A_2, %get3A_3] : memref<1000x144xf32, #tpu.memory_space<vmem>>, vector<1000x144xf32>
    %add3A = arith.addf %get3A_1, %get3A_4 : vector<1000x144xf32>
    %slice3A = vector.extract_strided_slice %add3A {offsets = [0, 0], sizes = [1000, 128], strides = [1, 1]} : vector<1000x144xf32> to vector<1000x128xf32>
    %slice3A_5 = vector.extract_strided_slice %add3A {offsets = [0, 128], sizes = [1000, 1], strides = [1, 1]} : vector<1000x144xf32> to vector<1000x1xf32>
    %add3A_6 = arith.constant 1.000000e-16 : f32
    %add3A_7 = vector.broadcast %add3A_6 : f32 to vector<1000x1xf32>
    %add3A_8 = arith.addf %slice3A_5, %add3A_7 : vector<1000x1xf32>
    %div3A = arith.constant 1.000000e+00 : f32
    %div3A_9 = vector.broadcast %div3A : f32 to vector<1000x1xf32>
    %div3A_10 = arith.divf %div3A_9, %add3A_8 : vector<1000x1xf32>
    %mul3A = vector.broadcast %div3A_10 : vector<1000x1xf32> to vector<1000x128xf32>
    %mul3A_11 = arith.mulf %slice3A, %mul3A : vector<1000x128xf32>
    %get3A_12 = arith.constant 0 : index
    %get3A_13 = arith.constant 0 : index
    %get3A_14 = vector.load %arg3[%get3A_12, %get3A_13] : memref<1x128xf32, #tpu.memory_space<vmem>>, vector<1x128xf32>
    %add3A_15 = vector.broadcast %get3A_14 : vector<1x128xf32> to vector<1000x128xf32>
    %add3A_16 = arith.addf %mul3A_11, %add3A_15 : vector<1000x128xf32>
    %get3A_17 = arith.constant 0 : index
    %get3A_18 = arith.constant 0 : index
    %get3A_19 = vector.load %arg4[%get3A_17, %get3A_18] : memref<128x128xf32, #tpu.memory_space<vmem>>, vector<128x128xf32>
    %dot_general3A = arith.constant dense<0.000000e+00> : vector<1000x128xf32>
    %dot_general3A_20 = tpu.matmul %add3A_16, %get3A_19, %dot_general3A {dimension_numbers = #tpu.dot_dimension_numbers<[1], [0], [0], [1], [0, 0, 1, 1], [], []>, transpose_lhs_hint = false} : vector<1000x128xf32>, vector<128x128xf32>, vector<1000x128xf32> -> vector<1000x128xf32>
    %get3A_21 = arith.constant 0 : index
    %get3A_22 = arith.constant 0 : index
    %get3A_23 = vector.load %arg5[%get3A_21, %get3A_22] : memref<1x128xf32, #tpu.memory_space<vmem>>, vector<1x128xf32>
    %add3A_24 = vector.broadcast %get3A_23 : vector<1x128xf32> to vector<1000x128xf32>
    %add3A_25 = arith.addf %dot_general3A_20, %add3A_24 : vector<1000x128xf32>
    %max3A = arith.constant 0.000000e+00 : f32
    %max3A_26 = vector.broadcast %max3A : f32 to vector<1000x128xf32>
    %max3A_27 = arith.maximumf %add3A_25, %max3A_26 : vector<1000x128xf32>
    %swap3A = arith.constant 0 : index
    %swap3A_28 = arith.constant 0 : index
    %swap3A_29 = vector.load %arg6[%swap3A, %swap3A_28] : memref<1000x128xf32, #tpu.memory_space<vmem>>, vector<1000x128xf32>
    tpu.vector_store %arg6[%swap3A, %swap3A_28], %max3A_27 {strides = array<i32>} : memref<1000x128xf32, #tpu.memory_space<vmem>>, vector<1000x128xf32>,
    %eq3A = arith.constant 0 : i32
    %eq3A_30 = arith.cmpi eq, %arg0, %eq3A : i32
    %convert_element_type3A = arith.extui %eq3A_30 : i1 to i32
    %cond3A = arith.constant 0 : i32
    %cond3A_31 = arith.cmpi ne, %convert_element_type3A, %cond3A : i32
    scf.if %cond3A_31 {
      %broadcast_in_dim3A_56 = arith.constant 0.000000e+00 : f32
      %broadcast_in_dim3A_57 = vector.broadcast %broadcast_in_dim3A_56 : f32 to vector<2x128xf32>
      %swap3A_58 = arith.constant 0 : index
      %swap3A_59 = arith.constant 0 : index
      %swap3A_60 = vector.load %arg8[%swap3A_58, %swap3A_59] : memref<2x128xf32, #tpu.memory_space<vmem>>, vector<2x128xf32>
      tpu.vector_store %arg8[%swap3A_58, %swap3A_59], %broadcast_in_dim3A_57 {strides = array<i32>} : memref<2x128xf32, #tpu.memory_space<vmem>>, vector<2x128xf32>,
    } else {
    }
    %get3A_32 = arith.constant 0 : index
    %get3A_33 = arith.constant 0 : index
    %get3A_34 = vector.load %arg8[%get3A_32, %get3A_33] : memref<2x128xf32, #tpu.memory_space<vmem>>, vector<1x128xf32>
    %reduce_sum3A = arith.constant dense<0.000000e+00> : vector<128xf32>
    %reduce_sum3A_35 = vector.multi_reduction <add>, %max3A_27, %reduce_sum3A [0] : vector<1000x128xf32> to vector<128xf32>
    %broadcast_in_dim3A = vector.shape_cast %reduce_sum3A_35 : vector<128xf32> to vector<1x128xf32>
    %add3A_36 = arith.addf %get3A_34, %broadcast_in_dim3A : vector<1x128xf32>
    %swap3A_37 = arith.constant 0 : index
    %swap3A_38 = arith.constant 0 : index
    %swap3A_39 = vector.load %arg8[%swap3A_37, %swap3A_38] : memref<2x128xf32, #tpu.memory_space<vmem>>, vector<1x128xf32>
    tpu.vector_store %arg8[%swap3A_37, %swap3A_38], %add3A_36 {strides = array<i32>} : memref<2x128xf32, #tpu.memory_space<vmem>>, vector<1x128xf32>,
    %get3A_40 = arith.constant 1 : index
    %get3A_41 = arith.constant 0 : index
    %get3A_42 = vector.load %arg8[%get3A_40, %get3A_41] : memref<2x128xf32, #tpu.memory_space<vmem>>, vector<1x128xf32>
    %mul3A_43 = arith.mulf %max3A_27, %max3A_27 : vector<1000x128xf32>
    %reduce_sum3A_44 = arith.constant dense<0.000000e+00> : vector<128xf32>
    %reduce_sum3A_45 = vector.multi_reduction <add>, %mul3A_43, %reduce_sum3A_44 [0] : vector<1000x128xf32> to vector<128xf32>
    %broadcast_in_dim3A_46 = vector.shape_cast %reduce_sum3A_45 : vector<128xf32> to vector<1x128xf32>
    %add3A_47 = arith.addf %get3A_42, %broadcast_in_dim3A_46 : vector<1x128xf32>
    %swap3A_48 = arith.constant 1 : index
    %swap3A_49 = arith.constant 0 : index
    %swap3A_50 = vector.load %arg8[%swap3A_48, %swap3A_49] : memref<2x128xf32, #tpu.memory_space<vmem>>, vector<1x128xf32>
    tpu.vector_store %arg8[%swap3A_48, %swap3A_49], %add3A_47 {strides = array<i32>} : memref<2x128xf32, #tpu.memory_space<vmem>>, vector<1x128xf32>,
    %eq3A_51 = arith.constant 9 : i32
    %eq3A_52 = arith.cmpi eq, %arg0, %eq3A_51 : i32
    %convert_element_type3A_53 = arith.extui %eq3A_52 : i1 to i32
    %cond3A_54 = arith.constant 0 : i32
    %cond3A_55 = arith.cmpi ne, %convert_element_type3A_53, %cond3A_54 : i32
    scf.if %cond3A_55 {
      %get3A_56 = arith.constant 0 : index
      %get3A_57 = arith.constant 0 : index
      %get3A_58 = vector.load %arg8[%get3A_56, %get3A_57] : memref<2x128xf32, #tpu.memory_space<vmem>>, vector<2x128xf32>
      %swap3A_59 = arith.constant 0 : index
      %swap3A_60 = arith.constant 0 : index
      %swap3A_61 = vector.load %arg7[%swap3A_59, %swap3A_60] : memref<2x128xf32, #tpu.memory_space<vmem>>, vector<2x128xf32>
      tpu.vector_store %arg7[%swap3A_59, %swap3A_60], %get3A_58 {strides = array<i32>} : memref<2x128xf32, #tpu.memory_space<vmem>>, vector<2x128xf32>,
    } else {
    }
    return
  }
  func.func @transform_0(%arg0: i32) -> (i32, i32) {
    %c0_i32 = arith.constant 0 : i32
    %c0_i32_0 = arith.constant 0 : i32
    return %arg0, %c0_i32 : i32, i32
  }
  func.func @transform_1(%arg0: i32) -> (i32, i32) {
    %c0_i32 = arith.constant 0 : i32
    %c0_i32_0 = arith.constant 0 : i32
    return %arg0, %c0_i32 : i32, i32
  }
  func.func @transform_2(%arg0: i32) -> (i32, i32) {
    %c0_i32 = arith.constant 0 : i32
    %c0_i32_0 = arith.constant 0 : i32
    %c0_i32_1 = arith.constant 0 : i32
    return %c0_i32, %c0_i32_0 : i32, i32
  }
  func.func @transform_3(%arg0: i32) -> (i32, i32) {
    %c0_i32 = arith.constant 0 : i32
    %c0_i32_0 = arith.constant 0 : i32
    %c0_i32_1 = arith.constant 0 : i32
    return %c0_i32, %c0_i32_0 : i32, i32
  }
  func.func @transform_4(%arg0: i32) -> (i32, i32) {
    %c0_i32 = arith.constant 0 : i32
    %c0_i32_0 = arith.constant 0 : i32
    %c0_i32_1 = arith.constant 0 : i32
    return %c0_i32, %c0_i32_0 : i32, i32
  }
  func.func @transform_5(%arg0: i32) -> (i32, i32) {
    %c0_i32 = arith.constant 0 : i32
    %c0_i32_0 = arith.constant 0 : i32
    return %arg0, %c0_i32 : i32, i32
  }
  func.func @transform_6(%arg0: i32) -> (i32, i32) {
    %c0_i32 = arith.constant 0 : i32
    %c0_i32_0 = arith.constant 0 : i32
    %c0_i32_1 = arith.constant 0 : i32
    return %c0_i32, %c0_i32_0 : i32, i32
  }
}

module attributes {stable_mosaic.version = 14 : i64} {
  func.func @_bn_final_body(%arg0: i32, %arg1: memref<1000x128xf32, #tpu.memory_space<vmem>>, %arg2: memref<2x128xf32, #tpu.memory_space<vmem>>, %arg3: memref<1x128xf32, #tpu.memory_space<vmem>>, %arg4: memref<1x128xf32, #tpu.memory_space<vmem>>, %arg5: memref<128x128xf32, #tpu.memory_space<vmem>>, %arg6: memref<1x128xf32, #tpu.memory_space<vmem>>, %arg7: memref<1000x128xf32, #tpu.memory_space<vmem>>) attributes {dimension_semantics = [#tpu.dimension_semantics<arbitrary>], iteration_bounds = array<i64: 10>, scalar_prefetch = 0 : i64, scratch_operands = 0 : i64, tpu.core_type = #tpu.core_type<tc>, window_params = [{transform_indices = @transform_0, window_bounds = array<i64: 1000, 128>}, {pipeline_mode = #tpu.pipeline_mode<synchronous>, transform_indices = @transform_1, window_bounds = array<i64: 2, 128>}, {pipeline_mode = #tpu.pipeline_mode<synchronous>, transform_indices = @transform_2, window_bounds = array<i64: 1, 128>}, {pipeline_mode = #tpu.pipeline_mode<synchronous>, transform_indices = @transform_3, window_bounds = array<i64: 1, 128>}, {pipeline_mode = #tpu.pipeline_mode<synchronous>, transform_indices = @transform_4, window_bounds = array<i64: 128, 128>}, {pipeline_mode = #tpu.pipeline_mode<synchronous>, transform_indices = @transform_5, window_bounds = array<i64: 1, 128>}, {transform_indices = @transform_6, window_bounds = array<i64: 1000, 128>}]} {
    %get3A = arith.constant 0 : index
    %get3A_0 = arith.constant 0 : index
    %get3A_1 = vector.load %arg2[%get3A, %get3A_0] : memref<2x128xf32, #tpu.memory_space<vmem>>, vector<1x128xf32>
    %div3A = arith.constant 1.000000e+04 : f32
    %div3A_2 = vector.broadcast %div3A : f32 to vector<1x128xf32>
    %div3A_3 = arith.divf %get3A_1, %div3A_2 : vector<1x128xf32>
    %get3A_4 = arith.constant 1 : index
    %get3A_5 = arith.constant 0 : index
    %get3A_6 = vector.load %arg2[%get3A_4, %get3A_5] : memref<2x128xf32, #tpu.memory_space<vmem>>, vector<1x128xf32>
    %div3A_7 = arith.constant 1.000000e+04 : f32
    %div3A_8 = vector.broadcast %div3A_7 : f32 to vector<1x128xf32>
    %div3A_9 = arith.divf %get3A_6, %div3A_8 : vector<1x128xf32>
    %mul3A = arith.mulf %div3A_3, %div3A_3 : vector<1x128xf32>
    %sub3A = arith.subf %div3A_9, %mul3A : vector<1x128xf32>
    %get3A_10 = arith.constant 0 : index
    %get3A_11 = arith.constant 0 : index
    %get3A_12 = vector.load %arg1[%get3A_10, %get3A_11] : memref<1000x128xf32, #tpu.memory_space<vmem>>, vector<1000x128xf32>
    %sub3A_13 = vector.broadcast %div3A_3 : vector<1x128xf32> to vector<1000x128xf32>
    %sub3A_14 = arith.subf %get3A_12, %sub3A_13 : vector<1000x128xf32>
    %add3A = arith.constant 9.99999974E-6 : f32
    %add3A_15 = vector.broadcast %add3A : f32 to vector<1x128xf32>
    %add3A_16 = arith.addf %sub3A, %add3A_15 : vector<1x128xf32>
    %rsqrt3A = math.rsqrt %add3A_16 : vector<1x128xf32>
    %mul3A_17 = arith.constant 5.000000e-01 : f32
    %mul3A_18 = vector.broadcast %mul3A_17 : f32 to vector<1x128xf32>
    %mul3A_19 = arith.mulf %mul3A_18, %add3A_16 : vector<1x128xf32>
    %mul3A_20 = arith.mulf %mul3A_19, %rsqrt3A : vector<1x128xf32>
    %mul3A_21 = arith.mulf %mul3A_20, %rsqrt3A : vector<1x128xf32>
    %sub3A_22 = arith.constant 1.500000e+00 : f32
    %sub3A_23 = vector.broadcast %sub3A_22 : f32 to vector<1x128xf32>
    %sub3A_24 = arith.subf %sub3A_23, %mul3A_21 : vector<1x128xf32>
    %mul3A_25 = arith.mulf %rsqrt3A, %sub3A_24 : vector<1x128xf32>
    %mul3A_26 = arith.constant 5.000000e-01 : f32
    %mul3A_27 = vector.broadcast %mul3A_26 : f32 to vector<1x128xf32>
    %mul3A_28 = arith.mulf %mul3A_27, %add3A_16 : vector<1x128xf32>
    %mul3A_29 = arith.mulf %mul3A_28, %mul3A_25 : vector<1x128xf32>
    %mul3A_30 = arith.mulf %mul3A_29, %mul3A_25 : vector<1x128xf32>
    %sub3A_31 = arith.constant 1.500000e+00 : f32
    %sub3A_32 = vector.broadcast %sub3A_31 : f32 to vector<1x128xf32>
    %sub3A_33 = arith.subf %sub3A_32, %mul3A_30 : vector<1x128xf32>
    %mul3A_34 = arith.mulf %mul3A_25, %sub3A_33 : vector<1x128xf32>
    %mul3A_35 = vector.broadcast %mul3A_34 : vector<1x128xf32> to vector<1000x128xf32>
    %mul3A_36 = arith.mulf %sub3A_14, %mul3A_35 : vector<1000x128xf32>
    %get3A_37 = arith.constant 0 : index
    %get3A_38 = arith.constant 0 : index
    %get3A_39 = vector.load %arg3[%get3A_37, %get3A_38] : memref<1x128xf32, #tpu.memory_space<vmem>>, vector<1x128xf32>
    %mul3A_40 = vector.broadcast %get3A_39 : vector<1x128xf32> to vector<1000x128xf32>
    %mul3A_41 = arith.mulf %mul3A_36, %mul3A_40 : vector<1000x128xf32>
    %get3A_42 = arith.constant 0 : index
    %get3A_43 = arith.constant 0 : index
    %get3A_44 = vector.load %arg4[%get3A_42, %get3A_43] : memref<1x128xf32, #tpu.memory_space<vmem>>, vector<1x128xf32>
    %add3A_45 = vector.broadcast %get3A_44 : vector<1x128xf32> to vector<1000x128xf32>
    %add3A_46 = arith.addf %mul3A_41, %add3A_45 : vector<1000x128xf32>
    %get3A_47 = arith.constant 0 : index
    %get3A_48 = arith.constant 0 : index
    %get3A_49 = vector.load %arg5[%get3A_47, %get3A_48] : memref<128x128xf32, #tpu.memory_space<vmem>>, vector<128x128xf32>
    %dot_general3A = arith.constant dense<0.000000e+00> : vector<1000x128xf32>
    %dot_general3A_50 = tpu.matmul %add3A_46, %get3A_49, %dot_general3A {dimension_numbers = #tpu.dot_dimension_numbers<[1], [0], [0], [1], [0, 0, 1, 1], [], []>, transpose_lhs_hint = false} : vector<1000x128xf32>, vector<128x128xf32>, vector<1000x128xf32> -> vector<1000x128xf32>
    %get3A_51 = arith.constant 0 : index
    %get3A_52 = arith.constant 0 : index
    %get3A_53 = vector.load %arg6[%get3A_51, %get3A_52] : memref<1x128xf32, #tpu.memory_space<vmem>>, vector<1x128xf32>
    %add3A_54 = vector.broadcast %get3A_53 : vector<1x128xf32> to vector<1000x128xf32>
    %add3A_55 = arith.addf %dot_general3A_50, %add3A_54 : vector<1000x128xf32>
    %max3A = arith.constant 0.000000e+00 : f32
    %max3A_56 = vector.broadcast %max3A : f32 to vector<1000x128xf32>
    %max3A_57 = arith.maximumf %add3A_55, %max3A_56 : vector<1000x128xf32>
    %swap3A = arith.constant 0 : index
    %swap3A_58 = arith.constant 0 : index
    %swap3A_59 = vector.load %arg7[%swap3A, %swap3A_58] : memref<1000x128xf32, #tpu.memory_space<vmem>>, vector<1000x128xf32>
    tpu.vector_store %arg7[%swap3A, %swap3A_58], %max3A_57 {strides = array<i32>} : memref<1000x128xf32, #tpu.memory_space<vmem>>, vector<1000x128xf32>,
    return
  }
  func.func @transform_0(%arg0: i32) -> (i32, i32) {
    %c0_i32 = arith.constant 0 : i32
    %c0_i32_0 = arith.constant 0 : i32
    return %arg0, %c0_i32 : i32, i32
  }
  func.func @transform_1(%arg0: i32) -> (i32, i32) {
    %c0_i32 = arith.constant 0 : i32
    %c0_i32_0 = arith.constant 0 : i32
    %c0_i32_1 = arith.constant 0 : i32
    return %c0_i32, %c0_i32_0 : i32, i32
  }
  func.func @transform_2(%arg0: i32) -> (i32, i32) {
    %c0_i32 = arith.constant 0 : i32
    %c0_i32_0 = arith.constant 0 : i32
    %c0_i32_1 = arith.constant 0 : i32
    return %c0_i32, %c0_i32_0 : i32, i32
  }
  func.func @transform_3(%arg0: i32) -> (i32, i32) {
    %c0_i32 = arith.constant 0 : i32
    %c0_i32_0 = arith.constant 0 : i32
    %c0_i32_1 = arith.constant 0 : i32
    return %c0_i32, %c0_i32_0 : i32, i32
  }
  func.func @transform_4(%arg0: i32) -> (i32, i32) {
    %c0_i32 = arith.constant 0 : i32
    %c0_i32_0 = arith.constant 0 : i32
    %c0_i32_1 = arith.constant 0 : i32
    return %c0_i32, %c0_i32_0 : i32, i32
  }
  func.func @transform_5(%arg0: i32) -> (i32, i32) {
    %c0_i32 = arith.constant 0 : i32
    %c0_i32_0 = arith.constant 0 : i32
    %c0_i32_1 = arith.constant 0 : i32
    return %c0_i32, %c0_i32_0 : i32, i32
  }
  func.func @transform_6(%arg0: i32) -> (i32, i32) {
    %c0_i32 = arith.constant 0 : i32
    %c0_i32_0 = arith.constant 0 : i32
    return %arg0, %c0_i32 : i32, i32
  }
}

</mosaic_0001>

<sc_bundles>
// kernel: kernel.12.cloned.1.call-start
scs
__scs_entry_jumppad:
0x0: {  	(pc) =	sbr.rel $0x88, $3  }
0x1: {  	(tag) =	ssettag $0x0;
	lr =	simm.s32 $0x1  }
0x2: {  	[smem:$0x3F8D] =	sst lr;
	_ =	strace $0xD0000000  }
0x3: {  	_ = 	snop  }
0x4: {  	_ = 	snop  }
0x5: {  	_ = 	snop  }
0x6: {  	_ = 	snop  }
0x7: {  	_ = 	snop  }
__scs_overlays_trampoline_lowered:
0x8: {  	[smem:$0x3F9C] =	sst s0  }
0x9: {  	[smem:$0x3F9D] =	sst s1  }
0xa: {  	[smem:$0x3F9E] =	sst s2  }
0xb: {  	[smem:$0x3F9F] =	sst s3  }
0xc: {  	[smem:$0x3FA0] =	sst s4  }
0xd: {  	[smem:$0x3FA1] =	sst s5  }
0xe: {  	[smem:$0x3FA2] =	sst s6  }
0xf: {  	[smem:$0x3FA3] =	sst s7  }
0x10: {  	[smem:$0x3FA4] =	sst s8  }
0x11: {  	[smem:$0x3FA5] =	sst s9;
	s0 =	simm.s32 @!p0 $0x0  }
0x12: {  	s1 =	sld [smem:$0x3F8B];
	s0 =	simm.s32 @p0 $0x1  }
0x13: {  	[smem:$0x3FA6] =	sst s0;
	s0 =	simm.s32 @!p1 $0x0  }
0x14: {  	s2 =	sld [smem:$0x3F8A];
	s0 =	simm.s32 @p1 $0x1  }
0x15: {  	[smem:$0x3FA7] =	sst s0;
	s0 =	simm.s32 @!p2 $0x0  }
0x16: {  	s3 =	sld [smem:$0x3FDB];
	s0 =	simm.s32 @p2 $0x1  }
0x17: {  	s4 =	simm.s32 $0x1BF5;
	[smem:$0x3FA9] =	sst s0  }
0x18: {  	s0 =	sld [smem:$0x3F8C];
	_ =	swait.ge [sflag:s4], $0x0  }
0x19: {  	s7 =	sld [smem:$0x3F8D]  }
0x1a: {  	s8 =	sadd.s32 $0xFFFFE003, lr  }
0x1b: {  	s9 =	sadd.s32 $0xFFFFFEF7, lr;
	s5 =	simm.s32 $0xFFFFFFFF;
	p2 =	slt.u32 s8, $0xFFFFF086  }
0x1c: {  	p1 =	slt.u32 s9, $0xF7A;
	s5 =	simm.s32 @!p2 $0x0  }
0x1d: {  	s5 =	simm.s32 @p1 $0x1;
	p0 =	seq.s32 s7, s2  }
0x1e: {  	s7 =	smul.u32 @!p0 $0xF7A, s2;
	p2 =	seq.s32 @!p0 s5, $0x0  }
0x1f: {  	s9 =	smul.u32 $0xF7A, s1;
	s8 =	simm.s32 @!p0 $0x1BF5;
	p2 =	por !p2, p0  }
0x20: {  	[sflag:s8] =	ssyncset.s32 @!p0 $0xFFFFF086;
	s6 =	sadd.s32 @!p0 s3, s7;
	s7 =	simm.s32 @!p0 $0x108  }
0x21: {  	s3 =	sadd.s32 s3, s9;
	s6 =	sadd.s32 @!p0 $0x88, s6;
	s7 =	simm.s32 @p2 $0x1082  }
0x22: {  	[simem:s7], [sflag:s8] =	dma.local @!p0 [hbm:s6], $0xF7A  }
0x23: {  	s9 =	sor.u32 $0xD0000000, s2;
	s6 =	simm.s32 $0x108;
	_ =	swait.ge @!p0 [sflag:s8], $0x0  }
0x24: {  	s3 =	sadd.s32 $0x88, s3;
	s6 =	simm.s32 @!p1 $0x1082;
	[sflag:s4] =	ssyncset.s32 $0xFFFFF086  }
0x25: {  	[simem:s6], [sflag:s4] =	dma.local [hbm:s3], $0xF7A  }
0x26: {  	[smem:$0x3F8D] =	sst s1;
	(tag) =	ssettag s2;
	_ =	strace s9  }
0x27: {  	s1 =	sld [smem:$0x3F9D]  }
0x28: {  	s2 =	sld [smem:$0x3F9E]  }
0x29: {  	s4 =	sld [smem:$0x3FA0]  }
0x2a: {  	p0 =	seq.s32 s5, $0x0;
	s5 =	sld [smem:$0x3FA1]  }
0x2b: {  	s6 =	sld [smem:$0x3FA2]  }
0x2c: {  	s7 =	sld [smem:$0x3FA3]  }
0x2d: {  	s3 =	simm.s32 $0x108;
	s8 =	sld [smem:$0x3FA4]  }
0x2e: {  	s3 =	simm.s32 @!p0 $0x1082;
	s9 =	sld [smem:$0x3FA5]  }
0x2f: {  	lr =	sadd.s32 s0, s3;
	s0 =	sld [smem:$0x3F9C]  }
0x30: {  	s3 =	sld [smem:$0x3F9F]  }
0x31: {  	[smem:$0x3FA8] =	sst s10  }
0x32: {  	s10 =	sld [smem:$0x3FA6];
	_ =	sdelay $0x3  }
0x33: {  	p0 =	seq.s32 s10, $0x1;
	s10 =	sld [smem:$0x3FA8];
	_ =	sdelay $0x3  }
0x34: {  	[smem:$0x3FA8] =	sst s10  }
0x35: {  	s10 =	sld [smem:$0x3FA7];
	_ =	sdelay $0x3  }
0x36: {  	p1 =	seq.s32 s10, $0x1;
	s10 =	sld [smem:$0x3FA8];
	_ =	sdelay $0x3  }
0x37: {  	[smem:$0x3FA8] =	sst s10  }
0x38: {  	s10 =	sld [smem:$0x3FA9]  }
0x39: {  	_ = 	snop;
	(pc) =	sbr.ind lr, $3  }
0x3a: {  	_ = 	snop  }
0x3b: {  	_ = 	snop  }
0x3c: {  	p2 =	seq.s32 s10, $0x1;
	s10 =	sld [smem:$0x3FA8]  }
0x3d: {  	_ =	shalt  }
0x3e: {  	_ =	shalt  }
0x3f: {  	_ =	shalt  }
0x40: {  	_ =	shalt  }
0x41: {  	_ =	shalt  }
0x42: {  	_ =	shalt  }
0x43: {  	_ =	shalt  }
0x44: {  	_ =	shalt  }
0x45: {  	_ =	shalt  }
0x46: {  	_ =	shalt  }
0x47: {  	_ =	shalt  }
0x48: {  	_ =	shalt  }
0x49: {  	_ =	shalt  }
0x4a: {  	_ =	shalt  }
0x4b: {  	_ =	shalt  }
0x4c: {  	_ =	shalt  }
0x4d: {  	_ =	shalt  }
0x4e: {  	_ =	shalt  }
0x4f: {  	_ =	shalt  }
0x50: {  	_ =	shalt  }
0x51: {  	_ =	shalt  }
0x52: {  	_ =	shalt  }
0x53: {  	_ =	shalt  }
0x54: {  	_ =	shalt  }
0x55: {  	_ =	shalt  }
0x56: {  	_ =	shalt  }
0x57: {  	_ =	shalt  }
0x58: {  	_ =	shalt  }
0x59: {  	_ =	shalt  }
0x5a: {  	_ =	shalt  }
0x5b: {  	_ =	shalt  }
0x5c: {  	_ =	shalt  }
0x5d: {  	_ =	shalt  }
0x5e: {  	_ =	shalt  }
0x5f: {  	_ =	shalt  }
0x60: {  	_ =	shalt  }
0x61: {  	_ =	shalt  }
0x62: {  	_ =	shalt  }
0x63: {  	_ =	shalt  }
0x64: {  	_ =	shalt  }
0x65: {  	_ =	shalt  }
0x66: {  	_ =	shalt  }
0x67: {  	_ =	shalt  }
0x68: {  	_ =	shalt  }
0x69: {  	_ =	shalt  }
0x6a: {  	_ =	shalt  }
0x6b: {  	_ =	shalt  }
0x6c: {  	_ =	shalt  }
0x6d: {  	_ =	shalt  }
0x6e: {  	_ =	shalt  }
0x6f: {  	_ =	shalt  }
0x70: {  	_ =	shalt  }
0x71: {  	_ =	shalt  }
0x72: {  	_ =	shalt  }
0x73: {  	_ =	shalt  }
0x74: {  	_ =	shalt  }
0x75: {  	_ =	shalt  }
0x76: {  	_ =	shalt  }
0x77: {  	_ =	shalt  }
0x78: {  	_ =	shalt  }
0x79: {  	_ =	shalt  }
0x7a: {  	_ =	shalt  }
0x7b: {  	_ =	shalt  }
0x7c: {  	_ =	shalt  }
0x7d: {  	_ =	shalt  }
0x7e: {  	_ =	shalt  }
0x7f: {  	_ =	shalt  }
0x80: {  	_ =	shalt  }
0x81: {  	_ =	shalt  }
0x82: {  	_ =	shalt  }
0x83: {  	_ =	shalt  }
0x84: {  	_ =	shalt  }
0x85: {  	_ =	shalt  }
0x86: {  	_ =	shalt  }
0x87: {  	_ =	shalt  }
.Lfunc_end0:
.L_simem_size_0:
called_computation.1_lowered:
.L_overlay_start_0:
0x88: {  	s2 =	sld [smem:$0x3FD9]  }
0x89: {  	s3 =	sld [smem:$0x3FFE];
	_ =	sdelay $0x1  }
0x8a: {  	s1 =	srdreg.scid  }
0x8b: {  	s0 =	sand.u32 $0x1, s1  }
0x8c: {  	s17 =	sshll.u32 s0, $0xA;
	s2 =	sadd.s32 s3, s2  }
0x8d: {  	s2 =	sadd.s32 s2, s17  }
0x8e: {  	[smem:$0x3FB4] =	sst s2  }
0x8f: {  	_ = 	snop  }
0x90: {  	s2 =	sld [smem:$0x3FD0];
	(tm) =	ssettm $0x1  }
0x91: {  	s18 =	sld [smem:$0x3FFB];
	_ =	sdelay $0x3  }
0x92: {  	_ =	strace s18  }
0x93: {  	s3 =	sld [smem:$0x3FFC];
	_ =	sdelay $0x3  }
0x94: {  	_ =	strace s3  }
0x95: {  	s3 =	sld [smem:$0x3FFD];
	_ =	sdelay $0x3  }
0x96: {  	_ =	strace s3  }
0x97: {  	_ =	strace $0x8FFFFFFF  }
0x98: {  	s19 =	sld [smem:$0x3FDB];
	_ =	sdelay $0x1  }
0x99: {  	s4 =	simm.s32 $_scs_section_size  }
0x9a: {  	s5 =	simm.s32 $_size__tile_overlayer_lowered;
	s6 =	simm.s32 $_tile_overlayer_lowered  }
0x9b: {  	s22 =	simm.s32 $0x1BFF;
	s21 =	sshll.u32 s6, $0x1;
	s3 =	sadd.s32 s4, s19  }
0x9c: {  	s7 =	simm.s32 $0x0;
	s20 =	sshll.u32 s5, $0x1;
	s5 =	sadd.s32 s21, s3  }
0x9d: {  	[timem:s7], [sflag:s22] =	dma.local [hbm:s5], s20  }
0x9e: {  	_ =	swait.ge [sflag:s22], s20  }
0x9f: {  	s4 =	ssub.s32 $0x0, s20;
	[sflag:s22] =	ssyncset.done $0x0  }
0xa0: {  	[sflag:s22] =	ssyncadd.s32 s4;
	_ =	sdelay $0x1  }
0xa1: {  	s23 =	simm.s32 $0x1B8B  }
0xa2: {  	_ =	swait.ge [sflag:s23], $0x1  }
0xa3: {  	[sflag:s23] =	ssyncset.done $0x0  }
0xa4: {  	s25 =	simm.s32 $0x1B8E;
	s24 =	sld [smem:$0x3FFE];
	[sflag:s23] =	ssyncadd.s32 $0xFFFFFFFF  }
0xa5: {  	s26 =	simm.s32 $execute0_lowered;
	[smem:$0x3FD2] =	sst s25  }
0xa6: {  	s5 =	sshll.u32 s26, $0x1;
	_ =	strace $0x80000049;
	[dreg:$0x1] =	wrdreg $0xFFFFFFFF  }
0xa7: {  	s28 =	simm.s32 $_size_execute0_lowered;
	s3 =	sadd.s32 s3, s5;
	[dreg:$0x0] =	wrdreg $0x0  }
0xa8: {  	s5 =	sshll.u32 s28, $0x1;
	[dreg:$0x2] =	wrdreg s3  }
0xa9: {  	[dreg:$0x3] =	wrdreg s5  }
0xaa: {  	[dreg:$0x4] =	wrdreg $0xC0  }
0xab: {  	_ =	task [dreg:s7], $0x5FFFF  }
0xac: {  	[dreg:$0x1] =	wrdreg $0xFFFFFFFF  }
0xad: {  	[dreg:$0x0] =	wrdreg $0x60  }
0xae: {  	[dreg:$0x2] =	wrdreg s24  }
0xaf: {  	[dreg:$0x3] =	wrdreg s2  }
0xb0: {  	[dreg:$0x4] =	wrdreg $0x8E300  }
0xb1: {  	[dreg:$0x5] =	wrdreg $0x9  }
0xb2: {  	_ =	task.clear_ibuf [dreg:s7], $0x6FFFF;
	_ =	strace $0x90000049  }
0xb3: {  	s29 =	simm.s32 $0x9;
	_ =	strace $0x8000004B  }
0xb4: {  	_ =	swait.ge [sflag:s29], $0x1  }
0xb5: {  	[sflag:s29] =	ssyncadd.s32 $0xFFFFFFFF  }
0xb6: {  	_ =	strace $0x9000004B  }
0xb7: {  	_ =	sfence  }
0xb8: {  	s30 =	sld [smem:$0x0];
	_ =	sdelay $0x2  }
0xb9: {  	s31 =	sshll.u32 s1, $0xD;
	s1 =	sshrl.u32 s1, $0x2  }
0xba: {  	s3 =	sand.u32 $0x4000, s31;
	s1 =	sadd.s32 s1, s30  }
0xbb: {  	s0 =	sor.u32 s3, s0;
	s1 =	sshll.u32 s1, $0x11  }
0xbc: {  	s0 =	sor.u32 s1, s0  }
0xbd: {  	s0 =	sadd.s32 $0x8F2B, s0  }
0xbe: {  	[sflag:s0] =	ssyncadd.remote.s32 $0x1  }
0xbf: {  	_ =	sfence.sel $0xFFFF  }
0xc0: {  	[dreg:$0x0] =	wrdreg $0xFFFFFFFF;
	(pc) =	sbr.abs _section_cstart, $3  }
0xc1: {  	[dreg:$0x1] =	wrdreg $0xFFFFFFFF  }
0xc2: {  	_ =	task.clear_ibuf [dreg:s7], $0x2FFFF;
	_ =	strace $0x9FFFFFFF  }
0xc3: {  	(tm) =	ssettm $0x7FFFFFFF  }
tec
execute0_lowered:
.L_overlay_start_1:
0x0: {  	(tag) =	ssettag $0x1  }
0x1: {  	s1 =	srdreg.scid  }
0x2: {  	s0 =	rddreg [dreg:$0x0];
	s5 =	stileid.u32;
	s9 =	sand.u32 $0x1, s1  }
0x3: {  	s1 =	simm.s32 $0x0;
	s3 =	smul.u32 $0x16020, s5;
	s14 =	sadd.s32 $0x3D000, s0  }
0x4: {  	s20 =	sshll.u32 s5, $0x1;
	s2 =	ssub.s32 $0x2, s9;
	[smem:$0x7FF] =	sst s1  }
0x5: {  	s15 =	smul.u32 $0x160200, s9;
	s4 =	sshrl.u32 s2, $0x1;
	s5 =	sadd.s32 $0x3600, s3  }
0x6: {  	s7 =	sadd.s32 $0x5100, s3;
	s8 =	sadd.s32 $0x6C00, s3;
	s10 =	sadd.s32 $0x8700, s3  }
0x7: {  	s11 =	sadd.s32 $0xA200, s3;
	s12 =	sadd.s32 $0xBD00, s3;
	s13 =	sadd.s32 $0xD800, s3  }
0x8: {  	s6 =	ssub.s32 s2, s4;
	s2 =	sor.u32 s9, s20;
	s4 =	sadd.s32 $0x1B00, s3  }
0x9: {  	s9 =	sadd.s32 $0xF300, s3;
	s16 =	sadd.s32 s3, s15;
	s18 =	sadd.s32 s15, s5  }
0xa: {  	s24 =	sadd.s32 s15, s7;
	s25 =	sadd.s32 s15, s8;
	s26 =	sadd.s32 s15, s10  }
0xb: {  	s20 =	sadd.s32 s15, s11;
	s16 =	sshrl.u32 s16, $0x3;
	s17 =	sadd.s32 s15, s4  }
0xc: {  	s22 =	sshrl.u32 s18, $0x3;
	s18 =	sshrl.u32 s26, $0x3;
	s26 =	sadd.s32 s15, s9  }
0xd: {  	s16 =	sadd.s32 s14, s16;
	s21 =	sshrl.u32 s17, $0x3;
	s23 =	sadd.s32 s14, s22  }
0xe: {  	s17 =	sshrl.u32 s25, $0x3;
	s19 =	sadd.s32 s14, s18;
	[dreg:$0x4] =	wrdreg s16  }
0xf: {  	s22 =	sadd.s32 s15, s13;
	s16 =	sadd.s32 s14, s21;
	[dreg:$0x6] =	wrdreg s23  }
0x10: {  	s18 =	sadd.s32 $0x12900, s3;
	[dreg:$0x5] =	wrdreg s16;
	s16 =	sshrl.u32 s24, $0x3  }
0x11: {  	[dreg:$0x9] =	wrdreg s19;
	s24 =	sshrl.u32 s22, $0x3;
	s16 =	sadd.s32 s14, s16  }
0x12: {  	s21 =	sadd.s32 s15, s12;
	s25 =	sadd.s32 s14, s24;
	[dreg:$0x7] =	wrdreg s16  }
0x13: {  	s23 =	sshrl.u32 s21, $0x3;
	s16 =	sadd.s32 s14, s17;
	[dreg:$0xc] =	wrdreg s25  }
0x14: {  	s17 =	sadd.s32 $0x10E00, s3;
	[dreg:$0x8] =	wrdreg s16;
	s16 =	sshrl.u32 s20, $0x3  }
0x15: {  	s19 =	sadd.s32 s15, s17;
	s20 =	sadd.s32 s15, s18;
	s16 =	sadd.s32 s14, s16  }
0x16: {  	s19 =	sshrl.u32 s19, $0x3;
	[dreg:$0xa] =	wrdreg s16;
	s16 =	sadd.s32 s14, s23  }
0x17: {  	s19 =	sadd.s32 s14, s19;
	[dreg:$0xb] =	wrdreg s16;
	s16 =	sshrl.u32 s26, $0x3  }
0x18: {  	s21 =	sshrl.u32 s20, $0x3;
	[dreg:$0xe] =	wrdreg s19;
	s16 =	sadd.s32 s14, s16  }
0x19: {  	[dreg:$0xd] =	wrdreg s16;
	s16 =	sadd.s32 s14, s21;
	s21 =	sadd.s32 $0x14400, s3  }
0x1a: {  	s23 =	sadd.s32 $0x15F00, s3;
	[dreg:$0xf] =	wrdreg s16;
	s22 =	sadd.s32 s15, s21  }
0x1b: {  	s24 =	sadd.s32 s15, s23;
	s15 =	rddreg [dreg:$0x1];
	s25 =	sshrl.u32 s22, $0x3  }
0x1c: {  	s19 =	sshrl.u32 s24, $0x3;
	s16 =	rddreg [dreg:$0x2];
	s20 =	sadd.s32 s14, s25  }
0x1d: {  	s14 =	sadd.s32 s14, s19;
	[dreg:$0x10] =	wrdreg s20  }
0x1e: {  	s26 =	sadd.s32 $0x32C00, s0;
	s30 =	sadd.s32 s4, s16;
	[dreg:$0x11] =	wrdreg s14  }
0x1f: {  	s4 =	sadd.s32 s7, s16;
	_ =	strace $0x8000004A;
	[dreg:$0x12] =	wrdreg s26  }
0x20: {  	s31 =	sadd.s32 s5, s16;
	s5 =	sadd.s32 s8, s16;
	[dreg:$0x13] =	wrdreg s4  }
0x21: {  	s7 =	sadd.s32 s10, s16;
	[dreg:$0x14] =	wrdreg s5  }
0x22: {  	s28 =	simm.s32 $0x0;
	s8 =	sadd.s32 s11, s16;
	[dreg:$0x15] =	wrdreg s7  }
0x23: {  	s22 =	sadd.s32 $0x32E00, s0;
	s10 =	sadd.s32 s12, s16;
	[dreg:$0x16] =	wrdreg s8  }
0x24: {  	s29 =	sadd.s32 s3, s16;
	s11 =	sadd.s32 s13, s16;
	[dreg:$0x17] =	wrdreg s10  }
0x25: {  	s12 =	smul.u32 $0x2880, s2;
	s13 =	sadd.s32 s9, s16;
	[dreg:$0x18] =	wrdreg s11  }
0x26: {  	s19 =	sadd.s32 $0x6C00, s0;
	s14 =	sadd.s32 s17, s16;
	[dreg:$0x19] =	wrdreg s13  }
0x27: {  	s20 =	sadd.s32 $0x1C00, s0;
	s17 =	sadd.s32 s18, s16;
	[dreg:$0x1a] =	wrdreg s14  }
0x28: {  	s18 =	sadd.s32 s21, s16;
	s21 =	sadd.s32 s23, s16;
	[dreg:$0x1b] =	wrdreg s17  }
0x29: {  	s23 =	sshrl.u32 s12, $0x3;
	s9 =	sor.u32 $0x60, s12;
	[dreg:$0x1c] =	wrdreg s18  }
0x2a: {  	[dreg:$0x1d] =	wrdreg s21;
	s24 =	sadd.s32 s15, s23;
	s25 =	sadd.s32 s22, s23  }
0x2b: {  	s8 =	sor.u32 $0x30, s12;
	s26 =	smax.u32 s6, $0x1;
	s11 =	simm.s32 $0x7330  }
0x2c: {  	s12 =	simm.s32 $0x5;
	s17 =	simm.s32 $0x30;
	s18 =	simm.s32 $0x1  }
0x2d: {  	s21 =	simm.s32 $0x90;
	s13 =	simm.s32 $0x1C20;
	[dreg:$0x1e] =	wrdreg s24  }
0x2e: {  	s6 =	simm.s32 $0x3A20;
	s7 =	simm.s32 $0xC0;
	[dreg:$0x1f] =	wrdreg s25  }
0x2f: {  	s10 =	simm.s32 $0x3D30;
	s23 =	simm.s32 $0x2;
	[smem:$0x7FD] =	sst s26  }
0x30: {  	v0 =	vimm.f32 $0.0e+00;
	s24 =	simm.s32 $0x3;
	s25 =	simm.s32 $0xF0;
	s26 =	simm.s32 $0x5830  }
.LBB2_1:
0x31: {  	s0 =	simm.s32 $0x0;
	s14 =	simm.s32 $0x240  }
.LBB2_2:
0x32: {  	p0 =	sne.s32 s14, $0x69C0;
	[tilespmem:s0+$0x73B0] =	vst v0  }
0x33: {  	[tilespmem:s0+$0x7330] =	vst v0  }
0x34: {  	[tilespmem:s0+$0x7340] =	vst v0  }
0x35: {  	[tilespmem:s0+$0x7350] =	vst v0  }
.Ltmp0:
0x36: {  	[tilespmem:s0+$0x7360] =	vst v0;
	(pc) =	sbr.rel @p0 .LBB2_2-.Ltmp0, $4  }
0x37: {  	[tilespmem:s0+$0x7370] =	vst v0  }
0x38: {  	[tilespmem:s0+$0x7380] =	vst v0  }
0x39: {  	[tilespmem:s0+$0x7390] =	vst v0  }
0x3a: {  	[tilespmem:s0+$0x73A0] =	vst v0;
	s0 =	sshra.s32 s14, $0x2;
	s14 =	sadd.s32 $0x240, s14  }
0x3b: {  	[tilespmem:s0+$0x73B0] =	vst v0  }
0x3c: {  	[tilespmem:s0+$0x7330] =	vst v0  }
0x3d: {  	[tilespmem:s0+$0x7340] =	vst v0  }
0x3e: {  	[tilespmem:s0+$0x7350] =	vst v0  }
0x3f: {  	[tilespmem:s0+$0x7360] =	vst v0  }
0x40: {  	[tilespmem:s0+$0x7370] =	vst v0  }
0x41: {  	[tilespmem:s0+$0x7380] =	vst v0  }
0x42: {  	[tilespmem:s0+$0x7390] =	vst v0  }
0x43: {  	[tilespmem:s0+$0x73A0] =	vst v0  }
0x44: {  	[spmem:s29] =	stream.linear.scatter [tilespmem:s11], [sflag:$0x5], $0x1B00, $0x38;
	[tilespmem:$0x1EE50] =	vst v63  }
0x45: {  	_ =	swait.ge [sflag:s12], $0x1B00  }
0x46: {  	[sflag:s12] =	ssyncset.done $0x0  }
0x47: {  	[sflag:s12] =	ssyncadd.s32 $0xFFFFE500  }
0x48: {  	[spmem:s30] =	stream.linear.scatter [tilespmem:s11], [sflag:$0x5], $0x1B00, $0x38;
	[tilespmem:$0x1EE50] =	vst v63  }
0x49: {  	_ =	swait.ge [sflag:s12], $0x1B00  }
0x4a: {  	[sflag:s12] =	ssyncset.done $0x0  }
0x4b: {  	[sflag:s12] =	ssyncadd.s32 $0xFFFFE500  }
0x4c: {  	[spmem:s31] =	stream.linear.scatter [tilespmem:s11], [sflag:$0x5], $0x1B00, $0x38;
	[tilespmem:$0x1EE50] =	vst v63  }
0x4d: {  	_ =	swait.ge [sflag:s12], $0x1B00  }
0x4e: {  	[sflag:s12] =	ssyncset.done $0x0  }
0x4f: {  	s5 =	smov.u32 s31;
	s31 =	rddreg [dreg:$0x13];
	[sflag:s12] =	ssyncadd.s32 $0xFFFFE500  }
0x50: {  	[spmem:s31] =	stream.linear.scatter [tilespmem:s11], [sflag:$0x5], $0x1B00, $0x38;
	[tilespmem:$0x1EE50] =	vst v63  }
0x51: {  	_ =	swait.ge [sflag:s12], $0x1B00  }
0x52: {  	[sflag:s12] =	ssyncset.done $0x0  }
0x53: {  	s2 =	rddreg [dreg:$0x14];
	[sflag:s12] =	ssyncadd.s32 $0xFFFFE500  }
0x54: {  	[spmem:s2] =	stream.linear.scatter [tilespmem:s11], [sflag:$0x5], $0x1B00, $0x38;
	[tilespmem:$0x1EE50] =	vst v63  }
0x55: {  	_ =	swait.ge [sflag:s12], $0x1B00  }
0x56: {  	[sflag:s12] =	ssyncset.done $0x0  }
0x57: {  	s14 =	rddreg [dreg:$0x15];
	[sflag:s12] =	ssyncadd.s32 $0xFFFFE500  }
0x58: {  	[spmem:s14] =	stream.linear.scatter [tilespmem:s11], [sflag:$0x5], $0x1B00, $0x38;
	[tilespmem:$0x1EE50] =	vst v63  }
0x59: {  	_ =	swait.ge [sflag:s12], $0x1B00  }
0x5a: {  	[sflag:s12] =	ssyncset.done $0x0  }
0x5b: {  	s4 =	smov.u32 s30;
	s30 =	rddreg [dreg:$0x16];
	[sflag:s12] =	ssyncadd.s32 $0xFFFFE500  }
0x5c: {  	[spmem:s30] =	stream.linear.scatter [tilespmem:s11], [sflag:$0x5], $0x1B00, $0x38;
	[tilespmem:$0x1EE50] =	vst v63  }
0x5d: {  	_ =	swait.ge [sflag:s12], $0x1B00  }
0x5e: {  	[sflag:s12] =	ssyncset.done $0x0  }
0x5f: {  	s31 =	rddreg [dreg:$0x17];
	[sflag:s12] =	ssyncadd.s32 $0xFFFFE500  }
0x60: {  	[spmem:s31] =	stream.linear.scatter [tilespmem:s11], [sflag:$0x5], $0x1B00, $0x38;
	[tilespmem:$0x1EE50] =	vst v63  }
0x61: {  	_ =	swait.ge [sflag:s12], $0x1B00  }
0x62: {  	[sflag:s12] =	ssyncset.done $0x0  }
0x63: {  	s2 =	rddreg [dreg:$0x18];
	[sflag:s12] =	ssyncadd.s32 $0xFFFFE500  }
0x64: {  	[spmem:s2] =	stream.linear.scatter [tilespmem:s11], [sflag:$0x5], $0x1B00, $0x38;
	[tilespmem:$0x1EE50] =	vst v63  }
0x65: {  	_ =	swait.ge [sflag:s12], $0x1B00  }
0x66: {  	[sflag:s12] =	ssyncset.done $0x0  }
0x67: {  	s14 =	rddreg [dreg:$0x19];
	[sflag:s12] =	ssyncadd.s32 $0xFFFFE500  }
0x68: {  	[spmem:s14] =	stream.linear.scatter [tilespmem:s11], [sflag:$0x5], $0x1B00, $0x38;
	[tilespmem:$0x1EE50] =	vst v63  }
0x69: {  	_ =	swait.ge [sflag:s12], $0x1B00  }
0x6a: {  	[sflag:s12] =	ssyncset.done $0x0  }
0x6b: {  	s30 =	rddreg [dreg:$0x1a];
	[sflag:s12] =	ssyncadd.s32 $0xFFFFE500  }
0x6c: {  	[spmem:s30] =	stream.linear.scatter [tilespmem:s11], [sflag:$0x5], $0x1B00, $0x38;
	[tilespmem:$0x1EE50] =	vst v63  }
0x6d: {  	_ =	swait.ge [sflag:s12], $0x1B00  }
0x6e: {  	[sflag:s12] =	ssyncset.done $0x0  }
0x6f: {  	s31 =	rddreg [dreg:$0x1b];
	[sflag:s12] =	ssyncadd.s32 $0xFFFFE500  }
0x70: {  	[spmem:s31] =	stream.linear.scatter [tilespmem:s11], [sflag:$0x5], $0x1B00, $0x38;
	[tilespmem:$0x1EE50] =	vst v63  }
0x71: {  	_ =	swait.ge [sflag:s12], $0x1B00  }
0x72: {  	[sflag:s12] =	ssyncset.done $0x0  }
0x73: {  	s2 =	rddreg [dreg:$0x1c];
	[sflag:s12] =	ssyncadd.s32 $0xFFFFE500  }
0x74: {  	[spmem:s2] =	stream.linear.scatter [tilespmem:s11], [sflag:$0x5], $0x1B00, $0x38;
	[tilespmem:$0x1EE50] =	vst v63  }
0x75: {  	_ =	swait.ge [sflag:s12], $0x1B00  }
0x76: {  	[sflag:s12] =	ssyncset.done $0x0  }
0x77: {  	s14 =	rddreg [dreg:$0x1d];
	[sflag:s12] =	ssyncadd.s32 $0xFFFFE500  }
0x78: {  	[spmem:s14] =	stream.linear.scatter [tilespmem:s11], [sflag:$0x5], $0x120, $0x38;
	[tilespmem:$0x1EE50] =	vst v63  }
0x79: {  	_ =	swait.ge [sflag:s12], $0x120  }
0x7a: {  	[sflag:s12] =	ssyncset.done $0x0  }
0x7b: {  	[sflag:s12] =	ssyncadd.s32 $0xFFFFFEE0  }
0x7c: {  	s3 =	smov.u32 s29;
	[bflag:$0x0] =	sbarrier.arrive $0xFFFF  }
0x7d: {  	s29 =	simm.s32 $0x0;
	s2 =	simm.s32 $0x3D20;
	s30 =	rddreg [dreg:$0x12]  }
0x7e: {  	[tilespmem:s2], [sflag:$0x5] =	stream.linear.gather [hbm4b:s30+s29], $0x10, $0x38;
	[tilespmem:$0x1EE50] =	vst v63  }
0x7f: {  	_ =	swait.ge [sflag:s12], $0x10  }
0x80: {  	[sflag:s12] =	ssyncset.done $0x0  }
0x81: {  	s31 =	rddreg [dreg:$0x1e];
	[sflag:s12] =	ssyncadd.s32 $0xFFFFFFF0  }
0x82: {  	v1 =	vld [tilespmem:$0x3D20];
	[tilespmem:s29], [sflag:$0x5] =	stream.linear.gather [hbm4b:s31+s29], $0x30, $0x38  }
0x83: {  	_ =	swait.ge [sflag:s12], $0x30  }
0x84: {  	[sflag:s12] =	ssyncset.done $0x0  }
0x85: {  	s14 =	simm.s32 $0x60;
	s2 =	rddreg [dreg:$0x1f];
	[sflag:s12] =	ssyncadd.s32 $0xFFFFFFD0  }
0x86: {  	[tilespmem:s14], [sflag:$0x5] =	stream.linear.gather [hbm4b:s2+s29], $0x30, $0x38;
	[tilespmem:$0x1EE50] =	vst v63  }
0x87: {  	_ =	swait.ge [sflag:s12], $0x30  }
0x88: {  	[sflag:s12] =	ssyncset.done $0x0  }
0x89: {  	s30 =	simm.s32 $0x120;
	[sflag:s12] =	ssyncadd.s32 $0xFFFFFFD0  }
0x8a: {  	[tilespmem:s30], [sflag:$0x1] =	stream.indirect.gather [hbm4b:s19+s17], $0x90, s29, s17, $0xb8;
	[tilespmem:$0x1EE50] =	vst v63  }
0x8b: {  	s31 =	simm.s32 $0x3720  }
0x8c: {  	[tilespmem:s31], [sflag:$0x1] =	stream.indirect.gather [hbm4b:s20+s17], $0x10, s14, s17, $0xb8;
	[tilespmem:$0x1EE50] =	vst v63  }
.LBB2_4:
0x8d: {  	_ =	swait.ge [sflag:s18], $0x1B00  }
0x8e: {  	s30 =	smul.u32 $0x60, s29;
	[sflag:s18] =	ssyncset.done $0x0  }
0x8f: {  	[sflag:s18] =	ssyncadd.s32 $0xFFFFE500  }
0x90: {  	s0 =	sadd.s32 s30, s8;
	_ =	swait.ge [sflag:s18], $0x300  }
0x91: {  	s0 =	sshrl.u32 s0, $0x3;
	[sflag:s18] =	ssyncset.done $0x0  }
0x92: {  	s14 =	sadd.s32 s15, s0;
	[sflag:s18] =	ssyncadd.s32 $0xFFFFFD00  }
0x93: {  	[tilespmem:s17], [sflag:$0x5] =	stream.linear.gather [hbm4b:s14+s1], $0x30, $0x38;
	[tilespmem:$0x1EE50] =	vst v63  }
0x94: {  	_ =	swait.ge [sflag:s12], $0x30  }
0x95: {  	[sflag:s12] =	ssyncset.done $0x0  }
0x96: {  	s0 =	sadd.s32 s22, s0;
	[sflag:s12] =	ssyncadd.s32 $0xFFFFFFD0  }
0x97: {  	[tilespmem:s21], [sflag:$0x5] =	stream.linear.gather [hbm4b:s0+s1], $0x30, $0x38;
	[tilespmem:$0x1EE50] =	vst v63  }
0x98: {  	_ =	swait.ge [sflag:s12], $0x30  }
0x99: {  	[sflag:s12] =	ssyncset.done $0x0  }
0x9a: {  	p0 =	seq.s32 s29, $0x0;
	[sflag:s12] =	ssyncadd.s32 $0xFFFFFFD0  }
0x9b: {  	[tilespmem:s13], [sflag:$0x2] =	stream.indirect.gather [hbm4b:s19+s17], $0x90, s17, s17, $0xb8;
	[tilespmem:$0x1EE50] =	vst v63  }
0x9c: {  	s0 =	simm.s32 @!p0 $0x4  }
0x9d: {  	[tilespmem:s6], [sflag:$0x2] =	stream.indirect.gather [hbm4b:s20+s17], $0x10, s21, s17, $0xb8;
	[tilespmem:$0x1EE50] =	vst v63  }
0x9e: {  	_ =	swait.ge @!p0 [sflag:s0], $0x1B00  }
0x9f: {  	[sflag:s0] =	ssyncset.done @!p0 $0x0  }
0xa0: {  	s31 =	simm.s32 $0x0;
	[sflag:s0] =	ssyncadd.s32 @!p0 $0xFFFFE500  }
0xa1: {  	s14 =	simm.s32 $0x3720;
	s0 =	simm.s32 $0x240;
	v2 =	vld [tilespmem:s31+$0x1A0]  }
.LBB2_5:
0xa2: {  	p0 =	sne.s32 s0, $0x69C0;
	v3 =	vld [tilespmem:s14+$0x0];
	_ =	sdelay $0x4  }
0xa3: {  	v4 =	vadd.f32 v3, v1;
	v2 =	vadd.f32 v3, v2;
	_ =	sdelay $0x1  }
0xa4: {  	v3 =	vmul.f32 $2.000000030e-01, v4;
	v5 =	vmul.f32 $2.000000030e-01, v2;
	_ =	sdelay $0x1  }
0xa5: {  	v3 =	vmax.f32 v4, v3;
	v2 =	vmax.f32 v2, v5  }
0xa6: {  	v2 =	vsub.f32 v2, v3;
	_ =	sdelay $0x1  }
0xa7: {  	v2 =	vmul.f32 $1.442695020e+00, v2;
	_ =	sdelay $0x1  }
0xa8: {  	(erf) = vpow2.f32 v2;
	_ =	sdelay $0x2  }
0xa9: {  	v2 =	vld [tilespmem:s31+$0x120]  }
0xaa: {  	v3 =	vld [tilespmem:s31+$0x130]  }
0xab: {  	v4 =	vld [tilespmem:s31+$0x140]  }
0xac: {  	v5 =	vld [tilespmem:s31+$0x150]  }
0xad: {  	v6 =	vld [tilespmem:s31+$0x160]  }
0xae: {  	v7 =	vld [tilespmem:s31+$0x170]  }
0xaf: {  	v8 =	vld [tilespmem:s31+$0x180];
	v9 =	vpop (erf)  }
0xb0: {  	[tilespmem:s31+$0x3DB0] =	vst v9;
	v9 =	vbroadcast v9, $0x0;
	v10 =	vld [tilespmem:s31+$0x190];
	_ =	sdelay $0x1  }
0xb1: {  	v2 =	vmul.f32 v9, v2;
	v3 =	vmul.f32 v9, v3  }
0xb2: {  	v4 =	vmul.f32 v9, v4;
	v5 =	vmul.f32 v5, v9  }
0xb3: {  	[tilespmem:s31+$0x3D30] =	vst v2;
	v2 =	vmul.f32 v6, v9;
	v6 =	vmul.f32 v7, v9  }
0xb4: {  	[tilespmem:s31+$0x3D40] =	vst v3;
	v3 =	vmul.f32 v8, v9;
	v7 =	vmul.f32 v10, v9  }
0xb5: {  	[tilespmem:s31+$0x3D50] =	vst v4  }
.Ltmp1:
0xb6: {  	[tilespmem:s31+$0x3D60] =	vst v5;
	(pc) =	sbr.rel @p0 .LBB2_5-.Ltmp1, $4  }
0xb7: {  	[tilespmem:s31+$0x3D70] =	vst v2  }
0xb8: {  	[tilespmem:s31+$0x3D80] =	vst v6  }
0xb9: {  	s2 =	sshra.s32 s0, $0x2;
	[tilespmem:s31+$0x3D90] =	vst v3  }
0xba: {  	s0 =	sadd.s32 $0x240, s0;
	s14 =	sadd.s32 $0x10, s14;
	v2 =	vld [tilespmem:s2+$0x1A0];
	[tilespmem:s31+$0x3DA0] =	vst v7;
	s31 =	smov.u32 s2  }
0xbb: {  	v3 =	vld [tilespmem:s14+$0x0];
	_ =	sdelay $0x4  }
0xbc: {  	v4 =	vadd.f32 v3, v1;
	v2 =	vadd.f32 v3, v2;
	_ =	sdelay $0x1  }
0xbd: {  	v3 =	vmul.f32 $2.000000030e-01, v4;
	v5 =	vmul.f32 $2.000000030e-01, v2;
	_ =	sdelay $0x1  }
0xbe: {  	v3 =	vmax.f32 v4, v3;
	v2 =	vmax.f32 v2, v5  }
0xbf: {  	v2 =	vsub.f32 v2, v3;
	_ =	sdelay $0x1  }
0xc0: {  	v2 =	vmul.f32 $1.442695020e+00, v2;
	_ =	sdelay $0x1  }
0xc1: {  	(erf) = vpow2.f32 v2;
	_ =	sdelay $0x6  }
0xc2: {  	v2 =	vld [tilespmem:s31+$0x120]  }
0xc3: {  	v3 =	vld [tilespmem:s31+$0x130]  }
0xc4: {  	v60 =	vld [tilespmem:s31+$0x140];
	v7 =	vpop (erf)  }
0xc5: {  	v8 =	vld [tilespmem:s31+$0x170];
	v9 =	vbroadcast v7, $0x0  }
0xc6: {  	v61 =	vld [tilespmem:s31+$0x150]  }
0xc7: {  	v6 =	vld [tilespmem:s31+$0x160];
	v2 =	vmul.f32 v9, v2  }
0xc8: {  	v10 =	vld [tilespmem:s31+$0x180];
	[tilespmem:s31+$0x3DB0] =	vst v7;
	v3 =	vmul.f32 v9, v3  }
0xc9: {  	v62 =	vld [tilespmem:s31+$0x190];
	v4 =	vmul.f32 v9, v60;
	[tilespmem:s31+$0x3D30] =	vst v2  }
0xca: {  	v63 =	vmul.f32 v8, v9;
	[tilespmem:s31+$0x3D40] =	vst v3  }
0xcb: {  	v2 =	vmul.f32 v61, v9;
	[tilespmem:s31+$0x3D50] =	vst v4  }
0xcc: {  	v3 =	vmul.f32 v6, v9;
	[tilespmem:s31+$0x3D80] =	vst v63  }
0xcd: {  	[tilespmem:s31+$0x3D60] =	vst v2;
	v2 =	vmul.f32 v10, v9  }
0xce: {  	[tilespmem:s31+$0x3D70] =	vst v3;
	v3 =	vmul.f32 v62, v9  }
0xcf: {  	[tilespmem:s31+$0x3D90] =	vst v2  }
0xd0: {  	[tilespmem:s31+$0x3DA0] =	vst v3  }
0xd1: {  	v2 =	vld [tilespmem:$0x60]  }
0xd2: {  	v3 =	vld [tilespmem:$0x70]  }
0xd3: {  	v4 =	vld [tilespmem:$0x80];
	_ =	sdelay $0x2  }
0xd4: {  	[tilespmem:$0xC0] =	vst v2  }
0xd5: {  	[tilespmem:$0xD0] =	vst v3  }
0xd6: {  	[tilespmem:$0xE0] =	vst v4  }
0xd7: {  	[spmem:s16] =	stream.indirect.scatter.add.f32 [tilespmem:s10], [sflag:$0x3], $0x90, s7, s17, $0xb8;
	[tilespmem:$0x1EE50] =	vst v63  }
0xd8: {  	_ =	swait.ge [sflag:s23], $0x1B00  }
0xd9: {  	[sflag:s23] =	ssyncset.done $0x0  }
0xda: {  	p0 =	seq.s32 s29, $0x6B;
	[sflag:s23] =	ssyncadd.s32 $0xFFFFE500  }
0xdb: {  	s0 =	sadd.s32 @!p0 s30, s9;
	_ =	swait.ge [sflag:s23], $0x300  }
0xdc: {  	s0 =	sshrl.u32 @!p0 s0, $0x3;
	[sflag:s23] =	ssyncset.done $0x0  }
0xdd: {  	s14 =	simm.s32 @!p0 $0x0;
	s2 =	sadd.s32 @!p0 s15, s0;
	[sflag:s23] =	ssyncadd.s32 $0xFFFFFD00  }
0xde: {  	[tilespmem:s14], [sflag:$0x5] =	stream.linear.gather @!p0 [hbm4b:s2+s14], $0x30, $0x38;
	[tilespmem:$0x1EE50] =	vst v63  }
0xdf: {  	s2 =	simm.s32 @!p0 $0x5  }
0xe0: {  	_ =	swait.ge @!p0 [sflag:s2], $0x30  }
0xe1: {  	[sflag:s2] =	ssyncset.done @!p0 $0x0  }
0xe2: {  	s30 =	simm.s32 @!p0 $0x60;
	s0 =	sadd.s32 @!p0 s22, s0;
	[sflag:s2] =	ssyncadd.s32 @!p0 $0xFFFFFFD0  }
0xe3: {  	[tilespmem:s30], [sflag:$0x5] =	stream.linear.gather @!p0 [hbm4b:s0+s14], $0x30, $0x38;
	[tilespmem:$0x1EE50] =	vst v63  }
0xe4: {  	_ =	swait.ge @!p0 [sflag:s2], $0x30  }
0xe5: {  	[sflag:s2] =	ssyncset.done @!p0 $0x0  }
0xe6: {  	s0 =	simm.s32 @!p0 $0x30;
	[sflag:s2] =	ssyncadd.s32 @!p0 $0xFFFFFFD0;
	s2 =	simm.s32 @!p0 $0x120  }
0xe7: {  	[tilespmem:s2], [sflag:$0x1] =	stream.indirect.gather @!p0 [hbm4b:s19+s0], $0x90, s14, s0, $0xb8;
	[tilespmem:$0x1EE50] =	vst v63  }
0xe8: {  	s2 =	simm.s32 @!p0 $0x3720  }
0xe9: {  	[tilespmem:s2], [sflag:$0x1] =	stream.indirect.gather @!p0 [hbm4b:s20+s0], $0x10, s30, s0, $0xb8;
	[tilespmem:$0x1EE50] =	vst v63  }
0xea: {  	_ =	swait.ge [sflag:s24], $0x1B00  }
0xeb: {  	[sflag:s24] =	ssyncset.done $0x0  }
0xec: {  	s30 =	simm.s32 $0x0;
	[sflag:s24] =	ssyncadd.s32 $0xFFFFE500  }
0xed: {  	s14 =	simm.s32 $0x3A20;
	s0 =	simm.s32 $0x240;
	v2 =	vld [tilespmem:s30+$0x1CA0]  }
.LBB2_7:
0xee: {  	p0 =	sne.s32 s0, $0x69C0;
	v3 =	vld [tilespmem:s14+$0x0];
	_ =	sdelay $0x4  }
0xef: {  	v4 =	vadd.f32 v3, v1;
	v2 =	vadd.f32 v3, v2;
	_ =	sdelay $0x1  }
0xf0: {  	v3 =	vmul.f32 $2.000000030e-01, v4;
	v5 =	vmul.f32 $2.000000030e-01, v2;
	_ =	sdelay $0x1  }
0xf1: {  	v3 =	vmax.f32 v4, v3;
	v2 =	vmax.f32 v2, v5  }
0xf2: {  	v2 =	vsub.f32 v2, v3;
	_ =	sdelay $0x1  }
0xf3: {  	v2 =	vmul.f32 $1.442695020e+00, v2;
	_ =	sdelay $0x1  }
0xf4: {  	(erf) = vpow2.f32 v2;
	_ =	sdelay $0x2  }
0xf5: {  	v2 =	vld [tilespmem:s30+$0x1C20]  }
0xf6: {  	v3 =	vld [tilespmem:s30+$0x1C30]  }
0xf7: {  	v4 =	vld [tilespmem:s30+$0x1C40]  }
0xf8: {  	v5 =	vld [tilespmem:s30+$0x1C50]  }
0xf9: {  	v6 =	vld [tilespmem:s30+$0x1C60]  }
0xfa: {  	v7 =	vld [tilespmem:s30+$0x1C70]  }
0xfb: {  	v8 =	vld [tilespmem:s30+$0x1C80];
	v9 =	vpop (erf)  }
0xfc: {  	[tilespmem:s30+$0x58B0] =	vst v9;
	v9 =	vbroadcast v9, $0x0;
	v10 =	vld [tilespmem:s30+$0x1C90];
	_ =	sdelay $0x1  }
0xfd: {  	v2 =	vmul.f32 v9, v2;
	v3 =	vmul.f32 v9, v3  }
0xfe: {  	v4 =	vmul.f32 v9, v4;
	v5 =	vmul.f32 v5, v9  }
0xff: {  	[tilespmem:s30+$0x5830] =	vst v2;
	v2 =	vmul.f32 v6, v9;
	v6 =	vmul.f32 v7, v9  }
0x100: {  	[tilespmem:s30+$0x5840] =	vst v3;
	v3 =	vmul.f32 v8, v9;
	v7 =	vmul.f32 v10, v9  }
0x101: {  	[tilespmem:s30+$0x5850] =	vst v4  }
.Ltmp2:
0x102: {  	[tilespmem:s30+$0x5860] =	vst v5;
	(pc) =	sbr.rel @p0 .LBB2_7-.Ltmp2, $4  }
0x103: {  	[tilespmem:s30+$0x5870] =	vst v2  }
0x104: {  	[tilespmem:s30+$0x5880] =	vst v6  }
0x105: {  	s2 =	sshra.s32 s0, $0x2;
	[tilespmem:s30+$0x5890] =	vst v3  }
0x106: {  	s0 =	sadd.s32 $0x240, s0;
	s14 =	sadd.s32 $0x10, s14;
	v2 =	vld [tilespmem:s2+$0x1CA0];
	[tilespmem:s30+$0x58A0] =	vst v7;
	s30 =	smov.u32 s2  }
0x107: {  	v3 =	vld [tilespmem:s14+$0x0];
	_ =	sdelay $0x4  }
0x108: {  	v4 =	vadd.f32 v3, v1;
	v2 =	vadd.f32 v3, v2;
	_ =	sdelay $0x1  }
0x109: {  	v3 =	vmul.f32 $2.000000030e-01, v4;
	v5 =	vmul.f32 $2.000000030e-01, v2;
	_ =	sdelay $0x1  }
0x10a: {  	v3 =	vmax.f32 v4, v3;
	v2 =	vmax.f32 v2, v5  }
0x10b: {  	v2 =	vsub.f32 v2, v3;
	_ =	sdelay $0x1  }
0x10c: {  	v2 =	vmul.f32 $1.442695020e+00, v2;
	_ =	sdelay $0x1  }
0x10d: {  	(erf) = vpow2.f32 v2;
	_ =	sdelay $0x6  }
0x10e: {  	v2 =	vld [tilespmem:s30+$0x1C20]  }
0x10f: {  	v3 =	vld [tilespmem:s30+$0x1C30]  }
0x110: {  	v60 =	vld [tilespmem:s30+$0x1C40];
	v7 =	vpop (erf)  }
0x111: {  	v8 =	vld [tilespmem:s30+$0x1C70];
	v9 =	vbroadcast v7, $0x0  }
0x112: {  	v61 =	vld [tilespmem:s30+$0x1C50]  }
0x113: {  	v6 =	vld [tilespmem:s30+$0x1C60];
	v2 =	vmul.f32 v9, v2  }
0x114: {  	v10 =	vld [tilespmem:s30+$0x1C80];
	[tilespmem:s30+$0x58B0] =	vst v7;
	v3 =	vmul.f32 v9, v3  }
0x115: {  	v62 =	vld [tilespmem:s30+$0x1C90];
	v4 =	vmul.f32 v9, v60;
	[tilespmem:s30+$0x5830] =	vst v2  }
0x116: {  	v63 =	vmul.f32 v8, v9;
	[tilespmem:s30+$0x5840] =	vst v3  }
0x117: {  	v2 =	vmul.f32 v61, v9;
	[tilespmem:s30+$0x5850] =	vst v4  }
0x118: {  	v3 =	vmul.f32 v6, v9;
	[tilespmem:s30+$0x5880] =	vst v63  }
0x119: {  	[tilespmem:s30+$0x5860] =	vst v2;
	v2 =	vmul.f32 v10, v9  }
0x11a: {  	[tilespmem:s30+$0x5870] =	vst v3;
	v3 =	vmul.f32 v62, v9  }
0x11b: {  	[tilespmem:s30+$0x5890] =	vst v2  }
0x11c: {  	[tilespmem:s30+$0x58A0] =	vst v3  }
0x11d: {  	v2 =	vld [tilespmem:$0x90]  }
0x11e: {  	v3 =	vld [tilespmem:$0xA0]  }
0x11f: {  	s29 =	sadd.s32 $0x1, s29;
	v4 =	vld [tilespmem:$0xB0]  }
0x120: {  	p0 =	sne.s32 s29, $0x6C  }
.Ltmp3:
0x121: {  	_ = 	snop;
	(pc) =	sbr.rel @p0 .LBB2_4-.Ltmp3, $4  }
0x122: {  	[tilespmem:$0xF0] =	vst v2  }
0x123: {  	[tilespmem:$0x100] =	vst v3  }
0x124: {  	[tilespmem:$0x110] =	vst v4  }
0x125: {  	[spmem:s16] =	stream.indirect.scatter.add.f32 [tilespmem:s26], [sflag:$0x4], $0x90, s25, s17, $0xb8;
	[tilespmem:$0x1EE50] =	vst v63  }
0x126: {  	s0 =	simm.s32 $0x4  }
0x127: {  	_ =	swait.ge [sflag:s0], $0x1B00  }
0x128: {  	[sflag:s0] =	ssyncset.done $0x0  }
0x129: {  	s2 =	stileid.u32;
	[sflag:s0] =	ssyncadd.s32 $0xFFFFE500  }
0x12a: {  	s0 =	sshll.u32 s2, $0x6;
	[bflag:$0x0] =	sbarrier.arrive $0xFFFF  }
0x12b: {  	s2 =	sshrl.u32 s3, $0x3;
	s0 =	sor.u32 $0x1C05, s0;
	s14 =	rddreg [dreg:$0x4]  }
0x12c: {  	[hbm:s14], [sflag:s0] =	dma.local [spmem:s2], $0x360  }
0x12d: {  	_ =	swait.ge [sflag:s12], $0x360  }
0x12e: {  	s29 =	smov.u32 s3;
	s30 =	smov.u32 s4;
	[sflag:s12] =	ssyncset.done $0x0  }
0x12f: {  	s3 =	sshrl.u32 s4, $0x3;
	s4 =	rddreg [dreg:$0x5];
	[sflag:s12] =	ssyncadd.s32 $0xFFFFFCA0  }
0x130: {  	[hbm:s4], [sflag:s0] =	dma.local [spmem:s3], $0x360  }
0x131: {  	_ =	swait.ge [sflag:s12], $0x360  }
0x132: {  	[sflag:s12] =	ssyncset.done $0x0  }
0x133: {  	s14 =	sshrl.u32 s5, $0x3;
	s3 =	rddreg [dreg:$0x6];
	[sflag:s12] =	ssyncadd.s32 $0xFFFFFCA0  }
0x134: {  	[hbm:s3], [sflag:s0] =	dma.local [spmem:s14], $0x360  }
0x135: {  	_ =	swait.ge [sflag:s12], $0x360  }
0x136: {  	s31 =	smov.u32 s5;
	[sflag:s12] =	ssyncset.done $0x0;
	s4 =	rddreg [dreg:$0x13]  }
0x137: {  	s5 =	rddreg [dreg:$0x7];
	[sflag:s12] =	ssyncadd.s32 $0xFFFFFCA0;
	s2 =	sshrl.u32 s4, $0x3  }
0x138: {  	[hbm:s5], [sflag:s0] =	dma.local [spmem:s2], $0x360  }
0x139: {  	_ =	swait.ge [sflag:s12], $0x360  }
0x13a: {  	[sflag:s12] =	ssyncset.done $0x0;
	s14 =	rddreg [dreg:$0x14]  }
0x13b: {  	s3 =	rddreg [dreg:$0x8];
	[sflag:s12] =	ssyncadd.s32 $0xFFFFFCA0;
	s2 =	sshrl.u32 s14, $0x3  }
0x13c: {  	[hbm:s3], [sflag:s0] =	dma.local [spmem:s2], $0x360  }
0x13d: {  	_ =	swait.ge [sflag:s12], $0x360  }
0x13e: {  	[sflag:s12] =	ssyncset.done $0x0;
	s4 =	rddreg [dreg:$0x15]  }
0x13f: {  	s5 =	rddreg [dreg:$0x9];
	[sflag:s12] =	ssyncadd.s32 $0xFFFFFCA0;
	s2 =	sshrl.u32 s4, $0x3  }
0x140: {  	[hbm:s5], [sflag:s0] =	dma.local [spmem:s2], $0x360  }
0x141: {  	_ =	swait.ge [sflag:s12], $0x360  }
0x142: {  	[sflag:s12] =	ssyncset.done $0x0;
	s14 =	rddreg [dreg:$0x16]  }
0x143: {  	s3 =	rddreg [dreg:$0xa];
	[sflag:s12] =	ssyncadd.s32 $0xFFFFFCA0;
	s2 =	sshrl.u32 s14, $0x3  }
0x144: {  	[hbm:s3], [sflag:s0] =	dma.local [spmem:s2], $0x360  }
0x145: {  	_ =	swait.ge [sflag:s12], $0x360  }
0x146: {  	[sflag:s12] =	ssyncset.done $0x0;
	s4 =	rddreg [dreg:$0x17]  }
0x147: {  	s5 =	rddreg [dreg:$0xb];
	[sflag:s12] =	ssyncadd.s32 $0xFFFFFCA0;
	s2 =	sshrl.u32 s4, $0x3  }
0x148: {  	[hbm:s5], [sflag:s0] =	dma.local [spmem:s2], $0x360  }
0x149: {  	_ =	swait.ge [sflag:s12], $0x360  }
0x14a: {  	[sflag:s12] =	ssyncset.done $0x0;
	s14 =	rddreg [dreg:$0x18]  }
0x14b: {  	s3 =	rddreg [dreg:$0xc];
	[sflag:s12] =	ssyncadd.s32 $0xFFFFFCA0;
	s2 =	sshrl.u32 s14, $0x3  }
0x14c: {  	[hbm:s3], [sflag:s0] =	dma.local [spmem:s2], $0x360  }
0x14d: {  	_ =	swait.ge [sflag:s12], $0x360  }
0x14e: {  	[sflag:s12] =	ssyncset.done $0x0;
	s4 =	rddreg [dreg:$0x19]  }
0x14f: {  	s5 =	rddreg [dreg:$0xd];
	[sflag:s12] =	ssyncadd.s32 $0xFFFFFCA0;
	s2 =	sshrl.u32 s4, $0x3  }
0x150: {  	[hbm:s5], [sflag:s0] =	dma.local [spmem:s2], $0x360  }
0x151: {  	_ =	swait.ge [sflag:s12], $0x360  }
0x152: {  	[sflag:s12] =	ssyncset.done $0x0;
	s14 =	rddreg [dreg:$0x1a]  }
0x153: {  	s3 =	rddreg [dreg:$0xe];
	[sflag:s12] =	ssyncadd.s32 $0xFFFFFCA0;
	s2 =	sshrl.u32 s14, $0x3  }
0x154: {  	[hbm:s3], [sflag:s0] =	dma.local [spmem:s2], $0x360  }
0x155: {  	_ =	swait.ge [sflag:s12], $0x360  }
0x156: {  	[sflag:s12] =	ssyncset.done $0x0;
	s4 =	rddreg [dreg:$0x1b]  }
0x157: {  	s5 =	rddreg [dreg:$0xf];
	[sflag:s12] =	ssyncadd.s32 $0xFFFFFCA0;
	s2 =	sshrl.u32 s4, $0x3  }
0x158: {  	[hbm:s5], [sflag:s0] =	dma.local [spmem:s2], $0x360  }
0x159: {  	_ =	swait.ge [sflag:s12], $0x360  }
0x15a: {  	[sflag:s12] =	ssyncset.done $0x0;
	s14 =	rddreg [dreg:$0x1c]  }
0x15b: {  	s3 =	rddreg [dreg:$0x10];
	[sflag:s12] =	ssyncadd.s32 $0xFFFFFCA0;
	s2 =	sshrl.u32 s14, $0x3  }
0x15c: {  	[hbm:s3], [sflag:s0] =	dma.local [spmem:s2], $0x360  }
0x15d: {  	_ =	swait.ge [sflag:s12], $0x360  }
0x15e: {  	[sflag:s12] =	ssyncset.done $0x0;
	s4 =	rddreg [dreg:$0x1d]  }
0x15f: {  	s5 =	rddreg [dreg:$0x11];
	[sflag:s12] =	ssyncadd.s32 $0xFFFFFCA0;
	s2 =	sshrl.u32 s4, $0x3  }
0x160: {  	[hbm:s5], [sflag:s0] =	dma.local [spmem:s2], $0x24  }
0x161: {  	_ =	swait.ge [sflag:s12], $0x24  }
0x162: {  	s14 =	sld [smem:$0x7FD];
	_ =	sdelay $0x1  }
0x163: {  	s28 =	sadd.s32 $0x1, s28  }
0x164: {  	p0 =	sne.s32 s28, s14  }
.Ltmp4:
0x165: {  	_ = 	snop;
	(pc) =	sbr.rel @p0 .LBB2_1-.Ltmp4, $3  }
0x166: {  	_ =	sdelay $0x1  }
0x167: {  	[sflag:s12] =	ssyncset.done $0x0  }
0x168: {  	[sflag:s12] =	ssyncadd.s32 $0xFFFFFFDC  }
0x169: {  	_ =	sfence.sel $0x180000  }
0x16a: {  	[bflag:$0x0] =	sbarrier.arrive $0xFFFF  }
0x16b: {  	_ =	strace $0x9000004A  }
0x16c: {  	s0 =	stileid.u32;
	[bflag:$0x2] =	sbarrier.arrive $0xFFFF  }
0x16d: {  	p0 =	sne.s32 s0, $0x0;
	s0 =	rddreg [dreg:$0x3]  }
0x16e: {  	s0 =	sadd.s32 @!p0 $0x100000, s0  }
0x16f: {  	[sflag:s0] =	ssyncadd.tile.s32 @!p0 $0x1;
	_ =	shalt  }
.Lfunc_end2:
_tile_overlayer_lowered:
.L_overlay_start_2:
0x170: {  	(tag) =	ssettag $0x2  }
0x171: {  	s0 =	rddreg [dreg:$0x0];
	s2 =	stileid.u32  }
0x172: {  	s1 =	rddreg [dreg:$0x1];
	p0 =	sne.s32 s2, $0x0  }
0x173: {  	s3 =	rddreg [dreg:$0x2];
	[bflag:$0x3] =	sbarrier.arrive $0xFFFF;
	s2 =	simm.s32 @!p0 $0x1C05  }
0x174: {  	[timem:s3], [sflag:s2] =	dma.local @!p0 [hbm:s0], s1  }
0x175: {  	s0 =	simm.s32 @!p0 $0x5  }
0x176: {  	_ =	swait.ge @!p0 [sflag:s0], s1  }
0x177: {  	s1 =	ssub.s32 @!p0 $0x0, s1;
	[sflag:s0] =	ssyncset.done @!p0 $0x0  }
0x178: {  	[sflag:s0] =	ssyncadd.s32 @!p0 s1  }
0x179: {  	[bflag:$0x3] =	sbarrier.arrive $0xFFFF  }
0x17a: {  	_ =	shalt  }

// kernel: kernel.9.cloned.1.call-start
scs
__scs_entry_jumppad:
0x0: {  	(pc) =	sbr.rel $0x88, $3  }
0x1: {  	(tag) =	ssettag $0x0;
	lr =	simm.s32 $0x1  }
0x2: {  	[smem:$0x3F8D] =	sst lr;
	_ =	strace $0xD0000000  }
0x3: {  	_ = 	snop  }
0x4: {  	_ = 	snop  }
0x5: {  	_ = 	snop  }
0x6: {  	_ = 	snop  }
0x7: {  	_ = 	snop  }
__scs_overlays_trampoline_lowered:
0x8: {  	[smem:$0x3F9C] =	sst s0  }
0x9: {  	[smem:$0x3F9D] =	sst s1  }
0xa: {  	[smem:$0x3F9E] =	sst s2  }
0xb: {  	[smem:$0x3F9F] =	sst s3  }
0xc: {  	[smem:$0x3FA0] =	sst s4  }
0xd: {  	[smem:$0x3FA1] =	sst s5  }
0xe: {  	[smem:$0x3FA2] =	sst s6  }
0xf: {  	[smem:$0x3FA3] =	sst s7  }
0x10: {  	[smem:$0x3FA4] =	sst s8  }
0x11: {  	[smem:$0x3FA5] =	sst s9;
	s0 =	simm.s32 @!p0 $0x0  }
0x12: {  	s1 =	sld [smem:$0x3F8B];
	s0 =	simm.s32 @p0 $0x1  }
0x13: {  	[smem:$0x3FA6] =	sst s0;
	s0 =	simm.s32 @!p1 $0x0  }
0x14: {  	s2 =	sld [smem:$0x3F8A];
	s0 =	simm.s32 @p1 $0x1  }
0x15: {  	[smem:$0x3FA7] =	sst s0;
	s0 =	simm.s32 @!p2 $0x0  }
0x16: {  	s3 =	sld [smem:$0x3FDB];
	s0 =	simm.s32 @p2 $0x1  }
0x17: {  	s4 =	simm.s32 $0x1BF5;
	[smem:$0x3FA9] =	sst s0  }
0x18: {  	s0 =	sld [smem:$0x3F8C];
	_ =	swait.ge [sflag:s4], $0x0  }
0x19: {  	s7 =	sld [smem:$0x3F8D]  }
0x1a: {  	s8 =	sadd.s32 $0xFFFFE003, lr  }
0x1b: {  	s9 =	sadd.s32 $0xFFFFFEF7, lr;
	s5 =	simm.s32 $0xFFFFFFFF;
	p2 =	slt.u32 s8, $0xFFFFF086  }
0x1c: {  	p1 =	slt.u32 s9, $0xF7A;
	s5 =	simm.s32 @!p2 $0x0  }
0x1d: {  	s5 =	simm.s32 @p1 $0x1;
	p0 =	seq.s32 s7, s2  }
0x1e: {  	s7 =	smul.u32 @!p0 $0xF7A, s2;
	p2 =	seq.s32 @!p0 s5, $0x0  }
0x1f: {  	s9 =	smul.u32 $0xF7A, s1;
	s8 =	simm.s32 @!p0 $0x1BF5;
	p2 =	por !p2, p0  }
0x20: {  	[sflag:s8] =	ssyncset.s32 @!p0 $0xFFFFF086;
	s6 =	sadd.s32 @!p0 s3, s7;
	s7 =	simm.s32 @!p0 $0x108  }
0x21: {  	s3 =	sadd.s32 s3, s9;
	s6 =	sadd.s32 @!p0 $0x88, s6;
	s7 =	simm.s32 @p2 $0x1082  }
0x22: {  	[simem:s7], [sflag:s8] =	dma.local @!p0 [hbm:s6], $0xF7A  }
0x23: {  	s9 =	sor.u32 $0xD0000000, s2;
	s6 =	simm.s32 $0x108;
	_ =	swait.ge @!p0 [sflag:s8], $0x0  }
0x24: {  	s3 =	sadd.s32 $0x88, s3;
	s6 =	simm.s32 @!p1 $0x1082;
	[sflag:s4] =	ssyncset.s32 $0xFFFFF086  }
0x25: {  	[simem:s6], [sflag:s4] =	dma.local [hbm:s3], $0xF7A  }
0x26: {  	[smem:$0x3F8D] =	sst s1;
	(tag) =	ssettag s2;
	_ =	strace s9  }
0x27: {  	s1 =	sld [smem:$0x3F9D]  }
0x28: {  	s2 =	sld [smem:$0x3F9E]  }
0x29: {  	s4 =	sld [smem:$0x3FA0]  }
0x2a: {  	p0 =	seq.s32 s5, $0x0;
	s5 =	sld [smem:$0x3FA1]  }
0x2b: {  	s6 =	sld [smem:$0x3FA2]  }
0x2c: {  	s7 =	sld [smem:$0x3FA3]  }
0x2d: {  	s3 =	simm.s32 $0x108;
	s8 =	sld [smem:$0x3FA4]  }
0x2e: {  	s3 =	simm.s32 @!p0 $0x1082;
	s9 =	sld [smem:$0x3FA5]  }
0x2f: {  	lr =	sadd.s32 s0, s3;
	s0 =	sld [smem:$0x3F9C]  }
0x30: {  	s3 =	sld [smem:$0x3F9F]  }
0x31: {  	[smem:$0x3FA8] =	sst s10  }
0x32: {  	s10 =	sld [smem:$0x3FA6];
	_ =	sdelay $0x3  }
0x33: {  	p0 =	seq.s32 s10, $0x1;
	s10 =	sld [smem:$0x3FA8];
	_ =	sdelay $0x3  }
0x34: {  	[smem:$0x3FA8] =	sst s10  }
0x35: {  	s10 =	sld [smem:$0x3FA7];
	_ =	sdelay $0x3  }
0x36: {  	p1 =	seq.s32 s10, $0x1;
	s10 =	sld [smem:$0x3FA8];
	_ =	sdelay $0x3  }
0x37: {  	[smem:$0x3FA8] =	sst s10  }
0x38: {  	s10 =	sld [smem:$0x3FA9]  }
0x39: {  	_ = 	snop;
	(pc) =	sbr.ind lr, $3  }
0x3a: {  	_ = 	snop  }
0x3b: {  	_ = 	snop  }
0x3c: {  	p2 =	seq.s32 s10, $0x1;
	s10 =	sld [smem:$0x3FA8]  }
0x3d: {  	_ =	shalt  }
0x3e: {  	_ =	shalt  }
0x3f: {  	_ =	shalt  }
0x40: {  	_ =	shalt  }
0x41: {  	_ =	shalt  }
0x42: {  	_ =	shalt  }
0x43: {  	_ =	shalt  }
0x44: {  	_ =	shalt  }
0x45: {  	_ =	shalt  }
0x46: {  	_ =	shalt  }
0x47: {  	_ =	shalt  }
0x48: {  	_ =	shalt  }
0x49: {  	_ =	shalt  }
0x4a: {  	_ =	shalt  }
0x4b: {  	_ =	shalt  }
0x4c: {  	_ =	shalt  }
0x4d: {  	_ =	shalt  }
0x4e: {  	_ =	shalt  }
0x4f: {  	_ =	shalt  }
0x50: {  	_ =	shalt  }
0x51: {  	_ =	shalt  }
0x52: {  	_ =	shalt  }
0x53: {  	_ =	shalt  }
0x54: {  	_ =	shalt  }
0x55: {  	_ =	shalt  }
0x56: {  	_ =	shalt  }
0x57: {  	_ =	shalt  }
0x58: {  	_ =	shalt  }
0x59: {  	_ =	shalt  }
0x5a: {  	_ =	shalt  }
0x5b: {  	_ =	shalt  }
0x5c: {  	_ =	shalt  }
0x5d: {  	_ =	shalt  }
0x5e: {  	_ =	shalt  }
0x5f: {  	_ =	shalt  }
0x60: {  	_ =	shalt  }
0x61: {  	_ =	shalt  }
0x62: {  	_ =	shalt  }
0x63: {  	_ =	shalt  }
0x64: {  	_ =	shalt  }
0x65: {  	_ =	shalt  }
0x66: {  	_ =	shalt  }
0x67: {  	_ =	shalt  }
0x68: {  	_ =	shalt  }
0x69: {  	_ =	shalt  }
0x6a: {  	_ =	shalt  }
0x6b: {  	_ =	shalt  }
0x6c: {  	_ =	shalt  }
0x6d: {  	_ =	shalt  }
0x6e: {  	_ =	shalt  }
0x6f: {  	_ =	shalt  }
0x70: {  	_ =	shalt  }
0x71: {  	_ =	shalt  }
0x72: {  	_ =	shalt  }
0x73: {  	_ =	shalt  }
0x74: {  	_ =	shalt  }
0x75: {  	_ =	shalt  }
0x76: {  	_ =	shalt  }
0x77: {  	_ =	shalt  }
0x78: {  	_ =	shalt  }
0x79: {  	_ =	shalt  }
0x7a: {  	_ =	shalt  }
0x7b: {  	_ =	shalt  }
0x7c: {  	_ =	shalt  }
0x7d: {  	_ =	shalt  }
0x7e: {  	_ =	shalt  }
0x7f: {  	_ =	shalt  }
0x80: {  	_ =	shalt  }
0x81: {  	_ =	shalt  }
0x82: {  	_ =	shalt  }
0x83: {  	_ =	shalt  }
0x84: {  	_ =	shalt  }
0x85: {  	_ =	shalt  }
0x86: {  	_ =	shalt  }
0x87: {  	_ =	shalt  }
.Lfunc_end0:
.L_simem_size_0:
called_computation_lowered:
.L_overlay_start_0:
0x88: {  	s2 =	sld [smem:$0x3FD9]  }
0x89: {  	s3 =	sld [smem:$0x3FFE];
	_ =	sdelay $0x1  }
0x8a: {  	s1 =	srdreg.scid  }
0x8b: {  	s0 =	sand.u32 $0x1, s1  }
0x8c: {  	s17 =	sshll.u32 s0, $0xA;
	s2 =	sadd.s32 s3, s2  }
0x8d: {  	s2 =	sadd.s32 s2, s17  }
0x8e: {  	[smem:$0x3FB4] =	sst s2  }
0x8f: {  	_ = 	snop  }
0x90: {  	s2 =	sld [smem:$0x3FD0];
	(tm) =	ssettm $0x1  }
0x91: {  	s18 =	sld [smem:$0x3FFB];
	_ =	sdelay $0x3  }
0x92: {  	_ =	strace s18  }
0x93: {  	s3 =	sld [smem:$0x3FFC];
	_ =	sdelay $0x3  }
0x94: {  	_ =	strace s3  }
0x95: {  	s3 =	sld [smem:$0x3FFD];
	_ =	sdelay $0x3  }
0x96: {  	_ =	strace s3  }
0x97: {  	_ =	strace $0x8FFFFFFF  }
0x98: {  	s19 =	sld [smem:$0x3FDB];
	_ =	sdelay $0x1  }
0x99: {  	s4 =	simm.s32 $_scs_section_size  }
0x9a: {  	s5 =	simm.s32 $_size__tile_overlayer_lowered;
	s6 =	simm.s32 $_tile_overlayer_lowered  }
0x9b: {  	s22 =	simm.s32 $0x1BFF;
	s21 =	sshll.u32 s6, $0x1;
	s3 =	sadd.s32 s4, s19  }
0x9c: {  	s7 =	simm.s32 $0x0;
	s20 =	sshll.u32 s5, $0x1;
	s5 =	sadd.s32 s21, s3  }
0x9d: {  	[timem:s7], [sflag:s22] =	dma.local [hbm:s5], s20  }
0x9e: {  	_ =	swait.ge [sflag:s22], s20  }
0x9f: {  	s4 =	ssub.s32 $0x0, s20;
	[sflag:s22] =	ssyncset.done $0x0  }
0xa0: {  	[sflag:s22] =	ssyncadd.s32 s4;
	_ =	sdelay $0x1  }
0xa1: {  	s23 =	simm.s32 $0x1B8B  }
0xa2: {  	_ =	swait.ge [sflag:s23], $0x1  }
0xa3: {  	[sflag:s23] =	ssyncset.done $0x0  }
0xa4: {  	s25 =	simm.s32 $0x1B8E;
	s24 =	sld [smem:$0x3FFE];
	[sflag:s23] =	ssyncadd.s32 $0xFFFFFFFF  }
0xa5: {  	s26 =	simm.s32 $execute0_lowered;
	[smem:$0x3FD2] =	sst s25  }
0xa6: {  	s5 =	sshll.u32 s26, $0x1;
	_ =	strace $0x80000046;
	[dreg:$0x1] =	wrdreg $0xFFFFFFFF  }
0xa7: {  	s28 =	simm.s32 $_size_execute0_lowered;
	s3 =	sadd.s32 s3, s5;
	[dreg:$0x0] =	wrdreg $0x0  }
0xa8: {  	s5 =	sshll.u32 s28, $0x1;
	[dreg:$0x2] =	wrdreg s3  }
0xa9: {  	[dreg:$0x3] =	wrdreg s5  }
0xaa: {  	[dreg:$0x4] =	wrdreg $0xC0  }
0xab: {  	_ =	task [dreg:s7], $0x5FFFF  }
0xac: {  	[dreg:$0x1] =	wrdreg $0xFFFFFFFF  }
0xad: {  	[dreg:$0x0] =	wrdreg $0x60  }
0xae: {  	[dreg:$0x2] =	wrdreg s24  }
0xaf: {  	[dreg:$0x3] =	wrdreg s2  }
0xb0: {  	[dreg:$0x4] =	wrdreg $0x8E300  }
0xb1: {  	[dreg:$0x5] =	wrdreg $0x9  }
0xb2: {  	_ =	task.clear_ibuf [dreg:s7], $0x6FFFF;
	_ =	strace $0x90000046  }
0xb3: {  	s29 =	simm.s32 $0x9;
	_ =	strace $0x80000048  }
0xb4: {  	_ =	swait.ge [sflag:s29], $0x1  }
0xb5: {  	[sflag:s29] =	ssyncadd.s32 $0xFFFFFFFF  }
0xb6: {  	_ =	strace $0x90000048  }
0xb7: {  	_ =	sfence  }
0xb8: {  	s30 =	sld [smem:$0x0];
	_ =	sdelay $0x2  }
0xb9: {  	s31 =	sshll.u32 s1, $0xD;
	s1 =	sshrl.u32 s1, $0x2  }
0xba: {  	s3 =	sand.u32 $0x4000, s31;
	s1 =	sadd.s32 s1, s30  }
0xbb: {  	s0 =	sor.u32 s3, s0;
	s1 =	sshll.u32 s1, $0x11  }
0xbc: {  	s0 =	sor.u32 s1, s0  }
0xbd: {  	s0 =	sadd.s32 $0x8F2B, s0  }
0xbe: {  	[sflag:s0] =	ssyncadd.remote.s32 $0x1  }
0xbf: {  	_ =	sfence.sel $0xFFFF  }
0xc0: {  	[dreg:$0x0] =	wrdreg $0xFFFFFFFF;
	(pc) =	sbr.abs _section_cstart, $3  }
0xc1: {  	[dreg:$0x1] =	wrdreg $0xFFFFFFFF  }
0xc2: {  	_ =	task.clear_ibuf [dreg:s7], $0x2FFFF;
	_ =	strace $0x9FFFFFFF  }
0xc3: {  	(tm) =	ssettm $0x7FFFFFFF  }
tec
execute0_lowered:
.L_overlay_start_1:
0x0: {  	(tag) =	ssettag $0x1  }
0x1: {  	s0 =	srdreg.scid  }
0x2: {  	s2 =	rddreg [dreg:$0x0];
	s1 =	simm.s32 $0x0;
	s5 =	stileid.u32  }
0x3: {  	s9 =	sand.u32 $0x1, s0;
	[smem:$0x7FF] =	sst s1;
	s4 =	smul.u32 $0x16020, s5  }
0x4: {  	s14 =	sadd.s32 $0x3D000, s2;
	s20 =	sshll.u32 s5, $0x1;
	s0 =	ssub.s32 $0x2, s9  }
0x5: {  	s15 =	smul.u32 $0x160200, s9;
	s3 =	sshrl.u32 s0, $0x1;
	s5 =	sadd.s32 $0x1B00, s4  }
0x6: {  	s6 =	sadd.s32 $0x3600, s4;
	s7 =	sadd.s32 $0x5100, s4;
	s8 =	sadd.s32 $0x6C00, s4  }
0x7: {  	s10 =	sadd.s32 $0x8700, s4;
	s11 =	sadd.s32 $0xA200, s4;
	s12 =	sadd.s32 $0xBD00, s4  }
0x8: {  	s13 =	sadd.s32 $0xD800, s4;
	s0 =	ssub.s32 s0, s3;
	s3 =	sor.u32 s9, s20  }
0x9: {  	s9 =	sadd.s32 $0xF300, s4;
	s16 =	sadd.s32 s4, s15;
	s17 =	sadd.s32 s15, s5  }
0xa: {  	s18 =	sadd.s32 s15, s6;
	s24 =	sadd.s32 s15, s7;
	s25 =	sadd.s32 s15, s8  }
0xb: {  	s26 =	sadd.s32 s15, s10;
	s20 =	sadd.s32 s15, s11;
	s16 =	sshrl.u32 s16, $0x3  }
0xc: {  	s21 =	sshrl.u32 s17, $0x3;
	s22 =	sshrl.u32 s18, $0x3;
	s17 =	sshrl.u32 s25, $0x3  }
0xd: {  	s18 =	sshrl.u32 s26, $0x3;
	s26 =	sadd.s32 s15, s9;
	s16 =	sadd.s32 s14, s16  }
0xe: {  	s23 =	sadd.s32 s14, s22;
	s19 =	sadd.s32 s14, s18;
	[dreg:$0x4] =	wrdreg s16  }
0xf: {  	s22 =	sadd.s32 s15, s13;
	s16 =	sadd.s32 s14, s21;
	[dreg:$0x6] =	wrdreg s23  }
0x10: {  	s18 =	sadd.s32 $0x12900, s4;
	[dreg:$0x5] =	wrdreg s16;
	s16 =	sshrl.u32 s24, $0x3  }
0x11: {  	[dreg:$0x9] =	wrdreg s19;
	s24 =	sshrl.u32 s22, $0x3;
	s16 =	sadd.s32 s14, s16  }
0x12: {  	s21 =	sadd.s32 s15, s12;
	s25 =	sadd.s32 s14, s24;
	[dreg:$0x7] =	wrdreg s16  }
0x13: {  	s23 =	sshrl.u32 s21, $0x3;
	s16 =	sadd.s32 s14, s17;
	[dreg:$0xc] =	wrdreg s25  }
0x14: {  	s17 =	sadd.s32 $0x10E00, s4;
	[dreg:$0x8] =	wrdreg s16;
	s16 =	sshrl.u32 s20, $0x3  }
0x15: {  	s19 =	sadd.s32 s15, s17;
	s20 =	sadd.s32 s15, s18;
	s16 =	sadd.s32 s14, s16  }
0x16: {  	s19 =	sshrl.u32 s19, $0x3;
	[dreg:$0xa] =	wrdreg s16;
	s16 =	sadd.s32 s14, s23  }
0x17: {  	s19 =	sadd.s32 s14, s19;
	[dreg:$0xb] =	wrdreg s16;
	s16 =	sshrl.u32 s26, $0x3  }
0x18: {  	s21 =	sshrl.u32 s20, $0x3;
	[dreg:$0xe] =	wrdreg s19;
	s16 =	sadd.s32 s14, s16  }
0x19: {  	[dreg:$0xd] =	wrdreg s16;
	s16 =	sadd.s32 s14, s21;
	s21 =	sadd.s32 $0x14400, s4  }
0x1a: {  	s23 =	sadd.s32 $0x15F00, s4;
	[dreg:$0xf] =	wrdreg s16;
	s22 =	sadd.s32 s15, s21  }
0x1b: {  	s24 =	sadd.s32 s15, s23;
	s15 =	rddreg [dreg:$0x1];
	s25 =	sshrl.u32 s22, $0x3  }
0x1c: {  	s19 =	sshrl.u32 s24, $0x3;
	s16 =	rddreg [dreg:$0x2];
	s20 =	sadd.s32 s14, s25  }
0x1d: {  	s14 =	sadd.s32 s14, s19;
	[dreg:$0x10] =	wrdreg s20  }
0x1e: {  	s26 =	sadd.s32 $0x32C00, s2;
	s31 =	sadd.s32 s6, s16;
	[dreg:$0x11] =	wrdreg s14  }
0x1f: {  	s6 =	sadd.s32 s7, s16;
	_ =	strace $0x80000047;
	[dreg:$0x12] =	wrdreg s26  }
0x20: {  	s7 =	sadd.s32 s8, s16;
	[dreg:$0x13] =	wrdreg s6  }
0x21: {  	s28 =	simm.s32 $0x0;
	s8 =	sadd.s32 s10, s16;
	[dreg:$0x14] =	wrdreg s7  }
0x22: {  	s0 =	smax.u32 s0, $0x1;
	s10 =	sadd.s32 s11, s16;
	[dreg:$0x15] =	wrdreg s8  }
0x23: {  	s22 =	sadd.s32 $0x32E00, s2;
	s11 =	sadd.s32 s12, s16;
	[dreg:$0x16] =	wrdreg s10  }
0x24: {  	s29 =	sadd.s32 s4, s16;
	s12 =	sadd.s32 s13, s16;
	[dreg:$0x17] =	wrdreg s11  }
0x25: {  	s30 =	sadd.s32 s5, s16;
	s14 =	sadd.s32 s9, s16;
	[dreg:$0x18] =	wrdreg s12  }
0x26: {  	s13 =	smul.u32 $0x2880, s3;
	s17 =	sadd.s32 s17, s16;
	[dreg:$0x19] =	wrdreg s14  }
0x27: {  	s18 =	sadd.s32 s18, s16;
	s21 =	sadd.s32 s21, s16;
	[dreg:$0x1a] =	wrdreg s17  }
0x28: {  	s23 =	sadd.s32 s23, s16;
	s19 =	sadd.s32 $0x6C00, s2;
	[dreg:$0x1b] =	wrdreg s18  }
0x29: {  	s20 =	sadd.s32 $0x1C00, s2;
	s24 =	sshrl.u32 s13, $0x3;
	[dreg:$0x1c] =	wrdreg s21  }
0x2a: {  	s9 =	sor.u32 $0x60, s13;
	[dreg:$0x1d] =	wrdreg s23;
	s25 =	sadd.s32 s15, s24  }
0x2b: {  	s26 =	sadd.s32 s22, s24;
	s8 =	sor.u32 $0x30, s13;
	[smem:$0x7FD] =	sst s0  }
0x2c: {  	s11 =	simm.s32 $0x7330;
	s12 =	simm.s32 $0x5;
	s17 =	simm.s32 $0x30  }
0x2d: {  	s18 =	simm.s32 $0x1;
	s21 =	simm.s32 $0x90;
	s13 =	simm.s32 $0x1C20  }
0x2e: {  	s6 =	simm.s32 $0x3A20;
	s7 =	simm.s32 $0xC0;
	s10 =	simm.s32 $0x3D30  }
0x2f: {  	s23 =	simm.s32 $0x2;
	s24 =	simm.s32 $0x3;
	[dreg:$0x1e] =	wrdreg s25  }
0x30: {  	v0 =	vimm.f32 $0.0e+00;
	[dreg:$0x1f] =	wrdreg s26;
	s25 =	simm.s32 $0xF0;
	s26 =	simm.s32 $0x5830  }
.LBB2_1:
0x31: {  	s0 =	simm.s32 $0x0;
	s14 =	simm.s32 $0x240  }
.LBB2_2:
0x32: {  	p0 =	sne.s32 s14, $0x69C0;
	[tilespmem:s0+$0x73B0] =	vst v0  }
0x33: {  	[tilespmem:s0+$0x7330] =	vst v0  }
0x34: {  	[tilespmem:s0+$0x7340] =	vst v0  }
0x35: {  	[tilespmem:s0+$0x7350] =	vst v0  }
.Ltmp0:
0x36: {  	[tilespmem:s0+$0x7360] =	vst v0;
	(pc) =	sbr.rel @p0 .LBB2_2-.Ltmp0, $4  }
0x37: {  	[tilespmem:s0+$0x7370] =	vst v0  }
0x38: {  	[tilespmem:s0+$0x7380] =	vst v0  }
0x39: {  	[tilespmem:s0+$0x7390] =	vst v0  }
0x3a: {  	[tilespmem:s0+$0x73A0] =	vst v0;
	s0 =	sshra.s32 s14, $0x2;
	s14 =	sadd.s32 $0x240, s14  }
0x3b: {  	[tilespmem:s0+$0x73B0] =	vst v0  }
0x3c: {  	[tilespmem:s0+$0x7330] =	vst v0  }
0x3d: {  	[tilespmem:s0+$0x7340] =	vst v0  }
0x3e: {  	[tilespmem:s0+$0x7350] =	vst v0  }
0x3f: {  	[tilespmem:s0+$0x7360] =	vst v0  }
0x40: {  	[tilespmem:s0+$0x7370] =	vst v0  }
0x41: {  	[tilespmem:s0+$0x7380] =	vst v0  }
0x42: {  	[tilespmem:s0+$0x7390] =	vst v0  }
0x43: {  	[tilespmem:s0+$0x73A0] =	vst v0  }
0x44: {  	[spmem:s29] =	stream.linear.scatter [tilespmem:s11], [sflag:$0x5], $0x1B00, $0x38;
	[tilespmem:$0x1EE50] =	vst v63  }
0x45: {  	_ =	swait.ge [sflag:s12], $0x1B00  }
0x46: {  	[sflag:s12] =	ssyncset.done $0x0  }
0x47: {  	[sflag:s12] =	ssyncadd.s32 $0xFFFFE500  }
0x48: {  	[spmem:s30] =	stream.linear.scatter [tilespmem:s11], [sflag:$0x5], $0x1B00, $0x38;
	[tilespmem:$0x1EE50] =	vst v63  }
0x49: {  	_ =	swait.ge [sflag:s12], $0x1B00  }
0x4a: {  	[sflag:s12] =	ssyncset.done $0x0  }
0x4b: {  	[sflag:s12] =	ssyncadd.s32 $0xFFFFE500  }
0x4c: {  	[spmem:s31] =	stream.linear.scatter [tilespmem:s11], [sflag:$0x5], $0x1B00, $0x38;
	[tilespmem:$0x1EE50] =	vst v63  }
0x4d: {  	_ =	swait.ge [sflag:s12], $0x1B00  }
0x4e: {  	[sflag:s12] =	ssyncset.done $0x0  }
0x4f: {  	s5 =	smov.u32 s31;
	s31 =	rddreg [dreg:$0x13];
	[sflag:s12] =	ssyncadd.s32 $0xFFFFE500  }
0x50: {  	[spmem:s31] =	stream.linear.scatter [tilespmem:s11], [sflag:$0x5], $0x1B00, $0x38;
	[tilespmem:$0x1EE50] =	vst v63  }
0x51: {  	_ =	swait.ge [sflag:s12], $0x1B00  }
0x52: {  	[sflag:s12] =	ssyncset.done $0x0  }
0x53: {  	s2 =	rddreg [dreg:$0x14];
	[sflag:s12] =	ssyncadd.s32 $0xFFFFE500  }
0x54: {  	[spmem:s2] =	stream.linear.scatter [tilespmem:s11], [sflag:$0x5], $0x1B00, $0x38;
	[tilespmem:$0x1EE50] =	vst v63  }
0x55: {  	_ =	swait.ge [sflag:s12], $0x1B00  }
0x56: {  	[sflag:s12] =	ssyncset.done $0x0  }
0x57: {  	s14 =	rddreg [dreg:$0x15];
	[sflag:s12] =	ssyncadd.s32 $0xFFFFE500  }
0x58: {  	[spmem:s14] =	stream.linear.scatter [tilespmem:s11], [sflag:$0x5], $0x1B00, $0x38;
	[tilespmem:$0x1EE50] =	vst v63  }
0x59: {  	_ =	swait.ge [sflag:s12], $0x1B00  }
0x5a: {  	[sflag:s12] =	ssyncset.done $0x0  }
0x5b: {  	s4 =	smov.u32 s30;
	s30 =	rddreg [dreg:$0x16];
	[sflag:s12] =	ssyncadd.s32 $0xFFFFE500  }
0x5c: {  	[spmem:s30] =	stream.linear.scatter [tilespmem:s11], [sflag:$0x5], $0x1B00, $0x38;
	[tilespmem:$0x1EE50] =	vst v63  }
0x5d: {  	_ =	swait.ge [sflag:s12], $0x1B00  }
0x5e: {  	[sflag:s12] =	ssyncset.done $0x0  }
0x5f: {  	s31 =	rddreg [dreg:$0x17];
	[sflag:s12] =	ssyncadd.s32 $0xFFFFE500  }
0x60: {  	[spmem:s31] =	stream.linear.scatter [tilespmem:s11], [sflag:$0x5], $0x1B00, $0x38;
	[tilespmem:$0x1EE50] =	vst v63  }
0x61: {  	_ =	swait.ge [sflag:s12], $0x1B00  }
0x62: {  	[sflag:s12] =	ssyncset.done $0x0  }
0x63: {  	s2 =	rddreg [dreg:$0x18];
	[sflag:s12] =	ssyncadd.s32 $0xFFFFE500  }
0x64: {  	[spmem:s2] =	stream.linear.scatter [tilespmem:s11], [sflag:$0x5], $0x1B00, $0x38;
	[tilespmem:$0x1EE50] =	vst v63  }
0x65: {  	_ =	swait.ge [sflag:s12], $0x1B00  }
0x66: {  	[sflag:s12] =	ssyncset.done $0x0  }
0x67: {  	s14 =	rddreg [dreg:$0x19];
	[sflag:s12] =	ssyncadd.s32 $0xFFFFE500  }
0x68: {  	[spmem:s14] =	stream.linear.scatter [tilespmem:s11], [sflag:$0x5], $0x1B00, $0x38;
	[tilespmem:$0x1EE50] =	vst v63  }
0x69: {  	_ =	swait.ge [sflag:s12], $0x1B00  }
0x6a: {  	[sflag:s12] =	ssyncset.done $0x0  }
0x6b: {  	s30 =	rddreg [dreg:$0x1a];
	[sflag:s12] =	ssyncadd.s32 $0xFFFFE500  }
0x6c: {  	[spmem:s30] =	stream.linear.scatter [tilespmem:s11], [sflag:$0x5], $0x1B00, $0x38;
	[tilespmem:$0x1EE50] =	vst v63  }
0x6d: {  	_ =	swait.ge [sflag:s12], $0x1B00  }
0x6e: {  	[sflag:s12] =	ssyncset.done $0x0  }
0x6f: {  	s31 =	rddreg [dreg:$0x1b];
	[sflag:s12] =	ssyncadd.s32 $0xFFFFE500  }
0x70: {  	[spmem:s31] =	stream.linear.scatter [tilespmem:s11], [sflag:$0x5], $0x1B00, $0x38;
	[tilespmem:$0x1EE50] =	vst v63  }
0x71: {  	_ =	swait.ge [sflag:s12], $0x1B00  }
0x72: {  	[sflag:s12] =	ssyncset.done $0x0  }
0x73: {  	s2 =	rddreg [dreg:$0x1c];
	[sflag:s12] =	ssyncadd.s32 $0xFFFFE500  }
0x74: {  	[spmem:s2] =	stream.linear.scatter [tilespmem:s11], [sflag:$0x5], $0x1B00, $0x38;
	[tilespmem:$0x1EE50] =	vst v63  }
0x75: {  	_ =	swait.ge [sflag:s12], $0x1B00  }
0x76: {  	[sflag:s12] =	ssyncset.done $0x0  }
0x77: {  	s14 =	rddreg [dreg:$0x1d];
	[sflag:s12] =	ssyncadd.s32 $0xFFFFE500  }
0x78: {  	[spmem:s14] =	stream.linear.scatter [tilespmem:s11], [sflag:$0x5], $0x120, $0x38;
	[tilespmem:$0x1EE50] =	vst v63  }
0x79: {  	_ =	swait.ge [sflag:s12], $0x120  }
0x7a: {  	[sflag:s12] =	ssyncset.done $0x0  }
0x7b: {  	[sflag:s12] =	ssyncadd.s32 $0xFFFFFEE0  }
0x7c: {  	s3 =	smov.u32 s29;
	[bflag:$0x0] =	sbarrier.arrive $0xFFFF  }
0x7d: {  	s29 =	simm.s32 $0x0;
	s2 =	simm.s32 $0x3D20;
	s30 =	rddreg [dreg:$0x12]  }
0x7e: {  	[tilespmem:s2], [sflag:$0x5] =	stream.linear.gather [hbm4b:s30+s29], $0x10, $0x38;
	[tilespmem:$0x1EE50] =	vst v63  }
0x7f: {  	_ =	swait.ge [sflag:s12], $0x10  }
0x80: {  	[sflag:s12] =	ssyncset.done $0x0  }
0x81: {  	s31 =	rddreg [dreg:$0x1e];
	[sflag:s12] =	ssyncadd.s32 $0xFFFFFFF0  }
0x82: {  	v1 =	vld [tilespmem:$0x3D20];
	[tilespmem:s29], [sflag:$0x5] =	stream.linear.gather [hbm4b:s31+s29], $0x30, $0x38  }
0x83: {  	_ =	swait.ge [sflag:s12], $0x30  }
0x84: {  	[sflag:s12] =	ssyncset.done $0x0  }
0x85: {  	s14 =	simm.s32 $0x60;
	s2 =	rddreg [dreg:$0x1f];
	[sflag:s12] =	ssyncadd.s32 $0xFFFFFFD0  }
0x86: {  	[tilespmem:s14], [sflag:$0x5] =	stream.linear.gather [hbm4b:s2+s29], $0x30, $0x38;
	[tilespmem:$0x1EE50] =	vst v63  }
0x87: {  	_ =	swait.ge [sflag:s12], $0x30  }
0x88: {  	[sflag:s12] =	ssyncset.done $0x0  }
0x89: {  	s30 =	simm.s32 $0x120;
	[sflag:s12] =	ssyncadd.s32 $0xFFFFFFD0  }
0x8a: {  	[tilespmem:s30], [sflag:$0x1] =	stream.indirect.gather [hbm4b:s19+s17], $0x90, s29, s17, $0xb8;
	[tilespmem:$0x1EE50] =	vst v63  }
0x8b: {  	s31 =	simm.s32 $0x3720  }
0x8c: {  	[tilespmem:s31], [sflag:$0x1] =	stream.indirect.gather [hbm4b:s20+s17], $0x10, s14, s17, $0xb8;
	[tilespmem:$0x1EE50] =	vst v63  }
.LBB2_4:
0x8d: {  	_ =	swait.ge [sflag:s18], $0x1B00  }
0x8e: {  	s30 =	smul.u32 $0x60, s29;
	[sflag:s18] =	ssyncset.done $0x0  }
0x8f: {  	[sflag:s18] =	ssyncadd.s32 $0xFFFFE500  }
0x90: {  	s0 =	sadd.s32 s30, s8;
	_ =	swait.ge [sflag:s18], $0x300  }
0x91: {  	s0 =	sshrl.u32 s0, $0x3;
	[sflag:s18] =	ssyncset.done $0x0  }
0x92: {  	s14 =	sadd.s32 s15, s0;
	[sflag:s18] =	ssyncadd.s32 $0xFFFFFD00  }
0x93: {  	[tilespmem:s17], [sflag:$0x5] =	stream.linear.gather [hbm4b:s14+s1], $0x30, $0x38;
	[tilespmem:$0x1EE50] =	vst v63  }
0x94: {  	_ =	swait.ge [sflag:s12], $0x30  }
0x95: {  	[sflag:s12] =	ssyncset.done $0x0  }
0x96: {  	s0 =	sadd.s32 s22, s0;
	[sflag:s12] =	ssyncadd.s32 $0xFFFFFFD0  }
0x97: {  	[tilespmem:s21], [sflag:$0x5] =	stream.linear.gather [hbm4b:s0+s1], $0x30, $0x38;
	[tilespmem:$0x1EE50] =	vst v63  }
0x98: {  	_ =	swait.ge [sflag:s12], $0x30  }
0x99: {  	[sflag:s12] =	ssyncset.done $0x0  }
0x9a: {  	p0 =	seq.s32 s29, $0x0;
	[sflag:s12] =	ssyncadd.s32 $0xFFFFFFD0  }
0x9b: {  	[tilespmem:s13], [sflag:$0x2] =	stream.indirect.gather [hbm4b:s19+s17], $0x90, s17, s17, $0xb8;
	[tilespmem:$0x1EE50] =	vst v63  }
0x9c: {  	s0 =	simm.s32 @!p0 $0x4  }
0x9d: {  	[tilespmem:s6], [sflag:$0x2] =	stream.indirect.gather [hbm4b:s20+s17], $0x10, s21, s17, $0xb8;
	[tilespmem:$0x1EE50] =	vst v63  }
0x9e: {  	_ =	swait.ge @!p0 [sflag:s0], $0x1B00  }
0x9f: {  	[sflag:s0] =	ssyncset.done @!p0 $0x0  }
0xa0: {  	s31 =	simm.s32 $0x0;
	[sflag:s0] =	ssyncadd.s32 @!p0 $0xFFFFE500  }
0xa1: {  	s14 =	simm.s32 $0x3720;
	s0 =	simm.s32 $0x240;
	v2 =	vld [tilespmem:s31+$0x1A0]  }
.LBB2_5:
0xa2: {  	p0 =	sne.s32 s0, $0x69C0;
	v3 =	vld [tilespmem:s14+$0x0];
	_ =	sdelay $0x4  }
0xa3: {  	v4 =	vadd.f32 v3, v1;
	v2 =	vadd.f32 v3, v2;
	_ =	sdelay $0x1  }
0xa4: {  	v3 =	vmul.f32 $2.000000030e-01, v4;
	v5 =	vmul.f32 $2.000000030e-01, v2;
	_ =	sdelay $0x1  }
0xa5: {  	v3 =	vmax.f32 v4, v3;
	v2 =	vmax.f32 v2, v5  }
0xa6: {  	v2 =	vsub.f32 v2, v3;
	_ =	sdelay $0x1  }
0xa7: {  	v2 =	vmul.f32 $1.442695020e+00, v2;
	_ =	sdelay $0x1  }
0xa8: {  	(erf) = vpow2.f32 v2;
	_ =	sdelay $0x4  }
0xa9: {  	v2 =	vld [tilespmem:s31+$0x120]  }
0xaa: {  	v3 =	vld [tilespmem:s31+$0x130]  }
0xab: {  	v4 =	vld [tilespmem:s31+$0x140]  }
0xac: {  	v5 =	vld [tilespmem:s31+$0x150]  }
0xad: {  	v6 =	vld [tilespmem:s31+$0x160];
	v7 =	vpop (erf)  }
0xae: {  	[tilespmem:s31+$0x3DB0] =	vst v7;
	v8 =	vbroadcast v7, $0x0;
	v9 =	vbroadcast v7, $0x1;
	v10 =	vld [tilespmem:s31+$0x170]  }
0xaf: {  	v11 =	vbroadcast v7, $0x2;
	v12 =	vbroadcast v7, $0x3;
	v13 =	vld [tilespmem:s31+$0x180]  }
0xb0: {  	v2 =	vmul.f32 v8, v2;
	v3 =	vmul.f32 v9, v3;
	v8 =	vld [tilespmem:s31+$0x190]  }
0xb1: {  	v4 =	vmul.f32 v11, v4;
	v5 =	vmul.f32 v5, v12  }
0xb2: {  	v9 =	vbroadcast v7, $0x5;
	[tilespmem:s31+$0x3D30] =	vst v2;
	v2 =	vbroadcast v7, $0x4  }
0xb3: {  	[tilespmem:s31+$0x3D40] =	vst v3;
	v3 =	vbroadcast v7, $0x6;
	v7 =	vbroadcast v7, $0x7  }
0xb4: {  	[tilespmem:s31+$0x3D50] =	vst v4;
	v2 =	vmul.f32 v6, v2;
	v4 =	vmul.f32 v10, v9  }
.Ltmp1:
0xb5: {  	[tilespmem:s31+$0x3D60] =	vst v5;
	v3 =	vmul.f32 v13, v3;
	v5 =	vmul.f32 v8, v7;
	(pc) =	sbr.rel @p0 .LBB2_5-.Ltmp1, $4  }
0xb6: {  	[tilespmem:s31+$0x3D70] =	vst v2  }
0xb7: {  	[tilespmem:s31+$0x3D80] =	vst v4  }
0xb8: {  	s2 =	sshra.s32 s0, $0x2;
	[tilespmem:s31+$0x3D90] =	vst v3  }
0xb9: {  	s0 =	sadd.s32 $0x240, s0;
	s14 =	sadd.s32 $0x10, s14;
	v2 =	vld [tilespmem:s2+$0x1A0];
	[tilespmem:s31+$0x3DA0] =	vst v5;
	s31 =	smov.u32 s2  }
0xba: {  	v3 =	vld [tilespmem:s14+$0x0];
	_ =	sdelay $0x4  }
0xbb: {  	v4 =	vadd.f32 v3, v1;
	v2 =	vadd.f32 v3, v2;
	_ =	sdelay $0x1  }
0xbc: {  	v3 =	vmul.f32 $2.000000030e-01, v4;
	v5 =	vmul.f32 $2.000000030e-01, v2;
	_ =	sdelay $0x1  }
0xbd: {  	v3 =	vmax.f32 v4, v3;
	v2 =	vmax.f32 v2, v5  }
0xbe: {  	v2 =	vsub.f32 v2, v3;
	_ =	sdelay $0x1  }
0xbf: {  	v2 =	vmul.f32 $1.442695020e+00, v2;
	_ =	sdelay $0x1  }
0xc0: {  	(erf) = vpow2.f32 v2;
	_ =	sdelay $0x6  }
0xc1: {  	v2 =	vld [tilespmem:s31+$0x120]  }
0xc2: {  	v3 =	vld [tilespmem:s31+$0x130]  }
0xc3: {  	v56 =	vld [tilespmem:s31+$0x140];
	v7 =	vpop (erf)  }
0xc4: {  	v57 =	vld [tilespmem:s31+$0x150];
	v8 =	vbroadcast v7, $0x0  }
0xc5: {  	v10 =	vld [tilespmem:s31+$0x170];
	v9 =	vbroadcast v7, $0x1  }
0xc6: {  	v6 =	vld [tilespmem:s31+$0x160];
	v11 =	vbroadcast v7, $0x2;
	v2 =	vmul.f32 v8, v2  }
0xc7: {  	v12 =	vld [tilespmem:s31+$0x180];
	[tilespmem:s31+$0x3DB0] =	vst v7;
	v58 =	vbroadcast v7, $0x3;
	v3 =	vmul.f32 v9, v3  }
0xc8: {  	v59 =	vld [tilespmem:s31+$0x190];
	v60 =	vbroadcast v7, $0x5;
	v4 =	vmul.f32 v11, v56;
	[tilespmem:s31+$0x3D30] =	vst v2  }
0xc9: {  	v5 =	vmul.f32 v57, v58;
	v2 =	vbroadcast v7, $0x4;
	[tilespmem:s31+$0x3D40] =	vst v3  }
0xca: {  	v62 =	vmul.f32 v10, v60;
	v3 =	vbroadcast v7, $0x6;
	[tilespmem:s31+$0x3D50] =	vst v4  }
0xcb: {  	v61 =	vbroadcast v7, $0x7;
	[tilespmem:s31+$0x3D60] =	vst v5;
	v2 =	vmul.f32 v6, v2  }
0xcc: {  	[tilespmem:s31+$0x3D80] =	vst v62;
	v3 =	vmul.f32 v12, v3  }
0xcd: {  	[tilespmem:s31+$0x3D70] =	vst v2;
	v2 =	vmul.f32 v59, v61  }
0xce: {  	[tilespmem:s31+$0x3D90] =	vst v3  }
0xcf: {  	[tilespmem:s31+$0x3DA0] =	vst v2  }
0xd0: {  	v2 =	vld [tilespmem:$0x60]  }
0xd1: {  	v3 =	vld [tilespmem:$0x70]  }
0xd2: {  	v63 =	vld [tilespmem:$0x80];
	_ =	sdelay $0x2  }
0xd3: {  	[tilespmem:$0xC0] =	vst v2  }
0xd4: {  	[tilespmem:$0xD0] =	vst v3  }
0xd5: {  	[tilespmem:$0xE0] =	vst v63  }
0xd6: {  	[spmem:s16] =	stream.indirect.scatter.add.f32 [tilespmem:s10], [sflag:$0x3], $0x90, s7, s17, $0xb8;
	[tilespmem:$0x1EE50] =	vst v63  }
0xd7: {  	_ =	swait.ge [sflag:s23], $0x1B00  }
0xd8: {  	[sflag:s23] =	ssyncset.done $0x0  }
0xd9: {  	p0 =	seq.s32 s29, $0x6B;
	[sflag:s23] =	ssyncadd.s32 $0xFFFFE500  }
0xda: {  	s0 =	sadd.s32 @!p0 s30, s9;
	_ =	swait.ge [sflag:s23], $0x300  }
0xdb: {  	s0 =	sshrl.u32 @!p0 s0, $0x3;
	[sflag:s23] =	ssyncset.done $0x0  }
0xdc: {  	s14 =	simm.s32 @!p0 $0x0;
	s2 =	sadd.s32 @!p0 s15, s0;
	[sflag:s23] =	ssyncadd.s32 $0xFFFFFD00  }
0xdd: {  	[tilespmem:s14], [sflag:$0x5] =	stream.linear.gather @!p0 [hbm4b:s2+s14], $0x30, $0x38;
	[tilespmem:$0x1EE50] =	vst v63  }
0xde: {  	s2 =	simm.s32 @!p0 $0x5  }
0xdf: {  	_ =	swait.ge @!p0 [sflag:s2], $0x30  }
0xe0: {  	[sflag:s2] =	ssyncset.done @!p0 $0x0  }
0xe1: {  	s30 =	simm.s32 @!p0 $0x60;
	s0 =	sadd.s32 @!p0 s22, s0;
	[sflag:s2] =	ssyncadd.s32 @!p0 $0xFFFFFFD0  }
0xe2: {  	[tilespmem:s30], [sflag:$0x5] =	stream.linear.gather @!p0 [hbm4b:s0+s14], $0x30, $0x38;
	[tilespmem:$0x1EE50] =	vst v63  }
0xe3: {  	_ =	swait.ge @!p0 [sflag:s2], $0x30  }
0xe4: {  	[sflag:s2] =	ssyncset.done @!p0 $0x0  }
0xe5: {  	s0 =	simm.s32 @!p0 $0x30;
	[sflag:s2] =	ssyncadd.s32 @!p0 $0xFFFFFFD0;
	s2 =	simm.s32 @!p0 $0x120  }
0xe6: {  	[tilespmem:s2], [sflag:$0x1] =	stream.indirect.gather @!p0 [hbm4b:s19+s0], $0x90, s14, s0, $0xb8;
	[tilespmem:$0x1EE50] =	vst v63  }
0xe7: {  	s2 =	simm.s32 @!p0 $0x3720  }
0xe8: {  	[tilespmem:s2], [sflag:$0x1] =	stream.indirect.gather @!p0 [hbm4b:s20+s0], $0x10, s30, s0, $0xb8;
	[tilespmem:$0x1EE50] =	vst v63  }
0xe9: {  	_ =	swait.ge [sflag:s24], $0x1B00  }
0xea: {  	[sflag:s24] =	ssyncset.done $0x0  }
0xeb: {  	s30 =	simm.s32 $0x0;
	[sflag:s24] =	ssyncadd.s32 $0xFFFFE500  }
0xec: {  	s14 =	simm.s32 $0x3A20;
	s0 =	simm.s32 $0x240;
	v2 =	vld [tilespmem:s30+$0x1CA0]  }
.LBB2_7:
0xed: {  	p0 =	sne.s32 s0, $0x69C0;
	v3 =	vld [tilespmem:s14+$0x0];
	_ =	sdelay $0x4  }
0xee: {  	v4 =	vadd.f32 v3, v1;
	v2 =	vadd.f32 v3, v2;
	_ =	sdelay $0x1  }
0xef: {  	v3 =	vmul.f32 $2.000000030e-01, v4;
	v5 =	vmul.f32 $2.000000030e-01, v2;
	_ =	sdelay $0x1  }
0xf0: {  	v3 =	vmax.f32 v4, v3;
	v2 =	vmax.f32 v2, v5  }
0xf1: {  	v2 =	vsub.f32 v2, v3;
	_ =	sdelay $0x1  }
0xf2: {  	v2 =	vmul.f32 $1.442695020e+00, v2;
	_ =	sdelay $0x1  }
0xf3: {  	(erf) = vpow2.f32 v2;
	_ =	sdelay $0x4  }
0xf4: {  	v2 =	vld [tilespmem:s30+$0x1C20]  }
0xf5: {  	v3 =	vld [tilespmem:s30+$0x1C30]  }
0xf6: {  	v4 =	vld [tilespmem:s30+$0x1C40]  }
0xf7: {  	v5 =	vld [tilespmem:s30+$0x1C50]  }
0xf8: {  	v6 =	vld [tilespmem:s30+$0x1C60];
	v7 =	vpop (erf)  }
0xf9: {  	[tilespmem:s30+$0x58B0] =	vst v7;
	v8 =	vbroadcast v7, $0x0;
	v9 =	vbroadcast v7, $0x1;
	v10 =	vld [tilespmem:s30+$0x1C70]  }
0xfa: {  	v11 =	vbroadcast v7, $0x2;
	v12 =	vbroadcast v7, $0x3;
	v13 =	vld [tilespmem:s30+$0x1C80]  }
0xfb: {  	v2 =	vmul.f32 v8, v2;
	v3 =	vmul.f32 v9, v3;
	v8 =	vld [tilespmem:s30+$0x1C90]  }
0xfc: {  	v4 =	vmul.f32 v11, v4;
	v5 =	vmul.f32 v5, v12  }
0xfd: {  	v9 =	vbroadcast v7, $0x5;
	[tilespmem:s30+$0x5830] =	vst v2;
	v2 =	vbroadcast v7, $0x4  }
0xfe: {  	[tilespmem:s30+$0x5840] =	vst v3;
	v3 =	vbroadcast v7, $0x6;
	v7 =	vbroadcast v7, $0x7  }
0xff: {  	[tilespmem:s30+$0x5850] =	vst v4;
	v2 =	vmul.f32 v6, v2;
	v4 =	vmul.f32 v10, v9  }
.Ltmp2:
0x100: {  	[tilespmem:s30+$0x5860] =	vst v5;
	v3 =	vmul.f32 v13, v3;
	v5 =	vmul.f32 v8, v7;
	(pc) =	sbr.rel @p0 .LBB2_7-.Ltmp2, $4  }
0x101: {  	[tilespmem:s30+$0x5870] =	vst v2  }
0x102: {  	[tilespmem:s30+$0x5880] =	vst v4  }
0x103: {  	s2 =	sshra.s32 s0, $0x2;
	[tilespmem:s30+$0x5890] =	vst v3  }
0x104: {  	s0 =	sadd.s32 $0x240, s0;
	s14 =	sadd.s32 $0x10, s14;
	v2 =	vld [tilespmem:s2+$0x1CA0];
	[tilespmem:s30+$0x58A0] =	vst v5;
	s30 =	smov.u32 s2  }
0x105: {  	v3 =	vld [tilespmem:s14+$0x0];
	_ =	sdelay $0x4  }
0x106: {  	v4 =	vadd.f32 v3, v1;
	v2 =	vadd.f32 v3, v2;
	_ =	sdelay $0x1  }
0x107: {  	v3 =	vmul.f32 $2.000000030e-01, v4;
	v5 =	vmul.f32 $2.000000030e-01, v2;
	_ =	sdelay $0x1  }
0x108: {  	v3 =	vmax.f32 v4, v3;
	v2 =	vmax.f32 v2, v5  }
0x109: {  	v2 =	vsub.f32 v2, v3;
	_ =	sdelay $0x1  }
0x10a: {  	v2 =	vmul.f32 $1.442695020e+00, v2;
	_ =	sdelay $0x1  }
0x10b: {  	(erf) = vpow2.f32 v2;
	_ =	sdelay $0x6  }
0x10c: {  	v2 =	vld [tilespmem:s30+$0x1C20]  }
0x10d: {  	v3 =	vld [tilespmem:s30+$0x1C30]  }
0x10e: {  	v56 =	vld [tilespmem:s30+$0x1C40];
	v7 =	vpop (erf)  }
0x10f: {  	v57 =	vld [tilespmem:s30+$0x1C50];
	v8 =	vbroadcast v7, $0x0  }
0x110: {  	v10 =	vld [tilespmem:s30+$0x1C70];
	v9 =	vbroadcast v7, $0x1  }
0x111: {  	v6 =	vld [tilespmem:s30+$0x1C60];
	v11 =	vbroadcast v7, $0x2;
	v2 =	vmul.f32 v8, v2  }
0x112: {  	v12 =	vld [tilespmem:s30+$0x1C80];
	[tilespmem:s30+$0x58B0] =	vst v7;
	v58 =	vbroadcast v7, $0x3;
	v3 =	vmul.f32 v9, v3  }
0x113: {  	v59 =	vld [tilespmem:s30+$0x1C90];
	v60 =	vbroadcast v7, $0x5;
	v4 =	vmul.f32 v11, v56;
	[tilespmem:s30+$0x5830] =	vst v2  }
0x114: {  	v5 =	vmul.f32 v57, v58;
	v2 =	vbroadcast v7, $0x4;
	[tilespmem:s30+$0x5840] =	vst v3  }
0x115: {  	v62 =	vmul.f32 v10, v60;
	v3 =	vbroadcast v7, $0x6;
	[tilespmem:s30+$0x5850] =	vst v4  }
0x116: {  	v61 =	vbroadcast v7, $0x7;
	[tilespmem:s30+$0x5860] =	vst v5;
	v2 =	vmul.f32 v6, v2  }
0x117: {  	[tilespmem:s30+$0x5880] =	vst v62;
	v3 =	vmul.f32 v12, v3  }
0x118: {  	[tilespmem:s30+$0x5870] =	vst v2;
	v2 =	vmul.f32 v59, v61  }
0x119: {  	[tilespmem:s30+$0x5890] =	vst v3  }
0x11a: {  	[tilespmem:s30+$0x58A0] =	vst v2  }
0x11b: {  	v2 =	vld [tilespmem:$0x90]  }
0x11c: {  	v3 =	vld [tilespmem:$0xA0]  }
0x11d: {  	s29 =	sadd.s32 $0x1, s29;
	v63 =	vld [tilespmem:$0xB0]  }
0x11e: {  	p0 =	sne.s32 s29, $0x6C  }
.Ltmp3:
0x11f: {  	_ = 	snop;
	(pc) =	sbr.rel @p0 .LBB2_4-.Ltmp3, $4  }
0x120: {  	[tilespmem:$0xF0] =	vst v2  }
0x121: {  	[tilespmem:$0x100] =	vst v3  }
0x122: {  	[tilespmem:$0x110] =	vst v63  }
0x123: {  	[spmem:s16] =	stream.indirect.scatter.add.f32 [tilespmem:s26], [sflag:$0x4], $0x90, s25, s17, $0xb8;
	[tilespmem:$0x1EE50] =	vst v63  }
0x124: {  	s0 =	simm.s32 $0x4  }
0x125: {  	_ =	swait.ge [sflag:s0], $0x1B00  }
0x126: {  	[sflag:s0] =	ssyncset.done $0x0  }
0x127: {  	s2 =	stileid.u32;
	[sflag:s0] =	ssyncadd.s32 $0xFFFFE500  }
0x128: {  	s0 =	sshll.u32 s2, $0x6;
	[bflag:$0x0] =	sbarrier.arrive $0xFFFF  }
0x129: {  	s2 =	sshrl.u32 s3, $0x3;
	s0 =	sor.u32 $0x1C05, s0;
	s14 =	rddreg [dreg:$0x4]  }
0x12a: {  	[hbm:s14], [sflag:s0] =	dma.local [spmem:s2], $0x360  }
0x12b: {  	_ =	swait.ge [sflag:s12], $0x360  }
0x12c: {  	s29 =	smov.u32 s3;
	s30 =	smov.u32 s4;
	[sflag:s12] =	ssyncset.done $0x0  }
0x12d: {  	s3 =	sshrl.u32 s4, $0x3;
	s4 =	rddreg [dreg:$0x5];
	[sflag:s12] =	ssyncadd.s32 $0xFFFFFCA0  }
0x12e: {  	[hbm:s4], [sflag:s0] =	dma.local [spmem:s3], $0x360  }
0x12f: {  	_ =	swait.ge [sflag:s12], $0x360  }
0x130: {  	[sflag:s12] =	ssyncset.done $0x0  }
0x131: {  	s14 =	sshrl.u32 s5, $0x3;
	s3 =	rddreg [dreg:$0x6];
	[sflag:s12] =	ssyncadd.s32 $0xFFFFFCA0  }
0x132: {  	[hbm:s3], [sflag:s0] =	dma.local [spmem:s14], $0x360  }
0x133: {  	_ =	swait.ge [sflag:s12], $0x360  }
0x134: {  	s31 =	smov.u32 s5;
	[sflag:s12] =	ssyncset.done $0x0;
	s4 =	rddreg [dreg:$0x13]  }
0x135: {  	s5 =	rddreg [dreg:$0x7];
	[sflag:s12] =	ssyncadd.s32 $0xFFFFFCA0;
	s2 =	sshrl.u32 s4, $0x3  }
0x136: {  	[hbm:s5], [sflag:s0] =	dma.local [spmem:s2], $0x360  }
0x137: {  	_ =	swait.ge [sflag:s12], $0x360  }
0x138: {  	[sflag:s12] =	ssyncset.done $0x0;
	s14 =	rddreg [dreg:$0x14]  }
0x139: {  	s3 =	rddreg [dreg:$0x8];
	[sflag:s12] =	ssyncadd.s32 $0xFFFFFCA0;
	s2 =	sshrl.u32 s14, $0x3  }
0x13a: {  	[hbm:s3], [sflag:s0] =	dma.local [spmem:s2], $0x360  }
0x13b: {  	_ =	swait.ge [sflag:s12], $0x360  }
0x13c: {  	[sflag:s12] =	ssyncset.done $0x0;
	s4 =	rddreg [dreg:$0x15]  }
0x13d: {  	s5 =	rddreg [dreg:$0x9];
	[sflag:s12] =	ssyncadd.s32 $0xFFFFFCA0;
	s2 =	sshrl.u32 s4, $0x3  }
0x13e: {  	[hbm:s5], [sflag:s0] =	dma.local [spmem:s2], $0x360  }
0x13f: {  	_ =	swait.ge [sflag:s12], $0x360  }
0x140: {  	[sflag:s12] =	ssyncset.done $0x0;
	s14 =	rddreg [dreg:$0x16]  }
0x141: {  	s3 =	rddreg [dreg:$0xa];
	[sflag:s12] =	ssyncadd.s32 $0xFFFFFCA0;
	s2 =	sshrl.u32 s14, $0x3  }
0x142: {  	[hbm:s3], [sflag:s0] =	dma.local [spmem:s2], $0x360  }
0x143: {  	_ =	swait.ge [sflag:s12], $0x360  }
0x144: {  	[sflag:s12] =	ssyncset.done $0x0;
	s4 =	rddreg [dreg:$0x17]  }
0x145: {  	s5 =	rddreg [dreg:$0xb];
	[sflag:s12] =	ssyncadd.s32 $0xFFFFFCA0;
	s2 =	sshrl.u32 s4, $0x3  }
0x146: {  	[hbm:s5], [sflag:s0] =	dma.local [spmem:s2], $0x360  }
0x147: {  	_ =	swait.ge [sflag:s12], $0x360  }
0x148: {  	[sflag:s12] =	ssyncset.done $0x0;
	s14 =	rddreg [dreg:$0x18]  }
0x149: {  	s3 =	rddreg [dreg:$0xc];
	[sflag:s12] =	ssyncadd.s32 $0xFFFFFCA0;
	s2 =	sshrl.u32 s14, $0x3  }
0x14a: {  	[hbm:s3], [sflag:s0] =	dma.local [spmem:s2], $0x360  }
0x14b: {  	_ =	swait.ge [sflag:s12], $0x360  }
0x14c: {  	[sflag:s12] =	ssyncset.done $0x0;
	s4 =	rddreg [dreg:$0x19]  }
0x14d: {  	s5 =	rddreg [dreg:$0xd];
	[sflag:s12] =	ssyncadd.s32 $0xFFFFFCA0;
	s2 =	sshrl.u32 s4, $0x3  }
0x14e: {  	[hbm:s5], [sflag:s0] =	dma.local [spmem:s2], $0x360  }
0x14f: {  	_ =	swait.ge [sflag:s12], $0x360  }
0x150: {  	[sflag:s12] =	ssyncset.done $0x0;
	s14 =	rddreg [dreg:$0x1a]  }
0x151: {  	s3 =	rddreg [dreg:$0xe];
	[sflag:s12] =	ssyncadd.s32 $0xFFFFFCA0;
	s2 =	sshrl.u32 s14, $0x3  }
0x152: {  	[hbm:s3], [sflag:s0] =	dma.local [spmem:s2], $0x360  }
0x153: {  	_ =	swait.ge [sflag:s12], $0x360  }
0x154: {  	[sflag:s12] =	ssyncset.done $0x0;
	s4 =	rddreg [dreg:$0x1b]  }
0x155: {  	s5 =	rddreg [dreg:$0xf];
	[sflag:s12] =	ssyncadd.s32 $0xFFFFFCA0;
	s2 =	sshrl.u32 s4, $0x3  }
0x156: {  	[hbm:s5], [sflag:s0] =	dma.local [spmem:s2], $0x360  }
0x157: {  	_ =	swait.ge [sflag:s12], $0x360  }
0x158: {  	[sflag:s12] =	ssyncset.done $0x0;
	s14 =	rddreg [dreg:$0x1c]  }
0x159: {  	s3 =	rddreg [dreg:$0x10];
	[sflag:s12] =	ssyncadd.s32 $0xFFFFFCA0;
	s2 =	sshrl.u32 s14, $0x3  }
0x15a: {  	[hbm:s3], [sflag:s0] =	dma.local [spmem:s2], $0x360  }
0x15b: {  	_ =	swait.ge [sflag:s12], $0x360  }
0x15c: {  	[sflag:s12] =	ssyncset.done $0x0;
	s4 =	rddreg [dreg:$0x1d]  }
0x15d: {  	s5 =	rddreg [dreg:$0x11];
	[sflag:s12] =	ssyncadd.s32 $0xFFFFFCA0;
	s2 =	sshrl.u32 s4, $0x3  }
0x15e: {  	[hbm:s5], [sflag:s0] =	dma.local [spmem:s2], $0x24  }
0x15f: {  	_ =	swait.ge [sflag:s12], $0x24  }
0x160: {  	s14 =	sld [smem:$0x7FD];
	_ =	sdelay $0x1  }
0x161: {  	s28 =	sadd.s32 $0x1, s28  }
0x162: {  	p0 =	sne.s32 s28, s14  }
.Ltmp4:
0x163: {  	_ = 	snop;
	(pc) =	sbr.rel @p0 .LBB2_1-.Ltmp4, $3  }
0x164: {  	_ =	sdelay $0x1  }
0x165: {  	[sflag:s12] =	ssyncset.done $0x0  }
0x166: {  	[sflag:s12] =	ssyncadd.s32 $0xFFFFFFDC  }
0x167: {  	_ =	sfence.sel $0x180000  }
0x168: {  	[bflag:$0x0] =	sbarrier.arrive $0xFFFF  }
0x169: {  	_ =	strace $0x90000047  }
0x16a: {  	s0 =	stileid.u32;
	[bflag:$0x2] =	sbarrier.arrive $0xFFFF  }
0x16b: {  	p0 =	sne.s32 s0, $0x0;
	s0 =	rddreg [dreg:$0x3]  }
0x16c: {  	s0 =	sadd.s32 @!p0 $0x100000, s0  }
0x16d: {  	[sflag:s0] =	ssyncadd.tile.s32 @!p0 $0x1;
	_ =	shalt  }
.Lfunc_end2:
_tile_overlayer_lowered:
.L_overlay_start_2:
0x16e: {  	(tag) =	ssettag $0x2  }
0x16f: {  	s0 =	rddreg [dreg:$0x0];
	s2 =	stileid.u32  }
0x170: {  	s1 =	rddreg [dreg:$0x1];
	p0 =	sne.s32 s2, $0x0  }
0x171: {  	s3 =	rddreg [dreg:$0x2];
	[bflag:$0x3] =	sbarrier.arrive $0xFFFF;
	s2 =	simm.s32 @!p0 $0x1C05  }
0x172: {  	[timem:s3], [sflag:s2] =	dma.local @!p0 [hbm:s0], s1  }
0x173: {  	s0 =	simm.s32 @!p0 $0x5  }
0x174: {  	_ =	swait.ge @!p0 [sflag:s0], s1  }
0x175: {  	s1 =	ssub.s32 @!p0 $0x0, s1;
	[sflag:s0] =	ssyncset.done @!p0 $0x0  }
0x176: {  	[sflag:s0] =	ssyncadd.s32 @!p0 s1  }
0x177: {  	[bflag:$0x3] =	sbarrier.arrive $0xFFFF  }
0x178: {  	_ =	shalt  }

</sc_bundles>
